<compile_context>
chip_gen: v7x
topology: tpu7x:2x2x1
jax: 0.10.2.dev20260603
libtpu: 0.0.44.dev20260713+nightly
codegen_flags: <defaults>
</compile_context>

<pallas_src>
import functools

import jax
import jax.numpy as jnp
from jax import lax
from jax.experimental import pallas as pl
from jax.experimental.pallas import tpu as pltpu
from jax.experimental.pallas import tpu_sc as plsc

_BINS = [-3.0, -2.8, -2.6, -2.4, -2.2, -2.0, -1.8, -1.6, -1.4, -1.2, -1.0,
         -0.8, -0.6, -0.4, -0.2, 0.0, 0.2, 0.4, 0.6, 0.8, 1.0, 1.2, 1.4,
         1.6, 1.8, 2.0, 2.2, 2.4, 2.6, 2.8, 3.0]

_ROWS = 16384
_COLS = 4096
_NC = 2
_NS = 16
_NW = _NC * _NS
_RW = _ROWS // _NW
_CR = 8
_CC = 2048
_NG = _RW // _CR


def _compute(inbuf, outbuf, bins_v):
    for r in range(_CR):
        @plsc.parallel_loop(0, _CC, step=16, unroll=8)
        def vec_body(c):
            v = inbuf[r, pl.ds(c, 16)]
            t = v * 5.0 + 15.5
            t = jnp.minimum(jnp.maximum(t, 0.5), 30.5)
            k = t.astype(jnp.int32)
            b = plsc.load_gather(bins_v, [k])
            outbuf[r, pl.ds(c, 16)] = k + jnp.where(b <= v, 1, 0)


def _body(x_hbm, bins_hbm, out_hbm, bins_v, in0, in1, out0, out1,
          si0, si1, so0, so1):
    wid = lax.axis_index("s") * _NC + lax.axis_index("c")
    row_w = wid * _RW
    ins, outs = (in0, in1), (out0, out1)
    sis, sos = (si0, si1), (so0, so1)

    for b in range(2):
        pltpu.async_copy(
            x_hbm.at[pl.ds(row_w, _CR), pl.ds(b * _CC, _CC)], ins[b], sis[b])
    pltpu.sync_copy(bins_hbm, bins_v)

    @pl.loop(0, _NG)
    def group(g):
        r0 = row_w + g * _CR
        for b in range(2):
            c0 = b * _CC
            pltpu.make_async_copy(
                x_hbm.at[pl.ds(r0, _CR), pl.ds(c0, _CC)], ins[b],
                sis[b]).wait()

            @pl.when(g >= 1)
            def _wait_prev_out():
                pltpu.make_async_copy(
                    outs[b], out_hbm.at[pl.ds(r0 - _CR, _CR), pl.ds(c0, _CC)],
                    sos[b]).wait()

            _compute(ins[b], outs[b], bins_v)

            @pl.when(g + 1 < _NG)
            def _start_next_in():
                pltpu.async_copy(
                    x_hbm.at[pl.ds(r0 + _CR, _CR), pl.ds(c0, _CC)],
                    ins[b], sis[b])

            pltpu.async_copy(
                outs[b], out_hbm.at[pl.ds(r0, _CR), pl.ds(c0, _CC)], sos[b])

    last_r0 = row_w + (_NG - 1) * _CR
    for b in range(2):
        pltpu.make_async_copy(
            outs[b], out_hbm.at[pl.ds(last_r0, _CR), pl.ds(b * _CC, _CC)],
            sos[b]).wait()


@jax.jit
def kernel(inputs):
    bins = jnp.asarray(_BINS + [3.0], dtype=jnp.float32)
    mesh = plsc.VectorSubcoreMesh(core_axis_name="c", subcore_axis_name="s")
    run = functools.partial(
        pl.kernel,
        out_type=jax.ShapeDtypeStruct((_ROWS, _COLS), jnp.int32),
        mesh=mesh,
        compiler_params=pltpu.CompilerParams(needs_layout_passes=False),
        scratch_types=[
            pltpu.VMEM((32,), jnp.float32),
            pltpu.VMEM((_CR, _CC), jnp.float32),
            pltpu.VMEM((_CR, _CC), jnp.float32),
            pltpu.VMEM((_CR, _CC), jnp.int32),
            pltpu.VMEM((_CR, _CC), jnp.int32),
            pltpu.SemaphoreType.DMA,
            pltpu.SemaphoreType.DMA,
            pltpu.SemaphoreType.DMA,
            pltpu.SemaphoreType.DMA,
        ],
    )(_body)
    return run(inputs, bins)

# --- scband reference (transcript-rebuilt; emitter-appended) ---
"""Pipeline reference for scband-discretization-11536282157766 (READ-ONLY COPY).

The authoritative reference and input builder live on the scoring server;
editing this copy changes nothing except your own understanding.
"""

import jax, jax.numpy as jnp
import numpy as np

BINS = jnp.array([-3.0, -2.8, -2.6, -2.4, -2.2, -2.0, -1.8, -1.6, -1.4, -1.2, -1.0, -0.8, -0.6, -0.4, -0.2, 0.0, 0.2, 0.4, 0.6, 0.8, 1.0, 1.2, 1.4, 1.6, 1.8, 2.0, 2.2, 2.4, 2.6, 2.8, 3.0], dtype=jnp.float32)


def setup_inputs(seed: int = 0) -> dict:
    key = jax.random.key(seed)
    inputs = jax.random.normal(key, (16384, 4096), dtype=jnp.float32)
    return {"inputs": inputs}


def reference(inputs):
    # tf.math_ops._bucketize semantics: bins include the left boundary and
    # exclude the right boundary, so bucket(v) = #{b in boundaries : b <= v},
    # which is searchsorted(boundaries, v, side='right').
    integer_buckets = jnp.searchsorted(BINS, inputs, side='right')
    return integer_buckets.astype(jnp.int64)

if __name__ == "__main__":
    import jax
    _d = setup_inputs()
    print(jax.jit(kernel)(*tuple(_d.values())))

</pallas_src>

<mosaic_0001>
#map = affine_map<(d0, d1) -> (0, 0)>
#map1 = affine_map<(d0, d1) -> (0)>
module attributes {stable_mosaic.version = 14 : i64} {
  func.func @_body(%arg0: i32, %arg1: i32, %arg2: memref<16384x4096xf32, #tpu.memory_space<hbm>>, %arg3: memref<32xf32, #tpu.memory_space<hbm>>, %arg4: memref<16384x4096xi32, #tpu.memory_space<hbm>>, %arg5: memref<32xf32, #tpu.memory_space<vmem>>, %arg6: memref<8x2048xf32, #tpu.memory_space<vmem>>, %arg7: memref<8x2048xf32, #tpu.memory_space<vmem>>, %arg8: memref<8x2048xi32, #tpu.memory_space<vmem>>, %arg9: memref<8x2048xi32, #tpu.memory_space<vmem>>, %arg10: memref<!tpu.dma_semaphore, #tpu.memory_space<semaphore_mem>>, %arg11: memref<!tpu.dma_semaphore, #tpu.memory_space<semaphore_mem>>, %arg12: memref<!tpu.dma_semaphore, #tpu.memory_space<semaphore_mem>>, %arg13: memref<!tpu.dma_semaphore, #tpu.memory_space<semaphore_mem>>) attributes {dimension_semantics = [#tpu.dimension_semantics<core_parallel>, #tpu.dimension_semantics<subcore_parallel>], iteration_bounds = array<i64: 2, 16>, scalar_prefetch = 0 : i64, scratch_operands = 9 : i64, tpu.core_type = #tpu.core_type<sc_vector_subcore>, window_params = [{transform_indices = #map}, {transform_indices = #map1}, {transform_indices = #map}]} {
    %mul3A = arith.constant 2 : i32
    %mul3A_0 = arith.muli %arg1, %mul3A : i32
    %add3A = arith.addi %mul3A_0, %arg0 : i32
    %mul3A_1 = arith.constant 512 : i32
    %mul3A_2 = arith.muli %add3A, %mul3A_1 : i32
    %dma_start3A = arith.constant 0 : i32
    %dma_start3A_3 = tpu.memref_slice %arg2[%mul3A_2, %dma_start3A] : memref<16384x4096xf32, #tpu.memory_space<hbm>> -> memref<8x2048xf32, #tpu.memory_space<hbm>>
    %dma_start3A_4 = arith.constant 0 : i32
    %dma_start3A_5 = tpu.memref_slice %arg2[%mul3A_2, %dma_start3A_4] : memref<16384x4096xf32, #tpu.memory_space<hbm>> -> memref<8x2048xf32, #tpu.memory_space<hbm>>
    tpu.enqueue_dma source(%dma_start3A_5 : memref<8x2048xf32, #tpu.memory_space<hbm>>) target(%arg6 : memref<8x2048xf32, #tpu.memory_space<vmem>>) target_semaphore(%arg10 : memref<!tpu.dma_semaphore, #tpu.memory_space<semaphore_mem>>)
    %dma_start3A_6 = arith.constant 2048 : i32
    %dma_start3A_7 = tpu.memref_slice %arg2[%mul3A_2, %dma_start3A_6] : memref<16384x4096xf32, #tpu.memory_space<hbm>> -> memref<8x2048xf32, #tpu.memory_space<hbm>>
    %dma_start3A_8 = arith.constant 2048 : i32
    %dma_start3A_9 = tpu.memref_slice %arg2[%mul3A_2, %dma_start3A_8] : memref<16384x4096xf32, #tpu.memory_space<hbm>> -> memref<8x2048xf32, #tpu.memory_space<hbm>>
    tpu.enqueue_dma source(%dma_start3A_9 : memref<8x2048xf32, #tpu.memory_space<hbm>>) target(%arg7 : memref<8x2048xf32, #tpu.memory_space<vmem>>) target_semaphore(%arg11 : memref<!tpu.dma_semaphore, #tpu.memory_space<semaphore_mem>>)
    "tpu.region"() ({
      %run_scoped3A = tpu.sem_alloc : memref<!tpu.dma_semaphore, #tpu.memory_space<semaphore_mem>>
      tpu.enqueue_dma source(%arg3 : memref<32xf32, #tpu.memory_space<hbm>>) target(%arg5 : memref<32xf32, #tpu.memory_space<vmem>>) target_semaphore(%run_scoped3A : memref<!tpu.dma_semaphore, #tpu.memory_space<semaphore_mem>>)
      tpu.wait_dma2 semaphore(%run_scoped3A : memref<!tpu.dma_semaphore, #tpu.memory_space<semaphore_mem>>) src(%arg3 : memref<32xf32, #tpu.memory_space<hbm>>) dst(%arg5 : memref<32xf32, #tpu.memory_space<vmem>>)
      tpu.yield
    }) : () -> ()
    %scan3A = arith.constant 0 : i32
    %scan3A_10 = arith.constant 64 : i32
    %scan3A_11 = arith.addi %scan3A, %scan3A_10 : i32
    %scan3A_12 = arith.constant 1 : i32
    scf.for %scan3A_23 = %scan3A to %scan3A_11 step %scan3A_12  : i32 {
      %mul3A_24 = arith.constant 1 : i32
      %mul3A_25 = arith.muli %scan3A_23, %mul3A_24 : i32
      %add3A_26 = arith.constant 0 : i32
      %add3A_27 = arith.addi %add3A_26, %mul3A_25 : i32
      %mul3A_28 = arith.constant 8 : i32
      %mul3A_29 = arith.muli %add3A_27, %mul3A_28 : i32
      %add3A_30 = arith.addi %mul3A_2, %mul3A_29 : i32
      %dma_wait3A_31 = arith.constant 0 : i32
      %dma_wait3A_32 = tpu.memref_slice %arg2[%add3A_30, %dma_wait3A_31] : memref<16384x4096xf32, #tpu.memory_space<hbm>> -> memref<8x2048xf32, #tpu.memory_space<hbm>>
      %dma_wait3A_33 = arith.constant 0 : i32
      %dma_wait3A_34 = tpu.memref_slice %arg2[%add3A_30, %dma_wait3A_33] : memref<16384x4096xf32, #tpu.memory_space<hbm>> -> memref<8x2048xf32, #tpu.memory_space<hbm>>
      tpu.wait_dma2 semaphore(%arg10 : memref<!tpu.dma_semaphore, #tpu.memory_space<semaphore_mem>>) src(%dma_wait3A_34 : memref<8x2048xf32, #tpu.memory_space<hbm>>) dst(%arg6 : memref<8x2048xf32, #tpu.memory_space<vmem>>)
      %ge3A = arith.constant 1 : i32
      %ge3A_35 = arith.cmpi sge, %add3A_27, %ge3A : i32
      %convert_element_type3A = arith.extui %ge3A_35 : i1 to i32
      %cond3A = arith.constant 0 : i32
      %cond3A_36 = arith.cmpi ne, %convert_element_type3A, %cond3A : i32
      scf.if %cond3A_36 {
        %sub3A = arith.constant 8 : i32
        %sub3A_114 = arith.subi %add3A_30, %sub3A : i32
        %dma_wait3A_115 = arith.constant 0 : i32
        %dma_wait3A_116 = tpu.memref_slice %arg4[%sub3A_114, %dma_wait3A_115] : memref<16384x4096xi32, #tpu.memory_space<hbm>> -> memref<8x2048xi32, #tpu.memory_space<hbm>>
        %dma_wait3A_117 = arith.constant 0 : i32
        %dma_wait3A_118 = tpu.memref_slice %arg4[%sub3A_114, %dma_wait3A_117] : memref<16384x4096xi32, #tpu.memory_space<hbm>> -> memref<8x2048xi32, #tpu.memory_space<hbm>>
        tpu.wait_dma2 semaphore(%arg12 : memref<!tpu.dma_semaphore, #tpu.memory_space<semaphore_mem>>) src(%arg8 : memref<8x2048xi32, #tpu.memory_space<vmem>>) dst(%dma_wait3A_118 : memref<8x2048xi32, #tpu.memory_space<hbm>>)
      } else {
      }
      %parallel_loop3A = arith.constant 0 : i32
      %parallel_loop3A_37 = arith.constant 2048 : i32
      %parallel_loop3A_38 = arith.constant 16 : i32
      scf.for %parallel_loop3A_114 = %parallel_loop3A to %parallel_loop3A_37 step %parallel_loop3A_38  : i32 {
        %parallel_loop3A_115 = arith.constant 0 : i32
        %parallel_loop3A_116 = arith.index_cast %parallel_loop3A_115 : i32 to index
        %parallel_loop3A_117 = arith.index_cast %parallel_loop3A_114 : i32 to index
        %parallel_loop3A_118 = tpu.vector_load %arg6[%parallel_loop3A_116, %parallel_loop3A_117] {strides = array<i32>} : memref<8x2048xf32, #tpu.memory_space<vmem>>, vector<16xf32>,
        %parallel_loop3A_119 = arith.constant 5.000000e+00 : f32
        %parallel_loop3A_120 = vector.broadcast %parallel_loop3A_119 : f32 to vector<16xf32>
        %parallel_loop3A_121 = arith.mulf %parallel_loop3A_118, %parallel_loop3A_120 : vector<16xf32>
        %parallel_loop3A_122 = arith.constant 1.550000e+01 : f32
        %parallel_loop3A_123 = vector.broadcast %parallel_loop3A_122 : f32 to vector<16xf32>
        %parallel_loop3A_124 = arith.addf %parallel_loop3A_121, %parallel_loop3A_123 : vector<16xf32>
        %parallel_loop3A_125 = arith.constant 5.000000e-01 : f32
        %parallel_loop3A_126 = vector.broadcast %parallel_loop3A_125 : f32 to vector<16xf32>
        %parallel_loop3A_127 = arith.maximumf %parallel_loop3A_124, %parallel_loop3A_126 : vector<16xf32>
        %parallel_loop3A_128 = arith.constant 3.050000e+01 : f32
        %parallel_loop3A_129 = vector.broadcast %parallel_loop3A_128 : f32 to vector<16xf32>
        %parallel_loop3A_130 = arith.minimumf %parallel_loop3A_127, %parallel_loop3A_129 : vector<16xf32>
        %parallel_loop3A_131 = arith.fptosi %parallel_loop3A_130 : vector<16xf32> to vector<16xi32>
        %parallel_loop3A_132 = tpu.vector_load_idx %arg5[%parallel_loop3A_131] : memref<32xf32, #tpu.memory_space<vmem>>[vector<16xi32>], vector<16xf32>,
        %parallel_loop3A_133 = arith.cmpf ole, %parallel_loop3A_132, %parallel_loop3A_118 : vector<16xf32>
        %parallel_loop3A_134 = arith.constant 1 : i32
        %parallel_loop3A_135 = arith.constant 0 : i32
        %parallel_loop3A_136 = vector.broadcast %parallel_loop3A_134 : i32 to vector<16xi32>
        %parallel_loop3A_137 = vector.broadcast %parallel_loop3A_135 : i32 to vector<16xi32>
        %parallel_loop3A_138 = arith.select %parallel_loop3A_133, %parallel_loop3A_136, %parallel_loop3A_137 : vector<16xi1>, vector<16xi32>
        %parallel_loop3A_139 = arith.addi %parallel_loop3A_131, %parallel_loop3A_138 : vector<16xi32>
        %parallel_loop3A_140 = arith.constant 0 : i32
        %parallel_loop3A_141 = arith.index_cast %parallel_loop3A_140 : i32 to index
        %parallel_loop3A_142 = arith.index_cast %parallel_loop3A_114 : i32 to index
        %parallel_loop3A_143 = tpu.vector_load %arg8[%parallel_loop3A_141, %parallel_loop3A_142] {strides = array<i32>} : memref<8x2048xi32, #tpu.memory_space<vmem>>, vector<16xi32>,
        tpu.vector_store %arg8[%parallel_loop3A_141, %parallel_loop3A_142], %parallel_loop3A_139 {strides = array<i32>} : memref<8x2048xi32, #tpu.memory_space<vmem>>, vector<16xi32>,
      } {sc.loop_unroll_factor = 8 : i64, sc.parallel_access}
      %parallel_loop3A_39 = arith.constant 0 : i32
      %parallel_loop3A_40 = arith.constant 2048 : i32
      %parallel_loop3A_41 = arith.constant 16 : i32
      scf.for %parallel_loop3A_114 = %parallel_loop3A_39 to %parallel_loop3A_40 step %parallel_loop3A_41  : i32 {
        %parallel_loop3A_115 = arith.constant 1 : i32
        %parallel_loop3A_116 = arith.index_cast %parallel_loop3A_115 : i32 to index
        %parallel_loop3A_117 = arith.index_cast %parallel_loop3A_114 : i32 to index
        %parallel_loop3A_118 = tpu.vector_load %arg6[%parallel_loop3A_116, %parallel_loop3A_117] {strides = array<i32>} : memref<8x2048xf32, #tpu.memory_space<vmem>>, vector<16xf32>,
        %parallel_loop3A_119 = arith.constant 5.000000e+00 : f32
        %parallel_loop3A_120 = vector.broadcast %parallel_loop3A_119 : f32 to vector<16xf32>
        %parallel_loop3A_121 = arith.mulf %parallel_loop3A_118, %parallel_loop3A_120 : vector<16xf32>
        %parallel_loop3A_122 = arith.constant 1.550000e+01 : f32
        %parallel_loop3A_123 = vector.broadcast %parallel_loop3A_122 : f32 to vector<16xf32>
        %parallel_loop3A_124 = arith.addf %parallel_loop3A_121, %parallel_loop3A_123 : vector<16xf32>
        %parallel_loop3A_125 = arith.constant 5.000000e-01 : f32
        %parallel_loop3A_126 = vector.broadcast %parallel_loop3A_125 : f32 to vector<16xf32>
        %parallel_loop3A_127 = arith.maximumf %parallel_loop3A_124, %parallel_loop3A_126 : vector<16xf32>
        %parallel_loop3A_128 = arith.constant 3.050000e+01 : f32
        %parallel_loop3A_129 = vector.broadcast %parallel_loop3A_128 : f32 to vector<16xf32>
        %parallel_loop3A_130 = arith.minimumf %parallel_loop3A_127, %parallel_loop3A_129 : vector<16xf32>
        %parallel_loop3A_131 = arith.fptosi %parallel_loop3A_130 : vector<16xf32> to vector<16xi32>
        %parallel_loop3A_132 = tpu.vector_load_idx %arg5[%parallel_loop3A_131] : memref<32xf32, #tpu.memory_space<vmem>>[vector<16xi32>], vector<16xf32>,
        %parallel_loop3A_133 = arith.cmpf ole, %parallel_loop3A_132, %parallel_loop3A_118 : vector<16xf32>
        %parallel_loop3A_134 = arith.constant 1 : i32
        %parallel_loop3A_135 = arith.constant 0 : i32
        %parallel_loop3A_136 = vector.broadcast %parallel_loop3A_134 : i32 to vector<16xi32>
        %parallel_loop3A_137 = vector.broadcast %parallel_loop3A_135 : i32 to vector<16xi32>
        %parallel_loop3A_138 = arith.select %parallel_loop3A_133, %parallel_loop3A_136, %parallel_loop3A_137 : vector<16xi1>, vector<16xi32>
        %parallel_loop3A_139 = arith.addi %parallel_loop3A_131, %parallel_loop3A_138 : vector<16xi32>
        %parallel_loop3A_140 = arith.constant 1 : i32
        %parallel_loop3A_141 = arith.index_cast %parallel_loop3A_140 : i32 to index
        %parallel_loop3A_142 = arith.index_cast %parallel_loop3A_114 : i32 to index
        %parallel_loop3A_143 = tpu.vector_load %arg8[%parallel_loop3A_141, %parallel_loop3A_142] {strides = array<i32>} : memref<8x2048xi32, #tpu.memory_space<vmem>>, vector<16xi32>,
        tpu.vector_store %arg8[%parallel_loop3A_141, %parallel_loop3A_142], %parallel_loop3A_139 {strides = array<i32>} : memref<8x2048xi32, #tpu.memory_space<vmem>>, vector<16xi32>,
      } {sc.loop_unroll_factor = 8 : i64, sc.parallel_access}
      %parallel_loop3A_42 = arith.constant 0 : i32
      %parallel_loop3A_43 = arith.constant 2048 : i32
      %parallel_loop3A_44 = arith.constant 16 : i32
      scf.for %parallel_loop3A_114 = %parallel_loop3A_42 to %parallel_loop3A_43 step %parallel_loop3A_44  : i32 {
        %parallel_loop3A_115 = arith.constant 2 : i32
        %parallel_loop3A_116 = arith.index_cast %parallel_loop3A_115 : i32 to index
        %parallel_loop3A_117 = arith.index_cast %parallel_loop3A_114 : i32 to index
        %parallel_loop3A_118 = tpu.vector_load %arg6[%parallel_loop3A_116, %parallel_loop3A_117] {strides = array<i32>} : memref<8x2048xf32, #tpu.memory_space<vmem>>, vector<16xf32>,
        %parallel_loop3A_119 = arith.constant 5.000000e+00 : f32
        %parallel_loop3A_120 = vector.broadcast %parallel_loop3A_119 : f32 to vector<16xf32>
        %parallel_loop3A_121 = arith.mulf %parallel_loop3A_118, %parallel_loop3A_120 : vector<16xf32>
        %parallel_loop3A_122 = arith.constant 1.550000e+01 : f32
        %parallel_loop3A_123 = vector.broadcast %parallel_loop3A_122 : f32 to vector<16xf32>
        %parallel_loop3A_124 = arith.addf %parallel_loop3A_121, %parallel_loop3A_123 : vector<16xf32>
        %parallel_loop3A_125 = arith.constant 5.000000e-01 : f32
        %parallel_loop3A_126 = vector.broadcast %parallel_loop3A_125 : f32 to vector<16xf32>
        %parallel_loop3A_127 = arith.maximumf %parallel_loop3A_124, %parallel_loop3A_126 : vector<16xf32>
        %parallel_loop3A_128 = arith.constant 3.050000e+01 : f32
        %parallel_loop3A_129 = vector.broadcast %parallel_loop3A_128 : f32 to vector<16xf32>
        %parallel_loop3A_130 = arith.minimumf %parallel_loop3A_127, %parallel_loop3A_129 : vector<16xf32>
        %parallel_loop3A_131 = arith.fptosi %parallel_loop3A_130 : vector<16xf32> to vector<16xi32>
        %parallel_loop3A_132 = tpu.vector_load_idx %arg5[%parallel_loop3A_131] : memref<32xf32, #tpu.memory_space<vmem>>[vector<16xi32>], vector<16xf32>,
        %parallel_loop3A_133 = arith.cmpf ole, %parallel_loop3A_132, %parallel_loop3A_118 : vector<16xf32>
        %parallel_loop3A_134 = arith.constant 1 : i32
        %parallel_loop3A_135 = arith.constant 0 : i32
        %parallel_loop3A_136 = vector.broadcast %parallel_loop3A_134 : i32 to vector<16xi32>
        %parallel_loop3A_137 = vector.broadcast %parallel_loop3A_135 : i32 to vector<16xi32>
        %parallel_loop3A_138 = arith.select %parallel_loop3A_133, %parallel_loop3A_136, %parallel_loop3A_137 : vector<16xi1>, vector<16xi32>
        %parallel_loop3A_139 = arith.addi %parallel_loop3A_131, %parallel_loop3A_138 : vector<16xi32>
        %parallel_loop3A_140 = arith.constant 2 : i32
        %parallel_loop3A_141 = arith.index_cast %parallel_loop3A_140 : i32 to index
        %parallel_loop3A_142 = arith.index_cast %parallel_loop3A_114 : i32 to index
        %parallel_loop3A_143 = tpu.vector_load %arg8[%parallel_loop3A_141, %parallel_loop3A_142] {strides = array<i32>} : memref<8x2048xi32, #tpu.memory_space<vmem>>, vector<16xi32>,
        tpu.vector_store %arg8[%parallel_loop3A_141, %parallel_loop3A_142], %parallel_loop3A_139 {strides = array<i32>} : memref<8x2048xi32, #tpu.memory_space<vmem>>, vector<16xi32>,
      } {sc.loop_unroll_factor = 8 : i64, sc.parallel_access}
      %parallel_loop3A_45 = arith.constant 0 : i32
      %parallel_loop3A_46 = arith.constant 2048 : i32
      %parallel_loop3A_47 = arith.constant 16 : i32
      scf.for %parallel_loop3A_114 = %parallel_loop3A_45 to %parallel_loop3A_46 step %parallel_loop3A_47  : i32 {
        %parallel_loop3A_115 = arith.constant 3 : i32
        %parallel_loop3A_116 = arith.index_cast %parallel_loop3A_115 : i32 to index
        %parallel_loop3A_117 = arith.index_cast %parallel_loop3A_114 : i32 to index
        %parallel_loop3A_118 = tpu.vector_load %arg6[%parallel_loop3A_116, %parallel_loop3A_117] {strides = array<i32>} : memref<8x2048xf32, #tpu.memory_space<vmem>>, vector<16xf32>,
        %parallel_loop3A_119 = arith.constant 5.000000e+00 : f32
        %parallel_loop3A_120 = vector.broadcast %parallel_loop3A_119 : f32 to vector<16xf32>
        %parallel_loop3A_121 = arith.mulf %parallel_loop3A_118, %parallel_loop3A_120 : vector<16xf32>
        %parallel_loop3A_122 = arith.constant 1.550000e+01 : f32
        %parallel_loop3A_123 = vector.broadcast %parallel_loop3A_122 : f32 to vector<16xf32>
        %parallel_loop3A_124 = arith.addf %parallel_loop3A_121, %parallel_loop3A_123 : vector<16xf32>
        %parallel_loop3A_125 = arith.constant 5.000000e-01 : f32
        %parallel_loop3A_126 = vector.broadcast %parallel_loop3A_125 : f32 to vector<16xf32>
        %parallel_loop3A_127 = arith.maximumf %parallel_loop3A_124, %parallel_loop3A_126 : vector<16xf32>
        %parallel_loop3A_128 = arith.constant 3.050000e+01 : f32
        %parallel_loop3A_129 = vector.broadcast %parallel_loop3A_128 : f32 to vector<16xf32>
        %parallel_loop3A_130 = arith.minimumf %parallel_loop3A_127, %parallel_loop3A_129 : vector<16xf32>
        %parallel_loop3A_131 = arith.fptosi %parallel_loop3A_130 : vector<16xf32> to vector<16xi32>
        %parallel_loop3A_132 = tpu.vector_load_idx %arg5[%parallel_loop3A_131] : memref<32xf32, #tpu.memory_space<vmem>>[vector<16xi32>], vector<16xf32>,
        %parallel_loop3A_133 = arith.cmpf ole, %parallel_loop3A_132, %parallel_loop3A_118 : vector<16xf32>
        %parallel_loop3A_134 = arith.constant 1 : i32
        %parallel_loop3A_135 = arith.constant 0 : i32
        %parallel_loop3A_136 = vector.broadcast %parallel_loop3A_134 : i32 to vector<16xi32>
        %parallel_loop3A_137 = vector.broadcast %parallel_loop3A_135 : i32 to vector<16xi32>
        %parallel_loop3A_138 = arith.select %parallel_loop3A_133, %parallel_loop3A_136, %parallel_loop3A_137 : vector<16xi1>, vector<16xi32>
        %parallel_loop3A_139 = arith.addi %parallel_loop3A_131, %parallel_loop3A_138 : vector<16xi32>
        %parallel_loop3A_140 = arith.constant 3 : i32
        %parallel_loop3A_141 = arith.index_cast %parallel_loop3A_140 : i32 to index
        %parallel_loop3A_142 = arith.index_cast %parallel_loop3A_114 : i32 to index
        %parallel_loop3A_143 = tpu.vector_load %arg8[%parallel_loop3A_141, %parallel_loop3A_142] {strides = array<i32>} : memref<8x2048xi32, #tpu.memory_space<vmem>>, vector<16xi32>,
        tpu.vector_store %arg8[%parallel_loop3A_141, %parallel_loop3A_142], %parallel_loop3A_139 {strides = array<i32>} : memref<8x2048xi32, #tpu.memory_space<vmem>>, vector<16xi32>,
      } {sc.loop_unroll_factor = 8 : i64, sc.parallel_access}
      %parallel_loop3A_48 = arith.constant 0 : i32
      %parallel_loop3A_49 = arith.constant 2048 : i32
      %parallel_loop3A_50 = arith.constant 16 : i32
      scf.for %parallel_loop3A_114 = %parallel_loop3A_48 to %parallel_loop3A_49 step %parallel_loop3A_50  : i32 {
        %parallel_loop3A_115 = arith.constant 4 : i32
        %parallel_loop3A_116 = arith.index_cast %parallel_loop3A_115 : i32 to index
        %parallel_loop3A_117 = arith.index_cast %parallel_loop3A_114 : i32 to index
        %parallel_loop3A_118 = tpu.vector_load %arg6[%parallel_loop3A_116, %parallel_loop3A_117] {strides = array<i32>} : memref<8x2048xf32, #tpu.memory_space<vmem>>, vector<16xf32>,
        %parallel_loop3A_119 = arith.constant 5.000000e+00 : f32
        %parallel_loop3A_120 = vector.broadcast %parallel_loop3A_119 : f32 to vector<16xf32>
        %parallel_loop3A_121 = arith.mulf %parallel_loop3A_118, %parallel_loop3A_120 : vector<16xf32>
        %parallel_loop3A_122 = arith.constant 1.550000e+01 : f32
        %parallel_loop3A_123 = vector.broadcast %parallel_loop3A_122 : f32 to vector<16xf32>
        %parallel_loop3A_124 = arith.addf %parallel_loop3A_121, %parallel_loop3A_123 : vector<16xf32>
        %parallel_loop3A_125 = arith.constant 5.000000e-01 : f32
        %parallel_loop3A_126 = vector.broadcast %parallel_loop3A_125 : f32 to vector<16xf32>
        %parallel_loop3A_127 = arith.maximumf %parallel_loop3A_124, %parallel_loop3A_126 : vector<16xf32>
        %parallel_loop3A_128 = arith.constant 3.050000e+01 : f32
        %parallel_loop3A_129 = vector.broadcast %parallel_loop3A_128 : f32 to vector<16xf32>
        %parallel_loop3A_130 = arith.minimumf %parallel_loop3A_127, %parallel_loop3A_129 : vector<16xf32>
        %parallel_loop3A_131 = arith.fptosi %parallel_loop3A_130 : vector<16xf32> to vector<16xi32>
        %parallel_loop3A_132 = tpu.vector_load_idx %arg5[%parallel_loop3A_131] : memref<32xf32, #tpu.memory_space<vmem>>[vector<16xi32>], vector<16xf32>,
        %parallel_loop3A_133 = arith.cmpf ole, %parallel_loop3A_132, %parallel_loop3A_118 : vector<16xf32>
        %parallel_loop3A_134 = arith.constant 1 : i32
        %parallel_loop3A_135 = arith.constant 0 : i32
        %parallel_loop3A_136 = vector.broadcast %parallel_loop3A_134 : i32 to vector<16xi32>
        %parallel_loop3A_137 = vector.broadcast %parallel_loop3A_135 : i32 to vector<16xi32>
        %parallel_loop3A_138 = arith.select %parallel_loop3A_133, %parallel_loop3A_136, %parallel_loop3A_137 : vector<16xi1>, vector<16xi32>
        %parallel_loop3A_139 = arith.addi %parallel_loop3A_131, %parallel_loop3A_138 : vector<16xi32>
        %parallel_loop3A_140 = arith.constant 4 : i32
        %parallel_loop3A_141 = arith.index_cast %parallel_loop3A_140 : i32 to index
        %parallel_loop3A_142 = arith.index_cast %parallel_loop3A_114 : i32 to index
        %parallel_loop3A_143 = tpu.vector_load %arg8[%parallel_loop3A_141, %parallel_loop3A_142] {strides = array<i32>} : memref<8x2048xi32, #tpu.memory_space<vmem>>, vector<16xi32>,
        tpu.vector_store %arg8[%parallel_loop3A_141, %parallel_loop3A_142], %parallel_loop3A_139 {strides = array<i32>} : memref<8x2048xi32, #tpu.memory_space<vmem>>, vector<16xi32>,
      } {sc.loop_unroll_factor = 8 : i64, sc.parallel_access}
      %parallel_loop3A_51 = arith.constant 0 : i32
      %parallel_loop3A_52 = arith.constant 2048 : i32
      %parallel_loop3A_53 = arith.constant 16 : i32
      scf.for %parallel_loop3A_114 = %parallel_loop3A_51 to %parallel_loop3A_52 step %parallel_loop3A_53  : i32 {
        %parallel_loop3A_115 = arith.constant 5 : i32
        %parallel_loop3A_116 = arith.index_cast %parallel_loop3A_115 : i32 to index
        %parallel_loop3A_117 = arith.index_cast %parallel_loop3A_114 : i32 to index
        %parallel_loop3A_118 = tpu.vector_load %arg6[%parallel_loop3A_116, %parallel_loop3A_117] {strides = array<i32>} : memref<8x2048xf32, #tpu.memory_space<vmem>>, vector<16xf32>,
        %parallel_loop3A_119 = arith.constant 5.000000e+00 : f32
        %parallel_loop3A_120 = vector.broadcast %parallel_loop3A_119 : f32 to vector<16xf32>
        %parallel_loop3A_121 = arith.mulf %parallel_loop3A_118, %parallel_loop3A_120 : vector<16xf32>
        %parallel_loop3A_122 = arith.constant 1.550000e+01 : f32
        %parallel_loop3A_123 = vector.broadcast %parallel_loop3A_122 : f32 to vector<16xf32>
        %parallel_loop3A_124 = arith.addf %parallel_loop3A_121, %parallel_loop3A_123 : vector<16xf32>
        %parallel_loop3A_125 = arith.constant 5.000000e-01 : f32
        %parallel_loop3A_126 = vector.broadcast %parallel_loop3A_125 : f32 to vector<16xf32>
        %parallel_loop3A_127 = arith.maximumf %parallel_loop3A_124, %parallel_loop3A_126 : vector<16xf32>
        %parallel_loop3A_128 = arith.constant 3.050000e+01 : f32
        %parallel_loop3A_129 = vector.broadcast %parallel_loop3A_128 : f32 to vector<16xf32>
        %parallel_loop3A_130 = arith.minimumf %parallel_loop3A_127, %parallel_loop3A_129 : vector<16xf32>
        %parallel_loop3A_131 = arith.fptosi %parallel_loop3A_130 : vector<16xf32> to vector<16xi32>
        %parallel_loop3A_132 = tpu.vector_load_idx %arg5[%parallel_loop3A_131] : memref<32xf32, #tpu.memory_space<vmem>>[vector<16xi32>], vector<16xf32>,
        %parallel_loop3A_133 = arith.cmpf ole, %parallel_loop3A_132, %parallel_loop3A_118 : vector<16xf32>
        %parallel_loop3A_134 = arith.constant 1 : i32
        %parallel_loop3A_135 = arith.constant 0 : i32
        %parallel_loop3A_136 = vector.broadcast %parallel_loop3A_134 : i32 to vector<16xi32>
        %parallel_loop3A_137 = vector.broadcast %parallel_loop3A_135 : i32 to vector<16xi32>
        %parallel_loop3A_138 = arith.select %parallel_loop3A_133, %parallel_loop3A_136, %parallel_loop3A_137 : vector<16xi1>, vector<16xi32>
        %parallel_loop3A_139 = arith.addi %parallel_loop3A_131, %parallel_loop3A_138 : vector<16xi32>
        %parallel_loop3A_140 = arith.constant 5 : i32
        %parallel_loop3A_141 = arith.index_cast %parallel_loop3A_140 : i32 to index
        %parallel_loop3A_142 = arith.index_cast %parallel_loop3A_114 : i32 to index
        %parallel_loop3A_143 = tpu.vector_load %arg8[%parallel_loop3A_141, %parallel_loop3A_142] {strides = array<i32>} : memref<8x2048xi32, #tpu.memory_space<vmem>>, vector<16xi32>,
        tpu.vector_store %arg8[%parallel_loop3A_141, %parallel_loop3A_142], %parallel_loop3A_139 {strides = array<i32>} : memref<8x2048xi32, #tpu.memory_space<vmem>>, vector<16xi32>,
      } {sc.loop_unroll_factor = 8 : i64, sc.parallel_access}
      %parallel_loop3A_54 = arith.constant 0 : i32
      %parallel_loop3A_55 = arith.constant 2048 : i32
      %parallel_loop3A_56 = arith.constant 16 : i32
      scf.for %parallel_loop3A_114 = %parallel_loop3A_54 to %parallel_loop3A_55 step %parallel_loop3A_56  : i32 {
        %parallel_loop3A_115 = arith.constant 6 : i32
        %parallel_loop3A_116 = arith.index_cast %parallel_loop3A_115 : i32 to index
        %parallel_loop3A_117 = arith.index_cast %parallel_loop3A_114 : i32 to index
        %parallel_loop3A_118 = tpu.vector_load %arg6[%parallel_loop3A_116, %parallel_loop3A_117] {strides = array<i32>} : memref<8x2048xf32, #tpu.memory_space<vmem>>, vector<16xf32>,
        %parallel_loop3A_119 = arith.constant 5.000000e+00 : f32
        %parallel_loop3A_120 = vector.broadcast %parallel_loop3A_119 : f32 to vector<16xf32>
        %parallel_loop3A_121 = arith.mulf %parallel_loop3A_118, %parallel_loop3A_120 : vector<16xf32>
        %parallel_loop3A_122 = arith.constant 1.550000e+01 : f32
        %parallel_loop3A_123 = vector.broadcast %parallel_loop3A_122 : f32 to vector<16xf32>
        %parallel_loop3A_124 = arith.addf %parallel_loop3A_121, %parallel_loop3A_123 : vector<16xf32>
        %parallel_loop3A_125 = arith.constant 5.000000e-01 : f32
        %parallel_loop3A_126 = vector.broadcast %parallel_loop3A_125 : f32 to vector<16xf32>
        %parallel_loop3A_127 = arith.maximumf %parallel_loop3A_124, %parallel_loop3A_126 : vector<16xf32>
        %parallel_loop3A_128 = arith.constant 3.050000e+01 : f32
        %parallel_loop3A_129 = vector.broadcast %parallel_loop3A_128 : f32 to vector<16xf32>
        %parallel_loop3A_130 = arith.minimumf %parallel_loop3A_127, %parallel_loop3A_129 : vector<16xf32>
        %parallel_loop3A_131 = arith.fptosi %parallel_loop3A_130 : vector<16xf32> to vector<16xi32>
        %parallel_loop3A_132 = tpu.vector_load_idx %arg5[%parallel_loop3A_131] : memref<32xf32, #tpu.memory_space<vmem>>[vector<16xi32>], vector<16xf32>,
        %parallel_loop3A_133 = arith.cmpf ole, %parallel_loop3A_132, %parallel_loop3A_118 : vector<16xf32>
        %parallel_loop3A_134 = arith.constant 1 : i32
        %parallel_loop3A_135 = arith.constant 0 : i32
        %parallel_loop3A_136 = vector.broadcast %parallel_loop3A_134 : i32 to vector<16xi32>
        %parallel_loop3A_137 = vector.broadcast %parallel_loop3A_135 : i32 to vector<16xi32>
        %parallel_loop3A_138 = arith.select %parallel_loop3A_133, %parallel_loop3A_136, %parallel_loop3A_137 : vector<16xi1>, vector<16xi32>
        %parallel_loop3A_139 = arith.addi %parallel_loop3A_131, %parallel_loop3A_138 : vector<16xi32>
        %parallel_loop3A_140 = arith.constant 6 : i32
        %parallel_loop3A_141 = arith.index_cast %parallel_loop3A_140 : i32 to index
        %parallel_loop3A_142 = arith.index_cast %parallel_loop3A_114 : i32 to index
        %parallel_loop3A_143 = tpu.vector_load %arg8[%parallel_loop3A_141, %parallel_loop3A_142] {strides = array<i32>} : memref<8x2048xi32, #tpu.memory_space<vmem>>, vector<16xi32>,
        tpu.vector_store %arg8[%parallel_loop3A_141, %parallel_loop3A_142], %parallel_loop3A_139 {strides = array<i32>} : memref<8x2048xi32, #tpu.memory_space<vmem>>, vector<16xi32>,
      } {sc.loop_unroll_factor = 8 : i64, sc.parallel_access}
      %parallel_loop3A_57 = arith.constant 0 : i32
      %parallel_loop3A_58 = arith.constant 2048 : i32
      %parallel_loop3A_59 = arith.constant 16 : i32
      scf.for %parallel_loop3A_114 = %parallel_loop3A_57 to %parallel_loop3A_58 step %parallel_loop3A_59  : i32 {
        %parallel_loop3A_115 = arith.constant 7 : i32
        %parallel_loop3A_116 = arith.index_cast %parallel_loop3A_115 : i32 to index
        %parallel_loop3A_117 = arith.index_cast %parallel_loop3A_114 : i32 to index
        %parallel_loop3A_118 = tpu.vector_load %arg6[%parallel_loop3A_116, %parallel_loop3A_117] {strides = array<i32>} : memref<8x2048xf32, #tpu.memory_space<vmem>>, vector<16xf32>,
        %parallel_loop3A_119 = arith.constant 5.000000e+00 : f32
        %parallel_loop3A_120 = vector.broadcast %parallel_loop3A_119 : f32 to vector<16xf32>
        %parallel_loop3A_121 = arith.mulf %parallel_loop3A_118, %parallel_loop3A_120 : vector<16xf32>
        %parallel_loop3A_122 = arith.constant 1.550000e+01 : f32
        %parallel_loop3A_123 = vector.broadcast %parallel_loop3A_122 : f32 to vector<16xf32>
        %parallel_loop3A_124 = arith.addf %parallel_loop3A_121, %parallel_loop3A_123 : vector<16xf32>
        %parallel_loop3A_125 = arith.constant 5.000000e-01 : f32
        %parallel_loop3A_126 = vector.broadcast %parallel_loop3A_125 : f32 to vector<16xf32>
        %parallel_loop3A_127 = arith.maximumf %parallel_loop3A_124, %parallel_loop3A_126 : vector<16xf32>
        %parallel_loop3A_128 = arith.constant 3.050000e+01 : f32
        %parallel_loop3A_129 = vector.broadcast %parallel_loop3A_128 : f32 to vector<16xf32>
        %parallel_loop3A_130 = arith.minimumf %parallel_loop3A_127, %parallel_loop3A_129 : vector<16xf32>
        %parallel_loop3A_131 = arith.fptosi %parallel_loop3A_130 : vector<16xf32> to vector<16xi32>
        %parallel_loop3A_132 = tpu.vector_load_idx %arg5[%parallel_loop3A_131] : memref<32xf32, #tpu.memory_space<vmem>>[vector<16xi32>], vector<16xf32>,
        %parallel_loop3A_133 = arith.cmpf ole, %parallel_loop3A_132, %parallel_loop3A_118 : vector<16xf32>
        %parallel_loop3A_134 = arith.constant 1 : i32
        %parallel_loop3A_135 = arith.constant 0 : i32
        %parallel_loop3A_136 = vector.broadcast %parallel_loop3A_134 : i32 to vector<16xi32>
        %parallel_loop3A_137 = vector.broadcast %parallel_loop3A_135 : i32 to vector<16xi32>
        %parallel_loop3A_138 = arith.select %parallel_loop3A_133, %parallel_loop3A_136, %parallel_loop3A_137 : vector<16xi1>, vector<16xi32>
        %parallel_loop3A_139 = arith.addi %parallel_loop3A_131, %parallel_loop3A_138 : vector<16xi32>
        %parallel_loop3A_140 = arith.constant 7 : i32
        %parallel_loop3A_141 = arith.index_cast %parallel_loop3A_140 : i32 to index
        %parallel_loop3A_142 = arith.index_cast %parallel_loop3A_114 : i32 to index
        %parallel_loop3A_143 = tpu.vector_load %arg8[%parallel_loop3A_141, %parallel_loop3A_142] {strides = array<i32>} : memref<8x2048xi32, #tpu.memory_space<vmem>>, vector<16xi32>,
        tpu.vector_store %arg8[%parallel_loop3A_141, %parallel_loop3A_142], %parallel_loop3A_139 {strides = array<i32>} : memref<8x2048xi32, #tpu.memory_space<vmem>>, vector<16xi32>,
      } {sc.loop_unroll_factor = 8 : i64, sc.parallel_access}
      %add3A_60 = arith.constant 1 : i32
      %add3A_61 = arith.addi %add3A_27, %add3A_60 : i32
      %lt3A = arith.constant 64 : i32
      %lt3A_62 = arith.cmpi slt, %add3A_61, %lt3A : i32
      %convert_element_type3A_63 = arith.extui %lt3A_62 : i1 to i32
      %cond3A_64 = arith.constant 0 : i32
      %cond3A_65 = arith.cmpi ne, %convert_element_type3A_63, %cond3A_64 : i32
      scf.if %cond3A_65 {
        %add3A_114 = arith.constant 8 : i32
        %add3A_115 = arith.addi %add3A_30, %add3A_114 : i32
        %dma_start3A_116 = arith.constant 0 : i32
        %dma_start3A_117 = tpu.memref_slice %arg2[%add3A_115, %dma_start3A_116] : memref<16384x4096xf32, #tpu.memory_space<hbm>> -> memref<8x2048xf32, #tpu.memory_space<hbm>>
        %dma_start3A_118 = arith.constant 0 : i32
        %dma_start3A_119 = tpu.memref_slice %arg2[%add3A_115, %dma_start3A_118] : memref<16384x4096xf32, #tpu.memory_space<hbm>> -> memref<8x2048xf32, #tpu.memory_space<hbm>>
        tpu.enqueue_dma source(%dma_start3A_119 : memref<8x2048xf32, #tpu.memory_space<hbm>>) target(%arg6 : memref<8x2048xf32, #tpu.memory_space<vmem>>) target_semaphore(%arg10 : memref<!tpu.dma_semaphore, #tpu.memory_space<semaphore_mem>>)
      } else {
      }
      %dma_start3A_66 = arith.constant 0 : i32
      %dma_start3A_67 = tpu.memref_slice %arg4[%add3A_30, %dma_start3A_66] : memref<16384x4096xi32, #tpu.memory_space<hbm>> -> memref<8x2048xi32, #tpu.memory_space<hbm>>
      %dma_start3A_68 = arith.constant 0 : i32
      %dma_start3A_69 = tpu.memref_slice %arg4[%add3A_30, %dma_start3A_68] : memref<16384x4096xi32, #tpu.memory_space<hbm>> -> memref<8x2048xi32, #tpu.memory_space<hbm>>
      tpu.enqueue_dma source(%arg8 : memref<8x2048xi32, #tpu.memory_space<vmem>>) target(%dma_start3A_69 : memref<8x2048xi32, #tpu.memory_space<hbm>>) target_semaphore(%arg12 : memref<!tpu.dma_semaphore, #tpu.memory_space<semaphore_mem>>)
      %dma_wait3A_70 = arith.constant 2048 : i32
      %dma_wait3A_71 = tpu.memref_slice %arg2[%add3A_30, %dma_wait3A_70] : memref<16384x4096xf32, #tpu.memory_space<hbm>> -> memref<8x2048xf32, #tpu.memory_space<hbm>>
      %dma_wait3A_72 = arith.constant 2048 : i32
      %dma_wait3A_73 = tpu.memref_slice %arg2[%add3A_30, %dma_wait3A_72] : memref<16384x4096xf32, #tpu.memory_space<hbm>> -> memref<8x2048xf32, #tpu.memory_space<hbm>>
      tpu.wait_dma2 semaphore(%arg11 : memref<!tpu.dma_semaphore, #tpu.memory_space<semaphore_mem>>) src(%dma_wait3A_73 : memref<8x2048xf32, #tpu.memory_space<hbm>>) dst(%arg7 : memref<8x2048xf32, #tpu.memory_space<vmem>>)
      %ge3A_74 = arith.constant 1 : i32
      %ge3A_75 = arith.cmpi sge, %add3A_27, %ge3A_74 : i32
      %convert_element_type3A_76 = arith.extui %ge3A_75 : i1 to i32
      %cond3A_77 = arith.constant 0 : i32
      %cond3A_78 = arith.cmpi ne, %convert_element_type3A_76, %cond3A_77 : i32
      scf.if %cond3A_78 {
        %sub3A = arith.constant 8 : i32
        %sub3A_114 = arith.subi %add3A_30, %sub3A : i32
        %dma_wait3A_115 = arith.constant 2048 : i32
        %dma_wait3A_116 = tpu.memref_slice %arg4[%sub3A_114, %dma_wait3A_115] : memref<16384x4096xi32, #tpu.memory_space<hbm>> -> memref<8x2048xi32, #tpu.memory_space<hbm>>
        %dma_wait3A_117 = arith.constant 2048 : i32
        %dma_wait3A_118 = tpu.memref_slice %arg4[%sub3A_114, %dma_wait3A_117] : memref<16384x4096xi32, #tpu.memory_space<hbm>> -> memref<8x2048xi32, #tpu.memory_space<hbm>>
        tpu.wait_dma2 semaphore(%arg13 : memref<!tpu.dma_semaphore, #tpu.memory_space<semaphore_mem>>) src(%arg9 : memref<8x2048xi32, #tpu.memory_space<vmem>>) dst(%dma_wait3A_118 : memref<8x2048xi32, #tpu.memory_space<hbm>>)
      } else {
      }
      %parallel_loop3A_79 = arith.constant 0 : i32
      %parallel_loop3A_80 = arith.constant 2048 : i32
      %parallel_loop3A_81 = arith.constant 16 : i32
      scf.for %parallel_loop3A_114 = %parallel_loop3A_79 to %parallel_loop3A_80 step %parallel_loop3A_81  : i32 {
        %parallel_loop3A_115 = arith.constant 0 : i32
        %parallel_loop3A_116 = arith.index_cast %parallel_loop3A_115 : i32 to index
        %parallel_loop3A_117 = arith.index_cast %parallel_loop3A_114 : i32 to index
        %parallel_loop3A_118 = tpu.vector_load %arg7[%parallel_loop3A_116, %parallel_loop3A_117] {strides = array<i32>} : memref<8x2048xf32, #tpu.memory_space<vmem>>, vector<16xf32>,
        %parallel_loop3A_119 = arith.constant 5.000000e+00 : f32
        %parallel_loop3A_120 = vector.broadcast %parallel_loop3A_119 : f32 to vector<16xf32>
        %parallel_loop3A_121 = arith.mulf %parallel_loop3A_118, %parallel_loop3A_120 : vector<16xf32>
        %parallel_loop3A_122 = arith.constant 1.550000e+01 : f32
        %parallel_loop3A_123 = vector.broadcast %parallel_loop3A_122 : f32 to vector<16xf32>
        %parallel_loop3A_124 = arith.addf %parallel_loop3A_121, %parallel_loop3A_123 : vector<16xf32>
        %parallel_loop3A_125 = arith.constant 5.000000e-01 : f32
        %parallel_loop3A_126 = vector.broadcast %parallel_loop3A_125 : f32 to vector<16xf32>
        %parallel_loop3A_127 = arith.maximumf %parallel_loop3A_124, %parallel_loop3A_126 : vector<16xf32>
        %parallel_loop3A_128 = arith.constant 3.050000e+01 : f32
        %parallel_loop3A_129 = vector.broadcast %parallel_loop3A_128 : f32 to vector<16xf32>
        %parallel_loop3A_130 = arith.minimumf %parallel_loop3A_127, %parallel_loop3A_129 : vector<16xf32>
        %parallel_loop3A_131 = arith.fptosi %parallel_loop3A_130 : vector<16xf32> to vector<16xi32>
        %parallel_loop3A_132 = tpu.vector_load_idx %arg5[%parallel_loop3A_131] : memref<32xf32, #tpu.memory_space<vmem>>[vector<16xi32>], vector<16xf32>,
        %parallel_loop3A_133 = arith.cmpf ole, %parallel_loop3A_132, %parallel_loop3A_118 : vector<16xf32>
        %parallel_loop3A_134 = arith.constant 1 : i32
        %parallel_loop3A_135 = arith.constant 0 : i32
        %parallel_loop3A_136 = vector.broadcast %parallel_loop3A_134 : i32 to vector<16xi32>
        %parallel_loop3A_137 = vector.broadcast %parallel_loop3A_135 : i32 to vector<16xi32>
        %parallel_loop3A_138 = arith.select %parallel_loop3A_133, %parallel_loop3A_136, %parallel_loop3A_137 : vector<16xi1>, vector<16xi32>
        %parallel_loop3A_139 = arith.addi %parallel_loop3A_131, %parallel_loop3A_138 : vector<16xi32>
        %parallel_loop3A_140 = arith.constant 0 : i32
        %parallel_loop3A_141 = arith.index_cast %parallel_loop3A_140 : i32 to index
        %parallel_loop3A_142 = arith.index_cast %parallel_loop3A_114 : i32 to index
        %parallel_loop3A_143 = tpu.vector_load %arg9[%parallel_loop3A_141, %parallel_loop3A_142] {strides = array<i32>} : memref<8x2048xi32, #tpu.memory_space<vmem>>, vector<16xi32>,
        tpu.vector_store %arg9[%parallel_loop3A_141, %parallel_loop3A_142], %parallel_loop3A_139 {strides = array<i32>} : memref<8x2048xi32, #tpu.memory_space<vmem>>, vector<16xi32>,
      } {sc.loop_unroll_factor = 8 : i64, sc.parallel_access}
      %parallel_loop3A_82 = arith.constant 0 : i32
      %parallel_loop3A_83 = arith.constant 2048 : i32
      %parallel_loop3A_84 = arith.constant 16 : i32
      scf.for %parallel_loop3A_114 = %parallel_loop3A_82 to %parallel_loop3A_83 step %parallel_loop3A_84  : i32 {
        %parallel_loop3A_115 = arith.constant 1 : i32
        %parallel_loop3A_116 = arith.index_cast %parallel_loop3A_115 : i32 to index
        %parallel_loop3A_117 = arith.index_cast %parallel_loop3A_114 : i32 to index
        %parallel_loop3A_118 = tpu.vector_load %arg7[%parallel_loop3A_116, %parallel_loop3A_117] {strides = array<i32>} : memref<8x2048xf32, #tpu.memory_space<vmem>>, vector<16xf32>,
        %parallel_loop3A_119 = arith.constant 5.000000e+00 : f32
        %parallel_loop3A_120 = vector.broadcast %parallel_loop3A_119 : f32 to vector<16xf32>
        %parallel_loop3A_121 = arith.mulf %parallel_loop3A_118, %parallel_loop3A_120 : vector<16xf32>
        %parallel_loop3A_122 = arith.constant 1.550000e+01 : f32
        %parallel_loop3A_123 = vector.broadcast %parallel_loop3A_122 : f32 to vector<16xf32>
        %parallel_loop3A_124 = arith.addf %parallel_loop3A_121, %parallel_loop3A_123 : vector<16xf32>
        %parallel_loop3A_125 = arith.constant 5.000000e-01 : f32
        %parallel_loop3A_126 = vector.broadcast %parallel_loop3A_125 : f32 to vector<16xf32>
        %parallel_loop3A_127 = arith.maximumf %parallel_loop3A_124, %parallel_loop3A_126 : vector<16xf32>
        %parallel_loop3A_128 = arith.constant 3.050000e+01 : f32
        %parallel_loop3A_129 = vector.broadcast %parallel_loop3A_128 : f32 to vector<16xf32>
        %parallel_loop3A_130 = arith.minimumf %parallel_loop3A_127, %parallel_loop3A_129 : vector<16xf32>
        %parallel_loop3A_131 = arith.fptosi %parallel_loop3A_130 : vector<16xf32> to vector<16xi32>
        %parallel_loop3A_132 = tpu.vector_load_idx %arg5[%parallel_loop3A_131] : memref<32xf32, #tpu.memory_space<vmem>>[vector<16xi32>], vector<16xf32>,
        %parallel_loop3A_133 = arith.cmpf ole, %parallel_loop3A_132, %parallel_loop3A_118 : vector<16xf32>
        %parallel_loop3A_134 = arith.constant 1 : i32
        %parallel_loop3A_135 = arith.constant 0 : i32
        %parallel_loop3A_136 = vector.broadcast %parallel_loop3A_134 : i32 to vector<16xi32>
        %parallel_loop3A_137 = vector.broadcast %parallel_loop3A_135 : i32 to vector<16xi32>
        %parallel_loop3A_138 = arith.select %parallel_loop3A_133, %parallel_loop3A_136, %parallel_loop3A_137 : vector<16xi1>, vector<16xi32>
        %parallel_loop3A_139 = arith.addi %parallel_loop3A_131, %parallel_loop3A_138 : vector<16xi32>
        %parallel_loop3A_140 = arith.constant 1 : i32
        %parallel_loop3A_141 = arith.index_cast %parallel_loop3A_140 : i32 to index
        %parallel_loop3A_142 = arith.index_cast %parallel_loop3A_114 : i32 to index
        %parallel_loop3A_143 = tpu.vector_load %arg9[%parallel_loop3A_141, %parallel_loop3A_142] {strides = array<i32>} : memref<8x2048xi32, #tpu.memory_space<vmem>>, vector<16xi32>,
        tpu.vector_store %arg9[%parallel_loop3A_141, %parallel_loop3A_142], %parallel_loop3A_139 {strides = array<i32>} : memref<8x2048xi32, #tpu.memory_space<vmem>>, vector<16xi32>,
      } {sc.loop_unroll_factor = 8 : i64, sc.parallel_access}
      %parallel_loop3A_85 = arith.constant 0 : i32
      %parallel_loop3A_86 = arith.constant 2048 : i32
      %parallel_loop3A_87 = arith.constant 16 : i32
      scf.for %parallel_loop3A_114 = %parallel_loop3A_85 to %parallel_loop3A_86 step %parallel_loop3A_87  : i32 {
        %parallel_loop3A_115 = arith.constant 2 : i32
        %parallel_loop3A_116 = arith.index_cast %parallel_loop3A_115 : i32 to index
        %parallel_loop3A_117 = arith.index_cast %parallel_loop3A_114 : i32 to index
        %parallel_loop3A_118 = tpu.vector_load %arg7[%parallel_loop3A_116, %parallel_loop3A_117] {strides = array<i32>} : memref<8x2048xf32, #tpu.memory_space<vmem>>, vector<16xf32>,
        %parallel_loop3A_119 = arith.constant 5.000000e+00 : f32
        %parallel_loop3A_120 = vector.broadcast %parallel_loop3A_119 : f32 to vector<16xf32>
        %parallel_loop3A_121 = arith.mulf %parallel_loop3A_118, %parallel_loop3A_120 : vector<16xf32>
        %parallel_loop3A_122 = arith.constant 1.550000e+01 : f32
        %parallel_loop3A_123 = vector.broadcast %parallel_loop3A_122 : f32 to vector<16xf32>
        %parallel_loop3A_124 = arith.addf %parallel_loop3A_121, %parallel_loop3A_123 : vector<16xf32>
        %parallel_loop3A_125 = arith.constant 5.000000e-01 : f32
        %parallel_loop3A_126 = vector.broadcast %parallel_loop3A_125 : f32 to vector<16xf32>
        %parallel_loop3A_127 = arith.maximumf %parallel_loop3A_124, %parallel_loop3A_126 : vector<16xf32>
        %parallel_loop3A_128 = arith.constant 3.050000e+01 : f32
        %parallel_loop3A_129 = vector.broadcast %parallel_loop3A_128 : f32 to vector<16xf32>
        %parallel_loop3A_130 = arith.minimumf %parallel_loop3A_127, %parallel_loop3A_129 : vector<16xf32>
        %parallel_loop3A_131 = arith.fptosi %parallel_loop3A_130 : vector<16xf32> to vector<16xi32>
        %parallel_loop3A_132 = tpu.vector_load_idx %arg5[%parallel_loop3A_131] : memref<32xf32, #tpu.memory_space<vmem>>[vector<16xi32>], vector<16xf32>,
        %parallel_loop3A_133 = arith.cmpf ole, %parallel_loop3A_132, %parallel_loop3A_118 : vector<16xf32>
        %parallel_loop3A_134 = arith.constant 1 : i32
        %parallel_loop3A_135 = arith.constant 0 : i32
        %parallel_loop3A_136 = vector.broadcast %parallel_loop3A_134 : i32 to vector<16xi32>
        %parallel_loop3A_137 = vector.broadcast %parallel_loop3A_135 : i32 to vector<16xi32>
        %parallel_loop3A_138 = arith.select %parallel_loop3A_133, %parallel_loop3A_136, %parallel_loop3A_137 : vector<16xi1>, vector<16xi32>
        %parallel_loop3A_139 = arith.addi %parallel_loop3A_131, %parallel_loop3A_138 : vector<16xi32>
        %parallel_loop3A_140 = arith.constant 2 : i32
        %parallel_loop3A_141 = arith.index_cast %parallel_loop3A_140 : i32 to index
        %parallel_loop3A_142 = arith.index_cast %parallel_loop3A_114 : i32 to index
        %parallel_loop3A_143 = tpu.vector_load %arg9[%parallel_loop3A_141, %parallel_loop3A_142] {strides = array<i32>} : memref<8x2048xi32, #tpu.memory_space<vmem>>, vector<16xi32>,
        tpu.vector_store %arg9[%parallel_loop3A_141, %parallel_loop3A_142], %parallel_loop3A_139 {strides = array<i32>} : memref<8x2048xi32, #tpu.memory_space<vmem>>, vector<16xi32>,
      } {sc.loop_unroll_factor = 8 : i64, sc.parallel_access}
      %parallel_loop3A_88 = arith.constant 0 : i32
      %parallel_loop3A_89 = arith.constant 2048 : i32
      %parallel_loop3A_90 = arith.constant 16 : i32
      scf.for %parallel_loop3A_114 = %parallel_loop3A_88 to %parallel_loop3A_89 step %parallel_loop3A_90  : i32 {
        %parallel_loop3A_115 = arith.constant 3 : i32
        %parallel_loop3A_116 = arith.index_cast %parallel_loop3A_115 : i32 to index
        %parallel_loop3A_117 = arith.index_cast %parallel_loop3A_114 : i32 to index
        %parallel_loop3A_118 = tpu.vector_load %arg7[%parallel_loop3A_116, %parallel_loop3A_117] {strides = array<i32>} : memref<8x2048xf32, #tpu.memory_space<vmem>>, vector<16xf32>,
        %parallel_loop3A_119 = arith.constant 5.000000e+00 : f32
        %parallel_loop3A_120 = vector.broadcast %parallel_loop3A_119 : f32 to vector<16xf32>
        %parallel_loop3A_121 = arith.mulf %parallel_loop3A_118, %parallel_loop3A_120 : vector<16xf32>
        %parallel_loop3A_122 = arith.constant 1.550000e+01 : f32
        %parallel_loop3A_123 = vector.broadcast %parallel_loop3A_122 : f32 to vector<16xf32>
        %parallel_loop3A_124 = arith.addf %parallel_loop3A_121, %parallel_loop3A_123 : vector<16xf32>
        %parallel_loop3A_125 = arith.constant 5.000000e-01 : f32
        %parallel_loop3A_126 = vector.broadcast %parallel_loop3A_125 : f32 to vector<16xf32>
        %parallel_loop3A_127 = arith.maximumf %parallel_loop3A_124, %parallel_loop3A_126 : vector<16xf32>
        %parallel_loop3A_128 = arith.constant 3.050000e+01 : f32
        %parallel_loop3A_129 = vector.broadcast %parallel_loop3A_128 : f32 to vector<16xf32>
        %parallel_loop3A_130 = arith.minimumf %parallel_loop3A_127, %parallel_loop3A_129 : vector<16xf32>
        %parallel_loop3A_131 = arith.fptosi %parallel_loop3A_130 : vector<16xf32> to vector<16xi32>
        %parallel_loop3A_132 = tpu.vector_load_idx %arg5[%parallel_loop3A_131] : memref<32xf32, #tpu.memory_space<vmem>>[vector<16xi32>], vector<16xf32>,
        %parallel_loop3A_133 = arith.cmpf ole, %parallel_loop3A_132, %parallel_loop3A_118 : vector<16xf32>
        %parallel_loop3A_134 = arith.constant 1 : i32
        %parallel_loop3A_135 = arith.constant 0 : i32
        %parallel_loop3A_136 = vector.broadcast %parallel_loop3A_134 : i32 to vector<16xi32>
        %parallel_loop3A_137 = vector.broadcast %parallel_loop3A_135 : i32 to vector<16xi32>
        %parallel_loop3A_138 = arith.select %parallel_loop3A_133, %parallel_loop3A_136, %parallel_loop3A_137 : vector<16xi1>, vector<16xi32>
        %parallel_loop3A_139 = arith.addi %parallel_loop3A_131, %parallel_loop3A_138 : vector<16xi32>
        %parallel_loop3A_140 = arith.constant 3 : i32
        %parallel_loop3A_141 = arith.index_cast %parallel_loop3A_140 : i32 to index
        %parallel_loop3A_142 = arith.index_cast %parallel_loop3A_114 : i32 to index
        %parallel_loop3A_143 = tpu.vector_load %arg9[%parallel_loop3A_141, %parallel_loop3A_142] {strides = array<i32>} : memref<8x2048xi32, #tpu.memory_space<vmem>>, vector<16xi32>,
        tpu.vector_store %arg9[%parallel_loop3A_141, %parallel_loop3A_142], %parallel_loop3A_139 {strides = array<i32>} : memref<8x2048xi32, #tpu.memory_space<vmem>>, vector<16xi32>,
      } {sc.loop_unroll_factor = 8 : i64, sc.parallel_access}
      %parallel_loop3A_91 = arith.constant 0 : i32
      %parallel_loop3A_92 = arith.constant 2048 : i32
      %parallel_loop3A_93 = arith.constant 16 : i32
      scf.for %parallel_loop3A_114 = %parallel_loop3A_91 to %parallel_loop3A_92 step %parallel_loop3A_93  : i32 {
        %parallel_loop3A_115 = arith.constant 4 : i32
        %parallel_loop3A_116 = arith.index_cast %parallel_loop3A_115 : i32 to index
        %parallel_loop3A_117 = arith.index_cast %parallel_loop3A_114 : i32 to index
        %parallel_loop3A_118 = tpu.vector_load %arg7[%parallel_loop3A_116, %parallel_loop3A_117] {strides = array<i32>} : memref<8x2048xf32, #tpu.memory_space<vmem>>, vector<16xf32>,
        %parallel_loop3A_119 = arith.constant 5.000000e+00 : f32
        %parallel_loop3A_120 = vector.broadcast %parallel_loop3A_119 : f32 to vector<16xf32>
        %parallel_loop3A_121 = arith.mulf %parallel_loop3A_118, %parallel_loop3A_120 : vector<16xf32>
        %parallel_loop3A_122 = arith.constant 1.550000e+01 : f32
        %parallel_loop3A_123 = vector.broadcast %parallel_loop3A_122 : f32 to vector<16xf32>
        %parallel_loop3A_124 = arith.addf %parallel_loop3A_121, %parallel_loop3A_123 : vector<16xf32>
        %parallel_loop3A_125 = arith.constant 5.000000e-01 : f32
        %parallel_loop3A_126 = vector.broadcast %parallel_loop3A_125 : f32 to vector<16xf32>
        %parallel_loop3A_127 = arith.maximumf %parallel_loop3A_124, %parallel_loop3A_126 : vector<16xf32>
        %parallel_loop3A_128 = arith.constant 3.050000e+01 : f32
        %parallel_loop3A_129 = vector.broadcast %parallel_loop3A_128 : f32 to vector<16xf32>
        %parallel_loop3A_130 = arith.minimumf %parallel_loop3A_127, %parallel_loop3A_129 : vector<16xf32>
        %parallel_loop3A_131 = arith.fptosi %parallel_loop3A_130 : vector<16xf32> to vector<16xi32>
        %parallel_loop3A_132 = tpu.vector_load_idx %arg5[%parallel_loop3A_131] : memref<32xf32, #tpu.memory_space<vmem>>[vector<16xi32>], vector<16xf32>,
        %parallel_loop3A_133 = arith.cmpf ole, %parallel_loop3A_132, %parallel_loop3A_118 : vector<16xf32>
        %parallel_loop3A_134 = arith.constant 1 : i32
        %parallel_loop3A_135 = arith.constant 0 : i32
        %parallel_loop3A_136 = vector.broadcast %parallel_loop3A_134 : i32 to vector<16xi32>
        %parallel_loop3A_137 = vector.broadcast %parallel_loop3A_135 : i32 to vector<16xi32>
        %parallel_loop3A_138 = arith.select %parallel_loop3A_133, %parallel_loop3A_136, %parallel_loop3A_137 : vector<16xi1>, vector<16xi32>
        %parallel_loop3A_139 = arith.addi %parallel_loop3A_131, %parallel_loop3A_138 : vector<16xi32>
        %parallel_loop3A_140 = arith.constant 4 : i32
        %parallel_loop3A_141 = arith.index_cast %parallel_loop3A_140 : i32 to index
        %parallel_loop3A_142 = arith.index_cast %parallel_loop3A_114 : i32 to index
        %parallel_loop3A_143 = tpu.vector_load %arg9[%parallel_loop3A_141, %parallel_loop3A_142] {strides = array<i32>} : memref<8x2048xi32, #tpu.memory_space<vmem>>, vector<16xi32>,
        tpu.vector_store %arg9[%parallel_loop3A_141, %parallel_loop3A_142], %parallel_loop3A_139 {strides = array<i32>} : memref<8x2048xi32, #tpu.memory_space<vmem>>, vector<16xi32>,
      } {sc.loop_unroll_factor = 8 : i64, sc.parallel_access}
      %parallel_loop3A_94 = arith.constant 0 : i32
      %parallel_loop3A_95 = arith.constant 2048 : i32
      %parallel_loop3A_96 = arith.constant 16 : i32
      scf.for %parallel_loop3A_114 = %parallel_loop3A_94 to %parallel_loop3A_95 step %parallel_loop3A_96  : i32 {
        %parallel_loop3A_115 = arith.constant 5 : i32
        %parallel_loop3A_116 = arith.index_cast %parallel_loop3A_115 : i32 to index
        %parallel_loop3A_117 = arith.index_cast %parallel_loop3A_114 : i32 to index
        %parallel_loop3A_118 = tpu.vector_load %arg7[%parallel_loop3A_116, %parallel_loop3A_117] {strides = array<i32>} : memref<8x2048xf32, #tpu.memory_space<vmem>>, vector<16xf32>,
        %parallel_loop3A_119 = arith.constant 5.000000e+00 : f32
        %parallel_loop3A_120 = vector.broadcast %parallel_loop3A_119 : f32 to vector<16xf32>
        %parallel_loop3A_121 = arith.mulf %parallel_loop3A_118, %parallel_loop3A_120 : vector<16xf32>
        %parallel_loop3A_122 = arith.constant 1.550000e+01 : f32
        %parallel_loop3A_123 = vector.broadcast %parallel_loop3A_122 : f32 to vector<16xf32>
        %parallel_loop3A_124 = arith.addf %parallel_loop3A_121, %parallel_loop3A_123 : vector<16xf32>
        %parallel_loop3A_125 = arith.constant 5.000000e-01 : f32
        %parallel_loop3A_126 = vector.broadcast %parallel_loop3A_125 : f32 to vector<16xf32>
        %parallel_loop3A_127 = arith.maximumf %parallel_loop3A_124, %parallel_loop3A_126 : vector<16xf32>
        %parallel_loop3A_128 = arith.constant 3.050000e+01 : f32
        %parallel_loop3A_129 = vector.broadcast %parallel_loop3A_128 : f32 to vector<16xf32>
        %parallel_loop3A_130 = arith.minimumf %parallel_loop3A_127, %parallel_loop3A_129 : vector<16xf32>
        %parallel_loop3A_131 = arith.fptosi %parallel_loop3A_130 : vector<16xf32> to vector<16xi32>
        %parallel_loop3A_132 = tpu.vector_load_idx %arg5[%parallel_loop3A_131] : memref<32xf32, #tpu.memory_space<vmem>>[vector<16xi32>], vector<16xf32>,
        %parallel_loop3A_133 = arith.cmpf ole, %parallel_loop3A_132, %parallel_loop3A_118 : vector<16xf32>
        %parallel_loop3A_134 = arith.constant 1 : i32
        %parallel_loop3A_135 = arith.constant 0 : i32
        %parallel_loop3A_136 = vector.broadcast %parallel_loop3A_134 : i32 to vector<16xi32>
        %parallel_loop3A_137 = vector.broadcast %parallel_loop3A_135 : i32 to vector<16xi32>
        %parallel_loop3A_138 = arith.select %parallel_loop3A_133, %parallel_loop3A_136, %parallel_loop3A_137 : vector<16xi1>, vector<16xi32>
        %parallel_loop3A_139 = arith.addi %parallel_loop3A_131, %parallel_loop3A_138 : vector<16xi32>
        %parallel_loop3A_140 = arith.constant 5 : i32
        %parallel_loop3A_141 = arith.index_cast %parallel_loop3A_140 : i32 to index
        %parallel_loop3A_142 = arith.index_cast %parallel_loop3A_114 : i32 to index
        %parallel_loop3A_143 = tpu.vector_load %arg9[%parallel_loop3A_141, %parallel_loop3A_142] {strides = array<i32>} : memref<8x2048xi32, #tpu.memory_space<vmem>>, vector<16xi32>,
        tpu.vector_store %arg9[%parallel_loop3A_141, %parallel_loop3A_142], %parallel_loop3A_139 {strides = array<i32>} : memref<8x2048xi32, #tpu.memory_space<vmem>>, vector<16xi32>,
      } {sc.loop_unroll_factor = 8 : i64, sc.parallel_access}
      %parallel_loop3A_97 = arith.constant 0 : i32
      %parallel_loop3A_98 = arith.constant 2048 : i32
      %parallel_loop3A_99 = arith.constant 16 : i32
      scf.for %parallel_loop3A_114 = %parallel_loop3A_97 to %parallel_loop3A_98 step %parallel_loop3A_99  : i32 {
        %parallel_loop3A_115 = arith.constant 6 : i32
        %parallel_loop3A_116 = arith.index_cast %parallel_loop3A_115 : i32 to index
        %parallel_loop3A_117 = arith.index_cast %parallel_loop3A_114 : i32 to index
        %parallel_loop3A_118 = tpu.vector_load %arg7[%parallel_loop3A_116, %parallel_loop3A_117] {strides = array<i32>} : memref<8x2048xf32, #tpu.memory_space<vmem>>, vector<16xf32>,
        %parallel_loop3A_119 = arith.constant 5.000000e+00 : f32
        %parallel_loop3A_120 = vector.broadcast %parallel_loop3A_119 : f32 to vector<16xf32>
        %parallel_loop3A_121 = arith.mulf %parallel_loop3A_118, %parallel_loop3A_120 : vector<16xf32>
        %parallel_loop3A_122 = arith.constant 1.550000e+01 : f32
        %parallel_loop3A_123 = vector.broadcast %parallel_loop3A_122 : f32 to vector<16xf32>
        %parallel_loop3A_124 = arith.addf %parallel_loop3A_121, %parallel_loop3A_123 : vector<16xf32>
        %parallel_loop3A_125 = arith.constant 5.000000e-01 : f32
        %parallel_loop3A_126 = vector.broadcast %parallel_loop3A_125 : f32 to vector<16xf32>
        %parallel_loop3A_127 = arith.maximumf %parallel_loop3A_124, %parallel_loop3A_126 : vector<16xf32>
        %parallel_loop3A_128 = arith.constant 3.050000e+01 : f32
        %parallel_loop3A_129 = vector.broadcast %parallel_loop3A_128 : f32 to vector<16xf32>
        %parallel_loop3A_130 = arith.minimumf %parallel_loop3A_127, %parallel_loop3A_129 : vector<16xf32>
        %parallel_loop3A_131 = arith.fptosi %parallel_loop3A_130 : vector<16xf32> to vector<16xi32>
        %parallel_loop3A_132 = tpu.vector_load_idx %arg5[%parallel_loop3A_131] : memref<32xf32, #tpu.memory_space<vmem>>[vector<16xi32>], vector<16xf32>,
        %parallel_loop3A_133 = arith.cmpf ole, %parallel_loop3A_132, %parallel_loop3A_118 : vector<16xf32>
        %parallel_loop3A_134 = arith.constant 1 : i32
        %parallel_loop3A_135 = arith.constant 0 : i32
        %parallel_loop3A_136 = vector.broadcast %parallel_loop3A_134 : i32 to vector<16xi32>
        %parallel_loop3A_137 = vector.broadcast %parallel_loop3A_135 : i32 to vector<16xi32>
        %parallel_loop3A_138 = arith.select %parallel_loop3A_133, %parallel_loop3A_136, %parallel_loop3A_137 : vector<16xi1>, vector<16xi32>
        %parallel_loop3A_139 = arith.addi %parallel_loop3A_131, %parallel_loop3A_138 : vector<16xi32>
        %parallel_loop3A_140 = arith.constant 6 : i32
        %parallel_loop3A_141 = arith.index_cast %parallel_loop3A_140 : i32 to index
        %parallel_loop3A_142 = arith.index_cast %parallel_loop3A_114 : i32 to index
        %parallel_loop3A_143 = tpu.vector_load %arg9[%parallel_loop3A_141, %parallel_loop3A_142] {strides = array<i32>} : memref<8x2048xi32, #tpu.memory_space<vmem>>, vector<16xi32>,
        tpu.vector_store %arg9[%parallel_loop3A_141, %parallel_loop3A_142], %parallel_loop3A_139 {strides = array<i32>} : memref<8x2048xi32, #tpu.memory_space<vmem>>, vector<16xi32>,
      } {sc.loop_unroll_factor = 8 : i64, sc.parallel_access}
      %parallel_loop3A_100 = arith.constant 0 : i32
      %parallel_loop3A_101 = arith.constant 2048 : i32
      %parallel_loop3A_102 = arith.constant 16 : i32
      scf.for %parallel_loop3A_114 = %parallel_loop3A_100 to %parallel_loop3A_101 step %parallel_loop3A_102  : i32 {
        %parallel_loop3A_115 = arith.constant 7 : i32
        %parallel_loop3A_116 = arith.index_cast %parallel_loop3A_115 : i32 to index
        %parallel_loop3A_117 = arith.index_cast %parallel_loop3A_114 : i32 to index
        %parallel_loop3A_118 = tpu.vector_load %arg7[%parallel_loop3A_116, %parallel_loop3A_117] {strides = array<i32>} : memref<8x2048xf32, #tpu.memory_space<vmem>>, vector<16xf32>,
        %parallel_loop3A_119 = arith.constant 5.000000e+00 : f32
        %parallel_loop3A_120 = vector.broadcast %parallel_loop3A_119 : f32 to vector<16xf32>
        %parallel_loop3A_121 = arith.mulf %parallel_loop3A_118, %parallel_loop3A_120 : vector<16xf32>
        %parallel_loop3A_122 = arith.constant 1.550000e+01 : f32
        %parallel_loop3A_123 = vector.broadcast %parallel_loop3A_122 : f32 to vector<16xf32>
        %parallel_loop3A_124 = arith.addf %parallel_loop3A_121, %parallel_loop3A_123 : vector<16xf32>
        %parallel_loop3A_125 = arith.constant 5.000000e-01 : f32
        %parallel_loop3A_126 = vector.broadcast %parallel_loop3A_125 : f32 to vector<16xf32>
        %parallel_loop3A_127 = arith.maximumf %parallel_loop3A_124, %parallel_loop3A_126 : vector<16xf32>
        %parallel_loop3A_128 = arith.constant 3.050000e+01 : f32
        %parallel_loop3A_129 = vector.broadcast %parallel_loop3A_128 : f32 to vector<16xf32>
        %parallel_loop3A_130 = arith.minimumf %parallel_loop3A_127, %parallel_loop3A_129 : vector<16xf32>
        %parallel_loop3A_131 = arith.fptosi %parallel_loop3A_130 : vector<16xf32> to vector<16xi32>
        %parallel_loop3A_132 = tpu.vector_load_idx %arg5[%parallel_loop3A_131] : memref<32xf32, #tpu.memory_space<vmem>>[vector<16xi32>], vector<16xf32>,
        %parallel_loop3A_133 = arith.cmpf ole, %parallel_loop3A_132, %parallel_loop3A_118 : vector<16xf32>
        %parallel_loop3A_134 = arith.constant 1 : i32
        %parallel_loop3A_135 = arith.constant 0 : i32
        %parallel_loop3A_136 = vector.broadcast %parallel_loop3A_134 : i32 to vector<16xi32>
        %parallel_loop3A_137 = vector.broadcast %parallel_loop3A_135 : i32 to vector<16xi32>
        %parallel_loop3A_138 = arith.select %parallel_loop3A_133, %parallel_loop3A_136, %parallel_loop3A_137 : vector<16xi1>, vector<16xi32>
        %parallel_loop3A_139 = arith.addi %parallel_loop3A_131, %parallel_loop3A_138 : vector<16xi32>
        %parallel_loop3A_140 = arith.constant 7 : i32
        %parallel_loop3A_141 = arith.index_cast %parallel_loop3A_140 : i32 to index
        %parallel_loop3A_142 = arith.index_cast %parallel_loop3A_114 : i32 to index
        %parallel_loop3A_143 = tpu.vector_load %arg9[%parallel_loop3A_141, %parallel_loop3A_142] {strides = array<i32>} : memref<8x2048xi32, #tpu.memory_space<vmem>>, vector<16xi32>,
        tpu.vector_store %arg9[%parallel_loop3A_141, %parallel_loop3A_142], %parallel_loop3A_139 {strides = array<i32>} : memref<8x2048xi32, #tpu.memory_space<vmem>>, vector<16xi32>,
      } {sc.loop_unroll_factor = 8 : i64, sc.parallel_access}
      %add3A_103 = arith.constant 1 : i32
      %add3A_104 = arith.addi %add3A_27, %add3A_103 : i32
      %lt3A_105 = arith.constant 64 : i32
      %lt3A_106 = arith.cmpi slt, %add3A_104, %lt3A_105 : i32
      %convert_element_type3A_107 = arith.extui %lt3A_106 : i1 to i32
      %cond3A_108 = arith.constant 0 : i32
      %cond3A_109 = arith.cmpi ne, %convert_element_type3A_107, %cond3A_108 : i32
      scf.if %cond3A_109 {
        %add3A_114 = arith.constant 8 : i32
        %add3A_115 = arith.addi %add3A_30, %add3A_114 : i32
        %dma_start3A_116 = arith.constant 2048 : i32
        %dma_start3A_117 = tpu.memref_slice %arg2[%add3A_115, %dma_start3A_116] : memref<16384x4096xf32, #tpu.memory_space<hbm>> -> memref<8x2048xf32, #tpu.memory_space<hbm>>
        %dma_start3A_118 = arith.constant 2048 : i32
        %dma_start3A_119 = tpu.memref_slice %arg2[%add3A_115, %dma_start3A_118] : memref<16384x4096xf32, #tpu.memory_space<hbm>> -> memref<8x2048xf32, #tpu.memory_space<hbm>>
        tpu.enqueue_dma source(%dma_start3A_119 : memref<8x2048xf32, #tpu.memory_space<hbm>>) target(%arg7 : memref<8x2048xf32, #tpu.memory_space<vmem>>) target_semaphore(%arg11 : memref<!tpu.dma_semaphore, #tpu.memory_space<semaphore_mem>>)
      } else {
      }
      %dma_start3A_110 = arith.constant 2048 : i32
      %dma_start3A_111 = tpu.memref_slice %arg4[%add3A_30, %dma_start3A_110] : memref<16384x4096xi32, #tpu.memory_space<hbm>> -> memref<8x2048xi32, #tpu.memory_space<hbm>>
      %dma_start3A_112 = arith.constant 2048 : i32
      %dma_start3A_113 = tpu.memref_slice %arg4[%add3A_30, %dma_start3A_112] : memref<16384x4096xi32, #tpu.memory_space<hbm>> -> memref<8x2048xi32, #tpu.memory_space<hbm>>
      tpu.enqueue_dma source(%arg9 : memref<8x2048xi32, #tpu.memory_space<vmem>>) target(%dma_start3A_113 : memref<8x2048xi32, #tpu.memory_space<hbm>>) target_semaphore(%arg13 : memref<!tpu.dma_semaphore, #tpu.memory_space<semaphore_mem>>)
    }
    %scan3A_13 = arith.constant 64 : i32
    %add3A_14 = arith.constant 504 : i32
    %add3A_15 = arith.addi %mul3A_2, %add3A_14 : i32
    %dma_wait3A = arith.constant 0 : i32
    %dma_wait3A_16 = tpu.memref_slice %arg4[%add3A_15, %dma_wait3A] : memref<16384x4096xi32, #tpu.memory_space<hbm>> -> memref<8x2048xi32, #tpu.memory_space<hbm>>
    %dma_wait3A_17 = arith.constant 0 : i32
    %dma_wait3A_18 = tpu.memref_slice %arg4[%add3A_15, %dma_wait3A_17] : memref<16384x4096xi32, #tpu.memory_space<hbm>> -> memref<8x2048xi32, #tpu.memory_space<hbm>>
    tpu.wait_dma2 semaphore(%arg12 : memref<!tpu.dma_semaphore, #tpu.memory_space<semaphore_mem>>) src(%arg8 : memref<8x2048xi32, #tpu.memory_space<vmem>>) dst(%dma_wait3A_18 : memref<8x2048xi32, #tpu.memory_space<hbm>>)
    %dma_wait3A_19 = arith.constant 2048 : i32
    %dma_wait3A_20 = tpu.memref_slice %arg4[%add3A_15, %dma_wait3A_19] : memref<16384x4096xi32, #tpu.memory_space<hbm>> -> memref<8x2048xi32, #tpu.memory_space<hbm>>
    %dma_wait3A_21 = arith.constant 2048 : i32
    %dma_wait3A_22 = tpu.memref_slice %arg4[%add3A_15, %dma_wait3A_21] : memref<16384x4096xi32, #tpu.memory_space<hbm>> -> memref<8x2048xi32, #tpu.memory_space<hbm>>
    tpu.wait_dma2 semaphore(%arg13 : memref<!tpu.dma_semaphore, #tpu.memory_space<semaphore_mem>>) src(%arg9 : memref<8x2048xi32, #tpu.memory_space<vmem>>) dst(%dma_wait3A_22 : memref<8x2048xi32, #tpu.memory_space<hbm>>)
    return
  }
}

</mosaic_0001>

<sc_bundles>
// kernel: kernel.3.cloned.1.call-start
scs
__scs_entry_jumppad:
0x0: {  	(pc) =	sbr.rel $0x88, $3  }
0x1: {  	(tag) =	ssettag $0x0;
	lr =	simm.s32 $0x1  }
0x2: {  	[smem:$0x3FA0] =	sst lr;
	_ =	strace $0xD0000000  }
0x3: {  	_ = 	snop  }
0x4: {  	_ = 	snop  }
0x5: {  	_ = 	snop  }
0x6: {  	_ = 	snop  }
0x7: {  	_ = 	snop  }
__scs_overlays_trampoline_lowered:
0x8: {  	[smem:$0x3FAF] =	sst s0  }
0x9: {  	[smem:$0x3FB0] =	sst s1  }
0xa: {  	[smem:$0x3FB1] =	sst s2  }
0xb: {  	[smem:$0x3FB2] =	sst s3  }
0xc: {  	[smem:$0x3FB3] =	sst s4  }
0xd: {  	[smem:$0x3FB4] =	sst s5  }
0xe: {  	[smem:$0x3FB5] =	sst s6  }
0xf: {  	[smem:$0x3FB6] =	sst s7  }
0x10: {  	[smem:$0x3FB7] =	sst s8  }
0x11: {  	[smem:$0x3FB8] =	sst s9;
	s0 =	simm.s32 @!p0 $0x0  }
0x12: {  	s1 =	sld [smem:$0x3F9E];
	s0 =	simm.s32 @p0 $0x1  }
0x13: {  	[smem:$0x3FB9] =	sst s0;
	s0 =	simm.s32 @!p1 $0x0  }
0x14: {  	s2 =	sld [smem:$0x3F9D];
	s0 =	simm.s32 @p1 $0x1  }
0x15: {  	[smem:$0x3FBA] =	sst s0;
	s0 =	simm.s32 @!p2 $0x0  }
0x16: {  	s3 =	sld [smem:$0x3FDB];
	s0 =	simm.s32 @p2 $0x1  }
0x17: {  	s4 =	simm.s32 $0x1BF5;
	[smem:$0x3FBC] =	sst s0  }
0x18: {  	s0 =	sld [smem:$0x3F9F];
	_ =	swait.ge [sflag:s4], $0x0  }
0x19: {  	s7 =	sld [smem:$0x3FA0]  }
0x1a: {  	s8 =	sadd.s32 $0xFFFFE003, lr  }
0x1b: {  	s9 =	sadd.s32 $0xFFFFFEF7, lr;
	s5 =	simm.s32 $0xFFFFFFFF;
	p2 =	slt.u32 s8, $0xFFFFF086  }
0x1c: {  	p1 =	slt.u32 s9, $0xF7A;
	s5 =	simm.s32 @!p2 $0x0  }
0x1d: {  	s5 =	simm.s32 @p1 $0x1;
	p0 =	seq.s32 s7, s2  }
0x1e: {  	s7 =	smul.u32 @!p0 $0xF7A, s2;
	p2 =	seq.s32 @!p0 s5, $0x0  }
0x1f: {  	s9 =	smul.u32 $0xF7A, s1;
	s8 =	simm.s32 @!p0 $0x1BF5;
	p2 =	por !p2, p0  }
0x20: {  	[sflag:s8] =	ssyncset.s32 @!p0 $0xFFFFF086;
	s6 =	sadd.s32 @!p0 s3, s7;
	s7 =	simm.s32 @!p0 $0x108  }
0x21: {  	s3 =	sadd.s32 s3, s9;
	s6 =	sadd.s32 @!p0 $0x88, s6;
	s7 =	simm.s32 @p2 $0x1082  }
0x22: {  	[simem:s7], [sflag:s8] =	dma.local @!p0 [hbm:s6], $0xF7A  }
0x23: {  	s9 =	sor.u32 $0xD0000000, s2;
	s6 =	simm.s32 $0x108;
	_ =	swait.ge @!p0 [sflag:s8], $0x0  }
0x24: {  	s3 =	sadd.s32 $0x88, s3;
	s6 =	simm.s32 @!p1 $0x1082;
	[sflag:s4] =	ssyncset.s32 $0xFFFFF086  }
0x25: {  	[simem:s6], [sflag:s4] =	dma.local [hbm:s3], $0xF7A  }
0x26: {  	[smem:$0x3FA0] =	sst s1;
	(tag) =	ssettag s2;
	_ =	strace s9  }
0x27: {  	s1 =	sld [smem:$0x3FB0]  }
0x28: {  	s2 =	sld [smem:$0x3FB1]  }
0x29: {  	s4 =	sld [smem:$0x3FB3]  }
0x2a: {  	p0 =	seq.s32 s5, $0x0;
	s5 =	sld [smem:$0x3FB4]  }
0x2b: {  	s6 =	sld [smem:$0x3FB5]  }
0x2c: {  	s7 =	sld [smem:$0x3FB6]  }
0x2d: {  	s3 =	simm.s32 $0x108;
	s8 =	sld [smem:$0x3FB7]  }
0x2e: {  	s3 =	simm.s32 @!p0 $0x1082;
	s9 =	sld [smem:$0x3FB8]  }
0x2f: {  	lr =	sadd.s32 s0, s3;
	s0 =	sld [smem:$0x3FAF]  }
0x30: {  	s3 =	sld [smem:$0x3FB2]  }
0x31: {  	[smem:$0x3FBB] =	sst s10  }
0x32: {  	s10 =	sld [smem:$0x3FB9];
	_ =	sdelay $0x3  }
0x33: {  	p0 =	seq.s32 s10, $0x1;
	s10 =	sld [smem:$0x3FBB];
	_ =	sdelay $0x3  }
0x34: {  	[smem:$0x3FBB] =	sst s10  }
0x35: {  	s10 =	sld [smem:$0x3FBA];
	_ =	sdelay $0x3  }
0x36: {  	p1 =	seq.s32 s10, $0x1;
	s10 =	sld [smem:$0x3FBB];
	_ =	sdelay $0x3  }
0x37: {  	[smem:$0x3FBB] =	sst s10  }
0x38: {  	s10 =	sld [smem:$0x3FBC]  }
0x39: {  	_ = 	snop;
	(pc) =	sbr.ind lr, $3  }
0x3a: {  	_ = 	snop  }
0x3b: {  	_ = 	snop  }
0x3c: {  	p2 =	seq.s32 s10, $0x1;
	s10 =	sld [smem:$0x3FBB]  }
0x3d: {  	_ =	shalt  }
0x3e: {  	_ =	shalt  }
0x3f: {  	_ =	shalt  }
0x40: {  	_ =	shalt  }
0x41: {  	_ =	shalt  }
0x42: {  	_ =	shalt  }
0x43: {  	_ =	shalt  }
0x44: {  	_ =	shalt  }
0x45: {  	_ =	shalt  }
0x46: {  	_ =	shalt  }
0x47: {  	_ =	shalt  }
0x48: {  	_ =	shalt  }
0x49: {  	_ =	shalt  }
0x4a: {  	_ =	shalt  }
0x4b: {  	_ =	shalt  }
0x4c: {  	_ =	shalt  }
0x4d: {  	_ =	shalt  }
0x4e: {  	_ =	shalt  }
0x4f: {  	_ =	shalt  }
0x50: {  	_ =	shalt  }
0x51: {  	_ =	shalt  }
0x52: {  	_ =	shalt  }
0x53: {  	_ =	shalt  }
0x54: {  	_ =	shalt  }
0x55: {  	_ =	shalt  }
0x56: {  	_ =	shalt  }
0x57: {  	_ =	shalt  }
0x58: {  	_ =	shalt  }
0x59: {  	_ =	shalt  }
0x5a: {  	_ =	shalt  }
0x5b: {  	_ =	shalt  }
0x5c: {  	_ =	shalt  }
0x5d: {  	_ =	shalt  }
0x5e: {  	_ =	shalt  }
0x5f: {  	_ =	shalt  }
0x60: {  	_ =	shalt  }
0x61: {  	_ =	shalt  }
0x62: {  	_ =	shalt  }
0x63: {  	_ =	shalt  }
0x64: {  	_ =	shalt  }
0x65: {  	_ =	shalt  }
0x66: {  	_ =	shalt  }
0x67: {  	_ =	shalt  }
0x68: {  	_ =	shalt  }
0x69: {  	_ =	shalt  }
0x6a: {  	_ =	shalt  }
0x6b: {  	_ =	shalt  }
0x6c: {  	_ =	shalt  }
0x6d: {  	_ =	shalt  }
0x6e: {  	_ =	shalt  }
0x6f: {  	_ =	shalt  }
0x70: {  	_ =	shalt  }
0x71: {  	_ =	shalt  }
0x72: {  	_ =	shalt  }
0x73: {  	_ =	shalt  }
0x74: {  	_ =	shalt  }
0x75: {  	_ =	shalt  }
0x76: {  	_ =	shalt  }
0x77: {  	_ =	shalt  }
0x78: {  	_ =	shalt  }
0x79: {  	_ =	shalt  }
0x7a: {  	_ =	shalt  }
0x7b: {  	_ =	shalt  }
0x7c: {  	_ =	shalt  }
0x7d: {  	_ =	shalt  }
0x7e: {  	_ =	shalt  }
0x7f: {  	_ =	shalt  }
0x80: {  	_ =	shalt  }
0x81: {  	_ =	shalt  }
0x82: {  	_ =	shalt  }
0x83: {  	_ =	shalt  }
0x84: {  	_ =	shalt  }
0x85: {  	_ =	shalt  }
0x86: {  	_ =	shalt  }
0x87: {  	_ =	shalt  }
.Lfunc_end0:
.L_simem_size_0:
called_computation_lowered:
.L_overlay_start_0:
0x88: {  	s2 =	sld [smem:$0x3FD9]  }
0x89: {  	s3 =	sld [smem:$0x3FFE];
	_ =	sdelay $0x1  }
0x8a: {  	s1 =	srdreg.scid  }
0x8b: {  	s0 =	sand.u32 $0x1, s1  }
0x8c: {  	s17 =	sshll.u32 s0, $0xA;
	s2 =	sadd.s32 s3, s2  }
0x8d: {  	s2 =	sadd.s32 s2, s17  }
0x8e: {  	[smem:$0x3FC7] =	sst s2  }
0x8f: {  	_ = 	snop  }
0x90: {  	s2 =	sld [smem:$0x3FC9]  }
0x91: {  	s18 =	sld [smem:$0x3FD0];
	(tm) =	ssettm $0x1  }
0x92: {  	s4 =	sld [smem:$0x3FFB];
	_ =	sdelay $0x3  }
0x93: {  	_ =	strace s4  }
0x94: {  	s4 =	sld [smem:$0x3FFC];
	_ =	sdelay $0x3  }
0x95: {  	_ =	strace s4  }
0x96: {  	s4 =	sld [smem:$0x3FFD];
	_ =	sdelay $0x3  }
0x97: {  	_ =	strace s4  }
0x98: {  	_ =	strace $0x8FFFFFFF  }
0x99: {  	s19 =	sld [smem:$0x3FDB];
	_ =	sdelay $0x1  }
0x9a: {  	s5 =	simm.s32 $_scs_section_size  }
0x9b: {  	s6 =	simm.s32 $_size__tile_overlayer_lowered;
	s7 =	simm.s32 $_tile_overlayer_lowered  }
0x9c: {  	s22 =	simm.s32 $0x1BFF;
	s21 =	sshll.u32 s7, $0x1;
	s4 =	sadd.s32 s5, s19  }
0x9d: {  	s8 =	simm.s32 $0x0;
	s20 =	sshll.u32 s6, $0x1;
	s6 =	sadd.s32 s21, s4  }
0x9e: {  	[timem:s8], [sflag:s22] =	dma.local [hbm:s6], s20  }
0x9f: {  	_ =	swait.ge [sflag:s22], s20  }
0xa0: {  	s5 =	ssub.s32 $0x0, s20;
	[sflag:s22] =	ssyncset.done $0x0  }
0xa1: {  	[sflag:s22] =	ssyncadd.s32 s5;
	_ =	sdelay $0x1  }
0xa2: {  	s23 =	simm.s32 $0x1B8B  }
0xa3: {  	_ =	swait.ge [sflag:s23], $0x1  }
0xa4: {  	[sflag:s23] =	ssyncset.done $0x0  }
0xa5: {  	s25 =	simm.s32 $0x1B8E;
	s24 =	sld [smem:$0x3FFE];
	[sflag:s23] =	ssyncadd.s32 $0xFFFFFFFF  }
0xa6: {  	s26 =	simm.s32 $execute0_lowered;
	[smem:$0x3FD2] =	sst s25  }
0xa7: {  	s6 =	sshll.u32 s26, $0x1;
	_ =	strace $0x80000046;
	[dreg:$0x1] =	wrdreg $0xFFFFFFFF  }
0xa8: {  	s28 =	simm.s32 $_size_execute0_lowered;
	s4 =	sadd.s32 s4, s6;
	[dreg:$0x0] =	wrdreg $0x0  }
0xa9: {  	s6 =	sshll.u32 s28, $0x1;
	[dreg:$0x2] =	wrdreg s4  }
0xaa: {  	[dreg:$0x3] =	wrdreg s6  }
0xab: {  	[dreg:$0x4] =	wrdreg $0xC0  }
0xac: {  	_ =	task [dreg:s8], $0x5FFFF  }
0xad: {  	[dreg:$0x1] =	wrdreg $0xFFFFFFFF  }
0xae: {  	[dreg:$0x0] =	wrdreg $0x60  }
0xaf: {  	[dreg:$0x2] =	wrdreg s2  }
0xb0: {  	[dreg:$0x3] =	wrdreg s24  }
0xb1: {  	[dreg:$0x4] =	wrdreg s18  }
0xb2: {  	[dreg:$0x5] =	wrdreg $0x9  }
0xb3: {  	_ =	task.clear_ibuf [dreg:s8], $0x6FFFF;
	_ =	strace $0x90000046  }
0xb4: {  	s29 =	simm.s32 $0x9;
	_ =	strace $0x80000048  }
0xb5: {  	_ =	swait.ge [sflag:s29], $0x1  }
0xb6: {  	[sflag:s29] =	ssyncadd.s32 $0xFFFFFFFF  }
0xb7: {  	_ =	strace $0x90000048  }
0xb8: {  	_ =	sfence  }
0xb9: {  	s30 =	sld [smem:$0x0];
	_ =	sdelay $0x2  }
0xba: {  	s31 =	sshll.u32 s1, $0xD;
	s1 =	sshrl.u32 s1, $0x2  }
0xbb: {  	s3 =	sand.u32 $0x4000, s31;
	s1 =	sadd.s32 s1, s30  }
0xbc: {  	s0 =	sor.u32 s3, s0;
	s1 =	sshll.u32 s1, $0x11  }
0xbd: {  	s0 =	sor.u32 s1, s0  }
0xbe: {  	s0 =	sadd.s32 $0x8F2B, s0  }
0xbf: {  	[sflag:s0] =	ssyncadd.remote.s32 $0x1  }
0xc0: {  	_ =	sfence.sel $0xFFFF  }
0xc1: {  	[dreg:$0x0] =	wrdreg $0xFFFFFFFF;
	(pc) =	sbr.abs _section_cstart, $3  }
0xc2: {  	[dreg:$0x1] =	wrdreg $0xFFFFFFFF  }
0xc3: {  	_ =	task.clear_ibuf [dreg:s8], $0x2FFFF;
	_ =	strace $0x9FFFFFFF  }
0xc4: {  	(tm) =	ssettm $0x7FFFFFFF  }
0xc5: {  	_ =	shalt  }
tec
execute0_lowered:
.L_overlay_start_1:
0x0: {  	(tag) =	ssettag $0x1  }
0x1: {  	s9 =	rddreg [dreg:$0x0]  }
0x2: {  	s5 =	rddreg [dreg:$0x1]  }
0x3: {  	s1 =	rddreg [dreg:$0x2]  }
0x4: {  	s0 =	rddreg [dreg:$0x3]  }
0x5: {  	s3 =	simm.s32 $0x0;
	s4 =	srdreg.scid;
	s2 =	stileid.u32  }
0x6: {  	s12 =	simm.s32 $0x80;
	s13 =	simm.s32 $0x4080;
	s14 =	simm.s32 $0x5  }
0x7: {  	s15 =	simm.s32 $0x1;
	s16 =	simm.s32 $0x8080;
	s17 =	simm.s32 $0x2  }
0x8: {  	s18 =	simm.s32 $0xC080;
	s19 =	simm.s32 $0x3;
	s20 =	simm.s32 $0x4  }
0x9: {  	s21 =	simm.s32 $0x0;
	[smem:$0x7FF] =	sst s3;
	s4 =	sand.u32 $0x1, s4  }
.Ltmp0:
0xa: {  	s7 =	sshll.u32 s2, $0x13;
	s5 =	sadd.s32 $0x400, s5;
	(pc) =	sbr.rel .LBB2_1-.Ltmp0, $4  }
0xb: {  	s10 =	sadd.s32 $0x800, s1;
	s6 =	ssub.s32 $0x2, s4;
	s4 =	sshll.u32 s4, $0x12  }
0xc: {  	_ =	strace $0x80000047;
	s8 =	sshrl.u32 s6, $0x1;
	s4 =	sor.u32 s4, s7  }
0xd: {  	s11 =	ssub.s32 s6, s8;
	s6 =	sadd.s32 s9, s4;
	s8 =	sadd.s32 $0x1000, s9  }
0xe: {  	v0 =	vimm.s32 $0x0;
	s9 =	sadd.s32 $0x1800, s9;
	s7 =	sadd.s32 $0x800, s6;
	s11 =	smax.u32 s11, $0x1  }
.LBB2_83:
0xf: {  	s21 =	sadd.s32 $0x1, s21  }
0x10: {  	_ =	swait.ge [sflag:s19], $0x4000;
	p0 =	sne.s32 s21, s11  }
.Ltmp1:
0x11: {  	[sflag:s19] =	ssyncset.done $0x0;
	(pc) =	sbr.rel @!p0 .LBB2_84-.Ltmp1, $4  }
0x12: {  	[sflag:s19] =	ssyncadd.s32 $0xFFFFC000  }
0x13: {  	_ =	swait.ge [sflag:s20], $0x4000  }
0x14: {  	[sflag:s20] =	ssyncset.done $0x0  }
0x15: {  	[sflag:s20] =	ssyncadd.s32 $0xFFFFC000  }
.LBB2_1:
0x16: {  	[tilespmem:s12], [sflag:$0x1] =	stream.linear.gather [hbm4b:s6+s3], $0x4000, $0x38;
	[tilespmem:$0x10080] =	vst v63  }
0x17: {  	_ = 	snop  }
0x18: {  	[tilespmem:s13], [sflag:$0x2] =	stream.linear.gather [hbm4b:s7+s3], $0x4000, $0x38;
	[tilespmem:$0x10080] =	vst v63  }
0x19: {  	_ = 	snop  }
0x1a: {  	[tilespmem:s3], [sflag:$0x5] =	stream.linear.gather [hbm4b:s5+s3], $0x80, $0x38;
	[tilespmem:$0x10080] =	vst v63  }
0x1b: {  	_ =	swait.ge [sflag:s14], $0x80  }
0x1c: {  	[sflag:s14] =	ssyncset.done $0x0  }
0x1d: {  	s22 =	simm.s32 $0x0;
	[sflag:s14] =	ssyncadd.s32 $0xFFFFFF80  }
.LBB2_2:
0x1e: {  	_ =	swait.ge [sflag:s15], $0x4000  }
0x1f: {  	p0 =	seq.s32 s22, $0x0;
	[sflag:s15] =	ssyncset.done $0x0  }
0x20: {  	s23 =	simm.s32 @!p0 $0x3;
	[sflag:s15] =	ssyncadd.s32 $0xFFFFC000  }
0x21: {  	_ =	swait.ge @!p0 [sflag:s23], $0x4000  }
0x22: {  	[sflag:s23] =	ssyncset.done @!p0 $0x0  }
0x23: {  	s30 =	simm.s32 $0xC0;
	[sflag:s23] =	ssyncadd.s32 @!p0 $0xFFFFC000  }
0x24: {  	v10 =	vld [tilespmem:s30+$0x30]  }
0x25: {  	v18 =	vld [tilespmem:s30+$0xFFFFFFD0]  }
0x26: {  	v19 =	vld [tilespmem:s30+$0xFFFFFFE0]  }
0x27: {  	v28 =	vld [tilespmem:s30+$0xFFFFFFF0]  }
0x28: {  	v29 =	vld [tilespmem:s30+$0x0]  }
0x29: {  	v2 =	vld [tilespmem:s30+$0x10]  }
0x2a: {  	v1 =	vld [tilespmem:s30+$0x20]  }
0x2b: {  	s31 =	simm.s32 $0x4C0;
	v20 =	vld [tilespmem:s30+$0xFFFFFFC0]  }
0x2c: {  	v16 =	vld [tilespmem:s31+$0x30];
	v3 =	vmul.f32 $5.000000000e+00, v10  }
0x2d: {  	v4 =	vmul.f32 $5.000000000e+00, v18;
	v5 =	vmul.f32 $5.000000000e+00, v19  }
0x2e: {  	v6 =	vmul.f32 $5.000000000e+00, v28;
	v7 =	vmul.f32 $5.000000000e+00, v29  }
0x2f: {  	v8 =	vmul.f32 $5.000000000e+00, v2;
	v9 =	vmul.f32 $5.000000000e+00, v1;
	v3 =	vadd.f32 $1.550000000e+01, v3  }
0x30: {  	v11 =	vmul.f32 $5.000000000e+00, v20;
	v4 =	vadd.f32 $1.550000000e+01, v4;
	v5 =	vadd.f32 $1.550000000e+01, v5  }
0x31: {  	v24 =	vmul.f32 $5.000000000e+00, v16;
	v6 =	vadd.f32 $1.550000000e+01, v6;
	v3 =	vmax.f32 v3, $5.000000000e-01  }
0x32: {  	v4 =	vmax.f32 v4, $5.000000000e-01;
	v5 =	vmax.f32 v5, $5.000000000e-01;
	v3 =	vmin.f32 v3, $3.050000000e+01  }
0x33: {  	v6 =	vmax.f32 v6, $5.000000000e-01;
	v4 =	vmin.f32 v4, $3.050000000e+01;
	v3 =	vtrunc.f32 v3  }
0x34: {  	v21 =	vcvt.f32.s32 v3;
	v3 =	vadd.f32 $1.550000000e+01, v7;
	v7 =	vadd.f32 $1.550000000e+01, v8  }
0x35: {  	v6 =	vmin.f32 v6, $3.050000000e+01;
	v8 =	vadd.f32 $1.550000000e+01, v9;
	v9 =	vadd.f32 $1.550000000e+01, v11  }
0x36: {  	v5 =	vmin.f32 v5, $3.050000000e+01;
	v14 =	vtrunc.f32 v6;
	v11 =	vtrunc.f32 v4  }
0x37: {  	v14 =	vcvt.f32.s32 v14;
	v12 =	vcvt.f32.s32 v11;
	v9 =	vmax.f32 v9, $5.000000000e-01  }
0x38: {  	v7 =	vmax.f32 v7, $5.000000000e-01;
	v8 =	vmax.f32 v8, $5.000000000e-01;
	v9 =	vmin.f32 v9, $3.050000000e+01  }
0x39: {  	v11 =	vld [tilespmem:s31+$0x20];
	v4 =	vmin.f32 v7, $3.050000000e+01;
	v7 =	vtrunc.f32 v5;
	v5 =	vmin.f32 v8, $3.050000000e+01  }
0x3a: {  	v9 =	vtrunc.f32 v9;
	v23 =	vtrunc.f32 v5;
	v5 =	vld [tilespmem:s31+$0xFFFFFFE0]  }
0x3b: {  	v3 =	vmax.f32 v3, $5.000000000e-01;
	v13 =	vcvt.f32.s32 v9;
	v9 =	vld [tilespmem:s31+$0x10]  }
0x3c: {  	v24 =	vadd.f32 $1.550000000e+01, v24;
	v3 =	vmin.f32 v3, $3.050000000e+01;
	v22 =	vld.idx.msk [tilespmem:v21+s3+$0x0], $0xffff  }
0x3d: {  	v3 =	vtrunc.f32 v3;
	v8 =	vtrunc.f32 v4;
	v4 =	vld [tilespmem:s31+$0xFFFFFFD0]  }
0x3e: {  	v24 =	vmax.f32 v24, $5.000000000e-01;
	v17 =	vcvt.f32.s32 v3;
	v3 =	vld [tilespmem:s31+$0x0];
	v31 =	vmul.f32 $5.000000000e+00, v11  }
0x3f: {  	v24 =	vmin.f32 v24, $3.050000000e+01;
	v15 =	vcvt.f32.s32 v7;
	v35 =	vld.idx.msk [tilespmem:v14+s3+$0x0], $0xffff  }
0x40: {  	v8 =	vcvt.f32.s32 v8;
	v7 =	vcvt.f32.s32 v23;
	v31 =	vadd.f32 $1.550000000e+01, v31  }
0x41: {  	v6 =	vld [tilespmem:s31+$0xFFFFFFF0];
	v25 =	vmul.f32 $5.000000000e+00, v5;
	v26 =	vmul.f32 $5.000000000e+00, v9;
	vm0 =	vle.f32 v22, v10  }
0x42: {  	v31 =	vmax.f32 v31, $5.000000000e-01;
	v22 =	vmul.f32 $5.000000000e+00, v4;
	v10 =	vld [tilespmem:s31+$0xFFFFFFC0];
	v23 =	vsel vm0, $0x1, v0  }
0x43: {  	v25 =	vadd.f32 $1.550000000e+01, v25;
	v30 =	vadd.s32 v23, v21;
	v23 =	vmul.f32 $5.000000000e+00, v3  }
0x44: {  	v31 =	vmin.f32 v31, $3.050000000e+01;
	vm3 =	vle.f32 v35, v28;
	v26 =	vadd.f32 $1.550000000e+01, v26  }
0x45: {  	v32 =	vld.idx.msk [tilespmem:v13+s3+$0x0], $0xffff;
	v21 =	vadd.f32 $1.550000000e+01, v22;
	v27 =	vadd.f32 $1.550000000e+01, v23;
	v23 =	vtrunc.f32 v24  }
0x46: {  	v22 =	vmul.f32 $5.000000000e+00, v6;
	v25 =	vmax.f32 v25, $5.000000000e-01;
	v23 =	vcvt.f32.s32 v23  }
0x47: {  	v26 =	vmax.f32 v26, $5.000000000e-01;
	v25 =	vmin.f32 v25, $3.050000000e+01;
	v24 =	vmul.f32 $5.000000000e+00, v10  }
0x48: {  	v33 =	vld.idx.msk [tilespmem:v12+s3+$0x0], $0xffff;
	v22 =	vadd.f32 $1.550000000e+01, v22;
	v21 =	vmax.f32 v21, $5.000000000e-01;
	v26 =	vmin.f32 v26, $3.050000000e+01  }
0x49: {  	v34 =	vld.idx.msk [tilespmem:v15+s3+$0x0], $0xffff;
	v38 =	vtrunc.f32 v25;
	v21 =	vmin.f32 v21, $3.050000000e+01;
	v24 =	vadd.f32 $1.550000000e+01, v24  }
0x4a: {  	v36 =	vld.idx.msk [tilespmem:v17+s3+$0x0], $0xffff;
	vm0 =	vle.f32 v32, v20;
	v26 =	vtrunc.f32 v26;
	v20 =	vcvt.f32.s32 v38  }
0x4b: {  	v25 =	vld.idx.msk [tilespmem:v7+s3+$0x0], $0xffff;
	v22 =	vmax.f32 v22, $5.000000000e-01;
	v27 =	vmax.f32 v27, $5.000000000e-01;
	v24 =	vmax.f32 v24, $5.000000000e-01  }
0x4c: {  	v21 =	vtrunc.f32 v21;
	v22 =	vmin.f32 v22, $3.050000000e+01;
	v24 =	vmin.f32 v24, $3.050000000e+01;
	v28 =	vld.idx.msk [tilespmem:v23+s3+$0x0], $0xffff  }
0x4d: {  	v27 =	vmin.f32 v27, $3.050000000e+01;
	v21 =	vcvt.f32.s32 v21;
	v37 =	vtrunc.f32 v24;
	v24 =	vld.idx.msk [tilespmem:v8+s3+$0x0], $0xffff  }
0x4e: {  	vm1 =	vle.f32 v33, v18;
	v39 =	vtrunc.f32 v22;
	v63 =	vtrunc.f32 v27  }
0x4f: {  	s24 =	simm.s32 $0x80C0;
	vm2 =	vle.f32 v34, v19;
	v27 =	vtrunc.f32 v31;
	v19 =	vcvt.f32.s32 v39  }
0x50: {  	s25 =	simm.s32 $0x80;
	s26 =	simm.s32 $0x8C0;
	s23 =	simm.s32 $0x80C0;
	[tilespmem:s24+$0x30] =	vst v30;
	vm4 =	vle.f32 v36, v29;
	v18 =	vcvt.f32.s32 v63;
	v22 =	vcvt.f32.s32 v37  }
.LBB2_3:
0x51: {  	s25 =	sadd.s32 $0x80, s25;
	v26 =	vcvt.f32.s32 v26;
	v27 =	vcvt.f32.s32 v27;
	vm5 =	vle.f32 v28, v16;
	v16 =	vld [tilespmem:s26+$0x30]  }
0x52: {  	vm6 =	vle.f32 v25, v1;
	v1 =	vmovc v11;
	v29 =	vld [tilespmem:s26+$0xFFFFFFD0];
	p1 =	slt.u32 s25, $0x780;
	v28 =	vsel vm5, $0x1, v0;
	vm5 =	vle.f32 v24, v2;
	v2 =	vmovc v9  }
0x53: {  	v11 =	vsel vm0, $0x1, v0;
	s24 =	sadd.s32 $0x400, s24;
	v30 =	vld [tilespmem:s26+$0xFFFFFFE0];
	v9 =	vadd.s32 v28, v23;
	v23 =	vsel vm1, $0x1, v0  }
0x54: {  	v25 =	vsel vm3, $0x1, v0;
	v24 =	vsel vm2, $0x1, v0;
	v28 =	vsel vm4, $0x1, v0;
	v31 =	vld [tilespmem:s26+$0xFFFFFFF0];
	[tilespmem:s24+$0x30] =	vst v9  }
0x55: {  	v11 =	vadd.s32 v11, v13;
	v34 =	vsel vm6, $0x1, v0;
	v13 =	vmovc v22;
	v33 =	vsel vm5, $0x1, v0;
	v32 =	vld [tilespmem:s26+$0x0]  }
0x56: {  	v24 =	vadd.s32 v24, v15;
	v23 =	vadd.s32 v23, v12;
	v12 =	vmovc v21;
	v9 =	vld [tilespmem:s26+$0x10];
	v35 =	vmul.f32 $5.000000000e+00, v16;
	[tilespmem:s23+$0xFFFFFFC0] =	vst v11  }
0x57: {  	v15 =	vmovc v20;
	v17 =	vadd.s32 v28, v17;
	v36 =	vmul.f32 $5.000000000e+00, v29;
	v11 =	vld [tilespmem:s26+$0x20];
	[tilespmem:s23+$0xFFFFFFD0] =	vst v23;
	v23 =	vadd.s32 v25, v14  }
0x58: {  	v14 =	vmovc v19;
	v37 =	vld [tilespmem:s26+$0xFFFFFFC0];
	v25 =	vmul.f32 $5.000000000e+00, v30;
	v28 =	vadd.f32 $1.550000000e+01, v35;
	[tilespmem:s23+$0xFFFFFFE0] =	vst v24;
	v24 =	vadd.s32 v33, v8;
	v8 =	vmovc v26  }
0x59: {  	v26 =	vadd.f32 $1.550000000e+01, v36;
	v33 =	vmul.f32 $5.000000000e+00, v31;
	v22 =	vld.idx.msk [tilespmem:v22+s3+$0x0], $0xffff;
	[tilespmem:s23+$0xFFFFFFF0] =	vst v23;
	v23 =	vadd.s32 v34, v7;
	v7 =	vmovc v27  }
0x5a: {  	v25 =	vadd.f32 $1.550000000e+01, v25;
	v27 =	vmul.f32 $5.000000000e+00, v32;
	v28 =	vmax.f32 v28, $5.000000000e-01;
	v21 =	vld.idx.msk [tilespmem:v21+s3+$0x0], $0xffff;
	[tilespmem:s23+$0x0] =	vst v17;
	v17 =	vmovc v18  }
0x5b: {  	v33 =	vadd.f32 $1.550000000e+01, v33;
	v34 =	vmul.f32 $5.000000000e+00, v9;
	v28 =	vmin.f32 v28, $3.050000000e+01;
	v20 =	vld.idx.msk [tilespmem:v20+s3+$0x0], $0xffff;
	[tilespmem:s23+$0x10] =	vst v24  }
0x5c: {  	v27 =	vadd.f32 $1.550000000e+01, v27;
	v24 =	vmul.f32 $5.000000000e+00, v11;
	v28 =	vtrunc.f32 v28;
	v19 =	vld.idx.msk [tilespmem:v19+s3+$0x0], $0xffff;
	[tilespmem:s23+$0x20] =	vst v23;
	s23 =	smov.u32 s24  }
0x5d: {  	v35 =	vmul.f32 $5.000000000e+00, v37;
	v34 =	vadd.f32 $1.550000000e+01, v34;
	v23 =	vcvt.f32.s32 v28;
	v36 =	vld.idx.msk [tilespmem:v18+s3+$0x0], $0xffff  }
0x5e: {  	v18 =	vmax.f32 v26, $5.000000000e-01;
	v26 =	vmax.f32 v25, $5.000000000e-01;
	v28 =	vadd.f32 $1.550000000e+01, v24;
	v24 =	vld.idx.msk [tilespmem:v8+s3+$0x0], $0xffff  }
0x5f: {  	v33 =	vmax.f32 v33, $5.000000000e-01;
	v27 =	vmax.f32 v27, $5.000000000e-01;
	v35 =	vadd.f32 $1.550000000e+01, v35;
	v25 =	vld.idx.msk [tilespmem:v7+s3+$0x0], $0xffff  }
0x60: {  	v18 =	vmin.f32 v18, $3.050000000e+01;
	v34 =	vmax.f32 v34, $5.000000000e-01;
	v28 =	vmax.f32 v28, $5.000000000e-01  }
0x61: {  	v26 =	vmin.f32 v26, $3.050000000e+01;
	v33 =	vmin.f32 v33, $3.050000000e+01;
	v35 =	vmax.f32 v35, $5.000000000e-01  }
0x62: {  	v27 =	vmin.f32 v27, $3.050000000e+01;
	v34 =	vmin.f32 v34, $3.050000000e+01;
	v35 =	vmin.f32 v35, $3.050000000e+01  }
0x63: {  	v18 =	vtrunc.f32 v18;
	v38 =	vmin.f32 v28, $3.050000000e+01;
	v35 =	vtrunc.f32 v35;
	v28 =	vld.idx.msk [tilespmem:v23+s3+$0x0], $0xffff  }
.Ltmp2:
0x64: {  	vm0 =	vle.f32 v22, v10;
	v10 =	vmovc v37;
	v39 =	vtrunc.f32 v26;
	v33 =	vtrunc.f32 v33;
	(pc) =	sbr.rel @p1 .LBB2_3-.Ltmp2, $4  }
0x65: {  	vm1 =	vle.f32 v21, v4;
	v4 =	vmovc v29;
	v37 =	vtrunc.f32 v27;
	v26 =	vtrunc.f32 v34  }
0x66: {  	vm2 =	vle.f32 v20, v5;
	v5 =	vmovc v30;
	v27 =	vtrunc.f32 v38;
	v22 =	vcvt.f32.s32 v35  }
0x67: {  	v21 =	vcvt.f32.s32 v18;
	v20 =	vcvt.f32.s32 v39;
	vm3 =	vle.f32 v19, v6;
	v6 =	vmovc v31  }
0x68: {  	s26 =	sadd.s32 $0x400, s26;
	v19 =	vcvt.f32.s32 v33;
	v18 =	vcvt.f32.s32 v37;
	vm4 =	vle.f32 v36, v3;
	v3 =	vmovc v32  }
0x69: {  	_ = 	snop  }
0x6a: {  	vm5 =	vle.f32 v28, v16  }
0x6b: {  	v16 =	vsel vm5, $0x1, v0  }
0x6c: {  	v26 =	vcvt.f32.s32 v26;
	s24 =	sadd.s32 $0x400, s24;
	v16 =	vadd.s32 v16, v23;
	v23 =	vsel vm0, $0x1, v0  }
0x6d: {  	v27 =	vcvt.f32.s32 v27;
	v28 =	vsel vm1, $0x1, v0;
	[tilespmem:s24+$0x30] =	vst v16;
	v13 =	vadd.s32 v23, v13;
	v16 =	vld.idx.msk [tilespmem:v22+s3+$0x0], $0xffff  }
0x6e: {  	v12 =	vadd.s32 v28, v12;
	v23 =	vsel vm2, $0x1, v0;
	[tilespmem:s23+$0xFFFFFFC0] =	vst v13;
	v13 =	vld.idx.msk [tilespmem:v21+s3+$0x0], $0xffff  }
0x6f: {  	v28 =	vsel vm3, $0x1, v0;
	[tilespmem:s23+$0xFFFFFFD0] =	vst v12;
	v12 =	vld.idx.msk [tilespmem:v20+s3+$0x0], $0xffff;
	v15 =	vadd.s32 v23, v15  }
0x70: {  	vm0 =	vle.f32 v24, v2;
	v2 =	vsel vm4, $0x1, v0;
	v14 =	vadd.s32 v28, v14;
	[tilespmem:s23+$0xFFFFFFE0] =	vst v15;
	v15 =	vld.idx.msk [tilespmem:v19+s3+$0x0], $0xffff  }
0x71: {  	vm1 =	vle.f32 v25, v1;
	v1 =	vsel vm0, $0x1, v0;
	v2 =	vadd.s32 v2, v17;
	[tilespmem:s23+$0xFFFFFFF0] =	vst v14;
	v14 =	vld.idx.msk [tilespmem:v18+s3+$0x0], $0xffff  }
0x72: {  	v17 =	vsel vm1, $0x1, v0;
	v1 =	vadd.s32 v1, v8;
	[tilespmem:s23+$0x0] =	vst v2;
	v2 =	vld.idx.msk [tilespmem:v26+s3+$0x0], $0xffff;
	vm0 =	vle.f32 v16, v10  }
0x73: {  	v7 =	vadd.s32 v17, v7;
	[tilespmem:s23+$0x10] =	vst v1;
	v1 =	vld.idx.msk [tilespmem:v27+s3+$0x0], $0xffff;
	vm1 =	vle.f32 v13, v4;
	v4 =	vsel vm0, $0x1, v0  }
0x74: {  	[tilespmem:s23+$0x20] =	vst v7;
	vm0 =	vle.f32 v12, v5;
	v5 =	vsel vm1, $0x1, v0;
	v4 =	vadd.s32 v4, v22  }
0x75: {  	vm1 =	vle.f32 v15, v6;
	v6 =	vsel vm0, $0x1, v0;
	[tilespmem:s24+$0xFFFFFFC0] =	vst v4;
	v4 =	vadd.s32 v5, v21  }
0x76: {  	vm0 =	vle.f32 v14, v3;
	v3 =	vsel vm1, $0x1, v0;
	v5 =	vadd.s32 v6, v20;
	[tilespmem:s24+$0xFFFFFFD0] =	vst v4  }
0x77: {  	vm1 =	vle.f32 v2, v9;
	v2 =	vsel vm0, $0x1, v0;
	v3 =	vadd.s32 v3, v19;
	[tilespmem:s24+$0xFFFFFFE0] =	vst v5  }
0x78: {  	vm0 =	vle.f32 v1, v11;
	v1 =	vsel vm1, $0x1, v0;
	v2 =	vadd.s32 v2, v18;
	[tilespmem:s24+$0xFFFFFFF0] =	vst v3  }
0x79: {  	v3 =	vsel vm0, $0x1, v0;
	v1 =	vadd.s32 v1, v26;
	[tilespmem:s24+$0x0] =	vst v2  }
0x7a: {  	v2 =	vadd.s32 v3, v27;
	[tilespmem:s24+$0x10] =	vst v1  }
0x7b: {  	s30 =	simm.s32 $0x170;
	[tilespmem:s24+$0x20] =	vst v2  }
0x7c: {  	v10 =	vld [tilespmem:s30+$0x0]  }
0x7d: {  	v18 =	vld [tilespmem:s30+$0xFFFFFFA0]  }
0x7e: {  	v19 =	vld [tilespmem:s30+$0xFFFFFFB0]  }
0x7f: {  	v28 =	vld [tilespmem:s30+$0xFFFFFFC0]  }
0x80: {  	v29 =	vld [tilespmem:s30+$0xFFFFFFD0]  }
0x81: {  	v2 =	vld [tilespmem:s30+$0xFFFFFFE0]  }
0x82: {  	v1 =	vld [tilespmem:s30+$0xFFFFFFF0]  }
0x83: {  	s31 =	simm.s32 $0x570;
	v20 =	vld [tilespmem:s30+$0xFFFFFF90]  }
0x84: {  	v16 =	vld [tilespmem:s31+$0x0];
	v3 =	vmul.f32 $5.000000000e+00, v10  }
0x85: {  	v4 =	vmul.f32 $5.000000000e+00, v18;
	v5 =	vmul.f32 $5.000000000e+00, v19  }
0x86: {  	v6 =	vmul.f32 $5.000000000e+00, v28;
	v7 =	vmul.f32 $5.000000000e+00, v29  }
0x87: {  	v8 =	vmul.f32 $5.000000000e+00, v2;
	v9 =	vmul.f32 $5.000000000e+00, v1;
	v3 =	vadd.f32 $1.550000000e+01, v3  }
0x88: {  	v11 =	vmul.f32 $5.000000000e+00, v20;
	v4 =	vadd.f32 $1.550000000e+01, v4;
	v5 =	vadd.f32 $1.550000000e+01, v5  }
0x89: {  	v24 =	vmul.f32 $5.000000000e+00, v16;
	v6 =	vadd.f32 $1.550000000e+01, v6;
	v3 =	vmax.f32 v3, $5.000000000e-01  }
0x8a: {  	v4 =	vmax.f32 v4, $5.000000000e-01;
	v5 =	vmax.f32 v5, $5.000000000e-01;
	v3 =	vmin.f32 v3, $3.050000000e+01  }
0x8b: {  	v6 =	vmax.f32 v6, $5.000000000e-01;
	v4 =	vmin.f32 v4, $3.050000000e+01;
	v3 =	vtrunc.f32 v3  }
0x8c: {  	v21 =	vcvt.f32.s32 v3;
	v3 =	vadd.f32 $1.550000000e+01, v7;
	v7 =	vadd.f32 $1.550000000e+01, v8  }
0x8d: {  	v6 =	vmin.f32 v6, $3.050000000e+01;
	v8 =	vadd.f32 $1.550000000e+01, v9;
	v9 =	vadd.f32 $1.550000000e+01, v11  }
0x8e: {  	v5 =	vmin.f32 v5, $3.050000000e+01;
	v14 =	vtrunc.f32 v6;
	v11 =	vtrunc.f32 v4  }
0x8f: {  	v14 =	vcvt.f32.s32 v14;
	v12 =	vcvt.f32.s32 v11;
	v9 =	vmax.f32 v9, $5.000000000e-01  }
0x90: {  	v7 =	vmax.f32 v7, $5.000000000e-01;
	v8 =	vmax.f32 v8, $5.000000000e-01;
	v9 =	vmin.f32 v9, $3.050000000e+01  }
0x91: {  	v11 =	vld [tilespmem:s31+$0xFFFFFFF0];
	v4 =	vmin.f32 v7, $3.050000000e+01;
	v7 =	vtrunc.f32 v5;
	v5 =	vmin.f32 v8, $3.050000000e+01  }
0x92: {  	v9 =	vtrunc.f32 v9;
	v23 =	vtrunc.f32 v5;
	v5 =	vld [tilespmem:s31+$0xFFFFFFB0]  }
0x93: {  	v3 =	vmax.f32 v3, $5.000000000e-01;
	v13 =	vcvt.f32.s32 v9;
	v9 =	vld [tilespmem:s31+$0xFFFFFFE0]  }
0x94: {  	v24 =	vadd.f32 $1.550000000e+01, v24;
	v3 =	vmin.f32 v3, $3.050000000e+01;
	v22 =	vld.idx.msk [tilespmem:v21+s3+$0x0], $0xffff  }
0x95: {  	v3 =	vtrunc.f32 v3;
	v8 =	vtrunc.f32 v4;
	v4 =	vld [tilespmem:s31+$0xFFFFFFA0]  }
0x96: {  	v24 =	vmax.f32 v24, $5.000000000e-01;
	v17 =	vcvt.f32.s32 v3;
	v3 =	vld [tilespmem:s31+$0xFFFFFFD0];
	v31 =	vmul.f32 $5.000000000e+00, v11  }
0x97: {  	v24 =	vmin.f32 v24, $3.050000000e+01;
	v15 =	vcvt.f32.s32 v7;
	v35 =	vld.idx.msk [tilespmem:v14+s3+$0x0], $0xffff  }
0x98: {  	v8 =	vcvt.f32.s32 v8;
	v7 =	vcvt.f32.s32 v23;
	v31 =	vadd.f32 $1.550000000e+01, v31  }
0x99: {  	v6 =	vld [tilespmem:s31+$0xFFFFFFC0];
	v25 =	vmul.f32 $5.000000000e+00, v5;
	v26 =	vmul.f32 $5.000000000e+00, v9;
	vm0 =	vle.f32 v22, v10  }
0x9a: {  	v31 =	vmax.f32 v31, $5.000000000e-01;
	v22 =	vmul.f32 $5.000000000e+00, v4;
	v10 =	vld [tilespmem:s31+$0xFFFFFF90];
	v23 =	vsel vm0, $0x1, v0  }
0x9b: {  	v25 =	vadd.f32 $1.550000000e+01, v25;
	v30 =	vadd.s32 v23, v21;
	v23 =	vmul.f32 $5.000000000e+00, v3  }
0x9c: {  	v31 =	vmin.f32 v31, $3.050000000e+01;
	vm3 =	vle.f32 v35, v28;
	v26 =	vadd.f32 $1.550000000e+01, v26  }
0x9d: {  	v32 =	vld.idx.msk [tilespmem:v13+s3+$0x0], $0xffff;
	v21 =	vadd.f32 $1.550000000e+01, v22;
	v27 =	vadd.f32 $1.550000000e+01, v23;
	v23 =	vtrunc.f32 v24  }
0x9e: {  	v22 =	vmul.f32 $5.000000000e+00, v6;
	v25 =	vmax.f32 v25, $5.000000000e-01;
	v23 =	vcvt.f32.s32 v23  }
0x9f: {  	v26 =	vmax.f32 v26, $5.000000000e-01;
	v25 =	vmin.f32 v25, $3.050000000e+01;
	v24 =	vmul.f32 $5.000000000e+00, v10  }
0xa0: {  	v33 =	vld.idx.msk [tilespmem:v12+s3+$0x0], $0xffff;
	v22 =	vadd.f32 $1.550000000e+01, v22;
	v21 =	vmax.f32 v21, $5.000000000e-01;
	v26 =	vmin.f32 v26, $3.050000000e+01  }
0xa1: {  	v34 =	vld.idx.msk [tilespmem:v15+s3+$0x0], $0xffff;
	v38 =	vtrunc.f32 v25;
	v21 =	vmin.f32 v21, $3.050000000e+01;
	v24 =	vadd.f32 $1.550000000e+01, v24  }
0xa2: {  	v36 =	vld.idx.msk [tilespmem:v17+s3+$0x0], $0xffff;
	vm0 =	vle.f32 v32, v20;
	v26 =	vtrunc.f32 v26;
	v20 =	vcvt.f32.s32 v38  }
0xa3: {  	v25 =	vld.idx.msk [tilespmem:v7+s3+$0x0], $0xffff;
	v22 =	vmax.f32 v22, $5.000000000e-01;
	v27 =	vmax.f32 v27, $5.000000000e-01;
	v24 =	vmax.f32 v24, $5.000000000e-01  }
0xa4: {  	v21 =	vtrunc.f32 v21;
	v22 =	vmin.f32 v22, $3.050000000e+01;
	v24 =	vmin.f32 v24, $3.050000000e+01;
	v28 =	vld.idx.msk [tilespmem:v23+s3+$0x0], $0xffff  }
0xa5: {  	v27 =	vmin.f32 v27, $3.050000000e+01;
	v21 =	vcvt.f32.s32 v21;
	v37 =	vtrunc.f32 v24;
	v24 =	vld.idx.msk [tilespmem:v8+s3+$0x0], $0xffff  }
0xa6: {  	vm1 =	vle.f32 v33, v18;
	v39 =	vtrunc.f32 v22;
	v63 =	vtrunc.f32 v27  }
0xa7: {  	s24 =	simm.s32 $0x8170;
	vm2 =	vle.f32 v34, v19;
	v27 =	vtrunc.f32 v31;
	v19 =	vcvt.f32.s32 v39  }
0xa8: {  	s25 =	simm.s32 $0x80;
	s26 =	simm.s32 $0x970;
	s23 =	simm.s32 $0x8170;
	[tilespmem:s24+$0x0] =	vst v30;
	vm4 =	vle.f32 v36, v29;
	v18 =	vcvt.f32.s32 v63;
	v22 =	vcvt.f32.s32 v37  }
.LBB2_5:
0xa9: {  	s25 =	sadd.s32 $0x80, s25;
	v26 =	vcvt.f32.s32 v26;
	v27 =	vcvt.f32.s32 v27;
	vm5 =	vle.f32 v28, v16;
	v16 =	vld [tilespmem:s26+$0x0]  }
0xaa: {  	vm6 =	vle.f32 v25, v1;
	v1 =	vmovc v11;
	v29 =	vld [tilespmem:s26+$0xFFFFFFA0];
	p1 =	slt.u32 s25, $0x780;
	v28 =	vsel vm5, $0x1, v0;
	vm5 =	vle.f32 v24, v2;
	v2 =	vmovc v9  }
0xab: {  	v11 =	vsel vm0, $0x1, v0;
	s24 =	sadd.s32 $0x400, s24;
	v30 =	vld [tilespmem:s26+$0xFFFFFFB0];
	v9 =	vadd.s32 v28, v23;
	v23 =	vsel vm1, $0x1, v0  }
0xac: {  	v25 =	vsel vm3, $0x1, v0;
	v24 =	vsel vm2, $0x1, v0;
	v28 =	vsel vm4, $0x1, v0;
	v31 =	vld [tilespmem:s26+$0xFFFFFFC0];
	[tilespmem:s24+$0x0] =	vst v9  }
0xad: {  	v11 =	vadd.s32 v11, v13;
	v34 =	vsel vm6, $0x1, v0;
	v13 =	vmovc v22;
	v33 =	vsel vm5, $0x1, v0;
	v32 =	vld [tilespmem:s26+$0xFFFFFFD0]  }
0xae: {  	v24 =	vadd.s32 v24, v15;
	v23 =	vadd.s32 v23, v12;
	v12 =	vmovc v21;
	v9 =	vld [tilespmem:s26+$0xFFFFFFE0];
	v35 =	vmul.f32 $5.000000000e+00, v16;
	[tilespmem:s23+$0xFFFFFF90] =	vst v11  }
0xaf: {  	v15 =	vmovc v20;
	v17 =	vadd.s32 v28, v17;
	v36 =	vmul.f32 $5.000000000e+00, v29;
	v11 =	vld [tilespmem:s26+$0xFFFFFFF0];
	[tilespmem:s23+$0xFFFFFFA0] =	vst v23;
	v23 =	vadd.s32 v25, v14  }
0xb0: {  	v14 =	vmovc v19;
	v37 =	vld [tilespmem:s26+$0xFFFFFF90];
	v25 =	vmul.f32 $5.000000000e+00, v30;
	v28 =	vadd.f32 $1.550000000e+01, v35;
	[tilespmem:s23+$0xFFFFFFB0] =	vst v24;
	v24 =	vadd.s32 v33, v8;
	v8 =	vmovc v26  }
0xb1: {  	v26 =	vadd.f32 $1.550000000e+01, v36;
	v33 =	vmul.f32 $5.000000000e+00, v31;
	v22 =	vld.idx.msk [tilespmem:v22+s3+$0x0], $0xffff;
	[tilespmem:s23+$0xFFFFFFC0] =	vst v23;
	v23 =	vadd.s32 v34, v7;
	v7 =	vmovc v27  }
0xb2: {  	v25 =	vadd.f32 $1.550000000e+01, v25;
	v27 =	vmul.f32 $5.000000000e+00, v32;
	v28 =	vmax.f32 v28, $5.000000000e-01;
	v21 =	vld.idx.msk [tilespmem:v21+s3+$0x0], $0xffff;
	[tilespmem:s23+$0xFFFFFFD0] =	vst v17;
	v17 =	vmovc v18  }
0xb3: {  	v33 =	vadd.f32 $1.550000000e+01, v33;
	v34 =	vmul.f32 $5.000000000e+00, v9;
	v28 =	vmin.f32 v28, $3.050000000e+01;
	v20 =	vld.idx.msk [tilespmem:v20+s3+$0x0], $0xffff;
	[tilespmem:s23+$0xFFFFFFE0] =	vst v24  }
0xb4: {  	v27 =	vadd.f32 $1.550000000e+01, v27;
	v24 =	vmul.f32 $5.000000000e+00, v11;
	v28 =	vtrunc.f32 v28;
	v19 =	vld.idx.msk [tilespmem:v19+s3+$0x0], $0xffff;
	[tilespmem:s23+$0xFFFFFFF0] =	vst v23;
	s23 =	smov.u32 s24  }
0xb5: {  	v35 =	vmul.f32 $5.000000000e+00, v37;
	v34 =	vadd.f32 $1.550000000e+01, v34;
	v23 =	vcvt.f32.s32 v28;
	v36 =	vld.idx.msk [tilespmem:v18+s3+$0x0], $0xffff  }
0xb6: {  	v18 =	vmax.f32 v26, $5.000000000e-01;
	v26 =	vmax.f32 v25, $5.000000000e-01;
	v28 =	vadd.f32 $1.550000000e+01, v24;
	v24 =	vld.idx.msk [tilespmem:v8+s3+$0x0], $0xffff  }
0xb7: {  	v33 =	vmax.f32 v33, $5.000000000e-01;
	v27 =	vmax.f32 v27, $5.000000000e-01;
	v35 =	vadd.f32 $1.550000000e+01, v35;
	v25 =	vld.idx.msk [tilespmem:v7+s3+$0x0], $0xffff  }
0xb8: {  	v18 =	vmin.f32 v18, $3.050000000e+01;
	v34 =	vmax.f32 v34, $5.000000000e-01;
	v28 =	vmax.f32 v28, $5.000000000e-01  }
0xb9: {  	v26 =	vmin.f32 v26, $3.050000000e+01;
	v33 =	vmin.f32 v33, $3.050000000e+01;
	v35 =	vmax.f32 v35, $5.000000000e-01  }
0xba: {  	v27 =	vmin.f32 v27, $3.050000000e+01;
	v34 =	vmin.f32 v34, $3.050000000e+01;
	v35 =	vmin.f32 v35, $3.050000000e+01  }
0xbb: {  	v18 =	vtrunc.f32 v18;
	v38 =	vmin.f32 v28, $3.050000000e+01;
	v35 =	vtrunc.f32 v35;
	v28 =	vld.idx.msk [tilespmem:v23+s3+$0x0], $0xffff  }
.Ltmp3:
0xbc: {  	vm0 =	vle.f32 v22, v10;
	v10 =	vmovc v37;
	v39 =	vtrunc.f32 v26;
	v33 =	vtrunc.f32 v33;
	(pc) =	sbr.rel @p1 .LBB2_5-.Ltmp3, $4  }
0xbd: {  	vm1 =	vle.f32 v21, v4;
	v4 =	vmovc v29;
	v37 =	vtrunc.f32 v27;
	v26 =	vtrunc.f32 v34  }
0xbe: {  	vm2 =	vle.f32 v20, v5;
	v5 =	vmovc v30;
	v27 =	vtrunc.f32 v38;
	v22 =	vcvt.f32.s32 v35  }
0xbf: {  	v21 =	vcvt.f32.s32 v18;
	v20 =	vcvt.f32.s32 v39;
	vm3 =	vle.f32 v19, v6;
	v6 =	vmovc v31  }
0xc0: {  	s26 =	sadd.s32 $0x400, s26;
	v19 =	vcvt.f32.s32 v33;
	v18 =	vcvt.f32.s32 v37;
	vm4 =	vle.f32 v36, v3;
	v3 =	vmovc v32  }
0xc1: {  	_ = 	snop  }
0xc2: {  	vm5 =	vle.f32 v28, v16  }
0xc3: {  	v16 =	vsel vm5, $0x1, v0  }
0xc4: {  	v26 =	vcvt.f32.s32 v26;
	s24 =	sadd.s32 $0x400, s24;
	v16 =	vadd.s32 v16, v23;
	v23 =	vsel vm0, $0x1, v0  }
0xc5: {  	v27 =	vcvt.f32.s32 v27;
	v28 =	vsel vm1, $0x1, v0;
	[tilespmem:s24+$0x0] =	vst v16;
	v13 =	vadd.s32 v23, v13;
	v16 =	vld.idx.msk [tilespmem:v22+s3+$0x0], $0xffff  }
0xc6: {  	v12 =	vadd.s32 v28, v12;
	v23 =	vsel vm2, $0x1, v0;
	[tilespmem:s23+$0xFFFFFF90] =	vst v13;
	v13 =	vld.idx.msk [tilespmem:v21+s3+$0x0], $0xffff  }
0xc7: {  	v28 =	vsel vm3, $0x1, v0;
	[tilespmem:s23+$0xFFFFFFA0] =	vst v12;
	v12 =	vld.idx.msk [tilespmem:v20+s3+$0x0], $0xffff;
	v15 =	vadd.s32 v23, v15  }
0xc8: {  	vm7 =	vle.f32 v24, v2;
	v2 =	vsel vm4, $0x1, v0;
	v14 =	vadd.s32 v28, v14;
	[tilespmem:s23+$0xFFFFFFB0] =	vst v15;
	v15 =	vld.idx.msk [tilespmem:v19+s3+$0x0], $0xffff  }
0xc9: {  	vm8 =	vle.f32 v25, v1;
	v1 =	vsel vm7, $0x1, v0;
	v2 =	vadd.s32 v2, v17;
	[tilespmem:s23+$0xFFFFFFC0] =	vst v14;
	v14 =	vld.idx.msk [tilespmem:v18+s3+$0x0], $0xffff  }
0xca: {  	v17 =	vsel vm8, $0x1, v0;
	v1 =	vadd.s32 v1, v8;
	[tilespmem:s23+$0xFFFFFFD0] =	vst v2;
	v2 =	vld.idx.msk [tilespmem:v26+s3+$0x0], $0xffff;
	vm9 =	vle.f32 v16, v10  }
0xcb: {  	v7 =	vadd.s32 v17, v7;
	[tilespmem:s23+$0xFFFFFFE0] =	vst v1;
	v1 =	vld.idx.msk [tilespmem:v27+s3+$0x0], $0xffff;
	vm10 =	vle.f32 v13, v4;
	v4 =	vsel vm9, $0x1, v0  }
0xcc: {  	[tilespmem:s23+$0xFFFFFFF0] =	vst v7;
	vm11 =	vle.f32 v12, v5;
	v5 =	vsel vm10, $0x1, v0;
	v4 =	vadd.s32 v4, v22  }
0xcd: {  	vm12 =	vle.f32 v15, v6;
	v6 =	vsel vm11, $0x1, v0;
	[tilespmem:s24+$0xFFFFFF90] =	vst v4;
	v4 =	vadd.s32 v5, v21  }
0xce: {  	vm13 =	vle.f32 v14, v3;
	v3 =	vsel vm12, $0x1, v0;
	v5 =	vadd.s32 v6, v20;
	[tilespmem:s24+$0xFFFFFFA0] =	vst v4  }
0xcf: {  	vm14 =	vle.f32 v2, v9;
	v2 =	vsel vm13, $0x1, v0;
	v3 =	vadd.s32 v3, v19;
	[tilespmem:s24+$0xFFFFFFB0] =	vst v5  }
0xd0: {  	vm15 =	vle.f32 v1, v11;
	v1 =	vsel vm14, $0x1, v0;
	v2 =	vadd.s32 v2, v18;
	[tilespmem:s24+$0xFFFFFFC0] =	vst v3  }
0xd1: {  	v3 =	vsel vm15, $0x1, v0;
	v1 =	vadd.s32 v1, v26;
	[tilespmem:s24+$0xFFFFFFD0] =	vst v2  }
0xd2: {  	v2 =	vadd.s32 v3, v27;
	[tilespmem:s24+$0xFFFFFFE0] =	vst v1  }
0xd3: {  	s31 =	simm.s32 $0x1F0;
	[tilespmem:s24+$0xFFFFFFF0] =	vst v2  }
0xd4: {  	v29 =	vld [tilespmem:s31+$0x0]  }
0xd5: {  	v22 =	vld [tilespmem:s31+$0xFFFFFFA0]  }
0xd6: {  	v20 =	vld [tilespmem:s31+$0xFFFFFFC0]  }
0xd7: {  	v18 =	vld [tilespmem:s31+$0xFFFFFFD0]  }
0xd8: {  	v2 =	vld [tilespmem:s31+$0xFFFFFFE0]  }
0xd9: {  	v23 =	vld [tilespmem:s31+$0xFFFFFF90]  }
0xda: {  	v21 =	vld [tilespmem:s31+$0xFFFFFFB0]  }
0xdb: {  	v1 =	vld [tilespmem:s31+$0xFFFFFFF0];
	v3 =	vmul.f32 $5.000000000e+00, v29  }
0xdc: {  	v4 =	vmul.f32 $5.000000000e+00, v22;
	v6 =	vmul.f32 $5.000000000e+00, v20  }
0xdd: {  	v7 =	vmul.f32 $5.000000000e+00, v18;
	v8 =	vmul.f32 $5.000000000e+00, v2  }
0xde: {  	v61 =	vmul.f32 $5.000000000e+00, v23;
	v3 =	vadd.f32 $1.550000000e+01, v3;
	v4 =	vadd.f32 $1.550000000e+01, v4  }
0xdf: {  	v5 =	vmul.f32 $5.000000000e+00, v21;
	v6 =	vadd.f32 $1.550000000e+01, v6;
	v7 =	vadd.f32 $1.550000000e+01, v7  }
0xe0: {  	v60 =	vmul.f32 $5.000000000e+00, v1;
	v8 =	vadd.f32 $1.550000000e+01, v8;
	v62 =	vadd.f32 $1.550000000e+01, v61  }
0xe1: {  	v5 =	vadd.f32 $1.550000000e+01, v5;
	v3 =	vmax.f32 v3, $5.000000000e-01;
	v6 =	vmax.f32 v6, $5.000000000e-01  }
0xe2: {  	v7 =	vmax.f32 v7, $5.000000000e-01;
	v8 =	vmax.f32 v8, $5.000000000e-01;
	v9 =	vmax.f32 v62, $5.000000000e-01  }
0xe3: {  	v3 =	vmin.f32 v3, $3.050000000e+01;
	v6 =	vmin.f32 v6, $3.050000000e+01;
	v9 =	vmin.f32 v9, $3.050000000e+01  }
0xe4: {  	v7 =	vmin.f32 v7, $3.050000000e+01;
	v3 =	vtrunc.f32 v3;
	v9 =	vtrunc.f32 v9  }
0xe5: {  	v8 =	vmin.f32 v8, $3.050000000e+01;
	v6 =	vtrunc.f32 v6;
	v14 =	vcvt.f32.s32 v3  }
0xe6: {  	p2 =	por $0x1, $0x1;
	v7 =	vtrunc.f32 v7;
	v26 =	vtrunc.f32 v8;
	v3 =	vmax.f32 v4, $5.000000000e-01  }
.Ltmp4:
0xe7: {  	v4 =	vmax.f32 v5, $5.000000000e-01;
	v5 =	vadd.f32 $1.550000000e+01, v60;
	v6 =	vcvt.f32.s32 v6;
	(pc) =	sbr.rel @!p2 .LBB2_7-.Ltmp4, $4  }
0xe8: {  	v7 =	vcvt.f32.s32 v7;
	v3 =	vmin.f32 v3, $3.050000000e+01;
	v4 =	vmin.f32 v4, $3.050000000e+01  }
0xe9: {  	v5 =	vmax.f32 v5, $5.000000000e-01;
	v3 =	vtrunc.f32 v3;
	v63 =	vtrunc.f32 v4  }
0xea: {  	v4 =	vcvt.f32.s32 v9;
	v5 =	vmin.f32 v5, $3.050000000e+01;
	v3 =	vcvt.f32.s32 v3  }
0xeb: {  	p1 =	por $0x0, $0x0;
	s23 =	simm.s32 $0x81F0;
	s24 =	simm.s32 $0x5F0;
	v27 =	vtrunc.f32 v5;
	v5 =	vcvt.f32.s32 v63;
	v28 =	vld.idx.msk [tilespmem:v14+s3+$0x0], $0xffff  }
0xec: {  	v16 =	vld [tilespmem:s24+$0x0]  }
0xed: {  	v13 =	vld [tilespmem:s24+$0xFFFFFFA0]  }
0xee: {  	v12 =	vld [tilespmem:s24+$0xFFFFFFB0]  }
0xef: {  	v11 =	vld [tilespmem:s24+$0xFFFFFFC0]  }
0xf0: {  	v19 =	vld [tilespmem:s24+$0xFFFFFFF0]  }
0xf1: {  	v15 =	vld [tilespmem:s24+$0xFFFFFF90]  }
0xf2: {  	v33 =	vld.idx.msk [tilespmem:v3+s3+$0x0], $0xffff  }
0xf3: {  	v35 =	vld.idx.msk [tilespmem:v6+s3+$0x0], $0xffff  }
0xf4: {  	v10 =	vld [tilespmem:s24+$0xFFFFFFD0];
	v8 =	vcvt.f32.s32 v26;
	v9 =	vcvt.f32.s32 v27  }
0xf5: {  	v17 =	vld [tilespmem:s24+$0xFFFFFFE0];
	vm0 =	vle.f32 v28, v29;
	v24 =	vmul.f32 $5.000000000e+00, v16;
	v25 =	vmul.f32 $5.000000000e+00, v13  }
0xf6: {  	v36 =	vld.idx.msk [tilespmem:v7+s3+$0x0], $0xffff;
	v26 =	vsel vm0, $0x1, v0;
	v27 =	vmul.f32 $5.000000000e+00, v12;
	v30 =	vmul.f32 $5.000000000e+00, v19  }
0xf7: {  	v31 =	vmul.f32 $5.000000000e+00, v15;
	vm1 =	vle.f32 v33, v22;
	v24 =	vadd.f32 $1.550000000e+01, v24  }
0xf8: {  	vm3 =	vle.f32 v35, v20;
	v28 =	vadd.s32 v26, v14;
	v14 =	vmul.f32 $5.000000000e+00, v11  }
0xf9: {  	v26 =	vadd.f32 $1.550000000e+01, v27;
	v27 =	vmul.f32 $5.000000000e+00, v10;
	v24 =	vmax.f32 v24, $5.000000000e-01  }
0xfa: {  	v29 =	vadd.f32 $1.550000000e+01, v14;
	v14 =	vmul.f32 $5.000000000e+00, v17;
	v24 =	vmin.f32 v24, $3.050000000e+01  }
0xfb: {  	vm4 =	vle.f32 v36, v18;
	v31 =	vadd.f32 $1.550000000e+01, v31;
	v24 =	vtrunc.f32 v24  }
0xfc: {  	v27 =	vadd.f32 $1.550000000e+01, v27;
	v32 =	vadd.f32 $1.550000000e+01, v14;
	v14 =	vcvt.f32.s32 v24  }
0xfd: {  	v25 =	vadd.f32 $1.550000000e+01, v25;
	v31 =	vmax.f32 v31, $5.000000000e-01;
	v29 =	vmax.f32 v29, $5.000000000e-01  }
0xfe: {  	v31 =	vmin.f32 v31, $3.050000000e+01;
	v27 =	vmax.f32 v27, $5.000000000e-01;
	v29 =	vmin.f32 v29, $3.050000000e+01  }
0xff: {  	v34 =	vld.idx.msk [tilespmem:v5+s3+$0x0], $0xffff;
	v31 =	vtrunc.f32 v31;
	v24 =	vmax.f32 v25, $5.000000000e-01;
	v25 =	vmax.f32 v26, $5.000000000e-01  }
0x100: {  	v26 =	vadd.f32 $1.550000000e+01, v30;
	v30 =	vld.idx.msk [tilespmem:v4+s3+$0x0], $0xffff;
	v32 =	vmax.f32 v32, $5.000000000e-01;
	v24 =	vmin.f32 v24, $3.050000000e+01  }
0x101: {  	p4 =	por $0x1, $0x1;
	v27 =	vmin.f32 v27, $3.050000000e+01;
	v29 =	vtrunc.f32 v29;
	v37 =	vtrunc.f32 v24;
	v24 =	vld.idx.msk [tilespmem:v8+s3+$0x0], $0xffff  }
.Ltmp5:
0x102: {  	[tilespmem:s23+$0x0] =	vst v28;
	v25 =	vmin.f32 v25, $3.050000000e+01;
	v32 =	vmin.f32 v32, $3.050000000e+01;
	v40 =	vtrunc.f32 v27;
	v28 =	vld.idx.msk [tilespmem:v14+s3+$0x0], $0xffff;
	(pc) =	sbr.rel @!p4 .LBB2_9-.Ltmp5, $4  }
0x103: {  	v22 =	vcvt.f32.s32 v29;
	v26 =	vmax.f32 v26, $5.000000000e-01;
	v39 =	vtrunc.f32 v25;
	v25 =	vld.idx.msk [tilespmem:v9+s3+$0x0], $0xffff  }
0x104: {  	v20 =	vcvt.f32.s32 v40;
	v38 =	vmin.f32 v26, $3.050000000e+01;
	v26 =	vtrunc.f32 v32  }
0x105: {  	s26 =	simm.s32 $0x80;
	s28 =	simm.s32 $0x9F0;
	vm2 =	vle.f32 v34, v21;
	v21 =	vcvt.f32.s32 v39;
	v27 =	vtrunc.f32 v38  }
0x106: {  	p3 =	por $0x1, $0x1;
	s25 =	simm.s32 $0x81F0;
	s24 =	simm.s32 $0x81F0;
	vm0 =	vle.f32 v30, v23;
	v23 =	vcvt.f32.s32 v31;
	v30 =	vcvt.f32.s32 v37  }
.LBB2_10:
0x107: {  	s26 =	sadd.s32 $0x80, s26;
	v18 =	vcvt.f32.s32 v26;
	v26 =	vcvt.f32.s32 v27;
	vm5 =	vle.f32 v28, v16;
	v16 =	vld [tilespmem:s28+$0x0]  }
0x108: {  	vm6 =	vle.f32 v25, v1;
	v1 =	vmovc v19;
	v27 =	vld [tilespmem:s28+$0xFFFFFFA0];
	p4 =	slt.u32 s26, $0x780;
	v28 =	vsel vm5, $0x1, v0;
	vm5 =	vle.f32 v24, v2;
	v2 =	vmovc v17  }
0x109: {  	v19 =	vsel vm1, $0x1, v0;
	s25 =	sadd.s32 $0x400, s25;
	v17 =	vsel vm0, $0x1, v0;
	v29 =	vld [tilespmem:s28+$0xFFFFFFB0];
	v14 =	vadd.s32 v28, v14  }
0x10a: {  	v25 =	vsel vm4, $0x1, v0;
	v24 =	vsel vm3, $0x1, v0;
	v31 =	vld [tilespmem:s28+$0xFFFFFFC0];
	[tilespmem:s25+$0x0] =	vst v14;
	v14 =	vsel vm2, $0x1, v0  }
0x10b: {  	v34 =	vsel vm6, $0x1, v0;
	v28 =	vadd.s32 v17, v4;
	v33 =	vsel vm5, $0x1, v0;
	v4 =	vmovc v23;
	v32 =	vld [tilespmem:s28+$0xFFFFFFD0]  }
0x10c: {  	v14 =	vadd.s32 v14, v5;
	v17 =	vld [tilespmem:s28+$0xFFFFFFE0];
	v35 =	vmul.f32 $5.000000000e+00, v16;
	[tilespmem:s24+$0xFFFFFF90] =	vst v28;
	v28 =	vadd.s32 v19, v3;
	v3 =	vmovc v30  }
0x10d: {  	v7 =	vadd.s32 v25, v7;
	v24 =	vadd.s32 v24, v6;
	v5 =	vmovc v21;
	v36 =	vmul.f32 $5.000000000e+00, v27;
	v19 =	vld [tilespmem:s28+$0xFFFFFFF0];
	[tilespmem:s24+$0xFFFFFFA0] =	vst v28  }
0x10e: {  	v6 =	vmovc v22;
	v37 =	vld [tilespmem:s28+$0xFFFFFF90];
	v25 =	vmul.f32 $5.000000000e+00, v29;
	v28 =	vadd.f32 $1.550000000e+01, v35;
	[tilespmem:s24+$0xFFFFFFB0] =	vst v14;
	v14 =	vadd.s32 v33, v8;
	v8 =	vmovc v18  }
0x10f: {  	v18 =	vadd.f32 $1.550000000e+01, v36;
	v33 =	vmul.f32 $5.000000000e+00, v31;
	v23 =	vld.idx.msk [tilespmem:v23+s3+$0x0], $0xffff;
	[tilespmem:s24+$0xFFFFFFC0] =	vst v24;
	v24 =	vadd.s32 v34, v9;
	v9 =	vmovc v26  }
0x110: {  	v25 =	vadd.f32 $1.550000000e+01, v25;
	v26 =	vmul.f32 $5.000000000e+00, v32;
	v28 =	vmax.f32 v28, $5.000000000e-01;
	v30 =	vld.idx.msk [tilespmem:v30+s3+$0x0], $0xffff;
	[tilespmem:s24+$0xFFFFFFD0] =	vst v7;
	v7 =	vmovc v20  }
0x111: {  	v33 =	vadd.f32 $1.550000000e+01, v33;
	v34 =	vmul.f32 $5.000000000e+00, v17;
	v28 =	vmin.f32 v28, $3.050000000e+01;
	v21 =	vld.idx.msk [tilespmem:v21+s3+$0x0], $0xffff;
	[tilespmem:s24+$0xFFFFFFE0] =	vst v14  }
0x112: {  	v26 =	vadd.f32 $1.550000000e+01, v26;
	v35 =	vmul.f32 $5.000000000e+00, v19;
	v14 =	vtrunc.f32 v28;
	v22 =	vld.idx.msk [tilespmem:v22+s3+$0x0], $0xffff;
	[tilespmem:s24+$0xFFFFFFF0] =	vst v24;
	s24 =	smov.u32 s25  }
0x113: {  	v28 =	vmul.f32 $5.000000000e+00, v37;
	v34 =	vadd.f32 $1.550000000e+01, v34;
	v14 =	vcvt.f32.s32 v14;
	v36 =	vld.idx.msk [tilespmem:v20+s3+$0x0], $0xffff  }
0x114: {  	v18 =	vmax.f32 v18, $5.000000000e-01;
	v20 =	vmax.f32 v25, $5.000000000e-01;
	v35 =	vadd.f32 $1.550000000e+01, v35;
	v24 =	vld.idx.msk [tilespmem:v8+s3+$0x0], $0xffff  }
0x115: {  	v33 =	vmax.f32 v33, $5.000000000e-01;
	v26 =	vmax.f32 v26, $5.000000000e-01;
	v28 =	vadd.f32 $1.550000000e+01, v28;
	v25 =	vld.idx.msk [tilespmem:v9+s3+$0x0], $0xffff  }
0x116: {  	v18 =	vmin.f32 v18, $3.050000000e+01;
	v34 =	vmax.f32 v34, $5.000000000e-01;
	v35 =	vmax.f32 v35, $5.000000000e-01  }
0x117: {  	v20 =	vmin.f32 v20, $3.050000000e+01;
	v33 =	vmin.f32 v33, $3.050000000e+01;
	v28 =	vmax.f32 v28, $5.000000000e-01  }
0x118: {  	v26 =	vmin.f32 v26, $3.050000000e+01;
	v34 =	vmin.f32 v34, $3.050000000e+01;
	v28 =	vmin.f32 v28, $3.050000000e+01  }
0x119: {  	v18 =	vtrunc.f32 v18;
	v35 =	vmin.f32 v35, $3.050000000e+01;
	v38 =	vtrunc.f32 v28;
	v28 =	vld.idx.msk [tilespmem:v14+s3+$0x0], $0xffff  }
.Ltmp6:
0x11a: {  	vm0 =	vle.f32 v23, v15;
	v15 =	vmovc v37;
	v20 =	vtrunc.f32 v20;
	v33 =	vtrunc.f32 v33;
	(pc) =	sbr.rel @p4 .LBB2_10-.Ltmp6, $4  }
0x11b: {  	vm1 =	vle.f32 v30, v13;
	v13 =	vmovc v27;
	v37 =	vtrunc.f32 v26;
	v26 =	vtrunc.f32 v34  }
0x11c: {  	vm2 =	vle.f32 v21, v12;
	v12 =	vmovc v29;
	v27 =	vtrunc.f32 v35;
	v23 =	vcvt.f32.s32 v38  }
0x11d: {  	v30 =	vcvt.f32.s32 v18;
	v21 =	vcvt.f32.s32 v20;
	vm3 =	vle.f32 v22, v11;
	v11 =	vmovc v31  }
0x11e: {  	s28 =	sadd.s32 $0x400, s28;
	v22 =	vcvt.f32.s32 v33;
	v20 =	vcvt.f32.s32 v37;
	vm4 =	vle.f32 v36, v10;
	v10 =	vmovc v32  }
0x11f: {  	v32 =	vmovc v2;
	v31 =	vmovc v1;
	v35 =	vmov v4;
	v36 =	vmov v3;
	v37 =	vmov v5  }
0x120: {  	v34 =	vmovc v6;
	v33 =	vmovc v7;
	v29 =	vmov v16;
	v2 =	vmov v17;
	v1 =	vmov v19  }
0x121: {  	v4 =	vmovc v23;
	v3 =	vmovc v30;
	v5 =	vmov v21;
	v23 =	vmov v15;
	v21 =	vmov v12  }
0x122: {  	v18 =	vmovc v10;
	v6 =	vmovc v22;
	v7 =	vmov v20;
	v22 =	vmov v13;
	v20 =	vmov v11  }
.LBB2_12:
0x123: {  	_ =	sdelay $0x1  }
0x124: {  	vm5 =	vle.f32 v28, v29;
	v11 =	vcvt.f32.s32 v26;
	v15 =	vsel @p3 vm2, $0x1, v0  }
0x125: {  	s25 =	sadd.s32 @p3 $0x400, s25;
	v12 =	vsel @p3 vm0, $0x1, v0;
	v10 =	vsel vm5, $0x1, v0;
	v15 =	vadd.s32 @p3 v15, v37  }
0x126: {  	v13 =	vcvt.f32.s32 v27;
	v16 =	vsel @p3 vm3, $0x1, v0;
	v58 =	vld.idx.msk [tilespmem:v5+s3+$0x0], $0xffff;
	s23 =	smov.u32 @p3 s25;
	v10 =	vadd.s32 v10, v14;
	[tilespmem:s24+$0xFFFFFFB0] =	vst @p3 v15  }
0x127: {  	vm0 =	vle.f32 @p3 v24, v32;
	v14 =	vsel @p3 vm1, $0x1, v0;
	[tilespmem:s23+$0x0] =	vst v10;
	v10 =	vadd.s32 @p3 v12, v35;
	v12 =	vld.idx.msk [tilespmem:v4+s3+$0x0], $0xffff  }
0x128: {  	v17 =	vsel @p3 vm4, $0x1, v0;
	v16 =	vadd.s32 @p3 v16, v34;
	[tilespmem:s24+$0xFFFFFF90] =	vst @p3 v10;
	v10 =	vadd.s32 @p3 v14, v36;
	v14 =	vld.idx.msk [tilespmem:v3+s3+$0x0], $0xffff  }
0x129: {  	v19 =	vsel @p3 vm0, $0x1, v0;
	v17 =	vadd.s32 @p3 v17, v33;
	v15 =	vld.idx.msk [tilespmem:v6+s3+$0x0], $0xffff;
	[tilespmem:s24+$0xFFFFFFC0] =	vst @p3 v16  }
0x12a: {  	vm1 =	vle.f32 @p3 v25, v31;
	v16 =	vld.idx.msk [tilespmem:v7+s3+$0x0], $0xffff;
	v8 =	vadd.s32 @p3 v19, v8;
	[tilespmem:s24+$0xFFFFFFD0] =	vst @p3 v17  }
0x12b: {  	v24 =	vsel @p3 vm1, $0x1, v0;
	[tilespmem:s24+$0xFFFFFFE0] =	vst @p3 v8;
	vm11 =	vle.f32 v58, v21;
	v17 =	vld.idx.msk [tilespmem:v11+s3+$0x0], $0xffff  }
0x12c: {  	v9 =	vadd.s32 @p3 v24, v9;
	[tilespmem:s24+$0xFFFFFFA0] =	vst @p3 v10;
	v8 =	vld.idx.msk [tilespmem:v13+s3+$0x0], $0xffff;
	v10 =	vsel vm11, $0x1, v0;
	vm9 =	vle.f32 v12, v23  }
0x12d: {  	[tilespmem:s24+$0xFFFFFFF0] =	vst @p3 v9;
	v5 =	vadd.s32 v10, v5;
	vm10 =	vle.f32 v14, v22;
	v12 =	vsel vm9, $0x1, v0  }
0x12e: {  	vm12 =	vle.f32 v15, v20;
	[tilespmem:s23+$0xFFFFFFB0] =	vst v5;
	v59 =	vsel vm10, $0x1, v0;
	v4 =	vadd.s32 v12, v4  }
0x12f: {  	vm13 =	vle.f32 v16, v18;
	[tilespmem:s23+$0xFFFFFF90] =	vst v4;
	v3 =	vadd.s32 v59, v3;
	v4 =	vsel vm12, $0x1, v0  }
0x130: {  	vm14 =	vle.f32 v17, v2;
	v2 =	vsel vm13, $0x1, v0;
	[tilespmem:s23+$0xFFFFFFA0] =	vst v3;
	v3 =	vadd.s32 v4, v6  }
0x131: {  	vm15 =	vle.f32 v8, v1;
	v1 =	vsel vm14, $0x1, v0;
	v2 =	vadd.s32 v2, v7;
	[tilespmem:s23+$0xFFFFFFC0] =	vst v3  }
0x132: {  	v3 =	vsel vm15, $0x1, v0;
	v1 =	vadd.s32 v1, v11;
	[tilespmem:s23+$0xFFFFFFD0] =	vst v2  }
0x133: {  	v2 =	vadd.s32 v3, v13;
	[tilespmem:s23+$0xFFFFFFE0] =	vst v1  }
0x134: {  	s31 =	simm.s32 $0x270;
	[tilespmem:s23+$0xFFFFFFF0] =	vst v2  }
0x135: {  	v29 =	vld [tilespmem:s31+$0x0]  }
0x136: {  	v22 =	vld [tilespmem:s31+$0xFFFFFFA0]  }
0x137: {  	v20 =	vld [tilespmem:s31+$0xFFFFFFC0]  }
0x138: {  	v19 =	vld [tilespmem:s31+$0xFFFFFFD0]  }
0x139: {  	v2 =	vld [tilespmem:s31+$0xFFFFFFE0]  }
0x13a: {  	v23 =	vld [tilespmem:s31+$0xFFFFFF90]  }
0x13b: {  	v21 =	vld [tilespmem:s31+$0xFFFFFFB0]  }
0x13c: {  	v1 =	vld [tilespmem:s31+$0xFFFFFFF0];
	v3 =	vmul.f32 $5.000000000e+00, v29  }
0x13d: {  	v4 =	vmul.f32 $5.000000000e+00, v22;
	v6 =	vmul.f32 $5.000000000e+00, v20  }
0x13e: {  	v7 =	vmul.f32 $5.000000000e+00, v19;
	v8 =	vmul.f32 $5.000000000e+00, v2  }
0x13f: {  	v61 =	vmul.f32 $5.000000000e+00, v23;
	v3 =	vadd.f32 $1.550000000e+01, v3;
	v4 =	vadd.f32 $1.550000000e+01, v4  }
0x140: {  	v5 =	vmul.f32 $5.000000000e+00, v21;
	v6 =	vadd.f32 $1.550000000e+01, v6;
	v7 =	vadd.f32 $1.550000000e+01, v7  }
0x141: {  	v60 =	vmul.f32 $5.000000000e+00, v1;
	v8 =	vadd.f32 $1.550000000e+01, v8;
	v62 =	vadd.f32 $1.550000000e+01, v61  }
0x142: {  	v5 =	vadd.f32 $1.550000000e+01, v5;
	v3 =	vmax.f32 v3, $5.000000000e-01;
	v6 =	vmax.f32 v6, $5.000000000e-01  }
0x143: {  	v7 =	vmax.f32 v7, $5.000000000e-01;
	v8 =	vmax.f32 v8, $5.000000000e-01;
	v9 =	vmax.f32 v62, $5.000000000e-01  }
0x144: {  	v3 =	vmin.f32 v3, $3.050000000e+01;
	v6 =	vmin.f32 v6, $3.050000000e+01;
	v9 =	vmin.f32 v9, $3.050000000e+01  }
0x145: {  	v7 =	vmin.f32 v7, $3.050000000e+01;
	v3 =	vtrunc.f32 v3;
	v9 =	vtrunc.f32 v9  }
0x146: {  	v8 =	vmin.f32 v8, $3.050000000e+01;
	v6 =	vtrunc.f32 v6;
	v14 =	vcvt.f32.s32 v3  }
0x147: {  	v7 =	vtrunc.f32 v7;
	v26 =	vtrunc.f32 v8;
	v3 =	vmax.f32 v4, $5.000000000e-01  }
.Ltmp7:
0x148: {  	v4 =	vmax.f32 v5, $5.000000000e-01;
	v5 =	vadd.f32 $1.550000000e+01, v60;
	v6 =	vcvt.f32.s32 v6;
	(pc) =	sbr.rel @!p2 .LBB2_13-.Ltmp7, $4  }
0x149: {  	v7 =	vcvt.f32.s32 v7;
	v3 =	vmin.f32 v3, $3.050000000e+01;
	v4 =	vmin.f32 v4, $3.050000000e+01  }
0x14a: {  	v5 =	vmax.f32 v5, $5.000000000e-01;
	v3 =	vtrunc.f32 v3;
	v63 =	vtrunc.f32 v4  }
0x14b: {  	v4 =	vcvt.f32.s32 v9;
	v5 =	vmin.f32 v5, $3.050000000e+01;
	v3 =	vcvt.f32.s32 v3  }
0x14c: {  	s24 =	simm.s32 $0x670;
	s23 =	simm.s32 $0x8270;
	v27 =	vtrunc.f32 v5;
	v5 =	vcvt.f32.s32 v63;
	v28 =	vld.idx.msk [tilespmem:v14+s3+$0x0], $0xffff  }
0x14d: {  	v16 =	vld [tilespmem:s24+$0x0]  }
0x14e: {  	v13 =	vld [tilespmem:s24+$0xFFFFFFA0]  }
0x14f: {  	v12 =	vld [tilespmem:s24+$0xFFFFFFB0]  }
0x150: {  	v11 =	vld [tilespmem:s24+$0xFFFFFFC0]  }
0x151: {  	v18 =	vld [tilespmem:s24+$0xFFFFFFF0]  }
0x152: {  	v15 =	vld [tilespmem:s24+$0xFFFFFF90]  }
0x153: {  	v33 =	vld.idx.msk [tilespmem:v3+s3+$0x0], $0xffff  }
0x154: {  	v35 =	vld.idx.msk [tilespmem:v6+s3+$0x0], $0xffff  }
0x155: {  	v10 =	vld [tilespmem:s24+$0xFFFFFFD0];
	v8 =	vcvt.f32.s32 v26;
	v9 =	vcvt.f32.s32 v27  }
0x156: {  	v17 =	vld [tilespmem:s24+$0xFFFFFFE0];
	vm0 =	vle.f32 v28, v29;
	v24 =	vmul.f32 $5.000000000e+00, v16;
	v25 =	vmul.f32 $5.000000000e+00, v13  }
0x157: {  	v36 =	vld.idx.msk [tilespmem:v7+s3+$0x0], $0xffff;
	v26 =	vsel vm0, $0x1, v0;
	v27 =	vmul.f32 $5.000000000e+00, v12;
	v30 =	vmul.f32 $5.000000000e+00, v18  }
0x158: {  	v31 =	vmul.f32 $5.000000000e+00, v15;
	vm1 =	vle.f32 v33, v22;
	v24 =	vadd.f32 $1.550000000e+01, v24  }
0x159: {  	vm3 =	vle.f32 v35, v20;
	v28 =	vadd.s32 v26, v14;
	v14 =	vmul.f32 $5.000000000e+00, v11  }
0x15a: {  	v26 =	vadd.f32 $1.550000000e+01, v27;
	v27 =	vmul.f32 $5.000000000e+00, v10;
	v24 =	vmax.f32 v24, $5.000000000e-01  }
0x15b: {  	v29 =	vadd.f32 $1.550000000e+01, v14;
	v14 =	vmul.f32 $5.000000000e+00, v17;
	v24 =	vmin.f32 v24, $3.050000000e+01  }
0x15c: {  	vm4 =	vle.f32 v36, v19;
	v31 =	vadd.f32 $1.550000000e+01, v31;
	v24 =	vtrunc.f32 v24  }
0x15d: {  	v27 =	vadd.f32 $1.550000000e+01, v27;
	v32 =	vadd.f32 $1.550000000e+01, v14;
	v14 =	vcvt.f32.s32 v24  }
0x15e: {  	v25 =	vadd.f32 $1.550000000e+01, v25;
	v31 =	vmax.f32 v31, $5.000000000e-01;
	v29 =	vmax.f32 v29, $5.000000000e-01  }
0x15f: {  	v31 =	vmin.f32 v31, $3.050000000e+01;
	v27 =	vmax.f32 v27, $5.000000000e-01;
	v29 =	vmin.f32 v29, $3.050000000e+01  }
0x160: {  	v34 =	vld.idx.msk [tilespmem:v5+s3+$0x0], $0xffff;
	v31 =	vtrunc.f32 v31;
	v24 =	vmax.f32 v25, $5.000000000e-01;
	v25 =	vmax.f32 v26, $5.000000000e-01  }
0x161: {  	v26 =	vadd.f32 $1.550000000e+01, v30;
	v30 =	vld.idx.msk [tilespmem:v4+s3+$0x0], $0xffff;
	v32 =	vmax.f32 v32, $5.000000000e-01;
	v24 =	vmin.f32 v24, $3.050000000e+01  }
0x162: {  	p2 =	por $0x1, $0x1;
	v27 =	vmin.f32 v27, $3.050000000e+01;
	v29 =	vtrunc.f32 v29;
	v37 =	vtrunc.f32 v24;
	v24 =	vld.idx.msk [tilespmem:v8+s3+$0x0], $0xffff  }
.Ltmp8:
0x163: {  	[tilespmem:s23+$0x0] =	vst v28;
	v25 =	vmin.f32 v25, $3.050000000e+01;
	v32 =	vmin.f32 v32, $3.050000000e+01;
	v40 =	vtrunc.f32 v27;
	v28 =	vld.idx.msk [tilespmem:v14+s3+$0x0], $0xffff;
	(pc) =	sbr.rel @!p2 .LBB2_15-.Ltmp8, $4  }
0x164: {  	v22 =	vcvt.f32.s32 v29;
	v26 =	vmax.f32 v26, $5.000000000e-01;
	v39 =	vtrunc.f32 v25;
	v25 =	vld.idx.msk [tilespmem:v9+s3+$0x0], $0xffff  }
0x165: {  	v20 =	vcvt.f32.s32 v40;
	v38 =	vmin.f32 v26, $3.050000000e+01;
	v26 =	vtrunc.f32 v32  }
0x166: {  	s26 =	simm.s32 $0x80;
	s28 =	simm.s32 $0xA70;
	vm2 =	vle.f32 v34, v21;
	v21 =	vcvt.f32.s32 v39;
	v27 =	vtrunc.f32 v38  }
0x167: {  	p1 =	por $0x1, $0x1;
	s25 =	simm.s32 $0x8270;
	s24 =	simm.s32 $0x8270;
	vm0 =	vle.f32 v30, v23;
	v23 =	vcvt.f32.s32 v31;
	v30 =	vcvt.f32.s32 v37  }
.LBB2_16:
0x168: {  	s26 =	sadd.s32 $0x80, s26;
	v19 =	vcvt.f32.s32 v26;
	v26 =	vcvt.f32.s32 v27;
	vm5 =	vle.f32 v28, v16;
	v16 =	vld [tilespmem:s28+$0x0]  }
0x169: {  	vm6 =	vle.f32 v25, v1;
	v1 =	vmovc v18;
	v27 =	vld [tilespmem:s28+$0xFFFFFFA0];
	p2 =	slt.u32 s26, $0x780;
	v28 =	vsel vm5, $0x1, v0;
	vm5 =	vle.f32 v24, v2;
	v2 =	vmovc v17  }
0x16a: {  	v18 =	vsel vm1, $0x1, v0;
	s25 =	sadd.s32 $0x400, s25;
	v17 =	vsel vm0, $0x1, v0;
	v29 =	vld [tilespmem:s28+$0xFFFFFFB0];
	v14 =	vadd.s32 v28, v14  }
0x16b: {  	v25 =	vsel vm4, $0x1, v0;
	v24 =	vsel vm3, $0x1, v0;
	v31 =	vld [tilespmem:s28+$0xFFFFFFC0];
	[tilespmem:s25+$0x0] =	vst v14;
	v14 =	vsel vm2, $0x1, v0  }
0x16c: {  	v34 =	vsel vm6, $0x1, v0;
	v28 =	vadd.s32 v17, v4;
	v33 =	vsel vm5, $0x1, v0;
	v4 =	vmovc v23;
	v32 =	vld [tilespmem:s28+$0xFFFFFFD0]  }
0x16d: {  	v14 =	vadd.s32 v14, v5;
	v17 =	vld [tilespmem:s28+$0xFFFFFFE0];
	v35 =	vmul.f32 $5.000000000e+00, v16;
	[tilespmem:s24+$0xFFFFFF90] =	vst v28;
	v28 =	vadd.s32 v18, v3;
	v3 =	vmovc v30  }
0x16e: {  	v7 =	vadd.s32 v25, v7;
	v24 =	vadd.s32 v24, v6;
	v5 =	vmovc v21;
	v36 =	vmul.f32 $5.000000000e+00, v27;
	v18 =	vld [tilespmem:s28+$0xFFFFFFF0];
	[tilespmem:s24+$0xFFFFFFA0] =	vst v28  }
0x16f: {  	v6 =	vmovc v22;
	v37 =	vld [tilespmem:s28+$0xFFFFFF90];
	v25 =	vmul.f32 $5.000000000e+00, v29;
	v28 =	vadd.f32 $1.550000000e+01, v35;
	[tilespmem:s24+$0xFFFFFFB0] =	vst v14;
	v14 =	vadd.s32 v33, v8;
	v8 =	vmovc v19  }
0x170: {  	v19 =	vadd.f32 $1.550000000e+01, v36;
	v33 =	vmul.f32 $5.000000000e+00, v31;
	v23 =	vld.idx.msk [tilespmem:v23+s3+$0x0], $0xffff;
	[tilespmem:s24+$0xFFFFFFC0] =	vst v24;
	v24 =	vadd.s32 v34, v9;
	v9 =	vmovc v26  }
0x171: {  	v25 =	vadd.f32 $1.550000000e+01, v25;
	v26 =	vmul.f32 $5.000000000e+00, v32;
	v28 =	vmax.f32 v28, $5.000000000e-01;
	v30 =	vld.idx.msk [tilespmem:v30+s3+$0x0], $0xffff;
	[tilespmem:s24+$0xFFFFFFD0] =	vst v7;
	v7 =	vmovc v20  }
0x172: {  	v33 =	vadd.f32 $1.550000000e+01, v33;
	v34 =	vmul.f32 $5.000000000e+00, v17;
	v28 =	vmin.f32 v28, $3.050000000e+01;
	v21 =	vld.idx.msk [tilespmem:v21+s3+$0x0], $0xffff;
	[tilespmem:s24+$0xFFFFFFE0] =	vst v14  }
0x173: {  	v26 =	vadd.f32 $1.550000000e+01, v26;
	v35 =	vmul.f32 $5.000000000e+00, v18;
	v14 =	vtrunc.f32 v28;
	v22 =	vld.idx.msk [tilespmem:v22+s3+$0x0], $0xffff;
	[tilespmem:s24+$0xFFFFFFF0] =	vst v24;
	s24 =	smov.u32 s25  }
0x174: {  	v28 =	vmul.f32 $5.000000000e+00, v37;
	v34 =	vadd.f32 $1.550000000e+01, v34;
	v14 =	vcvt.f32.s32 v14;
	v36 =	vld.idx.msk [tilespmem:v20+s3+$0x0], $0xffff  }
0x175: {  	v19 =	vmax.f32 v19, $5.000000000e-01;
	v20 =	vmax.f32 v25, $5.000000000e-01;
	v35 =	vadd.f32 $1.550000000e+01, v35;
	v24 =	vld.idx.msk [tilespmem:v8+s3+$0x0], $0xffff  }
0x176: {  	v33 =	vmax.f32 v33, $5.000000000e-01;
	v26 =	vmax.f32 v26, $5.000000000e-01;
	v28 =	vadd.f32 $1.550000000e+01, v28;
	v25 =	vld.idx.msk [tilespmem:v9+s3+$0x0], $0xffff  }
0x177: {  	v19 =	vmin.f32 v19, $3.050000000e+01;
	v34 =	vmax.f32 v34, $5.000000000e-01;
	v35 =	vmax.f32 v35, $5.000000000e-01  }
0x178: {  	v20 =	vmin.f32 v20, $3.050000000e+01;
	v33 =	vmin.f32 v33, $3.050000000e+01;
	v28 =	vmax.f32 v28, $5.000000000e-01  }
0x179: {  	v26 =	vmin.f32 v26, $3.050000000e+01;
	v34 =	vmin.f32 v34, $3.050000000e+01;
	v28 =	vmin.f32 v28, $3.050000000e+01  }
0x17a: {  	v19 =	vtrunc.f32 v19;
	v35 =	vmin.f32 v35, $3.050000000e+01;
	v38 =	vtrunc.f32 v28;
	v28 =	vld.idx.msk [tilespmem:v14+s3+$0x0], $0xffff  }
.Ltmp9:
0x17b: {  	vm0 =	vle.f32 v23, v15;
	v15 =	vmovc v37;
	v20 =	vtrunc.f32 v20;
	v33 =	vtrunc.f32 v33;
	(pc) =	sbr.rel @p2 .LBB2_16-.Ltmp9, $4  }
0x17c: {  	vm1 =	vle.f32 v30, v13;
	v13 =	vmovc v27;
	v37 =	vtrunc.f32 v26;
	v26 =	vtrunc.f32 v34  }
0x17d: {  	vm2 =	vle.f32 v21, v12;
	v12 =	vmovc v29;
	v27 =	vtrunc.f32 v35;
	v23 =	vcvt.f32.s32 v38  }
0x17e: {  	v30 =	vcvt.f32.s32 v19;
	v21 =	vcvt.f32.s32 v20;
	vm3 =	vle.f32 v22, v11;
	v11 =	vmovc v31  }
0x17f: {  	s28 =	sadd.s32 $0x400, s28;
	v22 =	vcvt.f32.s32 v33;
	v20 =	vcvt.f32.s32 v37;
	vm4 =	vle.f32 v36, v10;
	v10 =	vmovc v32  }
0x180: {  	v32 =	vmovc v2;
	v31 =	vmovc v1;
	v35 =	vmov v4;
	v36 =	vmov v3;
	v37 =	vmov v5  }
0x181: {  	v34 =	vmovc v6;
	v33 =	vmovc v7;
	v29 =	vmov v16;
	v2 =	vmov v17;
	v1 =	vmov v18  }
0x182: {  	v4 =	vmovc v23;
	v3 =	vmovc v30;
	v5 =	vmov v21;
	v23 =	vmov v15;
	v21 =	vmov v12  }
0x183: {  	v19 =	vmovc v10;
	v6 =	vmovc v22;
	v7 =	vmov v20;
	v22 =	vmov v13;
	v20 =	vmov v11  }
.LBB2_18:
0x184: {  	_ =	sdelay $0x1  }
0x185: {  	vm5 =	vle.f32 v28, v29;
	v11 =	vcvt.f32.s32 v26;
	v15 =	vsel @p1 vm2, $0x1, v0  }
0x186: {  	s25 =	sadd.s32 @p1 $0x400, s25;
	v12 =	vsel @p1 vm0, $0x1, v0;
	v10 =	vsel vm5, $0x1, v0;
	v15 =	vadd.s32 @p1 v15, v37  }
0x187: {  	v13 =	vcvt.f32.s32 v27;
	v16 =	vsel @p1 vm3, $0x1, v0;
	v58 =	vld.idx.msk [tilespmem:v5+s3+$0x0], $0xffff;
	s23 =	smov.u32 @p1 s25;
	v10 =	vadd.s32 v10, v14;
	[tilespmem:s24+$0xFFFFFFB0] =	vst @p1 v15  }
0x188: {  	vm0 =	vle.f32 @p1 v24, v32;
	v14 =	vsel @p1 vm1, $0x1, v0;
	[tilespmem:s23+$0x0] =	vst v10;
	v10 =	vadd.s32 @p1 v12, v35;
	v12 =	vld.idx.msk [tilespmem:v4+s3+$0x0], $0xffff  }
0x189: {  	v17 =	vsel @p1 vm4, $0x1, v0;
	v16 =	vadd.s32 @p1 v16, v34;
	[tilespmem:s24+$0xFFFFFF90] =	vst @p1 v10;
	v10 =	vadd.s32 @p1 v14, v36;
	v14 =	vld.idx.msk [tilespmem:v3+s3+$0x0], $0xffff  }
0x18a: {  	v18 =	vsel @p1 vm0, $0x1, v0;
	v17 =	vadd.s32 @p1 v17, v33;
	v15 =	vld.idx.msk [tilespmem:v6+s3+$0x0], $0xffff;
	[tilespmem:s24+$0xFFFFFFC0] =	vst @p1 v16  }
0x18b: {  	vm1 =	vle.f32 @p1 v25, v31;
	v16 =	vld.idx.msk [tilespmem:v7+s3+$0x0], $0xffff;
	v8 =	vadd.s32 @p1 v18, v8;
	[tilespmem:s24+$0xFFFFFFD0] =	vst @p1 v17  }
0x18c: {  	v24 =	vsel @p1 vm1, $0x1, v0;
	[tilespmem:s24+$0xFFFFFFE0] =	vst @p1 v8;
	vm11 =	vle.f32 v58, v21;
	v17 =	vld.idx.msk [tilespmem:v11+s3+$0x0], $0xffff  }
0x18d: {  	v9 =	vadd.s32 @p1 v24, v9;
	[tilespmem:s24+$0xFFFFFFA0] =	vst @p1 v10;
	v8 =	vld.idx.msk [tilespmem:v13+s3+$0x0], $0xffff;
	v10 =	vsel vm11, $0x1, v0;
	vm9 =	vle.f32 v12, v23  }
0x18e: {  	[tilespmem:s24+$0xFFFFFFF0] =	vst @p1 v9;
	v5 =	vadd.s32 v10, v5;
	vm10 =	vle.f32 v14, v22;
	v12 =	vsel vm9, $0x1, v0  }
0x18f: {  	vm12 =	vle.f32 v15, v20;
	[tilespmem:s23+$0xFFFFFFB0] =	vst v5;
	v59 =	vsel vm10, $0x1, v0;
	v4 =	vadd.s32 v12, v4  }
0x190: {  	vm13 =	vle.f32 v16, v19;
	[tilespmem:s23+$0xFFFFFF90] =	vst v4;
	v3 =	vadd.s32 v59, v3;
	v4 =	vsel vm12, $0x1, v0  }
0x191: {  	vm14 =	vle.f32 v17, v2;
	v2 =	vsel vm13, $0x1, v0;
	[tilespmem:s23+$0xFFFFFFA0] =	vst v3;
	v3 =	vadd.s32 v4, v6  }
0x192: {  	vm15 =	vle.f32 v8, v1;
	v1 =	vsel vm14, $0x1, v0;
	v2 =	vadd.s32 v2, v7;
	[tilespmem:s23+$0xFFFFFFC0] =	vst v3  }
0x193: {  	v3 =	vsel vm15, $0x1, v0;
	v1 =	vadd.s32 v1, v11;
	[tilespmem:s23+$0xFFFFFFD0] =	vst v2  }
0x194: {  	v2 =	vadd.s32 v3, v13;
	[tilespmem:s23+$0xFFFFFFE0] =	vst v1  }
0x195: {  	s31 =	simm.s32 $0x2F0;
	[tilespmem:s23+$0xFFFFFFF0] =	vst v2  }
0x196: {  	v29 =	vld [tilespmem:s31+$0x0]  }
0x197: {  	v22 =	vld [tilespmem:s31+$0xFFFFFFA0]  }
0x198: {  	v20 =	vld [tilespmem:s31+$0xFFFFFFC0]  }
0x199: {  	v18 =	vld [tilespmem:s31+$0xFFFFFFD0]  }
0x19a: {  	v2 =	vld [tilespmem:s31+$0xFFFFFFE0]  }
0x19b: {  	v23 =	vld [tilespmem:s31+$0xFFFFFF90]  }
0x19c: {  	v21 =	vld [tilespmem:s31+$0xFFFFFFB0]  }
0x19d: {  	v1 =	vld [tilespmem:s31+$0xFFFFFFF0];
	v3 =	vmul.f32 $5.000000000e+00, v29  }
0x19e: {  	v4 =	vmul.f32 $5.000000000e+00, v22;
	v6 =	vmul.f32 $5.000000000e+00, v20  }
0x19f: {  	v7 =	vmul.f32 $5.000000000e+00, v18;
	v8 =	vmul.f32 $5.000000000e+00, v2  }
0x1a0: {  	v61 =	vmul.f32 $5.000000000e+00, v23;
	v3 =	vadd.f32 $1.550000000e+01, v3;
	v4 =	vadd.f32 $1.550000000e+01, v4  }
0x1a1: {  	v5 =	vmul.f32 $5.000000000e+00, v21;
	v6 =	vadd.f32 $1.550000000e+01, v6;
	v7 =	vadd.f32 $1.550000000e+01, v7  }
0x1a2: {  	v60 =	vmul.f32 $5.000000000e+00, v1;
	v8 =	vadd.f32 $1.550000000e+01, v8;
	v62 =	vadd.f32 $1.550000000e+01, v61  }
0x1a3: {  	v5 =	vadd.f32 $1.550000000e+01, v5;
	v3 =	vmax.f32 v3, $5.000000000e-01;
	v6 =	vmax.f32 v6, $5.000000000e-01  }
0x1a4: {  	v7 =	vmax.f32 v7, $5.000000000e-01;
	v8 =	vmax.f32 v8, $5.000000000e-01;
	v9 =	vmax.f32 v62, $5.000000000e-01  }
0x1a5: {  	v3 =	vmin.f32 v3, $3.050000000e+01;
	v6 =	vmin.f32 v6, $3.050000000e+01;
	v9 =	vmin.f32 v9, $3.050000000e+01  }
0x1a6: {  	v7 =	vmin.f32 v7, $3.050000000e+01;
	v3 =	vtrunc.f32 v3;
	v9 =	vtrunc.f32 v9  }
0x1a7: {  	v8 =	vmin.f32 v8, $3.050000000e+01;
	v6 =	vtrunc.f32 v6;
	v14 =	vcvt.f32.s32 v3  }
0x1a8: {  	p2 =	por $0x1, $0x1;
	v7 =	vtrunc.f32 v7;
	v26 =	vtrunc.f32 v8;
	v3 =	vmax.f32 v4, $5.000000000e-01  }
.Ltmp10:
0x1a9: {  	v4 =	vmax.f32 v5, $5.000000000e-01;
	v5 =	vadd.f32 $1.550000000e+01, v60;
	v6 =	vcvt.f32.s32 v6;
	(pc) =	sbr.rel @!p2 .LBB2_19-.Ltmp10, $4  }
0x1aa: {  	v7 =	vcvt.f32.s32 v7;
	v3 =	vmin.f32 v3, $3.050000000e+01;
	v4 =	vmin.f32 v4, $3.050000000e+01  }
0x1ab: {  	v5 =	vmax.f32 v5, $5.000000000e-01;
	v3 =	vtrunc.f32 v3;
	v63 =	vtrunc.f32 v4  }
0x1ac: {  	v4 =	vcvt.f32.s32 v9;
	v5 =	vmin.f32 v5, $3.050000000e+01;
	v3 =	vcvt.f32.s32 v3  }
0x1ad: {  	s24 =	simm.s32 $0x6F0;
	p1 =	por $0x0, $0x0;
	s23 =	simm.s32 $0x82F0;
	v27 =	vtrunc.f32 v5;
	v5 =	vcvt.f32.s32 v63;
	v28 =	vld.idx.msk [tilespmem:v14+s3+$0x0], $0xffff  }
0x1ae: {  	v16 =	vld [tilespmem:s24+$0x0]  }
0x1af: {  	v13 =	vld [tilespmem:s24+$0xFFFFFFA0]  }
0x1b0: {  	v12 =	vld [tilespmem:s24+$0xFFFFFFB0]  }
0x1b1: {  	v11 =	vld [tilespmem:s24+$0xFFFFFFC0]  }
0x1b2: {  	v19 =	vld [tilespmem:s24+$0xFFFFFFF0]  }
0x1b3: {  	v15 =	vld [tilespmem:s24+$0xFFFFFF90]  }
0x1b4: {  	v33 =	vld.idx.msk [tilespmem:v3+s3+$0x0], $0xffff  }
0x1b5: {  	v35 =	vld.idx.msk [tilespmem:v6+s3+$0x0], $0xffff  }
0x1b6: {  	v10 =	vld [tilespmem:s24+$0xFFFFFFD0];
	v8 =	vcvt.f32.s32 v26;
	v9 =	vcvt.f32.s32 v27  }
0x1b7: {  	v17 =	vld [tilespmem:s24+$0xFFFFFFE0];
	vm0 =	vle.f32 v28, v29;
	v24 =	vmul.f32 $5.000000000e+00, v16;
	v25 =	vmul.f32 $5.000000000e+00, v13  }
0x1b8: {  	v36 =	vld.idx.msk [tilespmem:v7+s3+$0x0], $0xffff;
	v26 =	vsel vm0, $0x1, v0;
	v27 =	vmul.f32 $5.000000000e+00, v12;
	v30 =	vmul.f32 $5.000000000e+00, v19  }
0x1b9: {  	v31 =	vmul.f32 $5.000000000e+00, v15;
	vm1 =	vle.f32 v33, v22;
	v24 =	vadd.f32 $1.550000000e+01, v24  }
0x1ba: {  	vm3 =	vle.f32 v35, v20;
	v28 =	vadd.s32 v26, v14;
	v14 =	vmul.f32 $5.000000000e+00, v11  }
0x1bb: {  	v26 =	vadd.f32 $1.550000000e+01, v27;
	v27 =	vmul.f32 $5.000000000e+00, v10;
	v24 =	vmax.f32 v24, $5.000000000e-01  }
0x1bc: {  	v29 =	vadd.f32 $1.550000000e+01, v14;
	v14 =	vmul.f32 $5.000000000e+00, v17;
	v24 =	vmin.f32 v24, $3.050000000e+01  }
0x1bd: {  	vm4 =	vle.f32 v36, v18;
	v31 =	vadd.f32 $1.550000000e+01, v31;
	v24 =	vtrunc.f32 v24  }
0x1be: {  	v27 =	vadd.f32 $1.550000000e+01, v27;
	v32 =	vadd.f32 $1.550000000e+01, v14;
	v14 =	vcvt.f32.s32 v24  }
0x1bf: {  	v25 =	vadd.f32 $1.550000000e+01, v25;
	v31 =	vmax.f32 v31, $5.000000000e-01;
	v29 =	vmax.f32 v29, $5.000000000e-01  }
0x1c0: {  	v31 =	vmin.f32 v31, $3.050000000e+01;
	v27 =	vmax.f32 v27, $5.000000000e-01;
	v29 =	vmin.f32 v29, $3.050000000e+01  }
0x1c1: {  	v34 =	vld.idx.msk [tilespmem:v5+s3+$0x0], $0xffff;
	v31 =	vtrunc.f32 v31;
	v24 =	vmax.f32 v25, $5.000000000e-01;
	v25 =	vmax.f32 v26, $5.000000000e-01  }
0x1c2: {  	v26 =	vadd.f32 $1.550000000e+01, v30;
	v30 =	vld.idx.msk [tilespmem:v4+s3+$0x0], $0xffff;
	v32 =	vmax.f32 v32, $5.000000000e-01;
	v24 =	vmin.f32 v24, $3.050000000e+01  }
0x1c3: {  	p4 =	por $0x1, $0x1;
	v27 =	vmin.f32 v27, $3.050000000e+01;
	v29 =	vtrunc.f32 v29;
	v37 =	vtrunc.f32 v24;
	v24 =	vld.idx.msk [tilespmem:v8+s3+$0x0], $0xffff  }
.Ltmp11:
0x1c4: {  	[tilespmem:s23+$0x0] =	vst v28;
	v25 =	vmin.f32 v25, $3.050000000e+01;
	v32 =	vmin.f32 v32, $3.050000000e+01;
	v40 =	vtrunc.f32 v27;
	v28 =	vld.idx.msk [tilespmem:v14+s3+$0x0], $0xffff;
	(pc) =	sbr.rel @!p4 .LBB2_21-.Ltmp11, $4  }
0x1c5: {  	v22 =	vcvt.f32.s32 v29;
	v26 =	vmax.f32 v26, $5.000000000e-01;
	v39 =	vtrunc.f32 v25;
	v25 =	vld.idx.msk [tilespmem:v9+s3+$0x0], $0xffff  }
0x1c6: {  	v20 =	vcvt.f32.s32 v40;
	v38 =	vmin.f32 v26, $3.050000000e+01;
	v26 =	vtrunc.f32 v32  }
0x1c7: {  	s26 =	simm.s32 $0x80;
	s28 =	simm.s32 $0xAF0;
	vm2 =	vle.f32 v34, v21;
	v21 =	vcvt.f32.s32 v39;
	v27 =	vtrunc.f32 v38  }
0x1c8: {  	p3 =	por $0x1, $0x1;
	s25 =	simm.s32 $0x82F0;
	s24 =	simm.s32 $0x82F0;
	vm0 =	vle.f32 v30, v23;
	v23 =	vcvt.f32.s32 v31;
	v30 =	vcvt.f32.s32 v37  }
.LBB2_22:
0x1c9: {  	s26 =	sadd.s32 $0x80, s26;
	v18 =	vcvt.f32.s32 v26;
	v26 =	vcvt.f32.s32 v27;
	vm5 =	vle.f32 v28, v16;
	v16 =	vld [tilespmem:s28+$0x0]  }
0x1ca: {  	vm6 =	vle.f32 v25, v1;
	v1 =	vmovc v19;
	v27 =	vld [tilespmem:s28+$0xFFFFFFA0];
	p4 =	slt.u32 s26, $0x780;
	v28 =	vsel vm5, $0x1, v0;
	vm5 =	vle.f32 v24, v2;
	v2 =	vmovc v17  }
0x1cb: {  	v19 =	vsel vm1, $0x1, v0;
	s25 =	sadd.s32 $0x400, s25;
	v17 =	vsel vm0, $0x1, v0;
	v29 =	vld [tilespmem:s28+$0xFFFFFFB0];
	v14 =	vadd.s32 v28, v14  }
0x1cc: {  	v25 =	vsel vm4, $0x1, v0;
	v24 =	vsel vm3, $0x1, v0;
	v31 =	vld [tilespmem:s28+$0xFFFFFFC0];
	[tilespmem:s25+$0x0] =	vst v14;
	v14 =	vsel vm2, $0x1, v0  }
0x1cd: {  	v34 =	vsel vm6, $0x1, v0;
	v28 =	vadd.s32 v17, v4;
	v33 =	vsel vm5, $0x1, v0;
	v4 =	vmovc v23;
	v32 =	vld [tilespmem:s28+$0xFFFFFFD0]  }
0x1ce: {  	v14 =	vadd.s32 v14, v5;
	v17 =	vld [tilespmem:s28+$0xFFFFFFE0];
	v35 =	vmul.f32 $5.000000000e+00, v16;
	[tilespmem:s24+$0xFFFFFF90] =	vst v28;
	v28 =	vadd.s32 v19, v3;
	v3 =	vmovc v30  }
0x1cf: {  	v7 =	vadd.s32 v25, v7;
	v24 =	vadd.s32 v24, v6;
	v5 =	vmovc v21;
	v36 =	vmul.f32 $5.000000000e+00, v27;
	v19 =	vld [tilespmem:s28+$0xFFFFFFF0];
	[tilespmem:s24+$0xFFFFFFA0] =	vst v28  }
0x1d0: {  	v6 =	vmovc v22;
	v37 =	vld [tilespmem:s28+$0xFFFFFF90];
	v25 =	vmul.f32 $5.000000000e+00, v29;
	v28 =	vadd.f32 $1.550000000e+01, v35;
	[tilespmem:s24+$0xFFFFFFB0] =	vst v14;
	v14 =	vadd.s32 v33, v8;
	v8 =	vmovc v18  }
0x1d1: {  	v18 =	vadd.f32 $1.550000000e+01, v36;
	v33 =	vmul.f32 $5.000000000e+00, v31;
	v23 =	vld.idx.msk [tilespmem:v23+s3+$0x0], $0xffff;
	[tilespmem:s24+$0xFFFFFFC0] =	vst v24;
	v24 =	vadd.s32 v34, v9;
	v9 =	vmovc v26  }
0x1d2: {  	v25 =	vadd.f32 $1.550000000e+01, v25;
	v26 =	vmul.f32 $5.000000000e+00, v32;
	v28 =	vmax.f32 v28, $5.000000000e-01;
	v30 =	vld.idx.msk [tilespmem:v30+s3+$0x0], $0xffff;
	[tilespmem:s24+$0xFFFFFFD0] =	vst v7;
	v7 =	vmovc v20  }
0x1d3: {  	v33 =	vadd.f32 $1.550000000e+01, v33;
	v34 =	vmul.f32 $5.000000000e+00, v17;
	v28 =	vmin.f32 v28, $3.050000000e+01;
	v21 =	vld.idx.msk [tilespmem:v21+s3+$0x0], $0xffff;
	[tilespmem:s24+$0xFFFFFFE0] =	vst v14  }
0x1d4: {  	v26 =	vadd.f32 $1.550000000e+01, v26;
	v35 =	vmul.f32 $5.000000000e+00, v19;
	v14 =	vtrunc.f32 v28;
	v22 =	vld.idx.msk [tilespmem:v22+s3+$0x0], $0xffff;
	[tilespmem:s24+$0xFFFFFFF0] =	vst v24;
	s24 =	smov.u32 s25  }
0x1d5: {  	v28 =	vmul.f32 $5.000000000e+00, v37;
	v34 =	vadd.f32 $1.550000000e+01, v34;
	v14 =	vcvt.f32.s32 v14;
	v36 =	vld.idx.msk [tilespmem:v20+s3+$0x0], $0xffff  }
0x1d6: {  	v18 =	vmax.f32 v18, $5.000000000e-01;
	v20 =	vmax.f32 v25, $5.000000000e-01;
	v35 =	vadd.f32 $1.550000000e+01, v35;
	v24 =	vld.idx.msk [tilespmem:v8+s3+$0x0], $0xffff  }
0x1d7: {  	v33 =	vmax.f32 v33, $5.000000000e-01;
	v26 =	vmax.f32 v26, $5.000000000e-01;
	v28 =	vadd.f32 $1.550000000e+01, v28;
	v25 =	vld.idx.msk [tilespmem:v9+s3+$0x0], $0xffff  }
0x1d8: {  	v18 =	vmin.f32 v18, $3.050000000e+01;
	v34 =	vmax.f32 v34, $5.000000000e-01;
	v35 =	vmax.f32 v35, $5.000000000e-01  }
0x1d9: {  	v20 =	vmin.f32 v20, $3.050000000e+01;
	v33 =	vmin.f32 v33, $3.050000000e+01;
	v28 =	vmax.f32 v28, $5.000000000e-01  }
0x1da: {  	v26 =	vmin.f32 v26, $3.050000000e+01;
	v34 =	vmin.f32 v34, $3.050000000e+01;
	v28 =	vmin.f32 v28, $3.050000000e+01  }
0x1db: {  	v18 =	vtrunc.f32 v18;
	v35 =	vmin.f32 v35, $3.050000000e+01;
	v38 =	vtrunc.f32 v28;
	v28 =	vld.idx.msk [tilespmem:v14+s3+$0x0], $0xffff  }
.Ltmp12:
0x1dc: {  	vm0 =	vle.f32 v23, v15;
	v15 =	vmovc v37;
	v20 =	vtrunc.f32 v20;
	v33 =	vtrunc.f32 v33;
	(pc) =	sbr.rel @p4 .LBB2_22-.Ltmp12, $4  }
0x1dd: {  	vm1 =	vle.f32 v30, v13;
	v13 =	vmovc v27;
	v37 =	vtrunc.f32 v26;
	v26 =	vtrunc.f32 v34  }
0x1de: {  	vm2 =	vle.f32 v21, v12;
	v12 =	vmovc v29;
	v27 =	vtrunc.f32 v35;
	v23 =	vcvt.f32.s32 v38  }
0x1df: {  	v30 =	vcvt.f32.s32 v18;
	v21 =	vcvt.f32.s32 v20;
	vm3 =	vle.f32 v22, v11;
	v11 =	vmovc v31  }
0x1e0: {  	s28 =	sadd.s32 $0x400, s28;
	v22 =	vcvt.f32.s32 v33;
	v20 =	vcvt.f32.s32 v37;
	vm4 =	vle.f32 v36, v10;
	v10 =	vmovc v32  }
0x1e1: {  	v32 =	vmovc v2;
	v31 =	vmovc v1;
	v35 =	vmov v4;
	v36 =	vmov v3;
	v37 =	vmov v5  }
0x1e2: {  	v34 =	vmovc v6;
	v33 =	vmovc v7;
	v29 =	vmov v16;
	v2 =	vmov v17;
	v1 =	vmov v19  }
0x1e3: {  	v4 =	vmovc v23;
	v3 =	vmovc v30;
	v5 =	vmov v21;
	v23 =	vmov v15;
	v21 =	vmov v12  }
0x1e4: {  	v18 =	vmovc v10;
	v6 =	vmovc v22;
	v7 =	vmov v20;
	v22 =	vmov v13;
	v20 =	vmov v11  }
.LBB2_24:
0x1e5: {  	_ =	sdelay $0x1  }
0x1e6: {  	vm5 =	vle.f32 v28, v29;
	v11 =	vcvt.f32.s32 v26;
	v15 =	vsel @p3 vm2, $0x1, v0  }
0x1e7: {  	s25 =	sadd.s32 @p3 $0x400, s25;
	v12 =	vsel @p3 vm0, $0x1, v0;
	v10 =	vsel vm5, $0x1, v0;
	v15 =	vadd.s32 @p3 v15, v37  }
0x1e8: {  	v13 =	vcvt.f32.s32 v27;
	v16 =	vsel @p3 vm3, $0x1, v0;
	v58 =	vld.idx.msk [tilespmem:v5+s3+$0x0], $0xffff;
	s23 =	smov.u32 @p3 s25;
	v10 =	vadd.s32 v10, v14;
	[tilespmem:s24+$0xFFFFFFB0] =	vst @p3 v15  }
0x1e9: {  	vm0 =	vle.f32 @p3 v24, v32;
	v14 =	vsel @p3 vm1, $0x1, v0;
	[tilespmem:s23+$0x0] =	vst v10;
	v10 =	vadd.s32 @p3 v12, v35;
	v12 =	vld.idx.msk [tilespmem:v4+s3+$0x0], $0xffff  }
0x1ea: {  	v17 =	vsel @p3 vm4, $0x1, v0;
	v16 =	vadd.s32 @p3 v16, v34;
	[tilespmem:s24+$0xFFFFFF90] =	vst @p3 v10;
	v10 =	vadd.s32 @p3 v14, v36;
	v14 =	vld.idx.msk [tilespmem:v3+s3+$0x0], $0xffff  }
0x1eb: {  	v19 =	vsel @p3 vm0, $0x1, v0;
	v17 =	vadd.s32 @p3 v17, v33;
	v15 =	vld.idx.msk [tilespmem:v6+s3+$0x0], $0xffff;
	[tilespmem:s24+$0xFFFFFFC0] =	vst @p3 v16  }
0x1ec: {  	vm1 =	vle.f32 @p3 v25, v31;
	v16 =	vld.idx.msk [tilespmem:v7+s3+$0x0], $0xffff;
	v8 =	vadd.s32 @p3 v19, v8;
	[tilespmem:s24+$0xFFFFFFD0] =	vst @p3 v17  }
0x1ed: {  	v24 =	vsel @p3 vm1, $0x1, v0;
	[tilespmem:s24+$0xFFFFFFE0] =	vst @p3 v8;
	vm11 =	vle.f32 v58, v21;
	v17 =	vld.idx.msk [tilespmem:v11+s3+$0x0], $0xffff  }
0x1ee: {  	v9 =	vadd.s32 @p3 v24, v9;
	[tilespmem:s24+$0xFFFFFFA0] =	vst @p3 v10;
	v8 =	vld.idx.msk [tilespmem:v13+s3+$0x0], $0xffff;
	v10 =	vsel vm11, $0x1, v0;
	vm9 =	vle.f32 v12, v23  }
0x1ef: {  	[tilespmem:s24+$0xFFFFFFF0] =	vst @p3 v9;
	v5 =	vadd.s32 v10, v5;
	vm10 =	vle.f32 v14, v22;
	v12 =	vsel vm9, $0x1, v0  }
0x1f0: {  	vm12 =	vle.f32 v15, v20;
	[tilespmem:s23+$0xFFFFFFB0] =	vst v5;
	v59 =	vsel vm10, $0x1, v0;
	v4 =	vadd.s32 v12, v4  }
0x1f1: {  	vm13 =	vle.f32 v16, v18;
	[tilespmem:s23+$0xFFFFFF90] =	vst v4;
	v3 =	vadd.s32 v59, v3;
	v4 =	vsel vm12, $0x1, v0  }
0x1f2: {  	vm14 =	vle.f32 v17, v2;
	v2 =	vsel vm13, $0x1, v0;
	[tilespmem:s23+$0xFFFFFFA0] =	vst v3;
	v3 =	vadd.s32 v4, v6  }
0x1f3: {  	vm15 =	vle.f32 v8, v1;
	v1 =	vsel vm14, $0x1, v0;
	v2 =	vadd.s32 v2, v7;
	[tilespmem:s23+$0xFFFFFFC0] =	vst v3  }
0x1f4: {  	v3 =	vsel vm15, $0x1, v0;
	v1 =	vadd.s32 v1, v11;
	[tilespmem:s23+$0xFFFFFFD0] =	vst v2  }
0x1f5: {  	v2 =	vadd.s32 v3, v13;
	[tilespmem:s23+$0xFFFFFFE0] =	vst v1  }
0x1f6: {  	s31 =	simm.s32 $0x370;
	[tilespmem:s23+$0xFFFFFFF0] =	vst v2  }
0x1f7: {  	v29 =	vld [tilespmem:s31+$0x0]  }
0x1f8: {  	v22 =	vld [tilespmem:s31+$0xFFFFFFA0]  }
0x1f9: {  	v20 =	vld [tilespmem:s31+$0xFFFFFFC0]  }
0x1fa: {  	v19 =	vld [tilespmem:s31+$0xFFFFFFD0]  }
0x1fb: {  	v2 =	vld [tilespmem:s31+$0xFFFFFFE0]  }
0x1fc: {  	v23 =	vld [tilespmem:s31+$0xFFFFFF90]  }
0x1fd: {  	v21 =	vld [tilespmem:s31+$0xFFFFFFB0]  }
0x1fe: {  	v1 =	vld [tilespmem:s31+$0xFFFFFFF0];
	v3 =	vmul.f32 $5.000000000e+00, v29  }
0x1ff: {  	v4 =	vmul.f32 $5.000000000e+00, v22;
	v6 =	vmul.f32 $5.000000000e+00, v20  }
0x200: {  	v7 =	vmul.f32 $5.000000000e+00, v19;
	v8 =	vmul.f32 $5.000000000e+00, v2  }
0x201: {  	v61 =	vmul.f32 $5.000000000e+00, v23;
	v3 =	vadd.f32 $1.550000000e+01, v3;
	v4 =	vadd.f32 $1.550000000e+01, v4  }
0x202: {  	v5 =	vmul.f32 $5.000000000e+00, v21;
	v6 =	vadd.f32 $1.550000000e+01, v6;
	v7 =	vadd.f32 $1.550000000e+01, v7  }
0x203: {  	v60 =	vmul.f32 $5.000000000e+00, v1;
	v8 =	vadd.f32 $1.550000000e+01, v8;
	v62 =	vadd.f32 $1.550000000e+01, v61  }
0x204: {  	v5 =	vadd.f32 $1.550000000e+01, v5;
	v3 =	vmax.f32 v3, $5.000000000e-01;
	v6 =	vmax.f32 v6, $5.000000000e-01  }
0x205: {  	v7 =	vmax.f32 v7, $5.000000000e-01;
	v8 =	vmax.f32 v8, $5.000000000e-01;
	v9 =	vmax.f32 v62, $5.000000000e-01  }
0x206: {  	v3 =	vmin.f32 v3, $3.050000000e+01;
	v6 =	vmin.f32 v6, $3.050000000e+01;
	v9 =	vmin.f32 v9, $3.050000000e+01  }
0x207: {  	v7 =	vmin.f32 v7, $3.050000000e+01;
	v3 =	vtrunc.f32 v3;
	v9 =	vtrunc.f32 v9  }
0x208: {  	v8 =	vmin.f32 v8, $3.050000000e+01;
	v6 =	vtrunc.f32 v6;
	v14 =	vcvt.f32.s32 v3  }
0x209: {  	v7 =	vtrunc.f32 v7;
	v26 =	vtrunc.f32 v8;
	v3 =	vmax.f32 v4, $5.000000000e-01  }
.Ltmp13:
0x20a: {  	v4 =	vmax.f32 v5, $5.000000000e-01;
	v5 =	vadd.f32 $1.550000000e+01, v60;
	v6 =	vcvt.f32.s32 v6;
	(pc) =	sbr.rel @!p2 .LBB2_25-.Ltmp13, $4  }
0x20b: {  	v7 =	vcvt.f32.s32 v7;
	v3 =	vmin.f32 v3, $3.050000000e+01;
	v4 =	vmin.f32 v4, $3.050000000e+01  }
0x20c: {  	v5 =	vmax.f32 v5, $5.000000000e-01;
	v3 =	vtrunc.f32 v3;
	v63 =	vtrunc.f32 v4  }
0x20d: {  	v4 =	vcvt.f32.s32 v9;
	v5 =	vmin.f32 v5, $3.050000000e+01;
	v3 =	vcvt.f32.s32 v3  }
0x20e: {  	s24 =	simm.s32 $0x770;
	s23 =	simm.s32 $0x8370;
	v27 =	vtrunc.f32 v5;
	v5 =	vcvt.f32.s32 v63;
	v28 =	vld.idx.msk [tilespmem:v14+s3+$0x0], $0xffff  }
0x20f: {  	v16 =	vld [tilespmem:s24+$0x0]  }
0x210: {  	v13 =	vld [tilespmem:s24+$0xFFFFFFA0]  }
0x211: {  	v12 =	vld [tilespmem:s24+$0xFFFFFFB0]  }
0x212: {  	v11 =	vld [tilespmem:s24+$0xFFFFFFC0]  }
0x213: {  	v18 =	vld [tilespmem:s24+$0xFFFFFFF0]  }
0x214: {  	v15 =	vld [tilespmem:s24+$0xFFFFFF90]  }
0x215: {  	v33 =	vld.idx.msk [tilespmem:v3+s3+$0x0], $0xffff  }
0x216: {  	v35 =	vld.idx.msk [tilespmem:v6+s3+$0x0], $0xffff  }
0x217: {  	v10 =	vld [tilespmem:s24+$0xFFFFFFD0];
	v8 =	vcvt.f32.s32 v26;
	v9 =	vcvt.f32.s32 v27  }
0x218: {  	v17 =	vld [tilespmem:s24+$0xFFFFFFE0];
	vm0 =	vle.f32 v28, v29;
	v24 =	vmul.f32 $5.000000000e+00, v16;
	v25 =	vmul.f32 $5.000000000e+00, v13  }
0x219: {  	v36 =	vld.idx.msk [tilespmem:v7+s3+$0x0], $0xffff;
	v26 =	vsel vm0, $0x1, v0;
	v27 =	vmul.f32 $5.000000000e+00, v12;
	v30 =	vmul.f32 $5.000000000e+00, v18  }
0x21a: {  	v31 =	vmul.f32 $5.000000000e+00, v15;
	vm1 =	vle.f32 v33, v22;
	v24 =	vadd.f32 $1.550000000e+01, v24  }
0x21b: {  	vm3 =	vle.f32 v35, v20;
	v28 =	vadd.s32 v26, v14;
	v14 =	vmul.f32 $5.000000000e+00, v11  }
0x21c: {  	v26 =	vadd.f32 $1.550000000e+01, v27;
	v27 =	vmul.f32 $5.000000000e+00, v10;
	v24 =	vmax.f32 v24, $5.000000000e-01  }
0x21d: {  	v29 =	vadd.f32 $1.550000000e+01, v14;
	v14 =	vmul.f32 $5.000000000e+00, v17;
	v24 =	vmin.f32 v24, $3.050000000e+01  }
0x21e: {  	vm4 =	vle.f32 v36, v19;
	v31 =	vadd.f32 $1.550000000e+01, v31;
	v24 =	vtrunc.f32 v24  }
0x21f: {  	v27 =	vadd.f32 $1.550000000e+01, v27;
	v32 =	vadd.f32 $1.550000000e+01, v14;
	v14 =	vcvt.f32.s32 v24  }
0x220: {  	v25 =	vadd.f32 $1.550000000e+01, v25;
	v31 =	vmax.f32 v31, $5.000000000e-01;
	v29 =	vmax.f32 v29, $5.000000000e-01  }
0x221: {  	v31 =	vmin.f32 v31, $3.050000000e+01;
	v27 =	vmax.f32 v27, $5.000000000e-01;
	v29 =	vmin.f32 v29, $3.050000000e+01  }
0x222: {  	v34 =	vld.idx.msk [tilespmem:v5+s3+$0x0], $0xffff;
	v31 =	vtrunc.f32 v31;
	v24 =	vmax.f32 v25, $5.000000000e-01;
	v25 =	vmax.f32 v26, $5.000000000e-01  }
0x223: {  	v26 =	vadd.f32 $1.550000000e+01, v30;
	v30 =	vld.idx.msk [tilespmem:v4+s3+$0x0], $0xffff;
	v32 =	vmax.f32 v32, $5.000000000e-01;
	v24 =	vmin.f32 v24, $3.050000000e+01  }
0x224: {  	p2 =	por $0x1, $0x1;
	v27 =	vmin.f32 v27, $3.050000000e+01;
	v29 =	vtrunc.f32 v29;
	v37 =	vtrunc.f32 v24;
	v24 =	vld.idx.msk [tilespmem:v8+s3+$0x0], $0xffff  }
.Ltmp14:
0x225: {  	[tilespmem:s23+$0x0] =	vst v28;
	v25 =	vmin.f32 v25, $3.050000000e+01;
	v32 =	vmin.f32 v32, $3.050000000e+01;
	v40 =	vtrunc.f32 v27;
	v28 =	vld.idx.msk [tilespmem:v14+s3+$0x0], $0xffff;
	(pc) =	sbr.rel @!p2 .LBB2_27-.Ltmp14, $4  }
0x226: {  	v22 =	vcvt.f32.s32 v29;
	v26 =	vmax.f32 v26, $5.000000000e-01;
	v39 =	vtrunc.f32 v25;
	v25 =	vld.idx.msk [tilespmem:v9+s3+$0x0], $0xffff  }
0x227: {  	v20 =	vcvt.f32.s32 v40;
	v38 =	vmin.f32 v26, $3.050000000e+01;
	v26 =	vtrunc.f32 v32  }
0x228: {  	s26 =	simm.s32 $0x80;
	s28 =	simm.s32 $0xB70;
	vm2 =	vle.f32 v34, v21;
	v21 =	vcvt.f32.s32 v39;
	v27 =	vtrunc.f32 v38  }
0x229: {  	p1 =	por $0x1, $0x1;
	s25 =	simm.s32 $0x8370;
	s24 =	simm.s32 $0x8370;
	vm0 =	vle.f32 v30, v23;
	v23 =	vcvt.f32.s32 v31;
	v30 =	vcvt.f32.s32 v37  }
.LBB2_28:
0x22a: {  	s26 =	sadd.s32 $0x80, s26;
	v19 =	vcvt.f32.s32 v26;
	v26 =	vcvt.f32.s32 v27;
	vm5 =	vle.f32 v28, v16;
	v16 =	vld [tilespmem:s28+$0x0]  }
0x22b: {  	vm6 =	vle.f32 v25, v1;
	v1 =	vmovc v18;
	v27 =	vld [tilespmem:s28+$0xFFFFFFA0];
	p2 =	slt.u32 s26, $0x780;
	v28 =	vsel vm5, $0x1, v0;
	vm5 =	vle.f32 v24, v2;
	v2 =	vmovc v17  }
0x22c: {  	v18 =	vsel vm1, $0x1, v0;
	s25 =	sadd.s32 $0x400, s25;
	v17 =	vsel vm0, $0x1, v0;
	v29 =	vld [tilespmem:s28+$0xFFFFFFB0];
	v14 =	vadd.s32 v28, v14  }
0x22d: {  	v25 =	vsel vm4, $0x1, v0;
	v24 =	vsel vm3, $0x1, v0;
	v31 =	vld [tilespmem:s28+$0xFFFFFFC0];
	[tilespmem:s25+$0x0] =	vst v14;
	v14 =	vsel vm2, $0x1, v0  }
0x22e: {  	v34 =	vsel vm6, $0x1, v0;
	v28 =	vadd.s32 v17, v4;
	v33 =	vsel vm5, $0x1, v0;
	v4 =	vmovc v23;
	v32 =	vld [tilespmem:s28+$0xFFFFFFD0]  }
0x22f: {  	v14 =	vadd.s32 v14, v5;
	v17 =	vld [tilespmem:s28+$0xFFFFFFE0];
	v35 =	vmul.f32 $5.000000000e+00, v16;
	[tilespmem:s24+$0xFFFFFF90] =	vst v28;
	v28 =	vadd.s32 v18, v3;
	v3 =	vmovc v30  }
0x230: {  	v7 =	vadd.s32 v25, v7;
	v24 =	vadd.s32 v24, v6;
	v5 =	vmovc v21;
	v36 =	vmul.f32 $5.000000000e+00, v27;
	v18 =	vld [tilespmem:s28+$0xFFFFFFF0];
	[tilespmem:s24+$0xFFFFFFA0] =	vst v28  }
0x231: {  	v6 =	vmovc v22;
	v37 =	vld [tilespmem:s28+$0xFFFFFF90];
	v25 =	vmul.f32 $5.000000000e+00, v29;
	v28 =	vadd.f32 $1.550000000e+01, v35;
	[tilespmem:s24+$0xFFFFFFB0] =	vst v14;
	v14 =	vadd.s32 v33, v8;
	v8 =	vmovc v19  }
0x232: {  	v19 =	vadd.f32 $1.550000000e+01, v36;
	v33 =	vmul.f32 $5.000000000e+00, v31;
	v23 =	vld.idx.msk [tilespmem:v23+s3+$0x0], $0xffff;
	[tilespmem:s24+$0xFFFFFFC0] =	vst v24;
	v24 =	vadd.s32 v34, v9;
	v9 =	vmovc v26  }
0x233: {  	v25 =	vadd.f32 $1.550000000e+01, v25;
	v26 =	vmul.f32 $5.000000000e+00, v32;
	v28 =	vmax.f32 v28, $5.000000000e-01;
	v30 =	vld.idx.msk [tilespmem:v30+s3+$0x0], $0xffff;
	[tilespmem:s24+$0xFFFFFFD0] =	vst v7;
	v7 =	vmovc v20  }
0x234: {  	v33 =	vadd.f32 $1.550000000e+01, v33;
	v34 =	vmul.f32 $5.000000000e+00, v17;
	v28 =	vmin.f32 v28, $3.050000000e+01;
	v21 =	vld.idx.msk [tilespmem:v21+s3+$0x0], $0xffff;
	[tilespmem:s24+$0xFFFFFFE0] =	vst v14  }
0x235: {  	v26 =	vadd.f32 $1.550000000e+01, v26;
	v35 =	vmul.f32 $5.000000000e+00, v18;
	v14 =	vtrunc.f32 v28;
	v22 =	vld.idx.msk [tilespmem:v22+s3+$0x0], $0xffff;
	[tilespmem:s24+$0xFFFFFFF0] =	vst v24;
	s24 =	smov.u32 s25  }
0x236: {  	v28 =	vmul.f32 $5.000000000e+00, v37;
	v34 =	vadd.f32 $1.550000000e+01, v34;
	v14 =	vcvt.f32.s32 v14;
	v36 =	vld.idx.msk [tilespmem:v20+s3+$0x0], $0xffff  }
0x237: {  	v19 =	vmax.f32 v19, $5.000000000e-01;
	v20 =	vmax.f32 v25, $5.000000000e-01;
	v35 =	vadd.f32 $1.550000000e+01, v35;
	v24 =	vld.idx.msk [tilespmem:v8+s3+$0x0], $0xffff  }
0x238: {  	v33 =	vmax.f32 v33, $5.000000000e-01;
	v26 =	vmax.f32 v26, $5.000000000e-01;
	v28 =	vadd.f32 $1.550000000e+01, v28;
	v25 =	vld.idx.msk [tilespmem:v9+s3+$0x0], $0xffff  }
0x239: {  	v19 =	vmin.f32 v19, $3.050000000e+01;
	v34 =	vmax.f32 v34, $5.000000000e-01;
	v35 =	vmax.f32 v35, $5.000000000e-01  }
0x23a: {  	v20 =	vmin.f32 v20, $3.050000000e+01;
	v33 =	vmin.f32 v33, $3.050000000e+01;
	v28 =	vmax.f32 v28, $5.000000000e-01  }
0x23b: {  	v26 =	vmin.f32 v26, $3.050000000e+01;
	v34 =	vmin.f32 v34, $3.050000000e+01;
	v28 =	vmin.f32 v28, $3.050000000e+01  }
0x23c: {  	v19 =	vtrunc.f32 v19;
	v35 =	vmin.f32 v35, $3.050000000e+01;
	v38 =	vtrunc.f32 v28;
	v28 =	vld.idx.msk [tilespmem:v14+s3+$0x0], $0xffff  }
.Ltmp15:
0x23d: {  	vm0 =	vle.f32 v23, v15;
	v15 =	vmovc v37;
	v20 =	vtrunc.f32 v20;
	v33 =	vtrunc.f32 v33;
	(pc) =	sbr.rel @p2 .LBB2_28-.Ltmp15, $4  }
0x23e: {  	vm1 =	vle.f32 v30, v13;
	v13 =	vmovc v27;
	v37 =	vtrunc.f32 v26;
	v26 =	vtrunc.f32 v34  }
0x23f: {  	vm2 =	vle.f32 v21, v12;
	v12 =	vmovc v29;
	v27 =	vtrunc.f32 v35;
	v23 =	vcvt.f32.s32 v38  }
0x240: {  	v30 =	vcvt.f32.s32 v19;
	v21 =	vcvt.f32.s32 v20;
	vm3 =	vle.f32 v22, v11;
	v11 =	vmovc v31  }
0x241: {  	s28 =	sadd.s32 $0x400, s28;
	v22 =	vcvt.f32.s32 v33;
	v20 =	vcvt.f32.s32 v37;
	vm4 =	vle.f32 v36, v10;
	v10 =	vmovc v32  }
0x242: {  	v32 =	vmovc v2;
	v31 =	vmovc v1;
	v35 =	vmov v4;
	v36 =	vmov v3;
	v37 =	vmov v5  }
0x243: {  	v34 =	vmovc v6;
	v33 =	vmovc v7;
	v29 =	vmov v16;
	v2 =	vmov v17;
	v1 =	vmov v18  }
0x244: {  	v4 =	vmovc v23;
	v3 =	vmovc v30;
	v5 =	vmov v21;
	v23 =	vmov v15;
	v21 =	vmov v12  }
0x245: {  	v19 =	vmovc v10;
	v6 =	vmovc v22;
	v7 =	vmov v20;
	v22 =	vmov v13;
	v20 =	vmov v11  }
.LBB2_30:
0x246: {  	_ =	sdelay $0x1  }
0x247: {  	vm5 =	vle.f32 v28, v29;
	v11 =	vcvt.f32.s32 v26;
	v15 =	vsel @p1 vm2, $0x1, v0  }
0x248: {  	s25 =	sadd.s32 @p1 $0x400, s25;
	v12 =	vsel @p1 vm0, $0x1, v0;
	v10 =	vsel vm5, $0x1, v0;
	v15 =	vadd.s32 @p1 v15, v37  }
0x249: {  	v13 =	vcvt.f32.s32 v27;
	v16 =	vsel @p1 vm3, $0x1, v0;
	v58 =	vld.idx.msk [tilespmem:v5+s3+$0x0], $0xffff;
	s23 =	smov.u32 @p1 s25;
	v10 =	vadd.s32 v10, v14;
	[tilespmem:s24+$0xFFFFFFB0] =	vst @p1 v15  }
0x24a: {  	vm0 =	vle.f32 @p1 v24, v32;
	v14 =	vsel @p1 vm1, $0x1, v0;
	[tilespmem:s23+$0x0] =	vst v10;
	v10 =	vadd.s32 @p1 v12, v35;
	v12 =	vld.idx.msk [tilespmem:v4+s3+$0x0], $0xffff  }
0x24b: {  	v17 =	vsel @p1 vm4, $0x1, v0;
	v16 =	vadd.s32 @p1 v16, v34;
	[tilespmem:s24+$0xFFFFFF90] =	vst @p1 v10;
	v10 =	vadd.s32 @p1 v14, v36;
	v14 =	vld.idx.msk [tilespmem:v3+s3+$0x0], $0xffff  }
0x24c: {  	v18 =	vsel @p1 vm0, $0x1, v0;
	v17 =	vadd.s32 @p1 v17, v33;
	v15 =	vld.idx.msk [tilespmem:v6+s3+$0x0], $0xffff;
	[tilespmem:s24+$0xFFFFFFC0] =	vst @p1 v16  }
0x24d: {  	vm1 =	vle.f32 @p1 v25, v31;
	v16 =	vld.idx.msk [tilespmem:v7+s3+$0x0], $0xffff;
	v8 =	vadd.s32 @p1 v18, v8;
	[tilespmem:s24+$0xFFFFFFD0] =	vst @p1 v17  }
0x24e: {  	v24 =	vsel @p1 vm1, $0x1, v0;
	[tilespmem:s24+$0xFFFFFFE0] =	vst @p1 v8;
	vm11 =	vle.f32 v58, v21;
	v17 =	vld.idx.msk [tilespmem:v11+s3+$0x0], $0xffff  }
0x24f: {  	v9 =	vadd.s32 @p1 v24, v9;
	[tilespmem:s24+$0xFFFFFFA0] =	vst @p1 v10;
	v8 =	vld.idx.msk [tilespmem:v13+s3+$0x0], $0xffff;
	v10 =	vsel vm11, $0x1, v0;
	vm9 =	vle.f32 v12, v23  }
0x250: {  	[tilespmem:s24+$0xFFFFFFF0] =	vst @p1 v9;
	v5 =	vadd.s32 v10, v5;
	vm10 =	vle.f32 v14, v22;
	v12 =	vsel vm9, $0x1, v0  }
0x251: {  	vm12 =	vle.f32 v15, v20;
	[tilespmem:s23+$0xFFFFFFB0] =	vst v5;
	v59 =	vsel vm10, $0x1, v0;
	v4 =	vadd.s32 v12, v4  }
0x252: {  	vm13 =	vle.f32 v16, v19;
	[tilespmem:s23+$0xFFFFFF90] =	vst v4;
	v3 =	vadd.s32 v59, v3;
	v4 =	vsel vm12, $0x1, v0  }
0x253: {  	vm14 =	vle.f32 v17, v2;
	v2 =	vsel vm13, $0x1, v0;
	[tilespmem:s23+$0xFFFFFFA0] =	vst v3;
	v3 =	vadd.s32 v4, v6  }
0x254: {  	vm15 =	vle.f32 v8, v1;
	v1 =	vsel vm14, $0x1, v0;
	v2 =	vadd.s32 v2, v7;
	[tilespmem:s23+$0xFFFFFFC0] =	vst v3  }
0x255: {  	v3 =	vsel vm15, $0x1, v0;
	v1 =	vadd.s32 v1, v11;
	[tilespmem:s23+$0xFFFFFFD0] =	vst v2  }
0x256: {  	v2 =	vadd.s32 v3, v13;
	[tilespmem:s23+$0xFFFFFFE0] =	vst v1  }
0x257: {  	s31 =	simm.s32 $0x3F0;
	[tilespmem:s23+$0xFFFFFFF0] =	vst v2  }
0x258: {  	v29 =	vld [tilespmem:s31+$0x0]  }
0x259: {  	v22 =	vld [tilespmem:s31+$0xFFFFFFA0]  }
0x25a: {  	v20 =	vld [tilespmem:s31+$0xFFFFFFC0]  }
0x25b: {  	v18 =	vld [tilespmem:s31+$0xFFFFFFD0]  }
0x25c: {  	v2 =	vld [tilespmem:s31+$0xFFFFFFE0]  }
0x25d: {  	v23 =	vld [tilespmem:s31+$0xFFFFFF90]  }
0x25e: {  	v21 =	vld [tilespmem:s31+$0xFFFFFFB0]  }
0x25f: {  	v1 =	vld [tilespmem:s31+$0xFFFFFFF0];
	v3 =	vmul.f32 $5.000000000e+00, v29  }
0x260: {  	v4 =	vmul.f32 $5.000000000e+00, v22;
	v6 =	vmul.f32 $5.000000000e+00, v20  }
0x261: {  	v7 =	vmul.f32 $5.000000000e+00, v18;
	v8 =	vmul.f32 $5.000000000e+00, v2  }
0x262: {  	v61 =	vmul.f32 $5.000000000e+00, v23;
	v3 =	vadd.f32 $1.550000000e+01, v3;
	v4 =	vadd.f32 $1.550000000e+01, v4  }
0x263: {  	v5 =	vmul.f32 $5.000000000e+00, v21;
	v6 =	vadd.f32 $1.550000000e+01, v6;
	v7 =	vadd.f32 $1.550000000e+01, v7  }
0x264: {  	v60 =	vmul.f32 $5.000000000e+00, v1;
	v8 =	vadd.f32 $1.550000000e+01, v8;
	v62 =	vadd.f32 $1.550000000e+01, v61  }
0x265: {  	v5 =	vadd.f32 $1.550000000e+01, v5;
	v3 =	vmax.f32 v3, $5.000000000e-01;
	v6 =	vmax.f32 v6, $5.000000000e-01  }
0x266: {  	v7 =	vmax.f32 v7, $5.000000000e-01;
	v8 =	vmax.f32 v8, $5.000000000e-01;
	v9 =	vmax.f32 v62, $5.000000000e-01  }
0x267: {  	v3 =	vmin.f32 v3, $3.050000000e+01;
	v6 =	vmin.f32 v6, $3.050000000e+01;
	v9 =	vmin.f32 v9, $3.050000000e+01  }
0x268: {  	v7 =	vmin.f32 v7, $3.050000000e+01;
	v3 =	vtrunc.f32 v3;
	v9 =	vtrunc.f32 v9  }
0x269: {  	v8 =	vmin.f32 v8, $3.050000000e+01;
	v6 =	vtrunc.f32 v6;
	v14 =	vcvt.f32.s32 v3  }
0x26a: {  	p2 =	por $0x1, $0x1;
	v7 =	vtrunc.f32 v7;
	v26 =	vtrunc.f32 v8;
	v3 =	vmax.f32 v4, $5.000000000e-01  }
.Ltmp16:
0x26b: {  	v4 =	vmax.f32 v5, $5.000000000e-01;
	v5 =	vadd.f32 $1.550000000e+01, v60;
	v6 =	vcvt.f32.s32 v6;
	(pc) =	sbr.rel @!p2 .LBB2_31-.Ltmp16, $4  }
0x26c: {  	v7 =	vcvt.f32.s32 v7;
	v3 =	vmin.f32 v3, $3.050000000e+01;
	v4 =	vmin.f32 v4, $3.050000000e+01  }
0x26d: {  	v5 =	vmax.f32 v5, $5.000000000e-01;
	v3 =	vtrunc.f32 v3;
	v63 =	vtrunc.f32 v4  }
0x26e: {  	v4 =	vcvt.f32.s32 v9;
	v5 =	vmin.f32 v5, $3.050000000e+01;
	v3 =	vcvt.f32.s32 v3  }
0x26f: {  	s24 =	simm.s32 $0x7F0;
	p1 =	por $0x0, $0x0;
	s23 =	simm.s32 $0x83F0;
	v27 =	vtrunc.f32 v5;
	v5 =	vcvt.f32.s32 v63;
	v28 =	vld.idx.msk [tilespmem:v14+s3+$0x0], $0xffff  }
0x270: {  	v16 =	vld [tilespmem:s24+$0x0]  }
0x271: {  	v13 =	vld [tilespmem:s24+$0xFFFFFFA0]  }
0x272: {  	v12 =	vld [tilespmem:s24+$0xFFFFFFB0]  }
0x273: {  	v11 =	vld [tilespmem:s24+$0xFFFFFFC0]  }
0x274: {  	v19 =	vld [tilespmem:s24+$0xFFFFFFF0]  }
0x275: {  	v15 =	vld [tilespmem:s24+$0xFFFFFF90]  }
0x276: {  	v33 =	vld.idx.msk [tilespmem:v3+s3+$0x0], $0xffff  }
0x277: {  	v35 =	vld.idx.msk [tilespmem:v6+s3+$0x0], $0xffff  }
0x278: {  	v10 =	vld [tilespmem:s24+$0xFFFFFFD0];
	v8 =	vcvt.f32.s32 v26;
	v9 =	vcvt.f32.s32 v27  }
0x279: {  	v17 =	vld [tilespmem:s24+$0xFFFFFFE0];
	vm0 =	vle.f32 v28, v29;
	v24 =	vmul.f32 $5.000000000e+00, v16;
	v25 =	vmul.f32 $5.000000000e+00, v13  }
0x27a: {  	v36 =	vld.idx.msk [tilespmem:v7+s3+$0x0], $0xffff;
	v26 =	vsel vm0, $0x1, v0;
	v27 =	vmul.f32 $5.000000000e+00, v12;
	v30 =	vmul.f32 $5.000000000e+00, v19  }
0x27b: {  	v31 =	vmul.f32 $5.000000000e+00, v15;
	vm1 =	vle.f32 v33, v22;
	v24 =	vadd.f32 $1.550000000e+01, v24  }
0x27c: {  	vm3 =	vle.f32 v35, v20;
	v28 =	vadd.s32 v26, v14;
	v14 =	vmul.f32 $5.000000000e+00, v11  }
0x27d: {  	v26 =	vadd.f32 $1.550000000e+01, v27;
	v27 =	vmul.f32 $5.000000000e+00, v10;
	v24 =	vmax.f32 v24, $5.000000000e-01  }
0x27e: {  	v29 =	vadd.f32 $1.550000000e+01, v14;
	v14 =	vmul.f32 $5.000000000e+00, v17;
	v24 =	vmin.f32 v24, $3.050000000e+01  }
0x27f: {  	vm4 =	vle.f32 v36, v18;
	v31 =	vadd.f32 $1.550000000e+01, v31;
	v24 =	vtrunc.f32 v24  }
0x280: {  	v27 =	vadd.f32 $1.550000000e+01, v27;
	v32 =	vadd.f32 $1.550000000e+01, v14;
	v14 =	vcvt.f32.s32 v24  }
0x281: {  	v25 =	vadd.f32 $1.550000000e+01, v25;
	v31 =	vmax.f32 v31, $5.000000000e-01;
	v29 =	vmax.f32 v29, $5.000000000e-01  }
0x282: {  	v31 =	vmin.f32 v31, $3.050000000e+01;
	v27 =	vmax.f32 v27, $5.000000000e-01;
	v29 =	vmin.f32 v29, $3.050000000e+01  }
0x283: {  	v34 =	vld.idx.msk [tilespmem:v5+s3+$0x0], $0xffff;
	v31 =	vtrunc.f32 v31;
	v24 =	vmax.f32 v25, $5.000000000e-01;
	v25 =	vmax.f32 v26, $5.000000000e-01  }
0x284: {  	v26 =	vadd.f32 $1.550000000e+01, v30;
	v30 =	vld.idx.msk [tilespmem:v4+s3+$0x0], $0xffff;
	v32 =	vmax.f32 v32, $5.000000000e-01;
	v24 =	vmin.f32 v24, $3.050000000e+01  }
0x285: {  	p4 =	por $0x1, $0x1;
	v27 =	vmin.f32 v27, $3.050000000e+01;
	v29 =	vtrunc.f32 v29;
	v37 =	vtrunc.f32 v24;
	v24 =	vld.idx.msk [tilespmem:v8+s3+$0x0], $0xffff  }
.Ltmp17:
0x286: {  	[tilespmem:s23+$0x0] =	vst v28;
	v25 =	vmin.f32 v25, $3.050000000e+01;
	v32 =	vmin.f32 v32, $3.050000000e+01;
	v40 =	vtrunc.f32 v27;
	v28 =	vld.idx.msk [tilespmem:v14+s3+$0x0], $0xffff;
	(pc) =	sbr.rel @!p4 .LBB2_33-.Ltmp17, $4  }
0x287: {  	v22 =	vcvt.f32.s32 v29;
	v26 =	vmax.f32 v26, $5.000000000e-01;
	v39 =	vtrunc.f32 v25;
	v25 =	vld.idx.msk [tilespmem:v9+s3+$0x0], $0xffff  }
0x288: {  	v20 =	vcvt.f32.s32 v40;
	v38 =	vmin.f32 v26, $3.050000000e+01;
	v26 =	vtrunc.f32 v32  }
0x289: {  	s26 =	simm.s32 $0x80;
	s28 =	simm.s32 $0xBF0;
	vm2 =	vle.f32 v34, v21;
	v21 =	vcvt.f32.s32 v39;
	v27 =	vtrunc.f32 v38  }
0x28a: {  	p3 =	por $0x1, $0x1;
	s25 =	simm.s32 $0x83F0;
	s24 =	simm.s32 $0x83F0;
	vm0 =	vle.f32 v30, v23;
	v23 =	vcvt.f32.s32 v31;
	v30 =	vcvt.f32.s32 v37  }
.LBB2_34:
0x28b: {  	s26 =	sadd.s32 $0x80, s26;
	v18 =	vcvt.f32.s32 v26;
	v26 =	vcvt.f32.s32 v27;
	vm5 =	vle.f32 v28, v16;
	v16 =	vld [tilespmem:s28+$0x0]  }
0x28c: {  	vm6 =	vle.f32 v25, v1;
	v1 =	vmovc v19;
	v27 =	vld [tilespmem:s28+$0xFFFFFFA0];
	p4 =	slt.u32 s26, $0x780;
	v28 =	vsel vm5, $0x1, v0;
	vm5 =	vle.f32 v24, v2;
	v2 =	vmovc v17  }
0x28d: {  	v19 =	vsel vm1, $0x1, v0;
	s25 =	sadd.s32 $0x400, s25;
	v17 =	vsel vm0, $0x1, v0;
	v29 =	vld [tilespmem:s28+$0xFFFFFFB0];
	v14 =	vadd.s32 v28, v14  }
0x28e: {  	v25 =	vsel vm4, $0x1, v0;
	v24 =	vsel vm3, $0x1, v0;
	v31 =	vld [tilespmem:s28+$0xFFFFFFC0];
	[tilespmem:s25+$0x0] =	vst v14;
	v14 =	vsel vm2, $0x1, v0  }
0x28f: {  	v34 =	vsel vm6, $0x1, v0;
	v28 =	vadd.s32 v17, v4;
	v33 =	vsel vm5, $0x1, v0;
	v4 =	vmovc v23;
	v32 =	vld [tilespmem:s28+$0xFFFFFFD0]  }
0x290: {  	v14 =	vadd.s32 v14, v5;
	v17 =	vld [tilespmem:s28+$0xFFFFFFE0];
	v35 =	vmul.f32 $5.000000000e+00, v16;
	[tilespmem:s24+$0xFFFFFF90] =	vst v28;
	v28 =	vadd.s32 v19, v3;
	v3 =	vmovc v30  }
0x291: {  	v7 =	vadd.s32 v25, v7;
	v24 =	vadd.s32 v24, v6;
	v5 =	vmovc v21;
	v36 =	vmul.f32 $5.000000000e+00, v27;
	v19 =	vld [tilespmem:s28+$0xFFFFFFF0];
	[tilespmem:s24+$0xFFFFFFA0] =	vst v28  }
0x292: {  	v6 =	vmovc v22;
	v37 =	vld [tilespmem:s28+$0xFFFFFF90];
	v25 =	vmul.f32 $5.000000000e+00, v29;
	v28 =	vadd.f32 $1.550000000e+01, v35;
	[tilespmem:s24+$0xFFFFFFB0] =	vst v14;
	v14 =	vadd.s32 v33, v8;
	v8 =	vmovc v18  }
0x293: {  	v18 =	vadd.f32 $1.550000000e+01, v36;
	v33 =	vmul.f32 $5.000000000e+00, v31;
	v23 =	vld.idx.msk [tilespmem:v23+s3+$0x0], $0xffff;
	[tilespmem:s24+$0xFFFFFFC0] =	vst v24;
	v24 =	vadd.s32 v34, v9;
	v9 =	vmovc v26  }
0x294: {  	v25 =	vadd.f32 $1.550000000e+01, v25;
	v26 =	vmul.f32 $5.000000000e+00, v32;
	v28 =	vmax.f32 v28, $5.000000000e-01;
	v30 =	vld.idx.msk [tilespmem:v30+s3+$0x0], $0xffff;
	[tilespmem:s24+$0xFFFFFFD0] =	vst v7;
	v7 =	vmovc v20  }
0x295: {  	v33 =	vadd.f32 $1.550000000e+01, v33;
	v34 =	vmul.f32 $5.000000000e+00, v17;
	v28 =	vmin.f32 v28, $3.050000000e+01;
	v21 =	vld.idx.msk [tilespmem:v21+s3+$0x0], $0xffff;
	[tilespmem:s24+$0xFFFFFFE0] =	vst v14  }
0x296: {  	v26 =	vadd.f32 $1.550000000e+01, v26;
	v35 =	vmul.f32 $5.000000000e+00, v19;
	v14 =	vtrunc.f32 v28;
	v22 =	vld.idx.msk [tilespmem:v22+s3+$0x0], $0xffff;
	[tilespmem:s24+$0xFFFFFFF0] =	vst v24;
	s24 =	smov.u32 s25  }
0x297: {  	v28 =	vmul.f32 $5.000000000e+00, v37;
	v34 =	vadd.f32 $1.550000000e+01, v34;
	v14 =	vcvt.f32.s32 v14;
	v36 =	vld.idx.msk [tilespmem:v20+s3+$0x0], $0xffff  }
0x298: {  	v18 =	vmax.f32 v18, $5.000000000e-01;
	v20 =	vmax.f32 v25, $5.000000000e-01;
	v35 =	vadd.f32 $1.550000000e+01, v35;
	v24 =	vld.idx.msk [tilespmem:v8+s3+$0x0], $0xffff  }
0x299: {  	v33 =	vmax.f32 v33, $5.000000000e-01;
	v26 =	vmax.f32 v26, $5.000000000e-01;
	v28 =	vadd.f32 $1.550000000e+01, v28;
	v25 =	vld.idx.msk [tilespmem:v9+s3+$0x0], $0xffff  }
0x29a: {  	v18 =	vmin.f32 v18, $3.050000000e+01;
	v34 =	vmax.f32 v34, $5.000000000e-01;
	v35 =	vmax.f32 v35, $5.000000000e-01  }
0x29b: {  	v20 =	vmin.f32 v20, $3.050000000e+01;
	v33 =	vmin.f32 v33, $3.050000000e+01;
	v28 =	vmax.f32 v28, $5.000000000e-01  }
0x29c: {  	v26 =	vmin.f32 v26, $3.050000000e+01;
	v34 =	vmin.f32 v34, $3.050000000e+01;
	v28 =	vmin.f32 v28, $3.050000000e+01  }
0x29d: {  	v18 =	vtrunc.f32 v18;
	v35 =	vmin.f32 v35, $3.050000000e+01;
	v38 =	vtrunc.f32 v28;
	v28 =	vld.idx.msk [tilespmem:v14+s3+$0x0], $0xffff  }
.Ltmp18:
0x29e: {  	vm0 =	vle.f32 v23, v15;
	v15 =	vmovc v37;
	v20 =	vtrunc.f32 v20;
	v33 =	vtrunc.f32 v33;
	(pc) =	sbr.rel @p4 .LBB2_34-.Ltmp18, $4  }
0x29f: {  	vm1 =	vle.f32 v30, v13;
	v13 =	vmovc v27;
	v37 =	vtrunc.f32 v26;
	v26 =	vtrunc.f32 v34  }
0x2a0: {  	vm2 =	vle.f32 v21, v12;
	v12 =	vmovc v29;
	v27 =	vtrunc.f32 v35;
	v23 =	vcvt.f32.s32 v38  }
0x2a1: {  	v30 =	vcvt.f32.s32 v18;
	v21 =	vcvt.f32.s32 v20;
	vm3 =	vle.f32 v22, v11;
	v11 =	vmovc v31  }
0x2a2: {  	s28 =	sadd.s32 $0x400, s28;
	v22 =	vcvt.f32.s32 v33;
	v20 =	vcvt.f32.s32 v37;
	vm4 =	vle.f32 v36, v10;
	v10 =	vmovc v32  }
0x2a3: {  	v32 =	vmovc v2;
	v31 =	vmovc v1;
	v35 =	vmov v4;
	v36 =	vmov v3;
	v37 =	vmov v5  }
0x2a4: {  	v34 =	vmovc v6;
	v33 =	vmovc v7;
	v29 =	vmov v16;
	v2 =	vmov v17;
	v1 =	vmov v19  }
0x2a5: {  	v4 =	vmovc v23;
	v3 =	vmovc v30;
	v5 =	vmov v21;
	v23 =	vmov v15;
	v21 =	vmov v12  }
0x2a6: {  	v18 =	vmovc v10;
	v6 =	vmovc v22;
	v7 =	vmov v20;
	v22 =	vmov v13;
	v20 =	vmov v11  }
.LBB2_36:
0x2a7: {  	_ =	sdelay $0x1  }
0x2a8: {  	vm5 =	vle.f32 v28, v29;
	v11 =	vcvt.f32.s32 v26;
	v15 =	vsel @p3 vm2, $0x1, v0  }
0x2a9: {  	s25 =	sadd.s32 @p3 $0x400, s25;
	v12 =	vsel @p3 vm0, $0x1, v0;
	v10 =	vsel vm5, $0x1, v0;
	v15 =	vadd.s32 @p3 v15, v37  }
0x2aa: {  	v13 =	vcvt.f32.s32 v27;
	v16 =	vsel @p3 vm3, $0x1, v0;
	v58 =	vld.idx.msk [tilespmem:v5+s3+$0x0], $0xffff;
	s23 =	smov.u32 @p3 s25;
	v10 =	vadd.s32 v10, v14;
	[tilespmem:s24+$0xFFFFFFB0] =	vst @p3 v15  }
0x2ab: {  	vm0 =	vle.f32 @p3 v24, v32;
	v14 =	vsel @p3 vm1, $0x1, v0;
	[tilespmem:s23+$0x0] =	vst v10;
	v10 =	vadd.s32 @p3 v12, v35;
	v12 =	vld.idx.msk [tilespmem:v4+s3+$0x0], $0xffff  }
0x2ac: {  	v17 =	vsel @p3 vm4, $0x1, v0;
	v16 =	vadd.s32 @p3 v16, v34;
	[tilespmem:s24+$0xFFFFFF90] =	vst @p3 v10;
	v10 =	vadd.s32 @p3 v14, v36;
	v14 =	vld.idx.msk [tilespmem:v3+s3+$0x0], $0xffff  }
0x2ad: {  	v19 =	vsel @p3 vm0, $0x1, v0;
	v17 =	vadd.s32 @p3 v17, v33;
	v15 =	vld.idx.msk [tilespmem:v6+s3+$0x0], $0xffff;
	[tilespmem:s24+$0xFFFFFFC0] =	vst @p3 v16  }
0x2ae: {  	vm1 =	vle.f32 @p3 v25, v31;
	v16 =	vld.idx.msk [tilespmem:v7+s3+$0x0], $0xffff;
	v8 =	vadd.s32 @p3 v19, v8;
	[tilespmem:s24+$0xFFFFFFD0] =	vst @p3 v17  }
0x2af: {  	v24 =	vsel @p3 vm1, $0x1, v0;
	[tilespmem:s24+$0xFFFFFFE0] =	vst @p3 v8;
	vm11 =	vle.f32 v58, v21;
	v17 =	vld.idx.msk [tilespmem:v11+s3+$0x0], $0xffff  }
0x2b0: {  	v9 =	vadd.s32 @p3 v24, v9;
	[tilespmem:s24+$0xFFFFFFA0] =	vst @p3 v10;
	v8 =	vld.idx.msk [tilespmem:v13+s3+$0x0], $0xffff;
	v10 =	vsel vm11, $0x1, v0;
	vm9 =	vle.f32 v12, v23  }
0x2b1: {  	[tilespmem:s24+$0xFFFFFFF0] =	vst @p3 v9;
	v5 =	vadd.s32 v10, v5;
	vm10 =	vle.f32 v14, v22;
	v12 =	vsel vm9, $0x1, v0  }
0x2b2: {  	vm12 =	vle.f32 v15, v20;
	[tilespmem:s23+$0xFFFFFFB0] =	vst v5;
	v59 =	vsel vm10, $0x1, v0;
	v4 =	vadd.s32 v12, v4  }
0x2b3: {  	vm13 =	vle.f32 v16, v18;
	[tilespmem:s23+$0xFFFFFF90] =	vst v4;
	v3 =	vadd.s32 v59, v3;
	v4 =	vsel vm12, $0x1, v0  }
0x2b4: {  	vm14 =	vle.f32 v17, v2;
	v2 =	vsel vm13, $0x1, v0;
	[tilespmem:s23+$0xFFFFFFA0] =	vst v3;
	v3 =	vadd.s32 v4, v6  }
0x2b5: {  	vm15 =	vle.f32 v8, v1;
	v1 =	vsel vm14, $0x1, v0;
	v2 =	vadd.s32 v2, v7;
	[tilespmem:s23+$0xFFFFFFC0] =	vst v3  }
0x2b6: {  	v3 =	vsel vm15, $0x1, v0;
	v1 =	vadd.s32 v1, v11;
	[tilespmem:s23+$0xFFFFFFD0] =	vst v2  }
0x2b7: {  	v2 =	vadd.s32 v3, v13;
	[tilespmem:s23+$0xFFFFFFE0] =	vst v1  }
0x2b8: {  	s31 =	simm.s32 $0x470;
	[tilespmem:s23+$0xFFFFFFF0] =	vst v2  }
0x2b9: {  	v29 =	vld [tilespmem:s31+$0x0]  }
0x2ba: {  	v22 =	vld [tilespmem:s31+$0xFFFFFFA0]  }
0x2bb: {  	v20 =	vld [tilespmem:s31+$0xFFFFFFC0]  }
0x2bc: {  	v19 =	vld [tilespmem:s31+$0xFFFFFFD0]  }
0x2bd: {  	v2 =	vld [tilespmem:s31+$0xFFFFFFE0]  }
0x2be: {  	v23 =	vld [tilespmem:s31+$0xFFFFFF90]  }
0x2bf: {  	v21 =	vld [tilespmem:s31+$0xFFFFFFB0]  }
0x2c0: {  	v1 =	vld [tilespmem:s31+$0xFFFFFFF0];
	v3 =	vmul.f32 $5.000000000e+00, v29  }
0x2c1: {  	v4 =	vmul.f32 $5.000000000e+00, v22;
	v6 =	vmul.f32 $5.000000000e+00, v20  }
0x2c2: {  	v7 =	vmul.f32 $5.000000000e+00, v19;
	v8 =	vmul.f32 $5.000000000e+00, v2  }
0x2c3: {  	v61 =	vmul.f32 $5.000000000e+00, v23;
	v3 =	vadd.f32 $1.550000000e+01, v3;
	v4 =	vadd.f32 $1.550000000e+01, v4  }
0x2c4: {  	v5 =	vmul.f32 $5.000000000e+00, v21;
	v6 =	vadd.f32 $1.550000000e+01, v6;
	v7 =	vadd.f32 $1.550000000e+01, v7  }
0x2c5: {  	v60 =	vmul.f32 $5.000000000e+00, v1;
	v8 =	vadd.f32 $1.550000000e+01, v8;
	v62 =	vadd.f32 $1.550000000e+01, v61  }
0x2c6: {  	v5 =	vadd.f32 $1.550000000e+01, v5;
	v3 =	vmax.f32 v3, $5.000000000e-01;
	v6 =	vmax.f32 v6, $5.000000000e-01  }
0x2c7: {  	v7 =	vmax.f32 v7, $5.000000000e-01;
	v8 =	vmax.f32 v8, $5.000000000e-01;
	v9 =	vmax.f32 v62, $5.000000000e-01  }
0x2c8: {  	v3 =	vmin.f32 v3, $3.050000000e+01;
	v6 =	vmin.f32 v6, $3.050000000e+01;
	v9 =	vmin.f32 v9, $3.050000000e+01  }
0x2c9: {  	v7 =	vmin.f32 v7, $3.050000000e+01;
	v3 =	vtrunc.f32 v3;
	v9 =	vtrunc.f32 v9  }
0x2ca: {  	v8 =	vmin.f32 v8, $3.050000000e+01;
	v6 =	vtrunc.f32 v6;
	v14 =	vcvt.f32.s32 v3  }
0x2cb: {  	v7 =	vtrunc.f32 v7;
	v26 =	vtrunc.f32 v8;
	v3 =	vmax.f32 v4, $5.000000000e-01  }
.Ltmp19:
0x2cc: {  	v4 =	vmax.f32 v5, $5.000000000e-01;
	v5 =	vadd.f32 $1.550000000e+01, v60;
	v6 =	vcvt.f32.s32 v6;
	(pc) =	sbr.rel @!p2 .LBB2_37-.Ltmp19, $4  }
0x2cd: {  	v7 =	vcvt.f32.s32 v7;
	v3 =	vmin.f32 v3, $3.050000000e+01;
	v4 =	vmin.f32 v4, $3.050000000e+01  }
0x2ce: {  	v5 =	vmax.f32 v5, $5.000000000e-01;
	v3 =	vtrunc.f32 v3;
	v63 =	vtrunc.f32 v4  }
0x2cf: {  	v4 =	vcvt.f32.s32 v9;
	v5 =	vmin.f32 v5, $3.050000000e+01;
	v3 =	vcvt.f32.s32 v3  }
0x2d0: {  	s24 =	simm.s32 $0x8470;
	s23 =	simm.s32 $0x870;
	v27 =	vtrunc.f32 v5;
	v5 =	vcvt.f32.s32 v63;
	v28 =	vld.idx.msk [tilespmem:v14+s3+$0x0], $0xffff  }
0x2d1: {  	v16 =	vld [tilespmem:s23+$0x0]  }
0x2d2: {  	v13 =	vld [tilespmem:s23+$0xFFFFFFA0]  }
0x2d3: {  	v12 =	vld [tilespmem:s23+$0xFFFFFFB0]  }
0x2d4: {  	v11 =	vld [tilespmem:s23+$0xFFFFFFC0]  }
0x2d5: {  	v18 =	vld [tilespmem:s23+$0xFFFFFFF0]  }
0x2d6: {  	v15 =	vld [tilespmem:s23+$0xFFFFFF90]  }
0x2d7: {  	v33 =	vld.idx.msk [tilespmem:v3+s3+$0x0], $0xffff  }
0x2d8: {  	v35 =	vld.idx.msk [tilespmem:v6+s3+$0x0], $0xffff  }
0x2d9: {  	v10 =	vld [tilespmem:s23+$0xFFFFFFD0];
	v8 =	vcvt.f32.s32 v26;
	v9 =	vcvt.f32.s32 v27  }
0x2da: {  	v17 =	vld [tilespmem:s23+$0xFFFFFFE0];
	vm0 =	vle.f32 v28, v29;
	v24 =	vmul.f32 $5.000000000e+00, v16;
	v25 =	vmul.f32 $5.000000000e+00, v13  }
0x2db: {  	v36 =	vld.idx.msk [tilespmem:v7+s3+$0x0], $0xffff;
	v26 =	vsel vm0, $0x1, v0;
	v27 =	vmul.f32 $5.000000000e+00, v12;
	v30 =	vmul.f32 $5.000000000e+00, v18  }
0x2dc: {  	v31 =	vmul.f32 $5.000000000e+00, v15;
	vm1 =	vle.f32 v33, v22;
	v24 =	vadd.f32 $1.550000000e+01, v24  }
0x2dd: {  	vm3 =	vle.f32 v35, v20;
	v28 =	vadd.s32 v26, v14;
	v14 =	vmul.f32 $5.000000000e+00, v11  }
0x2de: {  	v26 =	vadd.f32 $1.550000000e+01, v27;
	v27 =	vmul.f32 $5.000000000e+00, v10;
	v24 =	vmax.f32 v24, $5.000000000e-01  }
0x2df: {  	v29 =	vadd.f32 $1.550000000e+01, v14;
	v14 =	vmul.f32 $5.000000000e+00, v17;
	v24 =	vmin.f32 v24, $3.050000000e+01  }
0x2e0: {  	vm4 =	vle.f32 v36, v19;
	v31 =	vadd.f32 $1.550000000e+01, v31;
	v24 =	vtrunc.f32 v24  }
0x2e1: {  	v27 =	vadd.f32 $1.550000000e+01, v27;
	v32 =	vadd.f32 $1.550000000e+01, v14;
	v14 =	vcvt.f32.s32 v24  }
0x2e2: {  	v25 =	vadd.f32 $1.550000000e+01, v25;
	v31 =	vmax.f32 v31, $5.000000000e-01;
	v29 =	vmax.f32 v29, $5.000000000e-01  }
0x2e3: {  	v31 =	vmin.f32 v31, $3.050000000e+01;
	v27 =	vmax.f32 v27, $5.000000000e-01;
	v29 =	vmin.f32 v29, $3.050000000e+01  }
0x2e4: {  	v34 =	vld.idx.msk [tilespmem:v5+s3+$0x0], $0xffff;
	v31 =	vtrunc.f32 v31;
	v24 =	vmax.f32 v25, $5.000000000e-01;
	v25 =	vmax.f32 v26, $5.000000000e-01  }
0x2e5: {  	v26 =	vadd.f32 $1.550000000e+01, v30;
	v30 =	vld.idx.msk [tilespmem:v4+s3+$0x0], $0xffff;
	v32 =	vmax.f32 v32, $5.000000000e-01;
	v24 =	vmin.f32 v24, $3.050000000e+01  }
0x2e6: {  	p2 =	por $0x1, $0x1;
	v27 =	vmin.f32 v27, $3.050000000e+01;
	v29 =	vtrunc.f32 v29;
	v37 =	vtrunc.f32 v24;
	v24 =	vld.idx.msk [tilespmem:v8+s3+$0x0], $0xffff  }
.Ltmp20:
0x2e7: {  	[tilespmem:s24+$0x0] =	vst v28;
	v25 =	vmin.f32 v25, $3.050000000e+01;
	v32 =	vmin.f32 v32, $3.050000000e+01;
	v40 =	vtrunc.f32 v27;
	v28 =	vld.idx.msk [tilespmem:v14+s3+$0x0], $0xffff;
	(pc) =	sbr.rel @!p2 .LBB2_39-.Ltmp20, $4  }
0x2e8: {  	v22 =	vcvt.f32.s32 v29;
	v26 =	vmax.f32 v26, $5.000000000e-01;
	v39 =	vtrunc.f32 v25;
	v25 =	vld.idx.msk [tilespmem:v9+s3+$0x0], $0xffff  }
0x2e9: {  	v20 =	vcvt.f32.s32 v40;
	v38 =	vmin.f32 v26, $3.050000000e+01;
	v26 =	vtrunc.f32 v32  }
0x2ea: {  	s26 =	simm.s32 $0x80;
	s28 =	simm.s32 $0xC70;
	vm2 =	vle.f32 v34, v21;
	v21 =	vcvt.f32.s32 v39;
	v27 =	vtrunc.f32 v38  }
0x2eb: {  	p1 =	por $0x1, $0x1;
	s25 =	simm.s32 $0x8470;
	s23 =	simm.s32 $0x8470;
	vm0 =	vle.f32 v30, v23;
	v23 =	vcvt.f32.s32 v31;
	v30 =	vcvt.f32.s32 v37  }
.LBB2_40:
0x2ec: {  	s26 =	sadd.s32 $0x80, s26;
	v19 =	vcvt.f32.s32 v26;
	v26 =	vcvt.f32.s32 v27;
	vm5 =	vle.f32 v28, v16;
	v16 =	vld [tilespmem:s28+$0x0]  }
0x2ed: {  	vm6 =	vle.f32 v25, v1;
	v1 =	vmovc v18;
	v27 =	vld [tilespmem:s28+$0xFFFFFFA0];
	p2 =	slt.u32 s26, $0x780;
	v28 =	vsel vm5, $0x1, v0;
	vm5 =	vle.f32 v24, v2;
	v2 =	vmovc v17  }
0x2ee: {  	v18 =	vsel vm1, $0x1, v0;
	s25 =	sadd.s32 $0x400, s25;
	v17 =	vsel vm0, $0x1, v0;
	v29 =	vld [tilespmem:s28+$0xFFFFFFB0];
	v14 =	vadd.s32 v28, v14  }
0x2ef: {  	v25 =	vsel vm4, $0x1, v0;
	v24 =	vsel vm3, $0x1, v0;
	v31 =	vld [tilespmem:s28+$0xFFFFFFC0];
	[tilespmem:s25+$0x0] =	vst v14;
	v14 =	vsel vm2, $0x1, v0  }
0x2f0: {  	v34 =	vsel vm6, $0x1, v0;
	v28 =	vadd.s32 v17, v4;
	v33 =	vsel vm5, $0x1, v0;
	v4 =	vmovc v23;
	v32 =	vld [tilespmem:s28+$0xFFFFFFD0]  }
0x2f1: {  	v14 =	vadd.s32 v14, v5;
	v17 =	vld [tilespmem:s28+$0xFFFFFFE0];
	v35 =	vmul.f32 $5.000000000e+00, v16;
	[tilespmem:s23+$0xFFFFFF90] =	vst v28;
	v28 =	vadd.s32 v18, v3;
	v3 =	vmovc v30  }
0x2f2: {  	v7 =	vadd.s32 v25, v7;
	v24 =	vadd.s32 v24, v6;
	v5 =	vmovc v21;
	v36 =	vmul.f32 $5.000000000e+00, v27;
	v18 =	vld [tilespmem:s28+$0xFFFFFFF0];
	[tilespmem:s23+$0xFFFFFFA0] =	vst v28  }
0x2f3: {  	v6 =	vmovc v22;
	v37 =	vld [tilespmem:s28+$0xFFFFFF90];
	v25 =	vmul.f32 $5.000000000e+00, v29;
	v28 =	vadd.f32 $1.550000000e+01, v35;
	[tilespmem:s23+$0xFFFFFFB0] =	vst v14;
	v14 =	vadd.s32 v33, v8;
	v8 =	vmovc v19  }
0x2f4: {  	v19 =	vadd.f32 $1.550000000e+01, v36;
	v33 =	vmul.f32 $5.000000000e+00, v31;
	v23 =	vld.idx.msk [tilespmem:v23+s3+$0x0], $0xffff;
	[tilespmem:s23+$0xFFFFFFC0] =	vst v24;
	v24 =	vadd.s32 v34, v9;
	v9 =	vmovc v26  }
0x2f5: {  	v25 =	vadd.f32 $1.550000000e+01, v25;
	v26 =	vmul.f32 $5.000000000e+00, v32;
	v28 =	vmax.f32 v28, $5.000000000e-01;
	v30 =	vld.idx.msk [tilespmem:v30+s3+$0x0], $0xffff;
	[tilespmem:s23+$0xFFFFFFD0] =	vst v7;
	v7 =	vmovc v20  }
0x2f6: {  	v33 =	vadd.f32 $1.550000000e+01, v33;
	v34 =	vmul.f32 $5.000000000e+00, v17;
	v28 =	vmin.f32 v28, $3.050000000e+01;
	v21 =	vld.idx.msk [tilespmem:v21+s3+$0x0], $0xffff;
	[tilespmem:s23+$0xFFFFFFE0] =	vst v14  }
0x2f7: {  	v26 =	vadd.f32 $1.550000000e+01, v26;
	v35 =	vmul.f32 $5.000000000e+00, v18;
	v14 =	vtrunc.f32 v28;
	v22 =	vld.idx.msk [tilespmem:v22+s3+$0x0], $0xffff;
	[tilespmem:s23+$0xFFFFFFF0] =	vst v24;
	s23 =	smov.u32 s25  }
0x2f8: {  	v28 =	vmul.f32 $5.000000000e+00, v37;
	v34 =	vadd.f32 $1.550000000e+01, v34;
	v14 =	vcvt.f32.s32 v14;
	v36 =	vld.idx.msk [tilespmem:v20+s3+$0x0], $0xffff  }
0x2f9: {  	v19 =	vmax.f32 v19, $5.000000000e-01;
	v20 =	vmax.f32 v25, $5.000000000e-01;
	v35 =	vadd.f32 $1.550000000e+01, v35;
	v24 =	vld.idx.msk [tilespmem:v8+s3+$0x0], $0xffff  }
0x2fa: {  	v33 =	vmax.f32 v33, $5.000000000e-01;
	v26 =	vmax.f32 v26, $5.000000000e-01;
	v28 =	vadd.f32 $1.550000000e+01, v28;
	v25 =	vld.idx.msk [tilespmem:v9+s3+$0x0], $0xffff  }
0x2fb: {  	v19 =	vmin.f32 v19, $3.050000000e+01;
	v34 =	vmax.f32 v34, $5.000000000e-01;
	v35 =	vmax.f32 v35, $5.000000000e-01  }
0x2fc: {  	v20 =	vmin.f32 v20, $3.050000000e+01;
	v33 =	vmin.f32 v33, $3.050000000e+01;
	v28 =	vmax.f32 v28, $5.000000000e-01  }
0x2fd: {  	v26 =	vmin.f32 v26, $3.050000000e+01;
	v34 =	vmin.f32 v34, $3.050000000e+01;
	v28 =	vmin.f32 v28, $3.050000000e+01  }
0x2fe: {  	v19 =	vtrunc.f32 v19;
	v35 =	vmin.f32 v35, $3.050000000e+01;
	v38 =	vtrunc.f32 v28;
	v28 =	vld.idx.msk [tilespmem:v14+s3+$0x0], $0xffff  }
.Ltmp21:
0x2ff: {  	vm0 =	vle.f32 v23, v15;
	v15 =	vmovc v37;
	v20 =	vtrunc.f32 v20;
	v33 =	vtrunc.f32 v33;
	(pc) =	sbr.rel @p2 .LBB2_40-.Ltmp21, $4  }
0x300: {  	vm1 =	vle.f32 v30, v13;
	v13 =	vmovc v27;
	v37 =	vtrunc.f32 v26;
	v26 =	vtrunc.f32 v34  }
0x301: {  	vm2 =	vle.f32 v21, v12;
	v12 =	vmovc v29;
	v27 =	vtrunc.f32 v35;
	v23 =	vcvt.f32.s32 v38  }
0x302: {  	v30 =	vcvt.f32.s32 v19;
	v21 =	vcvt.f32.s32 v20;
	vm3 =	vle.f32 v22, v11;
	v11 =	vmovc v31  }
0x303: {  	s28 =	sadd.s32 $0x400, s28;
	v22 =	vcvt.f32.s32 v33;
	v20 =	vcvt.f32.s32 v37;
	vm4 =	vle.f32 v36, v10;
	v10 =	vmovc v32  }
0x304: {  	v32 =	vmovc v2;
	v31 =	vmovc v1;
	v35 =	vmov v4;
	v36 =	vmov v3;
	v37 =	vmov v5  }
0x305: {  	v34 =	vmovc v6;
	v33 =	vmovc v7;
	v29 =	vmov v16;
	v2 =	vmov v17;
	v1 =	vmov v18  }
0x306: {  	v4 =	vmovc v23;
	v3 =	vmovc v30;
	v5 =	vmov v21;
	v23 =	vmov v15;
	v21 =	vmov v12  }
0x307: {  	v19 =	vmovc v10;
	v6 =	vmovc v22;
	v7 =	vmov v20;
	v22 =	vmov v13;
	v20 =	vmov v11  }
.LBB2_42:
0x308: {  	_ = 	snop  }
0x309: {  	vm5 =	vle.f32 v28, v29  }
0x30a: {  	s25 =	sadd.s32 @p1 $0x400, s25;
	v10 =	vsel vm5, $0x1, v0  }
0x30b: {  	v11 =	vcvt.f32.s32 v26;
	v12 =	vsel @p1 vm0, $0x1, v0;
	s24 =	smov.u32 @p1 s25;
	v10 =	vadd.s32 v10, v14  }
0x30c: {  	v13 =	vcvt.f32.s32 v27;
	v14 =	vsel @p1 vm1, $0x1, v0;
	[tilespmem:s24+$0x0] =	vst v10;
	v10 =	vadd.s32 @p1 v12, v35;
	v12 =	vld.idx.msk [tilespmem:v4+s3+$0x0], $0xffff  }
0x30d: {  	v15 =	vsel @p1 vm2, $0x1, v0;
	[tilespmem:s23+$0xFFFFFF90] =	vst @p1 v10;
	v10 =	vadd.s32 @p1 v14, v36;
	v14 =	vld.idx.msk [tilespmem:v3+s3+$0x0], $0xffff  }
0x30e: {  	v16 =	vsel @p1 vm3, $0x1, v0;
	v15 =	vadd.s32 @p1 v15, v37;
	[tilespmem:s23+$0xFFFFFFA0] =	vst @p1 v10;
	v10 =	vld.idx.msk [tilespmem:v5+s3+$0x0], $0xffff  }
0x30f: {  	vm0 =	vle.f32 @p1 v24, v32;
	v17 =	vsel @p1 vm4, $0x1, v0;
	v16 =	vadd.s32 @p1 v16, v34;
	[tilespmem:s23+$0xFFFFFFB0] =	vst @p1 v15;
	v15 =	vld.idx.msk [tilespmem:v6+s3+$0x0], $0xffff  }
0x310: {  	v18 =	vsel @p1 vm0, $0x1, v0;
	v17 =	vadd.s32 @p1 v17, v33;
	vm1 =	vle.f32 @p1 v25, v31;
	[tilespmem:s23+$0xFFFFFFC0] =	vst @p1 v16;
	v16 =	vld.idx.msk [tilespmem:v7+s3+$0x0], $0xffff  }
0x311: {  	v8 =	vadd.s32 @p1 v18, v8;
	[tilespmem:s23+$0xFFFFFFD0] =	vst @p1 v17;
	v24 =	vsel @p1 vm1, $0x1, v0;
	v17 =	vld.idx.msk [tilespmem:v11+s3+$0x0], $0xffff;
	vm0 =	vle.f32 v12, v23  }
0x312: {  	[tilespmem:s23+$0xFFFFFFE0] =	vst @p1 v8;
	v9 =	vadd.s32 @p1 v24, v9;
	v8 =	vld.idx.msk [tilespmem:v13+s3+$0x0], $0xffff;
	vm1 =	vle.f32 v14, v22;
	v12 =	vsel vm0, $0x1, v0  }
0x313: {  	[tilespmem:s23+$0xFFFFFFF0] =	vst @p1 v9;
	vm0 =	vle.f32 v10, v21;
	v9 =	vsel vm1, $0x1, v0;
	v4 =	vadd.s32 v12, v4  }
0x314: {  	vm1 =	vle.f32 v15, v20;
	v10 =	vsel vm0, $0x1, v0;
	[tilespmem:s24+$0xFFFFFF90] =	vst v4;
	v3 =	vadd.s32 v9, v3  }
0x315: {  	vm0 =	vle.f32 v16, v19;
	v4 =	vsel vm1, $0x1, v0;
	v5 =	vadd.s32 v10, v5;
	[tilespmem:s24+$0xFFFFFFA0] =	vst v3  }
0x316: {  	vm1 =	vle.f32 v17, v2;
	v2 =	vsel vm0, $0x1, v0;
	v3 =	vadd.s32 v4, v6;
	[tilespmem:s24+$0xFFFFFFB0] =	vst v5  }
0x317: {  	vm0 =	vle.f32 v8, v1;
	v1 =	vsel vm1, $0x1, v0;
	v2 =	vadd.s32 v2, v7;
	[tilespmem:s24+$0xFFFFFFC0] =	vst v3  }
0x318: {  	s26 =	sshll.u32 s22, $0xC;
	v3 =	vsel vm0, $0x1, v0;
	v1 =	vadd.s32 v1, v11;
	[tilespmem:s24+$0xFFFFFFD0] =	vst v2  }
0x319: {  	p1 =	seq.s32 s22, $0x3F;
	s23 =	sadd.s32 s4, s26;
	v2 =	vadd.s32 v3, v13;
	[tilespmem:s24+$0xFFFFFFE0] =	vst v1  }
0x31a: {  	s25 =	simm.s32 @!p1 $0x0;
	s26 =	simm.s32 @!p1 $0x80;
	[tilespmem:s24+$0xFFFFFFF0] =	vst v2;
	s24 =	sadd.s32 @!p1 s23, s8  }
0x31b: {  	[tilespmem:s26], [sflag:$0x1] =	stream.linear.gather @!p1 [hbm4b:s24+s25], $0x4000, $0x38;
	[tilespmem:$0x10080] =	vst v63  }
0x31c: {  	s29 =	sadd.s32 s1, s23  }
0x31d: {  	[hbm4b:s29+s3] =	stream.linear.scatter [tilespmem:s16], [sflag:$0x3], $0x4000, $0x38;
	[tilespmem:$0x10080] =	vst v63  }
0x31e: {  	_ =	swait.ge [sflag:s17], $0x4000  }
0x31f: {  	[sflag:s17] =	ssyncset.done $0x0  }
0x320: {  	s24 =	simm.s32 @!p0 $0x4;
	[sflag:s17] =	ssyncadd.s32 $0xFFFFC000  }
0x321: {  	_ =	swait.ge @!p0 [sflag:s24], $0x4000  }
0x322: {  	[sflag:s24] =	ssyncset.done @!p0 $0x0  }
0x323: {  	s30 =	simm.s32 $0x40C0;
	[sflag:s24] =	ssyncadd.s32 @!p0 $0xFFFFC000  }
0x324: {  	v10 =	vld [tilespmem:s30+$0x30]  }
0x325: {  	v18 =	vld [tilespmem:s30+$0xFFFFFFD0]  }
0x326: {  	v19 =	vld [tilespmem:s30+$0xFFFFFFE0]  }
0x327: {  	v28 =	vld [tilespmem:s30+$0xFFFFFFF0]  }
0x328: {  	v29 =	vld [tilespmem:s30+$0x0]  }
0x329: {  	v2 =	vld [tilespmem:s30+$0x10]  }
0x32a: {  	v1 =	vld [tilespmem:s30+$0x20]  }
0x32b: {  	s31 =	simm.s32 $0x44C0;
	v20 =	vld [tilespmem:s30+$0xFFFFFFC0]  }
0x32c: {  	v16 =	vld [tilespmem:s31+$0x30];
	v3 =	vmul.f32 $5.000000000e+00, v10  }
0x32d: {  	v4 =	vmul.f32 $5.000000000e+00, v18;
	v5 =	vmul.f32 $5.000000000e+00, v19  }
0x32e: {  	v6 =	vmul.f32 $5.000000000e+00, v28;
	v7 =	vmul.f32 $5.000000000e+00, v29  }
0x32f: {  	v8 =	vmul.f32 $5.000000000e+00, v2;
	v9 =	vmul.f32 $5.000000000e+00, v1;
	v3 =	vadd.f32 $1.550000000e+01, v3  }
0x330: {  	v11 =	vmul.f32 $5.000000000e+00, v20;
	v4 =	vadd.f32 $1.550000000e+01, v4;
	v5 =	vadd.f32 $1.550000000e+01, v5  }
0x331: {  	v24 =	vmul.f32 $5.000000000e+00, v16;
	v6 =	vadd.f32 $1.550000000e+01, v6;
	v3 =	vmax.f32 v3, $5.000000000e-01  }
0x332: {  	v4 =	vmax.f32 v4, $5.000000000e-01;
	v5 =	vmax.f32 v5, $5.000000000e-01;
	v3 =	vmin.f32 v3, $3.050000000e+01  }
0x333: {  	v6 =	vmax.f32 v6, $5.000000000e-01;
	v4 =	vmin.f32 v4, $3.050000000e+01;
	v3 =	vtrunc.f32 v3  }
0x334: {  	v21 =	vcvt.f32.s32 v3;
	v3 =	vadd.f32 $1.550000000e+01, v7;
	v7 =	vadd.f32 $1.550000000e+01, v8  }
0x335: {  	v6 =	vmin.f32 v6, $3.050000000e+01;
	v8 =	vadd.f32 $1.550000000e+01, v9;
	v9 =	vadd.f32 $1.550000000e+01, v11  }
0x336: {  	v5 =	vmin.f32 v5, $3.050000000e+01;
	v14 =	vtrunc.f32 v6;
	v11 =	vtrunc.f32 v4  }
0x337: {  	v14 =	vcvt.f32.s32 v14;
	v12 =	vcvt.f32.s32 v11;
	v9 =	vmax.f32 v9, $5.000000000e-01  }
0x338: {  	v7 =	vmax.f32 v7, $5.000000000e-01;
	v8 =	vmax.f32 v8, $5.000000000e-01;
	v9 =	vmin.f32 v9, $3.050000000e+01  }
0x339: {  	v11 =	vld [tilespmem:s31+$0x20];
	v4 =	vmin.f32 v7, $3.050000000e+01;
	v7 =	vtrunc.f32 v5;
	v5 =	vmin.f32 v8, $3.050000000e+01  }
0x33a: {  	v9 =	vtrunc.f32 v9;
	v23 =	vtrunc.f32 v5;
	v5 =	vld [tilespmem:s31+$0xFFFFFFE0]  }
0x33b: {  	v3 =	vmax.f32 v3, $5.000000000e-01;
	v13 =	vcvt.f32.s32 v9;
	v9 =	vld [tilespmem:s31+$0x10]  }
0x33c: {  	v24 =	vadd.f32 $1.550000000e+01, v24;
	v3 =	vmin.f32 v3, $3.050000000e+01;
	v22 =	vld.idx.msk [tilespmem:v21+s3+$0x0], $0xffff  }
0x33d: {  	v3 =	vtrunc.f32 v3;
	v8 =	vtrunc.f32 v4;
	v4 =	vld [tilespmem:s31+$0xFFFFFFD0]  }
0x33e: {  	v24 =	vmax.f32 v24, $5.000000000e-01;
	v17 =	vcvt.f32.s32 v3;
	v3 =	vld [tilespmem:s31+$0x0];
	v31 =	vmul.f32 $5.000000000e+00, v11  }
0x33f: {  	v24 =	vmin.f32 v24, $3.050000000e+01;
	v15 =	vcvt.f32.s32 v7;
	v60 =	vld.idx.msk [tilespmem:v14+s3+$0x0], $0xffff  }
0x340: {  	v8 =	vcvt.f32.s32 v8;
	v7 =	vcvt.f32.s32 v23;
	v31 =	vadd.f32 $1.550000000e+01, v31  }
0x341: {  	v6 =	vld [tilespmem:s31+$0xFFFFFFF0];
	v25 =	vmul.f32 $5.000000000e+00, v5;
	v26 =	vmul.f32 $5.000000000e+00, v9;
	vm0 =	vle.f32 v22, v10  }
0x342: {  	v31 =	vmax.f32 v31, $5.000000000e-01;
	v22 =	vmul.f32 $5.000000000e+00, v4;
	v10 =	vld [tilespmem:s31+$0xFFFFFFC0];
	v23 =	vsel vm0, $0x1, v0  }
0x343: {  	v25 =	vadd.f32 $1.550000000e+01, v25;
	v30 =	vadd.s32 v23, v21;
	v23 =	vmul.f32 $5.000000000e+00, v3  }
0x344: {  	v31 =	vmin.f32 v31, $3.050000000e+01;
	vm3 =	vle.f32 v60, v28;
	v26 =	vadd.f32 $1.550000000e+01, v26  }
0x345: {  	v57 =	vld.idx.msk [tilespmem:v13+s3+$0x0], $0xffff;
	v21 =	vadd.f32 $1.550000000e+01, v22;
	v27 =	vadd.f32 $1.550000000e+01, v23;
	v23 =	vtrunc.f32 v24  }
0x346: {  	v22 =	vmul.f32 $5.000000000e+00, v6;
	v25 =	vmax.f32 v25, $5.000000000e-01;
	v23 =	vcvt.f32.s32 v23  }
0x347: {  	v26 =	vmax.f32 v26, $5.000000000e-01;
	v25 =	vmin.f32 v25, $3.050000000e+01;
	v24 =	vmul.f32 $5.000000000e+00, v10  }
0x348: {  	v58 =	vld.idx.msk [tilespmem:v12+s3+$0x0], $0xffff;
	v22 =	vadd.f32 $1.550000000e+01, v22;
	v21 =	vmax.f32 v21, $5.000000000e-01;
	v26 =	vmin.f32 v26, $3.050000000e+01  }
0x349: {  	v59 =	vld.idx.msk [tilespmem:v15+s3+$0x0], $0xffff;
	v38 =	vtrunc.f32 v25;
	v21 =	vmin.f32 v21, $3.050000000e+01;
	v24 =	vadd.f32 $1.550000000e+01, v24  }
0x34a: {  	v61 =	vld.idx.msk [tilespmem:v17+s3+$0x0], $0xffff;
	vm0 =	vle.f32 v57, v20;
	v26 =	vtrunc.f32 v26;
	v20 =	vcvt.f32.s32 v38  }
0x34b: {  	v25 =	vld.idx.msk [tilespmem:v7+s3+$0x0], $0xffff;
	v22 =	vmax.f32 v22, $5.000000000e-01;
	v27 =	vmax.f32 v27, $5.000000000e-01;
	v24 =	vmax.f32 v24, $5.000000000e-01  }
0x34c: {  	v21 =	vtrunc.f32 v21;
	v22 =	vmin.f32 v22, $3.050000000e+01;
	v24 =	vmin.f32 v24, $3.050000000e+01;
	v28 =	vld.idx.msk [tilespmem:v23+s3+$0x0], $0xffff  }
0x34d: {  	v27 =	vmin.f32 v27, $3.050000000e+01;
	v21 =	vcvt.f32.s32 v21;
	v62 =	vtrunc.f32 v24;
	v24 =	vld.idx.msk [tilespmem:v8+s3+$0x0], $0xffff  }
0x34e: {  	vm1 =	vle.f32 v58, v18;
	v39 =	vtrunc.f32 v22;
	v63 =	vtrunc.f32 v27  }
0x34f: {  	s28 =	simm.s32 $0x48C0;
	s25 =	simm.s32 $0xC0C0;
	vm2 =	vle.f32 v59, v19;
	v27 =	vtrunc.f32 v31;
	v19 =	vcvt.f32.s32 v39  }
0x350: {  	s22 =	sadd.s32 $0x1, s22;
	s26 =	simm.s32 $0x80;
	s24 =	simm.s32 $0xC0C0;
	[tilespmem:s25+$0x30] =	vst v30;
	vm4 =	vle.f32 v61, v29;
	v18 =	vcvt.f32.s32 v63;
	v22 =	vcvt.f32.s32 v62  }
.LBB2_43:
0x351: {  	s26 =	sadd.s32 $0x80, s26;
	v26 =	vcvt.f32.s32 v26;
	v27 =	vcvt.f32.s32 v27;
	vm5 =	vle.f32 v28, v16;
	v16 =	vld [tilespmem:s28+$0x30]  }
0x352: {  	vm6 =	vle.f32 v25, v1;
	v1 =	vmovc v11;
	v29 =	vld [tilespmem:s28+$0xFFFFFFD0];
	p0 =	slt.u32 s26, $0x780;
	v28 =	vsel vm5, $0x1, v0;
	vm5 =	vle.f32 v24, v2;
	v2 =	vmovc v9  }
0x353: {  	v11 =	vsel vm0, $0x1, v0;
	s25 =	sadd.s32 $0x400, s25;
	v30 =	vld [tilespmem:s28+$0xFFFFFFE0];
	v9 =	vadd.s32 v28, v23;
	v23 =	vsel vm1, $0x1, v0  }
0x354: {  	v25 =	vsel vm3, $0x1, v0;
	v24 =	vsel vm2, $0x1, v0;
	v28 =	vsel vm4, $0x1, v0;
	v31 =	vld [tilespmem:s28+$0xFFFFFFF0];
	[tilespmem:s25+$0x30] =	vst v9  }
0x355: {  	v11 =	vadd.s32 v11, v13;
	v34 =	vsel vm6, $0x1, v0;
	v13 =	vmovc v22;
	v33 =	vsel vm5, $0x1, v0;
	v32 =	vld [tilespmem:s28+$0x0]  }
0x356: {  	v24 =	vadd.s32 v24, v15;
	v23 =	vadd.s32 v23, v12;
	v12 =	vmovc v21;
	v9 =	vld [tilespmem:s28+$0x10];
	v35 =	vmul.f32 $5.000000000e+00, v16;
	[tilespmem:s24+$0xFFFFFFC0] =	vst v11  }
0x357: {  	v15 =	vmovc v20;
	v17 =	vadd.s32 v28, v17;
	v36 =	vmul.f32 $5.000000000e+00, v29;
	v11 =	vld [tilespmem:s28+$0x20];
	[tilespmem:s24+$0xFFFFFFD0] =	vst v23;
	v23 =	vadd.s32 v25, v14  }
0x358: {  	v14 =	vmovc v19;
	v37 =	vld [tilespmem:s28+$0xFFFFFFC0];
	v25 =	vmul.f32 $5.000000000e+00, v30;
	v28 =	vadd.f32 $1.550000000e+01, v35;
	[tilespmem:s24+$0xFFFFFFE0] =	vst v24;
	v24 =	vadd.s32 v33, v8;
	v8 =	vmovc v26  }
0x359: {  	v26 =	vadd.f32 $1.550000000e+01, v36;
	v33 =	vmul.f32 $5.000000000e+00, v31;
	v22 =	vld.idx.msk [tilespmem:v22+s3+$0x0], $0xffff;
	[tilespmem:s24+$0xFFFFFFF0] =	vst v23;
	v23 =	vadd.s32 v34, v7;
	v7 =	vmovc v27  }
0x35a: {  	v25 =	vadd.f32 $1.550000000e+01, v25;
	v27 =	vmul.f32 $5.000000000e+00, v32;
	v28 =	vmax.f32 v28, $5.000000000e-01;
	v21 =	vld.idx.msk [tilespmem:v21+s3+$0x0], $0xffff;
	[tilespmem:s24+$0x0] =	vst v17;
	v17 =	vmovc v18  }
0x35b: {  	v33 =	vadd.f32 $1.550000000e+01, v33;
	v34 =	vmul.f32 $5.000000000e+00, v9;
	v28 =	vmin.f32 v28, $3.050000000e+01;
	v20 =	vld.idx.msk [tilespmem:v20+s3+$0x0], $0xffff;
	[tilespmem:s24+$0x10] =	vst v24  }
0x35c: {  	v27 =	vadd.f32 $1.550000000e+01, v27;
	v24 =	vmul.f32 $5.000000000e+00, v11;
	v28 =	vtrunc.f32 v28;
	v19 =	vld.idx.msk [tilespmem:v19+s3+$0x0], $0xffff;
	[tilespmem:s24+$0x20] =	vst v23;
	s24 =	smov.u32 s25  }
0x35d: {  	v35 =	vmul.f32 $5.000000000e+00, v37;
	v34 =	vadd.f32 $1.550000000e+01, v34;
	v23 =	vcvt.f32.s32 v28;
	v36 =	vld.idx.msk [tilespmem:v18+s3+$0x0], $0xffff  }
0x35e: {  	v18 =	vmax.f32 v26, $5.000000000e-01;
	v26 =	vmax.f32 v25, $5.000000000e-01;
	v28 =	vadd.f32 $1.550000000e+01, v24;
	v24 =	vld.idx.msk [tilespmem:v8+s3+$0x0], $0xffff  }
0x35f: {  	v33 =	vmax.f32 v33, $5.000000000e-01;
	v27 =	vmax.f32 v27, $5.000000000e-01;
	v35 =	vadd.f32 $1.550000000e+01, v35;
	v25 =	vld.idx.msk [tilespmem:v7+s3+$0x0], $0xffff  }
0x360: {  	v18 =	vmin.f32 v18, $3.050000000e+01;
	v34 =	vmax.f32 v34, $5.000000000e-01;
	v28 =	vmax.f32 v28, $5.000000000e-01  }
0x361: {  	v26 =	vmin.f32 v26, $3.050000000e+01;
	v33 =	vmin.f32 v33, $3.050000000e+01;
	v35 =	vmax.f32 v35, $5.000000000e-01  }
0x362: {  	v27 =	vmin.f32 v27, $3.050000000e+01;
	v34 =	vmin.f32 v34, $3.050000000e+01;
	v35 =	vmin.f32 v35, $3.050000000e+01  }
0x363: {  	v18 =	vtrunc.f32 v18;
	v38 =	vmin.f32 v28, $3.050000000e+01;
	v35 =	vtrunc.f32 v35;
	v28 =	vld.idx.msk [tilespmem:v23+s3+$0x0], $0xffff  }
.Ltmp22:
0x364: {  	vm0 =	vle.f32 v22, v10;
	v10 =	vmovc v37;
	v39 =	vtrunc.f32 v26;
	v33 =	vtrunc.f32 v33;
	(pc) =	sbr.rel @p0 .LBB2_43-.Ltmp22, $4  }
0x365: {  	vm1 =	vle.f32 v21, v4;
	v4 =	vmovc v29;
	v37 =	vtrunc.f32 v27;
	v26 =	vtrunc.f32 v34  }
0x366: {  	vm2 =	vle.f32 v20, v5;
	v5 =	vmovc v30;
	v27 =	vtrunc.f32 v38;
	v22 =	vcvt.f32.s32 v35  }
0x367: {  	v21 =	vcvt.f32.s32 v18;
	v20 =	vcvt.f32.s32 v39;
	vm3 =	vle.f32 v19, v6;
	v6 =	vmovc v31  }
0x368: {  	s28 =	sadd.s32 $0x400, s28;
	v19 =	vcvt.f32.s32 v33;
	v18 =	vcvt.f32.s32 v37;
	vm4 =	vle.f32 v36, v3;
	v3 =	vmovc v32  }
0x369: {  	_ = 	snop  }
0x36a: {  	vm5 =	vle.f32 v28, v16  }
0x36b: {  	v16 =	vsel vm5, $0x1, v0  }
0x36c: {  	v26 =	vcvt.f32.s32 v26;
	s25 =	sadd.s32 $0x400, s25;
	v16 =	vadd.s32 v16, v23;
	v23 =	vsel vm0, $0x1, v0  }
0x36d: {  	v27 =	vcvt.f32.s32 v27;
	v28 =	vsel vm1, $0x1, v0;
	[tilespmem:s25+$0x30] =	vst v16;
	v13 =	vadd.s32 v23, v13;
	v16 =	vld.idx.msk [tilespmem:v22+s3+$0x0], $0xffff  }
0x36e: {  	v12 =	vadd.s32 v28, v12;
	v23 =	vsel vm2, $0x1, v0;
	[tilespmem:s24+$0xFFFFFFC0] =	vst v13;
	v13 =	vld.idx.msk [tilespmem:v21+s3+$0x0], $0xffff  }
0x36f: {  	v28 =	vsel vm3, $0x1, v0;
	[tilespmem:s24+$0xFFFFFFD0] =	vst v12;
	v12 =	vld.idx.msk [tilespmem:v20+s3+$0x0], $0xffff;
	v15 =	vadd.s32 v23, v15  }
0x370: {  	vm0 =	vle.f32 v24, v2;
	v2 =	vsel vm4, $0x1, v0;
	v14 =	vadd.s32 v28, v14;
	[tilespmem:s24+$0xFFFFFFE0] =	vst v15;
	v15 =	vld.idx.msk [tilespmem:v19+s3+$0x0], $0xffff  }
0x371: {  	vm1 =	vle.f32 v25, v1;
	v1 =	vsel vm0, $0x1, v0;
	v2 =	vadd.s32 v2, v17;
	[tilespmem:s24+$0xFFFFFFF0] =	vst v14;
	v14 =	vld.idx.msk [tilespmem:v18+s3+$0x0], $0xffff  }
0x372: {  	v17 =	vsel vm1, $0x1, v0;
	v1 =	vadd.s32 v1, v8;
	[tilespmem:s24+$0x0] =	vst v2;
	v2 =	vld.idx.msk [tilespmem:v26+s3+$0x0], $0xffff;
	vm0 =	vle.f32 v16, v10  }
0x373: {  	v7 =	vadd.s32 v17, v7;
	[tilespmem:s24+$0x10] =	vst v1;
	v1 =	vld.idx.msk [tilespmem:v27+s3+$0x0], $0xffff;
	vm1 =	vle.f32 v13, v4;
	v4 =	vsel vm0, $0x1, v0  }
0x374: {  	[tilespmem:s24+$0x20] =	vst v7;
	vm0 =	vle.f32 v12, v5;
	v5 =	vsel vm1, $0x1, v0;
	v4 =	vadd.s32 v4, v22  }
0x375: {  	vm1 =	vle.f32 v15, v6;
	v6 =	vsel vm0, $0x1, v0;
	[tilespmem:s25+$0xFFFFFFC0] =	vst v4;
	v4 =	vadd.s32 v5, v21  }
0x376: {  	vm0 =	vle.f32 v14, v3;
	v3 =	vsel vm1, $0x1, v0;
	v5 =	vadd.s32 v6, v20;
	[tilespmem:s25+$0xFFFFFFD0] =	vst v4  }
0x377: {  	vm1 =	vle.f32 v2, v9;
	v2 =	vsel vm0, $0x1, v0;
	v3 =	vadd.s32 v3, v19;
	[tilespmem:s25+$0xFFFFFFE0] =	vst v5  }
0x378: {  	vm0 =	vle.f32 v1, v11;
	v1 =	vsel vm1, $0x1, v0;
	v2 =	vadd.s32 v2, v18;
	[tilespmem:s25+$0xFFFFFFF0] =	vst v3  }
0x379: {  	v3 =	vsel vm0, $0x1, v0;
	v1 =	vadd.s32 v1, v26;
	[tilespmem:s25+$0x0] =	vst v2  }
0x37a: {  	v2 =	vadd.s32 v3, v27;
	[tilespmem:s25+$0x10] =	vst v1  }
0x37b: {  	s30 =	simm.s32 $0x4170;
	[tilespmem:s25+$0x20] =	vst v2  }
0x37c: {  	v10 =	vld [tilespmem:s30+$0x0]  }
0x37d: {  	v18 =	vld [tilespmem:s30+$0xFFFFFFA0]  }
0x37e: {  	v19 =	vld [tilespmem:s30+$0xFFFFFFB0]  }
0x37f: {  	v28 =	vld [tilespmem:s30+$0xFFFFFFC0]  }
0x380: {  	v29 =	vld [tilespmem:s30+$0xFFFFFFD0]  }
0x381: {  	v2 =	vld [tilespmem:s30+$0xFFFFFFE0]  }
0x382: {  	v1 =	vld [tilespmem:s30+$0xFFFFFFF0]  }
0x383: {  	s31 =	simm.s32 $0x4570;
	v20 =	vld [tilespmem:s30+$0xFFFFFF90]  }
0x384: {  	v16 =	vld [tilespmem:s31+$0x0];
	v3 =	vmul.f32 $5.000000000e+00, v10  }
0x385: {  	v4 =	vmul.f32 $5.000000000e+00, v18;
	v5 =	vmul.f32 $5.000000000e+00, v19  }
0x386: {  	v6 =	vmul.f32 $5.000000000e+00, v28;
	v7 =	vmul.f32 $5.000000000e+00, v29  }
0x387: {  	v8 =	vmul.f32 $5.000000000e+00, v2;
	v9 =	vmul.f32 $5.000000000e+00, v1;
	v3 =	vadd.f32 $1.550000000e+01, v3  }
0x388: {  	v11 =	vmul.f32 $5.000000000e+00, v20;
	v4 =	vadd.f32 $1.550000000e+01, v4;
	v5 =	vadd.f32 $1.550000000e+01, v5  }
0x389: {  	v24 =	vmul.f32 $5.000000000e+00, v16;
	v6 =	vadd.f32 $1.550000000e+01, v6;
	v3 =	vmax.f32 v3, $5.000000000e-01  }
0x38a: {  	v4 =	vmax.f32 v4, $5.000000000e-01;
	v5 =	vmax.f32 v5, $5.000000000e-01;
	v3 =	vmin.f32 v3, $3.050000000e+01  }
0x38b: {  	v6 =	vmax.f32 v6, $5.000000000e-01;
	v4 =	vmin.f32 v4, $3.050000000e+01;
	v3 =	vtrunc.f32 v3  }
0x38c: {  	v21 =	vcvt.f32.s32 v3;
	v3 =	vadd.f32 $1.550000000e+01, v7;
	v7 =	vadd.f32 $1.550000000e+01, v8  }
0x38d: {  	v6 =	vmin.f32 v6, $3.050000000e+01;
	v8 =	vadd.f32 $1.550000000e+01, v9;
	v9 =	vadd.f32 $1.550000000e+01, v11  }
0x38e: {  	v5 =	vmin.f32 v5, $3.050000000e+01;
	v14 =	vtrunc.f32 v6;
	v11 =	vtrunc.f32 v4  }
0x38f: {  	v14 =	vcvt.f32.s32 v14;
	v12 =	vcvt.f32.s32 v11;
	v9 =	vmax.f32 v9, $5.000000000e-01  }
0x390: {  	v7 =	vmax.f32 v7, $5.000000000e-01;
	v8 =	vmax.f32 v8, $5.000000000e-01;
	v9 =	vmin.f32 v9, $3.050000000e+01  }
0x391: {  	v11 =	vld [tilespmem:s31+$0xFFFFFFF0];
	v4 =	vmin.f32 v7, $3.050000000e+01;
	v7 =	vtrunc.f32 v5;
	v5 =	vmin.f32 v8, $3.050000000e+01  }
0x392: {  	v9 =	vtrunc.f32 v9;
	v23 =	vtrunc.f32 v5;
	v5 =	vld [tilespmem:s31+$0xFFFFFFB0]  }
0x393: {  	v3 =	vmax.f32 v3, $5.000000000e-01;
	v13 =	vcvt.f32.s32 v9;
	v9 =	vld [tilespmem:s31+$0xFFFFFFE0]  }
0x394: {  	v24 =	vadd.f32 $1.550000000e+01, v24;
	v3 =	vmin.f32 v3, $3.050000000e+01;
	v22 =	vld.idx.msk [tilespmem:v21+s3+$0x0], $0xffff  }
0x395: {  	v3 =	vtrunc.f32 v3;
	v8 =	vtrunc.f32 v4;
	v4 =	vld [tilespmem:s31+$0xFFFFFFA0]  }
0x396: {  	v24 =	vmax.f32 v24, $5.000000000e-01;
	v17 =	vcvt.f32.s32 v3;
	v3 =	vld [tilespmem:s31+$0xFFFFFFD0];
	v31 =	vmul.f32 $5.000000000e+00, v11  }
0x397: {  	v24 =	vmin.f32 v24, $3.050000000e+01;
	v15 =	vcvt.f32.s32 v7;
	v35 =	vld.idx.msk [tilespmem:v14+s3+$0x0], $0xffff  }
0x398: {  	v8 =	vcvt.f32.s32 v8;
	v7 =	vcvt.f32.s32 v23;
	v31 =	vadd.f32 $1.550000000e+01, v31  }
0x399: {  	v6 =	vld [tilespmem:s31+$0xFFFFFFC0];
	v25 =	vmul.f32 $5.000000000e+00, v5;
	v26 =	vmul.f32 $5.000000000e+00, v9;
	vm0 =	vle.f32 v22, v10  }
0x39a: {  	v31 =	vmax.f32 v31, $5.000000000e-01;
	v22 =	vmul.f32 $5.000000000e+00, v4;
	v10 =	vld [tilespmem:s31+$0xFFFFFF90];
	v23 =	vsel vm0, $0x1, v0  }
0x39b: {  	v25 =	vadd.f32 $1.550000000e+01, v25;
	v30 =	vadd.s32 v23, v21;
	v23 =	vmul.f32 $5.000000000e+00, v3  }
0x39c: {  	v31 =	vmin.f32 v31, $3.050000000e+01;
	vm3 =	vle.f32 v35, v28;
	v26 =	vadd.f32 $1.550000000e+01, v26  }
0x39d: {  	v32 =	vld.idx.msk [tilespmem:v13+s3+$0x0], $0xffff;
	v21 =	vadd.f32 $1.550000000e+01, v22;
	v27 =	vadd.f32 $1.550000000e+01, v23;
	v23 =	vtrunc.f32 v24  }
0x39e: {  	v22 =	vmul.f32 $5.000000000e+00, v6;
	v25 =	vmax.f32 v25, $5.000000000e-01;
	v23 =	vcvt.f32.s32 v23  }
0x39f: {  	v26 =	vmax.f32 v26, $5.000000000e-01;
	v25 =	vmin.f32 v25, $3.050000000e+01;
	v24 =	vmul.f32 $5.000000000e+00, v10  }
0x3a0: {  	v33 =	vld.idx.msk [tilespmem:v12+s3+$0x0], $0xffff;
	v22 =	vadd.f32 $1.550000000e+01, v22;
	v21 =	vmax.f32 v21, $5.000000000e-01;
	v26 =	vmin.f32 v26, $3.050000000e+01  }
0x3a1: {  	v34 =	vld.idx.msk [tilespmem:v15+s3+$0x0], $0xffff;
	v38 =	vtrunc.f32 v25;
	v21 =	vmin.f32 v21, $3.050000000e+01;
	v24 =	vadd.f32 $1.550000000e+01, v24  }
0x3a2: {  	v36 =	vld.idx.msk [tilespmem:v17+s3+$0x0], $0xffff;
	vm0 =	vle.f32 v32, v20;
	v26 =	vtrunc.f32 v26;
	v20 =	vcvt.f32.s32 v38  }
0x3a3: {  	v25 =	vld.idx.msk [tilespmem:v7+s3+$0x0], $0xffff;
	v22 =	vmax.f32 v22, $5.000000000e-01;
	v27 =	vmax.f32 v27, $5.000000000e-01;
	v24 =	vmax.f32 v24, $5.000000000e-01  }
0x3a4: {  	v21 =	vtrunc.f32 v21;
	v22 =	vmin.f32 v22, $3.050000000e+01;
	v24 =	vmin.f32 v24, $3.050000000e+01;
	v28 =	vld.idx.msk [tilespmem:v23+s3+$0x0], $0xffff  }
0x3a5: {  	v27 =	vmin.f32 v27, $3.050000000e+01;
	v21 =	vcvt.f32.s32 v21;
	v37 =	vtrunc.f32 v24;
	v24 =	vld.idx.msk [tilespmem:v8+s3+$0x0], $0xffff  }
0x3a6: {  	vm1 =	vle.f32 v33, v18;
	v39 =	vtrunc.f32 v22;
	v63 =	vtrunc.f32 v27  }
0x3a7: {  	s25 =	simm.s32 $0xC170;
	vm2 =	vle.f32 v34, v19;
	v27 =	vtrunc.f32 v31;
	v19 =	vcvt.f32.s32 v39  }
0x3a8: {  	s26 =	simm.s32 $0x80;
	s28 =	simm.s32 $0x4970;
	s24 =	simm.s32 $0xC170;
	[tilespmem:s25+$0x0] =	vst v30;
	vm4 =	vle.f32 v36, v29;
	v18 =	vcvt.f32.s32 v63;
	v22 =	vcvt.f32.s32 v37  }
.LBB2_45:
0x3a9: {  	s26 =	sadd.s32 $0x80, s26;
	v26 =	vcvt.f32.s32 v26;
	v27 =	vcvt.f32.s32 v27;
	vm5 =	vle.f32 v28, v16;
	v16 =	vld [tilespmem:s28+$0x0]  }
0x3aa: {  	vm6 =	vle.f32 v25, v1;
	v1 =	vmovc v11;
	v29 =	vld [tilespmem:s28+$0xFFFFFFA0];
	p0 =	slt.u32 s26, $0x780;
	v28 =	vsel vm5, $0x1, v0;
	vm5 =	vle.f32 v24, v2;
	v2 =	vmovc v9  }
0x3ab: {  	v11 =	vsel vm0, $0x1, v0;
	s25 =	sadd.s32 $0x400, s25;
	v30 =	vld [tilespmem:s28+$0xFFFFFFB0];
	v9 =	vadd.s32 v28, v23;
	v23 =	vsel vm1, $0x1, v0  }
0x3ac: {  	v25 =	vsel vm3, $0x1, v0;
	v24 =	vsel vm2, $0x1, v0;
	v28 =	vsel vm4, $0x1, v0;
	v31 =	vld [tilespmem:s28+$0xFFFFFFC0];
	[tilespmem:s25+$0x0] =	vst v9  }
0x3ad: {  	v11 =	vadd.s32 v11, v13;
	v34 =	vsel vm6, $0x1, v0;
	v13 =	vmovc v22;
	v33 =	vsel vm5, $0x1, v0;
	v32 =	vld [tilespmem:s28+$0xFFFFFFD0]  }
0x3ae: {  	v24 =	vadd.s32 v24, v15;
	v23 =	vadd.s32 v23, v12;
	v12 =	vmovc v21;
	v9 =	vld [tilespmem:s28+$0xFFFFFFE0];
	v35 =	vmul.f32 $5.000000000e+00, v16;
	[tilespmem:s24+$0xFFFFFF90] =	vst v11  }
0x3af: {  	v15 =	vmovc v20;
	v17 =	vadd.s32 v28, v17;
	v36 =	vmul.f32 $5.000000000e+00, v29;
	v11 =	vld [tilespmem:s28+$0xFFFFFFF0];
	[tilespmem:s24+$0xFFFFFFA0] =	vst v23;
	v23 =	vadd.s32 v25, v14  }
0x3b0: {  	v14 =	vmovc v19;
	v37 =	vld [tilespmem:s28+$0xFFFFFF90];
	v25 =	vmul.f32 $5.000000000e+00, v30;
	v28 =	vadd.f32 $1.550000000e+01, v35;
	[tilespmem:s24+$0xFFFFFFB0] =	vst v24;
	v24 =	vadd.s32 v33, v8;
	v8 =	vmovc v26  }
0x3b1: {  	v26 =	vadd.f32 $1.550000000e+01, v36;
	v33 =	vmul.f32 $5.000000000e+00, v31;
	v22 =	vld.idx.msk [tilespmem:v22+s3+$0x0], $0xffff;
	[tilespmem:s24+$0xFFFFFFC0] =	vst v23;
	v23 =	vadd.s32 v34, v7;
	v7 =	vmovc v27  }
0x3b2: {  	v25 =	vadd.f32 $1.550000000e+01, v25;
	v27 =	vmul.f32 $5.000000000e+00, v32;
	v28 =	vmax.f32 v28, $5.000000000e-01;
	v21 =	vld.idx.msk [tilespmem:v21+s3+$0x0], $0xffff;
	[tilespmem:s24+$0xFFFFFFD0] =	vst v17;
	v17 =	vmovc v18  }
0x3b3: {  	v33 =	vadd.f32 $1.550000000e+01, v33;
	v34 =	vmul.f32 $5.000000000e+00, v9;
	v28 =	vmin.f32 v28, $3.050000000e+01;
	v20 =	vld.idx.msk [tilespmem:v20+s3+$0x0], $0xffff;
	[tilespmem:s24+$0xFFFFFFE0] =	vst v24  }
0x3b4: {  	v27 =	vadd.f32 $1.550000000e+01, v27;
	v24 =	vmul.f32 $5.000000000e+00, v11;
	v28 =	vtrunc.f32 v28;
	v19 =	vld.idx.msk [tilespmem:v19+s3+$0x0], $0xffff;
	[tilespmem:s24+$0xFFFFFFF0] =	vst v23;
	s24 =	smov.u32 s25  }
0x3b5: {  	v35 =	vmul.f32 $5.000000000e+00, v37;
	v34 =	vadd.f32 $1.550000000e+01, v34;
	v23 =	vcvt.f32.s32 v28;
	v36 =	vld.idx.msk [tilespmem:v18+s3+$0x0], $0xffff  }
0x3b6: {  	v18 =	vmax.f32 v26, $5.000000000e-01;
	v26 =	vmax.f32 v25, $5.000000000e-01;
	v28 =	vadd.f32 $1.550000000e+01, v24;
	v24 =	vld.idx.msk [tilespmem:v8+s3+$0x0], $0xffff  }
0x3b7: {  	v33 =	vmax.f32 v33, $5.000000000e-01;
	v27 =	vmax.f32 v27, $5.000000000e-01;
	v35 =	vadd.f32 $1.550000000e+01, v35;
	v25 =	vld.idx.msk [tilespmem:v7+s3+$0x0], $0xffff  }
0x3b8: {  	v18 =	vmin.f32 v18, $3.050000000e+01;
	v34 =	vmax.f32 v34, $5.000000000e-01;
	v28 =	vmax.f32 v28, $5.000000000e-01  }
0x3b9: {  	v26 =	vmin.f32 v26, $3.050000000e+01;
	v33 =	vmin.f32 v33, $3.050000000e+01;
	v35 =	vmax.f32 v35, $5.000000000e-01  }
0x3ba: {  	v27 =	vmin.f32 v27, $3.050000000e+01;
	v34 =	vmin.f32 v34, $3.050000000e+01;
	v35 =	vmin.f32 v35, $3.050000000e+01  }
0x3bb: {  	v18 =	vtrunc.f32 v18;
	v38 =	vmin.f32 v28, $3.050000000e+01;
	v35 =	vtrunc.f32 v35;
	v28 =	vld.idx.msk [tilespmem:v23+s3+$0x0], $0xffff  }
.Ltmp23:
0x3bc: {  	vm0 =	vle.f32 v22, v10;
	v10 =	vmovc v37;
	v39 =	vtrunc.f32 v26;
	v33 =	vtrunc.f32 v33;
	(pc) =	sbr.rel @p0 .LBB2_45-.Ltmp23, $4  }
0x3bd: {  	vm1 =	vle.f32 v21, v4;
	v4 =	vmovc v29;
	v37 =	vtrunc.f32 v27;
	v26 =	vtrunc.f32 v34  }
0x3be: {  	vm2 =	vle.f32 v20, v5;
	v5 =	vmovc v30;
	v27 =	vtrunc.f32 v38;
	v22 =	vcvt.f32.s32 v35  }
0x3bf: {  	v21 =	vcvt.f32.s32 v18;
	v20 =	vcvt.f32.s32 v39;
	vm3 =	vle.f32 v19, v6;
	v6 =	vmovc v31  }
0x3c0: {  	s28 =	sadd.s32 $0x400, s28;
	v19 =	vcvt.f32.s32 v33;
	v18 =	vcvt.f32.s32 v37;
	vm4 =	vle.f32 v36, v3;
	v3 =	vmovc v32  }
0x3c1: {  	_ = 	snop  }
0x3c2: {  	vm5 =	vle.f32 v28, v16  }
0x3c3: {  	v16 =	vsel vm5, $0x1, v0  }
0x3c4: {  	v26 =	vcvt.f32.s32 v26;
	s25 =	sadd.s32 $0x400, s25;
	v16 =	vadd.s32 v16, v23;
	v23 =	vsel vm0, $0x1, v0  }
0x3c5: {  	v27 =	vcvt.f32.s32 v27;
	v28 =	vsel vm1, $0x1, v0;
	[tilespmem:s25+$0x0] =	vst v16;
	v13 =	vadd.s32 v23, v13;
	v16 =	vld.idx.msk [tilespmem:v22+s3+$0x0], $0xffff  }
0x3c6: {  	v12 =	vadd.s32 v28, v12;
	v23 =	vsel vm2, $0x1, v0;
	[tilespmem:s24+$0xFFFFFF90] =	vst v13;
	v13 =	vld.idx.msk [tilespmem:v21+s3+$0x0], $0xffff  }
0x3c7: {  	v28 =	vsel vm3, $0x1, v0;
	[tilespmem:s24+$0xFFFFFFA0] =	vst v12;
	v12 =	vld.idx.msk [tilespmem:v20+s3+$0x0], $0xffff;
	v15 =	vadd.s32 v23, v15  }
0x3c8: {  	vm7 =	vle.f32 v24, v2;
	v2 =	vsel vm4, $0x1, v0;
	v14 =	vadd.s32 v28, v14;
	[tilespmem:s24+$0xFFFFFFB0] =	vst v15;
	v15 =	vld.idx.msk [tilespmem:v19+s3+$0x0], $0xffff  }
0x3c9: {  	vm8 =	vle.f32 v25, v1;
	v1 =	vsel vm7, $0x1, v0;
	v2 =	vadd.s32 v2, v17;
	[tilespmem:s24+$0xFFFFFFC0] =	vst v14;
	v14 =	vld.idx.msk [tilespmem:v18+s3+$0x0], $0xffff  }
0x3ca: {  	v17 =	vsel vm8, $0x1, v0;
	v1 =	vadd.s32 v1, v8;
	[tilespmem:s24+$0xFFFFFFD0] =	vst v2;
	v2 =	vld.idx.msk [tilespmem:v26+s3+$0x0], $0xffff;
	vm9 =	vle.f32 v16, v10  }
0x3cb: {  	v7 =	vadd.s32 v17, v7;
	[tilespmem:s24+$0xFFFFFFE0] =	vst v1;
	v1 =	vld.idx.msk [tilespmem:v27+s3+$0x0], $0xffff;
	vm10 =	vle.f32 v13, v4;
	v4 =	vsel vm9, $0x1, v0  }
0x3cc: {  	[tilespmem:s24+$0xFFFFFFF0] =	vst v7;
	vm11 =	vle.f32 v12, v5;
	v5 =	vsel vm10, $0x1, v0;
	v4 =	vadd.s32 v4, v22  }
0x3cd: {  	vm12 =	vle.f32 v15, v6;
	v6 =	vsel vm11, $0x1, v0;
	[tilespmem:s25+$0xFFFFFF90] =	vst v4;
	v4 =	vadd.s32 v5, v21  }
0x3ce: {  	vm13 =	vle.f32 v14, v3;
	v3 =	vsel vm12, $0x1, v0;
	v5 =	vadd.s32 v6, v20;
	[tilespmem:s25+$0xFFFFFFA0] =	vst v4  }
0x3cf: {  	vm14 =	vle.f32 v2, v9;
	v2 =	vsel vm13, $0x1, v0;
	v3 =	vadd.s32 v3, v19;
	[tilespmem:s25+$0xFFFFFFB0] =	vst v5  }
0x3d0: {  	vm15 =	vle.f32 v1, v11;
	v1 =	vsel vm14, $0x1, v0;
	v2 =	vadd.s32 v2, v18;
	[tilespmem:s25+$0xFFFFFFC0] =	vst v3  }
0x3d1: {  	v3 =	vsel vm15, $0x1, v0;
	v1 =	vadd.s32 v1, v26;
	[tilespmem:s25+$0xFFFFFFD0] =	vst v2  }
0x3d2: {  	v2 =	vadd.s32 v3, v27;
	[tilespmem:s25+$0xFFFFFFE0] =	vst v1  }
0x3d3: {  	s31 =	simm.s32 $0x41F0;
	[tilespmem:s25+$0xFFFFFFF0] =	vst v2  }
0x3d4: {  	v29 =	vld [tilespmem:s31+$0x0]  }
0x3d5: {  	v22 =	vld [tilespmem:s31+$0xFFFFFFA0]  }
0x3d6: {  	v20 =	vld [tilespmem:s31+$0xFFFFFFC0]  }
0x3d7: {  	v18 =	vld [tilespmem:s31+$0xFFFFFFD0]  }
0x3d8: {  	v2 =	vld [tilespmem:s31+$0xFFFFFFE0]  }
0x3d9: {  	v23 =	vld [tilespmem:s31+$0xFFFFFF90]  }
0x3da: {  	v21 =	vld [tilespmem:s31+$0xFFFFFFB0]  }
0x3db: {  	v1 =	vld [tilespmem:s31+$0xFFFFFFF0];
	v3 =	vmul.f32 $5.000000000e+00, v29  }
0x3dc: {  	v4 =	vmul.f32 $5.000000000e+00, v22;
	v6 =	vmul.f32 $5.000000000e+00, v20  }
0x3dd: {  	v7 =	vmul.f32 $5.000000000e+00, v18;
	v8 =	vmul.f32 $5.000000000e+00, v2  }
0x3de: {  	v61 =	vmul.f32 $5.000000000e+00, v23;
	v3 =	vadd.f32 $1.550000000e+01, v3;
	v4 =	vadd.f32 $1.550000000e+01, v4  }
0x3df: {  	v5 =	vmul.f32 $5.000000000e+00, v21;
	v6 =	vadd.f32 $1.550000000e+01, v6;
	v7 =	vadd.f32 $1.550000000e+01, v7  }
0x3e0: {  	v60 =	vmul.f32 $5.000000000e+00, v1;
	v8 =	vadd.f32 $1.550000000e+01, v8;
	v62 =	vadd.f32 $1.550000000e+01, v61  }
0x3e1: {  	v5 =	vadd.f32 $1.550000000e+01, v5;
	v3 =	vmax.f32 v3, $5.000000000e-01;
	v6 =	vmax.f32 v6, $5.000000000e-01  }
0x3e2: {  	v7 =	vmax.f32 v7, $5.000000000e-01;
	v8 =	vmax.f32 v8, $5.000000000e-01;
	v9 =	vmax.f32 v62, $5.000000000e-01  }
0x3e3: {  	v3 =	vmin.f32 v3, $3.050000000e+01;
	v6 =	vmin.f32 v6, $3.050000000e+01;
	v9 =	vmin.f32 v9, $3.050000000e+01  }
0x3e4: {  	v7 =	vmin.f32 v7, $3.050000000e+01;
	v3 =	vtrunc.f32 v3;
	v9 =	vtrunc.f32 v9  }
0x3e5: {  	v8 =	vmin.f32 v8, $3.050000000e+01;
	v6 =	vtrunc.f32 v6;
	v14 =	vcvt.f32.s32 v3  }
0x3e6: {  	p2 =	por $0x1, $0x1;
	v7 =	vtrunc.f32 v7;
	v26 =	vtrunc.f32 v8;
	v3 =	vmax.f32 v4, $5.000000000e-01  }
.Ltmp24:
0x3e7: {  	v4 =	vmax.f32 v5, $5.000000000e-01;
	v5 =	vadd.f32 $1.550000000e+01, v60;
	v6 =	vcvt.f32.s32 v6;
	(pc) =	sbr.rel @!p2 .LBB2_47-.Ltmp24, $4  }
0x3e8: {  	v7 =	vcvt.f32.s32 v7;
	v3 =	vmin.f32 v3, $3.050000000e+01;
	v4 =	vmin.f32 v4, $3.050000000e+01  }
0x3e9: {  	v5 =	vmax.f32 v5, $5.000000000e-01;
	v3 =	vtrunc.f32 v3;
	v63 =	vtrunc.f32 v4  }
0x3ea: {  	v4 =	vcvt.f32.s32 v9;
	v5 =	vmin.f32 v5, $3.050000000e+01;
	v3 =	vcvt.f32.s32 v3  }
0x3eb: {  	p0 =	por $0x0, $0x0;
	s24 =	simm.s32 $0xC1F0;
	s25 =	simm.s32 $0x45F0;
	v27 =	vtrunc.f32 v5;
	v5 =	vcvt.f32.s32 v63;
	v28 =	vld.idx.msk [tilespmem:v14+s3+$0x0], $0xffff  }
0x3ec: {  	v16 =	vld [tilespmem:s25+$0x0]  }
0x3ed: {  	v13 =	vld [tilespmem:s25+$0xFFFFFFA0]  }
0x3ee: {  	v12 =	vld [tilespmem:s25+$0xFFFFFFB0]  }
0x3ef: {  	v11 =	vld [tilespmem:s25+$0xFFFFFFC0]  }
0x3f0: {  	v19 =	vld [tilespmem:s25+$0xFFFFFFF0]  }
0x3f1: {  	v15 =	vld [tilespmem:s25+$0xFFFFFF90]  }
0x3f2: {  	v33 =	vld.idx.msk [tilespmem:v3+s3+$0x0], $0xffff  }
0x3f3: {  	v35 =	vld.idx.msk [tilespmem:v6+s3+$0x0], $0xffff  }
0x3f4: {  	v10 =	vld [tilespmem:s25+$0xFFFFFFD0];
	v8 =	vcvt.f32.s32 v26;
	v9 =	vcvt.f32.s32 v27  }
0x3f5: {  	v17 =	vld [tilespmem:s25+$0xFFFFFFE0];
	vm0 =	vle.f32 v28, v29;
	v24 =	vmul.f32 $5.000000000e+00, v16;
	v25 =	vmul.f32 $5.000000000e+00, v13  }
0x3f6: {  	v36 =	vld.idx.msk [tilespmem:v7+s3+$0x0], $0xffff;
	v26 =	vsel vm0, $0x1, v0;
	v27 =	vmul.f32 $5.000000000e+00, v12;
	v30 =	vmul.f32 $5.000000000e+00, v19  }
0x3f7: {  	v31 =	vmul.f32 $5.000000000e+00, v15;
	vm1 =	vle.f32 v33, v22;
	v24 =	vadd.f32 $1.550000000e+01, v24  }
0x3f8: {  	vm3 =	vle.f32 v35, v20;
	v28 =	vadd.s32 v26, v14;
	v14 =	vmul.f32 $5.000000000e+00, v11  }
0x3f9: {  	v26 =	vadd.f32 $1.550000000e+01, v27;
	v27 =	vmul.f32 $5.000000000e+00, v10;
	v24 =	vmax.f32 v24, $5.000000000e-01  }
0x3fa: {  	v29 =	vadd.f32 $1.550000000e+01, v14;
	v14 =	vmul.f32 $5.000000000e+00, v17;
	v24 =	vmin.f32 v24, $3.050000000e+01  }
0x3fb: {  	vm4 =	vle.f32 v36, v18;
	v31 =	vadd.f32 $1.550000000e+01, v31;
	v24 =	vtrunc.f32 v24  }
0x3fc: {  	v27 =	vadd.f32 $1.550000000e+01, v27;
	v32 =	vadd.f32 $1.550000000e+01, v14;
	v14 =	vcvt.f32.s32 v24  }
0x3fd: {  	v25 =	vadd.f32 $1.550000000e+01, v25;
	v31 =	vmax.f32 v31, $5.000000000e-01;
	v29 =	vmax.f32 v29, $5.000000000e-01  }
0x3fe: {  	v31 =	vmin.f32 v31, $3.050000000e+01;
	v27 =	vmax.f32 v27, $5.000000000e-01;
	v29 =	vmin.f32 v29, $3.050000000e+01  }
0x3ff: {  	v34 =	vld.idx.msk [tilespmem:v5+s3+$0x0], $0xffff;
	v31 =	vtrunc.f32 v31;
	v24 =	vmax.f32 v25, $5.000000000e-01;
	v25 =	vmax.f32 v26, $5.000000000e-01  }
0x400: {  	v26 =	vadd.f32 $1.550000000e+01, v30;
	v30 =	vld.idx.msk [tilespmem:v4+s3+$0x0], $0xffff;
	v32 =	vmax.f32 v32, $5.000000000e-01;
	v24 =	vmin.f32 v24, $3.050000000e+01  }
0x401: {  	p4 =	por $0x1, $0x1;
	v27 =	vmin.f32 v27, $3.050000000e+01;
	v29 =	vtrunc.f32 v29;
	v37 =	vtrunc.f32 v24;
	v24 =	vld.idx.msk [tilespmem:v8+s3+$0x0], $0xffff  }
.Ltmp25:
0x402: {  	[tilespmem:s24+$0x0] =	vst v28;
	v25 =	vmin.f32 v25, $3.050000000e+01;
	v32 =	vmin.f32 v32, $3.050000000e+01;
	v40 =	vtrunc.f32 v27;
	v28 =	vld.idx.msk [tilespmem:v14+s3+$0x0], $0xffff;
	(pc) =	sbr.rel @!p4 .LBB2_49-.Ltmp25, $4  }
0x403: {  	v22 =	vcvt.f32.s32 v29;
	v26 =	vmax.f32 v26, $5.000000000e-01;
	v39 =	vtrunc.f32 v25;
	v25 =	vld.idx.msk [tilespmem:v9+s3+$0x0], $0xffff  }
0x404: {  	v20 =	vcvt.f32.s32 v40;
	v38 =	vmin.f32 v26, $3.050000000e+01;
	v26 =	vtrunc.f32 v32  }
0x405: {  	s28 =	simm.s32 $0x80;
	s29 =	simm.s32 $0x49F0;
	vm2 =	vle.f32 v34, v21;
	v21 =	vcvt.f32.s32 v39;
	v27 =	vtrunc.f32 v38  }
0x406: {  	p3 =	por $0x1, $0x1;
	s26 =	simm.s32 $0xC1F0;
	s25 =	simm.s32 $0xC1F0;
	vm0 =	vle.f32 v30, v23;
	v23 =	vcvt.f32.s32 v31;
	v30 =	vcvt.f32.s32 v37  }
.LBB2_50:
0x407: {  	s28 =	sadd.s32 $0x80, s28;
	v18 =	vcvt.f32.s32 v26;
	v26 =	vcvt.f32.s32 v27;
	vm5 =	vle.f32 v28, v16;
	v16 =	vld [tilespmem:s29+$0x0]  }
0x408: {  	vm6 =	vle.f32 v25, v1;
	v1 =	vmovc v19;
	v27 =	vld [tilespmem:s29+$0xFFFFFFA0];
	p4 =	slt.u32 s28, $0x780;
	v28 =	vsel vm5, $0x1, v0;
	vm5 =	vle.f32 v24, v2;
	v2 =	vmovc v17  }
0x409: {  	v19 =	vsel vm1, $0x1, v0;
	s26 =	sadd.s32 $0x400, s26;
	v17 =	vsel vm0, $0x1, v0;
	v29 =	vld [tilespmem:s29+$0xFFFFFFB0];
	v14 =	vadd.s32 v28, v14  }
0x40a: {  	v25 =	vsel vm4, $0x1, v0;
	v24 =	vsel vm3, $0x1, v0;
	v31 =	vld [tilespmem:s29+$0xFFFFFFC0];
	[tilespmem:s26+$0x0] =	vst v14;
	v14 =	vsel vm2, $0x1, v0  }
0x40b: {  	v34 =	vsel vm6, $0x1, v0;
	v28 =	vadd.s32 v17, v4;
	v33 =	vsel vm5, $0x1, v0;
	v4 =	vmovc v23;
	v32 =	vld [tilespmem:s29+$0xFFFFFFD0]  }
0x40c: {  	v14 =	vadd.s32 v14, v5;
	v17 =	vld [tilespmem:s29+$0xFFFFFFE0];
	v35 =	vmul.f32 $5.000000000e+00, v16;
	[tilespmem:s25+$0xFFFFFF90] =	vst v28;
	v28 =	vadd.s32 v19, v3;
	v3 =	vmovc v30  }
0x40d: {  	v7 =	vadd.s32 v25, v7;
	v24 =	vadd.s32 v24, v6;
	v5 =	vmovc v21;
	v36 =	vmul.f32 $5.000000000e+00, v27;
	v19 =	vld [tilespmem:s29+$0xFFFFFFF0];
	[tilespmem:s25+$0xFFFFFFA0] =	vst v28  }
0x40e: {  	v6 =	vmovc v22;
	v37 =	vld [tilespmem:s29+$0xFFFFFF90];
	v25 =	vmul.f32 $5.000000000e+00, v29;
	v28 =	vadd.f32 $1.550000000e+01, v35;
	[tilespmem:s25+$0xFFFFFFB0] =	vst v14;
	v14 =	vadd.s32 v33, v8;
	v8 =	vmovc v18  }
0x40f: {  	v18 =	vadd.f32 $1.550000000e+01, v36;
	v33 =	vmul.f32 $5.000000000e+00, v31;
	v23 =	vld.idx.msk [tilespmem:v23+s3+$0x0], $0xffff;
	[tilespmem:s25+$0xFFFFFFC0] =	vst v24;
	v24 =	vadd.s32 v34, v9;
	v9 =	vmovc v26  }
0x410: {  	v25 =	vadd.f32 $1.550000000e+01, v25;
	v26 =	vmul.f32 $5.000000000e+00, v32;
	v28 =	vmax.f32 v28, $5.000000000e-01;
	v30 =	vld.idx.msk [tilespmem:v30+s3+$0x0], $0xffff;
	[tilespmem:s25+$0xFFFFFFD0] =	vst v7;
	v7 =	vmovc v20  }
0x411: {  	v33 =	vadd.f32 $1.550000000e+01, v33;
	v34 =	vmul.f32 $5.000000000e+00, v17;
	v28 =	vmin.f32 v28, $3.050000000e+01;
	v21 =	vld.idx.msk [tilespmem:v21+s3+$0x0], $0xffff;
	[tilespmem:s25+$0xFFFFFFE0] =	vst v14  }
0x412: {  	v26 =	vadd.f32 $1.550000000e+01, v26;
	v35 =	vmul.f32 $5.000000000e+00, v19;
	v14 =	vtrunc.f32 v28;
	v22 =	vld.idx.msk [tilespmem:v22+s3+$0x0], $0xffff;
	[tilespmem:s25+$0xFFFFFFF0] =	vst v24;
	s25 =	smov.u32 s26  }
0x413: {  	v28 =	vmul.f32 $5.000000000e+00, v37;
	v34 =	vadd.f32 $1.550000000e+01, v34;
	v14 =	vcvt.f32.s32 v14;
	v36 =	vld.idx.msk [tilespmem:v20+s3+$0x0], $0xffff  }
0x414: {  	v18 =	vmax.f32 v18, $5.000000000e-01;
	v20 =	vmax.f32 v25, $5.000000000e-01;
	v35 =	vadd.f32 $1.550000000e+01, v35;
	v24 =	vld.idx.msk [tilespmem:v8+s3+$0x0], $0xffff  }
0x415: {  	v33 =	vmax.f32 v33, $5.000000000e-01;
	v26 =	vmax.f32 v26, $5.000000000e-01;
	v28 =	vadd.f32 $1.550000000e+01, v28;
	v25 =	vld.idx.msk [tilespmem:v9+s3+$0x0], $0xffff  }
0x416: {  	v18 =	vmin.f32 v18, $3.050000000e+01;
	v34 =	vmax.f32 v34, $5.000000000e-01;
	v35 =	vmax.f32 v35, $5.000000000e-01  }
0x417: {  	v20 =	vmin.f32 v20, $3.050000000e+01;
	v33 =	vmin.f32 v33, $3.050000000e+01;
	v28 =	vmax.f32 v28, $5.000000000e-01  }
0x418: {  	v26 =	vmin.f32 v26, $3.050000000e+01;
	v34 =	vmin.f32 v34, $3.050000000e+01;
	v28 =	vmin.f32 v28, $3.050000000e+01  }
0x419: {  	v18 =	vtrunc.f32 v18;
	v35 =	vmin.f32 v35, $3.050000000e+01;
	v38 =	vtrunc.f32 v28;
	v28 =	vld.idx.msk [tilespmem:v14+s3+$0x0], $0xffff  }
.Ltmp26:
0x41a: {  	vm0 =	vle.f32 v23, v15;
	v15 =	vmovc v37;
	v20 =	vtrunc.f32 v20;
	v33 =	vtrunc.f32 v33;
	(pc) =	sbr.rel @p4 .LBB2_50-.Ltmp26, $4  }
0x41b: {  	vm1 =	vle.f32 v30, v13;
	v13 =	vmovc v27;
	v37 =	vtrunc.f32 v26;
	v26 =	vtrunc.f32 v34  }
0x41c: {  	vm2 =	vle.f32 v21, v12;
	v12 =	vmovc v29;
	v27 =	vtrunc.f32 v35;
	v23 =	vcvt.f32.s32 v38  }
0x41d: {  	v30 =	vcvt.f32.s32 v18;
	v21 =	vcvt.f32.s32 v20;
	vm3 =	vle.f32 v22, v11;
	v11 =	vmovc v31  }
0x41e: {  	s29 =	sadd.s32 $0x400, s29;
	v22 =	vcvt.f32.s32 v33;
	v20 =	vcvt.f32.s32 v37;
	vm4 =	vle.f32 v36, v10;
	v10 =	vmovc v32  }
0x41f: {  	v32 =	vmovc v2;
	v31 =	vmovc v1;
	v35 =	vmov v4;
	v36 =	vmov v3;
	v37 =	vmov v5  }
0x420: {  	v34 =	vmovc v6;
	v33 =	vmovc v7;
	v29 =	vmov v16;
	v2 =	vmov v17;
	v1 =	vmov v19  }
0x421: {  	v4 =	vmovc v23;
	v3 =	vmovc v30;
	v5 =	vmov v21;
	v23 =	vmov v15;
	v21 =	vmov v12  }
0x422: {  	v18 =	vmovc v10;
	v6 =	vmovc v22;
	v7 =	vmov v20;
	v22 =	vmov v13;
	v20 =	vmov v11  }
.LBB2_52:
0x423: {  	_ =	sdelay $0x1  }
0x424: {  	vm5 =	vle.f32 v28, v29;
	v11 =	vcvt.f32.s32 v26;
	v15 =	vsel @p3 vm2, $0x1, v0  }
0x425: {  	s26 =	sadd.s32 @p3 $0x400, s26;
	v12 =	vsel @p3 vm0, $0x1, v0;
	v10 =	vsel vm5, $0x1, v0;
	v15 =	vadd.s32 @p3 v15, v37  }
0x426: {  	v13 =	vcvt.f32.s32 v27;
	v16 =	vsel @p3 vm3, $0x1, v0;
	v58 =	vld.idx.msk [tilespmem:v5+s3+$0x0], $0xffff;
	s24 =	smov.u32 @p3 s26;
	v10 =	vadd.s32 v10, v14;
	[tilespmem:s25+$0xFFFFFFB0] =	vst @p3 v15  }
0x427: {  	vm0 =	vle.f32 @p3 v24, v32;
	v14 =	vsel @p3 vm1, $0x1, v0;
	[tilespmem:s24+$0x0] =	vst v10;
	v10 =	vadd.s32 @p3 v12, v35;
	v12 =	vld.idx.msk [tilespmem:v4+s3+$0x0], $0xffff  }
0x428: {  	v17 =	vsel @p3 vm4, $0x1, v0;
	v16 =	vadd.s32 @p3 v16, v34;
	[tilespmem:s25+$0xFFFFFF90] =	vst @p3 v10;
	v10 =	vadd.s32 @p3 v14, v36;
	v14 =	vld.idx.msk [tilespmem:v3+s3+$0x0], $0xffff  }
0x429: {  	v19 =	vsel @p3 vm0, $0x1, v0;
	v17 =	vadd.s32 @p3 v17, v33;
	v15 =	vld.idx.msk [tilespmem:v6+s3+$0x0], $0xffff;
	[tilespmem:s25+$0xFFFFFFC0] =	vst @p3 v16  }
0x42a: {  	vm1 =	vle.f32 @p3 v25, v31;
	v16 =	vld.idx.msk [tilespmem:v7+s3+$0x0], $0xffff;
	v8 =	vadd.s32 @p3 v19, v8;
	[tilespmem:s25+$0xFFFFFFD0] =	vst @p3 v17  }
0x42b: {  	v24 =	vsel @p3 vm1, $0x1, v0;
	[tilespmem:s25+$0xFFFFFFE0] =	vst @p3 v8;
	vm11 =	vle.f32 v58, v21;
	v17 =	vld.idx.msk [tilespmem:v11+s3+$0x0], $0xffff  }
0x42c: {  	v9 =	vadd.s32 @p3 v24, v9;
	[tilespmem:s25+$0xFFFFFFA0] =	vst @p3 v10;
	v8 =	vld.idx.msk [tilespmem:v13+s3+$0x0], $0xffff;
	v10 =	vsel vm11, $0x1, v0;
	vm9 =	vle.f32 v12, v23  }
0x42d: {  	[tilespmem:s25+$0xFFFFFFF0] =	vst @p3 v9;
	v5 =	vadd.s32 v10, v5;
	vm10 =	vle.f32 v14, v22;
	v12 =	vsel vm9, $0x1, v0  }
0x42e: {  	vm12 =	vle.f32 v15, v20;
	[tilespmem:s24+$0xFFFFFFB0] =	vst v5;
	v59 =	vsel vm10, $0x1, v0;
	v4 =	vadd.s32 v12, v4  }
0x42f: {  	vm13 =	vle.f32 v16, v18;
	[tilespmem:s24+$0xFFFFFF90] =	vst v4;
	v3 =	vadd.s32 v59, v3;
	v4 =	vsel vm12, $0x1, v0  }
0x430: {  	vm14 =	vle.f32 v17, v2;
	v2 =	vsel vm13, $0x1, v0;
	[tilespmem:s24+$0xFFFFFFA0] =	vst v3;
	v3 =	vadd.s32 v4, v6  }
0x431: {  	vm15 =	vle.f32 v8, v1;
	v1 =	vsel vm14, $0x1, v0;
	v2 =	vadd.s32 v2, v7;
	[tilespmem:s24+$0xFFFFFFC0] =	vst v3  }
0x432: {  	v3 =	vsel vm15, $0x1, v0;
	v1 =	vadd.s32 v1, v11;
	[tilespmem:s24+$0xFFFFFFD0] =	vst v2  }
0x433: {  	v2 =	vadd.s32 v3, v13;
	[tilespmem:s24+$0xFFFFFFE0] =	vst v1  }
0x434: {  	s31 =	simm.s32 $0x4270;
	[tilespmem:s24+$0xFFFFFFF0] =	vst v2  }
0x435: {  	v29 =	vld [tilespmem:s31+$0x0]  }
0x436: {  	v22 =	vld [tilespmem:s31+$0xFFFFFFA0]  }
0x437: {  	v20 =	vld [tilespmem:s31+$0xFFFFFFC0]  }
0x438: {  	v19 =	vld [tilespmem:s31+$0xFFFFFFD0]  }
0x439: {  	v2 =	vld [tilespmem:s31+$0xFFFFFFE0]  }
0x43a: {  	v23 =	vld [tilespmem:s31+$0xFFFFFF90]  }
0x43b: {  	v21 =	vld [tilespmem:s31+$0xFFFFFFB0]  }
0x43c: {  	v1 =	vld [tilespmem:s31+$0xFFFFFFF0];
	v3 =	vmul.f32 $5.000000000e+00, v29  }
0x43d: {  	v4 =	vmul.f32 $5.000000000e+00, v22;
	v6 =	vmul.f32 $5.000000000e+00, v20  }
0x43e: {  	v7 =	vmul.f32 $5.000000000e+00, v19;
	v8 =	vmul.f32 $5.000000000e+00, v2  }
0x43f: {  	v61 =	vmul.f32 $5.000000000e+00, v23;
	v3 =	vadd.f32 $1.550000000e+01, v3;
	v4 =	vadd.f32 $1.550000000e+01, v4  }
0x440: {  	v5 =	vmul.f32 $5.000000000e+00, v21;
	v6 =	vadd.f32 $1.550000000e+01, v6;
	v7 =	vadd.f32 $1.550000000e+01, v7  }
0x441: {  	v60 =	vmul.f32 $5.000000000e+00, v1;
	v8 =	vadd.f32 $1.550000000e+01, v8;
	v62 =	vadd.f32 $1.550000000e+01, v61  }
0x442: {  	v5 =	vadd.f32 $1.550000000e+01, v5;
	v3 =	vmax.f32 v3, $5.000000000e-01;
	v6 =	vmax.f32 v6, $5.000000000e-01  }
0x443: {  	v7 =	vmax.f32 v7, $5.000000000e-01;
	v8 =	vmax.f32 v8, $5.000000000e-01;
	v9 =	vmax.f32 v62, $5.000000000e-01  }
0x444: {  	v3 =	vmin.f32 v3, $3.050000000e+01;
	v6 =	vmin.f32 v6, $3.050000000e+01;
	v9 =	vmin.f32 v9, $3.050000000e+01  }
0x445: {  	v7 =	vmin.f32 v7, $3.050000000e+01;
	v3 =	vtrunc.f32 v3;
	v9 =	vtrunc.f32 v9  }
0x446: {  	v8 =	vmin.f32 v8, $3.050000000e+01;
	v6 =	vtrunc.f32 v6;
	v14 =	vcvt.f32.s32 v3  }
0x447: {  	v7 =	vtrunc.f32 v7;
	v26 =	vtrunc.f32 v8;
	v3 =	vmax.f32 v4, $5.000000000e-01  }
.Ltmp27:
0x448: {  	v4 =	vmax.f32 v5, $5.000000000e-01;
	v5 =	vadd.f32 $1.550000000e+01, v60;
	v6 =	vcvt.f32.s32 v6;
	(pc) =	sbr.rel @!p2 .LBB2_53-.Ltmp27, $4  }
0x449: {  	v7 =	vcvt.f32.s32 v7;
	v3 =	vmin.f32 v3, $3.050000000e+01;
	v4 =	vmin.f32 v4, $3.050000000e+01  }
0x44a: {  	v5 =	vmax.f32 v5, $5.000000000e-01;
	v3 =	vtrunc.f32 v3;
	v63 =	vtrunc.f32 v4  }
0x44b: {  	v4 =	vcvt.f32.s32 v9;
	v5 =	vmin.f32 v5, $3.050000000e+01;
	v3 =	vcvt.f32.s32 v3  }
0x44c: {  	s25 =	simm.s32 $0x4670;
	s24 =	simm.s32 $0xC270;
	v27 =	vtrunc.f32 v5;
	v5 =	vcvt.f32.s32 v63;
	v28 =	vld.idx.msk [tilespmem:v14+s3+$0x0], $0xffff  }
0x44d: {  	v16 =	vld [tilespmem:s25+$0x0]  }
0x44e: {  	v13 =	vld [tilespmem:s25+$0xFFFFFFA0]  }
0x44f: {  	v12 =	vld [tilespmem:s25+$0xFFFFFFB0]  }
0x450: {  	v11 =	vld [tilespmem:s25+$0xFFFFFFC0]  }
0x451: {  	v18 =	vld [tilespmem:s25+$0xFFFFFFF0]  }
0x452: {  	v15 =	vld [tilespmem:s25+$0xFFFFFF90]  }
0x453: {  	v33 =	vld.idx.msk [tilespmem:v3+s3+$0x0], $0xffff  }
0x454: {  	v35 =	vld.idx.msk [tilespmem:v6+s3+$0x0], $0xffff  }
0x455: {  	v10 =	vld [tilespmem:s25+$0xFFFFFFD0];
	v8 =	vcvt.f32.s32 v26;
	v9 =	vcvt.f32.s32 v27  }
0x456: {  	v17 =	vld [tilespmem:s25+$0xFFFFFFE0];
	vm0 =	vle.f32 v28, v29;
	v24 =	vmul.f32 $5.000000000e+00, v16;
	v25 =	vmul.f32 $5.000000000e+00, v13  }
0x457: {  	v36 =	vld.idx.msk [tilespmem:v7+s3+$0x0], $0xffff;
	v26 =	vsel vm0, $0x1, v0;
	v27 =	vmul.f32 $5.000000000e+00, v12;
	v30 =	vmul.f32 $5.000000000e+00, v18  }
0x458: {  	v31 =	vmul.f32 $5.000000000e+00, v15;
	vm1 =	vle.f32 v33, v22;
	v24 =	vadd.f32 $1.550000000e+01, v24  }
0x459: {  	vm3 =	vle.f32 v35, v20;
	v28 =	vadd.s32 v26, v14;
	v14 =	vmul.f32 $5.000000000e+00, v11  }
0x45a: {  	v26 =	vadd.f32 $1.550000000e+01, v27;
	v27 =	vmul.f32 $5.000000000e+00, v10;
	v24 =	vmax.f32 v24, $5.000000000e-01  }
0x45b: {  	v29 =	vadd.f32 $1.550000000e+01, v14;
	v14 =	vmul.f32 $5.000000000e+00, v17;
	v24 =	vmin.f32 v24, $3.050000000e+01  }
0x45c: {  	vm4 =	vle.f32 v36, v19;
	v31 =	vadd.f32 $1.550000000e+01, v31;
	v24 =	vtrunc.f32 v24  }
0x45d: {  	v27 =	vadd.f32 $1.550000000e+01, v27;
	v32 =	vadd.f32 $1.550000000e+01, v14;
	v14 =	vcvt.f32.s32 v24  }
0x45e: {  	v25 =	vadd.f32 $1.550000000e+01, v25;
	v31 =	vmax.f32 v31, $5.000000000e-01;
	v29 =	vmax.f32 v29, $5.000000000e-01  }
0x45f: {  	v31 =	vmin.f32 v31, $3.050000000e+01;
	v27 =	vmax.f32 v27, $5.000000000e-01;
	v29 =	vmin.f32 v29, $3.050000000e+01  }
0x460: {  	v34 =	vld.idx.msk [tilespmem:v5+s3+$0x0], $0xffff;
	v31 =	vtrunc.f32 v31;
	v24 =	vmax.f32 v25, $5.000000000e-01;
	v25 =	vmax.f32 v26, $5.000000000e-01  }
0x461: {  	v26 =	vadd.f32 $1.550000000e+01, v30;
	v30 =	vld.idx.msk [tilespmem:v4+s3+$0x0], $0xffff;
	v32 =	vmax.f32 v32, $5.000000000e-01;
	v24 =	vmin.f32 v24, $3.050000000e+01  }
0x462: {  	p2 =	por $0x1, $0x1;
	v27 =	vmin.f32 v27, $3.050000000e+01;
	v29 =	vtrunc.f32 v29;
	v37 =	vtrunc.f32 v24;
	v24 =	vld.idx.msk [tilespmem:v8+s3+$0x0], $0xffff  }
.Ltmp28:
0x463: {  	[tilespmem:s24+$0x0] =	vst v28;
	v25 =	vmin.f32 v25, $3.050000000e+01;
	v32 =	vmin.f32 v32, $3.050000000e+01;
	v40 =	vtrunc.f32 v27;
	v28 =	vld.idx.msk [tilespmem:v14+s3+$0x0], $0xffff;
	(pc) =	sbr.rel @!p2 .LBB2_55-.Ltmp28, $4  }
0x464: {  	v22 =	vcvt.f32.s32 v29;
	v26 =	vmax.f32 v26, $5.000000000e-01;
	v39 =	vtrunc.f32 v25;
	v25 =	vld.idx.msk [tilespmem:v9+s3+$0x0], $0xffff  }
0x465: {  	v20 =	vcvt.f32.s32 v40;
	v38 =	vmin.f32 v26, $3.050000000e+01;
	v26 =	vtrunc.f32 v32  }
0x466: {  	s28 =	simm.s32 $0x80;
	s29 =	simm.s32 $0x4A70;
	vm2 =	vle.f32 v34, v21;
	v21 =	vcvt.f32.s32 v39;
	v27 =	vtrunc.f32 v38  }
0x467: {  	p0 =	por $0x1, $0x1;
	s26 =	simm.s32 $0xC270;
	s25 =	simm.s32 $0xC270;
	vm0 =	vle.f32 v30, v23;
	v23 =	vcvt.f32.s32 v31;
	v30 =	vcvt.f32.s32 v37  }
.LBB2_56:
0x468: {  	s28 =	sadd.s32 $0x80, s28;
	v19 =	vcvt.f32.s32 v26;
	v26 =	vcvt.f32.s32 v27;
	vm5 =	vle.f32 v28, v16;
	v16 =	vld [tilespmem:s29+$0x0]  }
0x469: {  	vm6 =	vle.f32 v25, v1;
	v1 =	vmovc v18;
	v27 =	vld [tilespmem:s29+$0xFFFFFFA0];
	p2 =	slt.u32 s28, $0x780;
	v28 =	vsel vm5, $0x1, v0;
	vm5 =	vle.f32 v24, v2;
	v2 =	vmovc v17  }
0x46a: {  	v18 =	vsel vm1, $0x1, v0;
	s26 =	sadd.s32 $0x400, s26;
	v17 =	vsel vm0, $0x1, v0;
	v29 =	vld [tilespmem:s29+$0xFFFFFFB0];
	v14 =	vadd.s32 v28, v14  }
0x46b: {  	v25 =	vsel vm4, $0x1, v0;
	v24 =	vsel vm3, $0x1, v0;
	v31 =	vld [tilespmem:s29+$0xFFFFFFC0];
	[tilespmem:s26+$0x0] =	vst v14;
	v14 =	vsel vm2, $0x1, v0  }
0x46c: {  	v34 =	vsel vm6, $0x1, v0;
	v28 =	vadd.s32 v17, v4;
	v33 =	vsel vm5, $0x1, v0;
	v4 =	vmovc v23;
	v32 =	vld [tilespmem:s29+$0xFFFFFFD0]  }
0x46d: {  	v14 =	vadd.s32 v14, v5;
	v17 =	vld [tilespmem:s29+$0xFFFFFFE0];
	v35 =	vmul.f32 $5.000000000e+00, v16;
	[tilespmem:s25+$0xFFFFFF90] =	vst v28;
	v28 =	vadd.s32 v18, v3;
	v3 =	vmovc v30  }
0x46e: {  	v7 =	vadd.s32 v25, v7;
	v24 =	vadd.s32 v24, v6;
	v5 =	vmovc v21;
	v36 =	vmul.f32 $5.000000000e+00, v27;
	v18 =	vld [tilespmem:s29+$0xFFFFFFF0];
	[tilespmem:s25+$0xFFFFFFA0] =	vst v28  }
0x46f: {  	v6 =	vmovc v22;
	v37 =	vld [tilespmem:s29+$0xFFFFFF90];
	v25 =	vmul.f32 $5.000000000e+00, v29;
	v28 =	vadd.f32 $1.550000000e+01, v35;
	[tilespmem:s25+$0xFFFFFFB0] =	vst v14;
	v14 =	vadd.s32 v33, v8;
	v8 =	vmovc v19  }
0x470: {  	v19 =	vadd.f32 $1.550000000e+01, v36;
	v33 =	vmul.f32 $5.000000000e+00, v31;
	v23 =	vld.idx.msk [tilespmem:v23+s3+$0x0], $0xffff;
	[tilespmem:s25+$0xFFFFFFC0] =	vst v24;
	v24 =	vadd.s32 v34, v9;
	v9 =	vmovc v26  }
0x471: {  	v25 =	vadd.f32 $1.550000000e+01, v25;
	v26 =	vmul.f32 $5.000000000e+00, v32;
	v28 =	vmax.f32 v28, $5.000000000e-01;
	v30 =	vld.idx.msk [tilespmem:v30+s3+$0x0], $0xffff;
	[tilespmem:s25+$0xFFFFFFD0] =	vst v7;
	v7 =	vmovc v20  }
0x472: {  	v33 =	vadd.f32 $1.550000000e+01, v33;
	v34 =	vmul.f32 $5.000000000e+00, v17;
	v28 =	vmin.f32 v28, $3.050000000e+01;
	v21 =	vld.idx.msk [tilespmem:v21+s3+$0x0], $0xffff;
	[tilespmem:s25+$0xFFFFFFE0] =	vst v14  }
0x473: {  	v26 =	vadd.f32 $1.550000000e+01, v26;
	v35 =	vmul.f32 $5.000000000e+00, v18;
	v14 =	vtrunc.f32 v28;
	v22 =	vld.idx.msk [tilespmem:v22+s3+$0x0], $0xffff;
	[tilespmem:s25+$0xFFFFFFF0] =	vst v24;
	s25 =	smov.u32 s26  }
0x474: {  	v28 =	vmul.f32 $5.000000000e+00, v37;
	v34 =	vadd.f32 $1.550000000e+01, v34;
	v14 =	vcvt.f32.s32 v14;
	v36 =	vld.idx.msk [tilespmem:v20+s3+$0x0], $0xffff  }
0x475: {  	v19 =	vmax.f32 v19, $5.000000000e-01;
	v20 =	vmax.f32 v25, $5.000000000e-01;
	v35 =	vadd.f32 $1.550000000e+01, v35;
	v24 =	vld.idx.msk [tilespmem:v8+s3+$0x0], $0xffff  }
0x476: {  	v33 =	vmax.f32 v33, $5.000000000e-01;
	v26 =	vmax.f32 v26, $5.000000000e-01;
	v28 =	vadd.f32 $1.550000000e+01, v28;
	v25 =	vld.idx.msk [tilespmem:v9+s3+$0x0], $0xffff  }
0x477: {  	v19 =	vmin.f32 v19, $3.050000000e+01;
	v34 =	vmax.f32 v34, $5.000000000e-01;
	v35 =	vmax.f32 v35, $5.000000000e-01  }
0x478: {  	v20 =	vmin.f32 v20, $3.050000000e+01;
	v33 =	vmin.f32 v33, $3.050000000e+01;
	v28 =	vmax.f32 v28, $5.000000000e-01  }
0x479: {  	v26 =	vmin.f32 v26, $3.050000000e+01;
	v34 =	vmin.f32 v34, $3.050000000e+01;
	v28 =	vmin.f32 v28, $3.050000000e+01  }
0x47a: {  	v19 =	vtrunc.f32 v19;
	v35 =	vmin.f32 v35, $3.050000000e+01;
	v38 =	vtrunc.f32 v28;
	v28 =	vld.idx.msk [tilespmem:v14+s3+$0x0], $0xffff  }
.Ltmp29:
0x47b: {  	vm0 =	vle.f32 v23, v15;
	v15 =	vmovc v37;
	v20 =	vtrunc.f32 v20;
	v33 =	vtrunc.f32 v33;
	(pc) =	sbr.rel @p2 .LBB2_56-.Ltmp29, $4  }
0x47c: {  	vm1 =	vle.f32 v30, v13;
	v13 =	vmovc v27;
	v37 =	vtrunc.f32 v26;
	v26 =	vtrunc.f32 v34  }
0x47d: {  	vm2 =	vle.f32 v21, v12;
	v12 =	vmovc v29;
	v27 =	vtrunc.f32 v35;
	v23 =	vcvt.f32.s32 v38  }
0x47e: {  	v30 =	vcvt.f32.s32 v19;
	v21 =	vcvt.f32.s32 v20;
	vm3 =	vle.f32 v22, v11;
	v11 =	vmovc v31  }
0x47f: {  	s29 =	sadd.s32 $0x400, s29;
	v22 =	vcvt.f32.s32 v33;
	v20 =	vcvt.f32.s32 v37;
	vm4 =	vle.f32 v36, v10;
	v10 =	vmovc v32  }
0x480: {  	v32 =	vmovc v2;
	v31 =	vmovc v1;
	v35 =	vmov v4;
	v36 =	vmov v3;
	v37 =	vmov v5  }
0x481: {  	v34 =	vmovc v6;
	v33 =	vmovc v7;
	v29 =	vmov v16;
	v2 =	vmov v17;
	v1 =	vmov v18  }
0x482: {  	v4 =	vmovc v23;
	v3 =	vmovc v30;
	v5 =	vmov v21;
	v23 =	vmov v15;
	v21 =	vmov v12  }
0x483: {  	v19 =	vmovc v10;
	v6 =	vmovc v22;
	v7 =	vmov v20;
	v22 =	vmov v13;
	v20 =	vmov v11  }
.LBB2_58:
0x484: {  	_ =	sdelay $0x1  }
0x485: {  	vm5 =	vle.f32 v28, v29;
	v11 =	vcvt.f32.s32 v26;
	v15 =	vsel @p0 vm2, $0x1, v0  }
0x486: {  	s26 =	sadd.s32 @p0 $0x400, s26;
	v12 =	vsel @p0 vm0, $0x1, v0;
	v10 =	vsel vm5, $0x1, v0;
	v15 =	vadd.s32 @p0 v15, v37  }
0x487: {  	v13 =	vcvt.f32.s32 v27;
	v16 =	vsel @p0 vm3, $0x1, v0;
	v58 =	vld.idx.msk [tilespmem:v5+s3+$0x0], $0xffff;
	s24 =	smov.u32 @p0 s26;
	v10 =	vadd.s32 v10, v14;
	[tilespmem:s25+$0xFFFFFFB0] =	vst @p0 v15  }
0x488: {  	vm0 =	vle.f32 @p0 v24, v32;
	v14 =	vsel @p0 vm1, $0x1, v0;
	[tilespmem:s24+$0x0] =	vst v10;
	v10 =	vadd.s32 @p0 v12, v35;
	v12 =	vld.idx.msk [tilespmem:v4+s3+$0x0], $0xffff  }
0x489: {  	v17 =	vsel @p0 vm4, $0x1, v0;
	v16 =	vadd.s32 @p0 v16, v34;
	[tilespmem:s25+$0xFFFFFF90] =	vst @p0 v10;
	v10 =	vadd.s32 @p0 v14, v36;
	v14 =	vld.idx.msk [tilespmem:v3+s3+$0x0], $0xffff  }
0x48a: {  	v18 =	vsel @p0 vm0, $0x1, v0;
	v17 =	vadd.s32 @p0 v17, v33;
	v15 =	vld.idx.msk [tilespmem:v6+s3+$0x0], $0xffff;
	[tilespmem:s25+$0xFFFFFFC0] =	vst @p0 v16  }
0x48b: {  	vm1 =	vle.f32 @p0 v25, v31;
	v16 =	vld.idx.msk [tilespmem:v7+s3+$0x0], $0xffff;
	v8 =	vadd.s32 @p0 v18, v8;
	[tilespmem:s25+$0xFFFFFFD0] =	vst @p0 v17  }
0x48c: {  	v24 =	vsel @p0 vm1, $0x1, v0;
	[tilespmem:s25+$0xFFFFFFE0] =	vst @p0 v8;
	vm11 =	vle.f32 v58, v21;
	v17 =	vld.idx.msk [tilespmem:v11+s3+$0x0], $0xffff  }
0x48d: {  	v9 =	vadd.s32 @p0 v24, v9;
	[tilespmem:s25+$0xFFFFFFA0] =	vst @p0 v10;
	v8 =	vld.idx.msk [tilespmem:v13+s3+$0x0], $0xffff;
	v10 =	vsel vm11, $0x1, v0;
	vm9 =	vle.f32 v12, v23  }
0x48e: {  	[tilespmem:s25+$0xFFFFFFF0] =	vst @p0 v9;
	v5 =	vadd.s32 v10, v5;
	vm10 =	vle.f32 v14, v22;
	v12 =	vsel vm9, $0x1, v0  }
0x48f: {  	vm12 =	vle.f32 v15, v20;
	[tilespmem:s24+$0xFFFFFFB0] =	vst v5;
	v59 =	vsel vm10, $0x1, v0;
	v4 =	vadd.s32 v12, v4  }
0x490: {  	vm13 =	vle.f32 v16, v19;
	[tilespmem:s24+$0xFFFFFF90] =	vst v4;
	v3 =	vadd.s32 v59, v3;
	v4 =	vsel vm12, $0x1, v0  }
0x491: {  	vm14 =	vle.f32 v17, v2;
	v2 =	vsel vm13, $0x1, v0;
	[tilespmem:s24+$0xFFFFFFA0] =	vst v3;
	v3 =	vadd.s32 v4, v6  }
0x492: {  	vm15 =	vle.f32 v8, v1;
	v1 =	vsel vm14, $0x1, v0;
	v2 =	vadd.s32 v2, v7;
	[tilespmem:s24+$0xFFFFFFC0] =	vst v3  }
0x493: {  	v3 =	vsel vm15, $0x1, v0;
	v1 =	vadd.s32 v1, v11;
	[tilespmem:s24+$0xFFFFFFD0] =	vst v2  }
0x494: {  	v2 =	vadd.s32 v3, v13;
	[tilespmem:s24+$0xFFFFFFE0] =	vst v1  }
0x495: {  	s31 =	simm.s32 $0x42F0;
	[tilespmem:s24+$0xFFFFFFF0] =	vst v2  }
0x496: {  	v29 =	vld [tilespmem:s31+$0x0]  }
0x497: {  	v22 =	vld [tilespmem:s31+$0xFFFFFFA0]  }
0x498: {  	v20 =	vld [tilespmem:s31+$0xFFFFFFC0]  }
0x499: {  	v18 =	vld [tilespmem:s31+$0xFFFFFFD0]  }
0x49a: {  	v2 =	vld [tilespmem:s31+$0xFFFFFFE0]  }
0x49b: {  	v23 =	vld [tilespmem:s31+$0xFFFFFF90]  }
0x49c: {  	v21 =	vld [tilespmem:s31+$0xFFFFFFB0]  }
0x49d: {  	v1 =	vld [tilespmem:s31+$0xFFFFFFF0];
	v3 =	vmul.f32 $5.000000000e+00, v29  }
0x49e: {  	v4 =	vmul.f32 $5.000000000e+00, v22;
	v6 =	vmul.f32 $5.000000000e+00, v20  }
0x49f: {  	v7 =	vmul.f32 $5.000000000e+00, v18;
	v8 =	vmul.f32 $5.000000000e+00, v2  }
0x4a0: {  	v61 =	vmul.f32 $5.000000000e+00, v23;
	v3 =	vadd.f32 $1.550000000e+01, v3;
	v4 =	vadd.f32 $1.550000000e+01, v4  }
0x4a1: {  	v5 =	vmul.f32 $5.000000000e+00, v21;
	v6 =	vadd.f32 $1.550000000e+01, v6;
	v7 =	vadd.f32 $1.550000000e+01, v7  }
0x4a2: {  	v60 =	vmul.f32 $5.000000000e+00, v1;
	v8 =	vadd.f32 $1.550000000e+01, v8;
	v62 =	vadd.f32 $1.550000000e+01, v61  }
0x4a3: {  	v5 =	vadd.f32 $1.550000000e+01, v5;
	v3 =	vmax.f32 v3, $5.000000000e-01;
	v6 =	vmax.f32 v6, $5.000000000e-01  }
0x4a4: {  	v7 =	vmax.f32 v7, $5.000000000e-01;
	v8 =	vmax.f32 v8, $5.000000000e-01;
	v9 =	vmax.f32 v62, $5.000000000e-01  }
0x4a5: {  	v3 =	vmin.f32 v3, $3.050000000e+01;
	v6 =	vmin.f32 v6, $3.050000000e+01;
	v9 =	vmin.f32 v9, $3.050000000e+01  }
0x4a6: {  	v7 =	vmin.f32 v7, $3.050000000e+01;
	v3 =	vtrunc.f32 v3;
	v9 =	vtrunc.f32 v9  }
0x4a7: {  	v8 =	vmin.f32 v8, $3.050000000e+01;
	v6 =	vtrunc.f32 v6;
	v14 =	vcvt.f32.s32 v3  }
0x4a8: {  	p2 =	por $0x1, $0x1;
	v7 =	vtrunc.f32 v7;
	v26 =	vtrunc.f32 v8;
	v3 =	vmax.f32 v4, $5.000000000e-01  }
.Ltmp30:
0x4a9: {  	v4 =	vmax.f32 v5, $5.000000000e-01;
	v5 =	vadd.f32 $1.550000000e+01, v60;
	v6 =	vcvt.f32.s32 v6;
	(pc) =	sbr.rel @!p2 .LBB2_59-.Ltmp30, $4  }
0x4aa: {  	v7 =	vcvt.f32.s32 v7;
	v3 =	vmin.f32 v3, $3.050000000e+01;
	v4 =	vmin.f32 v4, $3.050000000e+01  }
0x4ab: {  	v5 =	vmax.f32 v5, $5.000000000e-01;
	v3 =	vtrunc.f32 v3;
	v63 =	vtrunc.f32 v4  }
0x4ac: {  	v4 =	vcvt.f32.s32 v9;
	v5 =	vmin.f32 v5, $3.050000000e+01;
	v3 =	vcvt.f32.s32 v3  }
0x4ad: {  	s25 =	simm.s32 $0x46F0;
	p0 =	por $0x0, $0x0;
	s24 =	simm.s32 $0xC2F0;
	v27 =	vtrunc.f32 v5;
	v5 =	vcvt.f32.s32 v63;
	v28 =	vld.idx.msk [tilespmem:v14+s3+$0x0], $0xffff  }
0x4ae: {  	v16 =	vld [tilespmem:s25+$0x0]  }
0x4af: {  	v13 =	vld [tilespmem:s25+$0xFFFFFFA0]  }
0x4b0: {  	v12 =	vld [tilespmem:s25+$0xFFFFFFB0]  }
0x4b1: {  	v11 =	vld [tilespmem:s25+$0xFFFFFFC0]  }
0x4b2: {  	v19 =	vld [tilespmem:s25+$0xFFFFFFF0]  }
0x4b3: {  	v15 =	vld [tilespmem:s25+$0xFFFFFF90]  }
0x4b4: {  	v33 =	vld.idx.msk [tilespmem:v3+s3+$0x0], $0xffff  }
0x4b5: {  	v35 =	vld.idx.msk [tilespmem:v6+s3+$0x0], $0xffff  }
0x4b6: {  	v10 =	vld [tilespmem:s25+$0xFFFFFFD0];
	v8 =	vcvt.f32.s32 v26;
	v9 =	vcvt.f32.s32 v27  }
0x4b7: {  	v17 =	vld [tilespmem:s25+$0xFFFFFFE0];
	vm0 =	vle.f32 v28, v29;
	v24 =	vmul.f32 $5.000000000e+00, v16;
	v25 =	vmul.f32 $5.000000000e+00, v13  }
0x4b8: {  	v36 =	vld.idx.msk [tilespmem:v7+s3+$0x0], $0xffff;
	v26 =	vsel vm0, $0x1, v0;
	v27 =	vmul.f32 $5.000000000e+00, v12;
	v30 =	vmul.f32 $5.000000000e+00, v19  }
0x4b9: {  	v31 =	vmul.f32 $5.000000000e+00, v15;
	vm1 =	vle.f32 v33, v22;
	v24 =	vadd.f32 $1.550000000e+01, v24  }
0x4ba: {  	vm3 =	vle.f32 v35, v20;
	v28 =	vadd.s32 v26, v14;
	v14 =	vmul.f32 $5.000000000e+00, v11  }
0x4bb: {  	v26 =	vadd.f32 $1.550000000e+01, v27;
	v27 =	vmul.f32 $5.000000000e+00, v10;
	v24 =	vmax.f32 v24, $5.000000000e-01  }
0x4bc: {  	v29 =	vadd.f32 $1.550000000e+01, v14;
	v14 =	vmul.f32 $5.000000000e+00, v17;
	v24 =	vmin.f32 v24, $3.050000000e+01  }
0x4bd: {  	vm4 =	vle.f32 v36, v18;
	v31 =	vadd.f32 $1.550000000e+01, v31;
	v24 =	vtrunc.f32 v24  }
0x4be: {  	v27 =	vadd.f32 $1.550000000e+01, v27;
	v32 =	vadd.f32 $1.550000000e+01, v14;
	v14 =	vcvt.f32.s32 v24  }
0x4bf: {  	v25 =	vadd.f32 $1.550000000e+01, v25;
	v31 =	vmax.f32 v31, $5.000000000e-01;
	v29 =	vmax.f32 v29, $5.000000000e-01  }
0x4c0: {  	v31 =	vmin.f32 v31, $3.050000000e+01;
	v27 =	vmax.f32 v27, $5.000000000e-01;
	v29 =	vmin.f32 v29, $3.050000000e+01  }
0x4c1: {  	v34 =	vld.idx.msk [tilespmem:v5+s3+$0x0], $0xffff;
	v31 =	vtrunc.f32 v31;
	v24 =	vmax.f32 v25, $5.000000000e-01;
	v25 =	vmax.f32 v26, $5.000000000e-01  }
0x4c2: {  	v26 =	vadd.f32 $1.550000000e+01, v30;
	v30 =	vld.idx.msk [tilespmem:v4+s3+$0x0], $0xffff;
	v32 =	vmax.f32 v32, $5.000000000e-01;
	v24 =	vmin.f32 v24, $3.050000000e+01  }
0x4c3: {  	p4 =	por $0x1, $0x1;
	v27 =	vmin.f32 v27, $3.050000000e+01;
	v29 =	vtrunc.f32 v29;
	v37 =	vtrunc.f32 v24;
	v24 =	vld.idx.msk [tilespmem:v8+s3+$0x0], $0xffff  }
.Ltmp31:
0x4c4: {  	[tilespmem:s24+$0x0] =	vst v28;
	v25 =	vmin.f32 v25, $3.050000000e+01;
	v32 =	vmin.f32 v32, $3.050000000e+01;
	v40 =	vtrunc.f32 v27;
	v28 =	vld.idx.msk [tilespmem:v14+s3+$0x0], $0xffff;
	(pc) =	sbr.rel @!p4 .LBB2_61-.Ltmp31, $4  }
0x4c5: {  	v22 =	vcvt.f32.s32 v29;
	v26 =	vmax.f32 v26, $5.000000000e-01;
	v39 =	vtrunc.f32 v25;
	v25 =	vld.idx.msk [tilespmem:v9+s3+$0x0], $0xffff  }
0x4c6: {  	v20 =	vcvt.f32.s32 v40;
	v38 =	vmin.f32 v26, $3.050000000e+01;
	v26 =	vtrunc.f32 v32  }
0x4c7: {  	s28 =	simm.s32 $0x80;
	s29 =	simm.s32 $0x4AF0;
	vm2 =	vle.f32 v34, v21;
	v21 =	vcvt.f32.s32 v39;
	v27 =	vtrunc.f32 v38  }
0x4c8: {  	p3 =	por $0x1, $0x1;
	s26 =	simm.s32 $0xC2F0;
	s25 =	simm.s32 $0xC2F0;
	vm0 =	vle.f32 v30, v23;
	v23 =	vcvt.f32.s32 v31;
	v30 =	vcvt.f32.s32 v37  }
.LBB2_62:
0x4c9: {  	s28 =	sadd.s32 $0x80, s28;
	v18 =	vcvt.f32.s32 v26;
	v26 =	vcvt.f32.s32 v27;
	vm5 =	vle.f32 v28, v16;
	v16 =	vld [tilespmem:s29+$0x0]  }
0x4ca: {  	vm6 =	vle.f32 v25, v1;
	v1 =	vmovc v19;
	v27 =	vld [tilespmem:s29+$0xFFFFFFA0];
	p4 =	slt.u32 s28, $0x780;
	v28 =	vsel vm5, $0x1, v0;
	vm5 =	vle.f32 v24, v2;
	v2 =	vmovc v17  }
0x4cb: {  	v19 =	vsel vm1, $0x1, v0;
	s26 =	sadd.s32 $0x400, s26;
	v17 =	vsel vm0, $0x1, v0;
	v29 =	vld [tilespmem:s29+$0xFFFFFFB0];
	v14 =	vadd.s32 v28, v14  }
0x4cc: {  	v25 =	vsel vm4, $0x1, v0;
	v24 =	vsel vm3, $0x1, v0;
	v31 =	vld [tilespmem:s29+$0xFFFFFFC0];
	[tilespmem:s26+$0x0] =	vst v14;
	v14 =	vsel vm2, $0x1, v0  }
0x4cd: {  	v34 =	vsel vm6, $0x1, v0;
	v28 =	vadd.s32 v17, v4;
	v33 =	vsel vm5, $0x1, v0;
	v4 =	vmovc v23;
	v32 =	vld [tilespmem:s29+$0xFFFFFFD0]  }
0x4ce: {  	v14 =	vadd.s32 v14, v5;
	v17 =	vld [tilespmem:s29+$0xFFFFFFE0];
	v35 =	vmul.f32 $5.000000000e+00, v16;
	[tilespmem:s25+$0xFFFFFF90] =	vst v28;
	v28 =	vadd.s32 v19, v3;
	v3 =	vmovc v30  }
0x4cf: {  	v7 =	vadd.s32 v25, v7;
	v24 =	vadd.s32 v24, v6;
	v5 =	vmovc v21;
	v36 =	vmul.f32 $5.000000000e+00, v27;
	v19 =	vld [tilespmem:s29+$0xFFFFFFF0];
	[tilespmem:s25+$0xFFFFFFA0] =	vst v28  }
0x4d0: {  	v6 =	vmovc v22;
	v37 =	vld [tilespmem:s29+$0xFFFFFF90];
	v25 =	vmul.f32 $5.000000000e+00, v29;
	v28 =	vadd.f32 $1.550000000e+01, v35;
	[tilespmem:s25+$0xFFFFFFB0] =	vst v14;
	v14 =	vadd.s32 v33, v8;
	v8 =	vmovc v18  }
0x4d1: {  	v18 =	vadd.f32 $1.550000000e+01, v36;
	v33 =	vmul.f32 $5.000000000e+00, v31;
	v23 =	vld.idx.msk [tilespmem:v23+s3+$0x0], $0xffff;
	[tilespmem:s25+$0xFFFFFFC0] =	vst v24;
	v24 =	vadd.s32 v34, v9;
	v9 =	vmovc v26  }
0x4d2: {  	v25 =	vadd.f32 $1.550000000e+01, v25;
	v26 =	vmul.f32 $5.000000000e+00, v32;
	v28 =	vmax.f32 v28, $5.000000000e-01;
	v30 =	vld.idx.msk [tilespmem:v30+s3+$0x0], $0xffff;
	[tilespmem:s25+$0xFFFFFFD0] =	vst v7;
	v7 =	vmovc v20  }
0x4d3: {  	v33 =	vadd.f32 $1.550000000e+01, v33;
	v34 =	vmul.f32 $5.000000000e+00, v17;
	v28 =	vmin.f32 v28, $3.050000000e+01;
	v21 =	vld.idx.msk [tilespmem:v21+s3+$0x0], $0xffff;
	[tilespmem:s25+$0xFFFFFFE0] =	vst v14  }
0x4d4: {  	v26 =	vadd.f32 $1.550000000e+01, v26;
	v35 =	vmul.f32 $5.000000000e+00, v19;
	v14 =	vtrunc.f32 v28;
	v22 =	vld.idx.msk [tilespmem:v22+s3+$0x0], $0xffff;
	[tilespmem:s25+$0xFFFFFFF0] =	vst v24;
	s25 =	smov.u32 s26  }
0x4d5: {  	v28 =	vmul.f32 $5.000000000e+00, v37;
	v34 =	vadd.f32 $1.550000000e+01, v34;
	v14 =	vcvt.f32.s32 v14;
	v36 =	vld.idx.msk [tilespmem:v20+s3+$0x0], $0xffff  }
0x4d6: {  	v18 =	vmax.f32 v18, $5.000000000e-01;
	v20 =	vmax.f32 v25, $5.000000000e-01;
	v35 =	vadd.f32 $1.550000000e+01, v35;
	v24 =	vld.idx.msk [tilespmem:v8+s3+$0x0], $0xffff  }
0x4d7: {  	v33 =	vmax.f32 v33, $5.000000000e-01;
	v26 =	vmax.f32 v26, $5.000000000e-01;
	v28 =	vadd.f32 $1.550000000e+01, v28;
	v25 =	vld.idx.msk [tilespmem:v9+s3+$0x0], $0xffff  }
0x4d8: {  	v18 =	vmin.f32 v18, $3.050000000e+01;
	v34 =	vmax.f32 v34, $5.000000000e-01;
	v35 =	vmax.f32 v35, $5.000000000e-01  }
0x4d9: {  	v20 =	vmin.f32 v20, $3.050000000e+01;
	v33 =	vmin.f32 v33, $3.050000000e+01;
	v28 =	vmax.f32 v28, $5.000000000e-01  }
0x4da: {  	v26 =	vmin.f32 v26, $3.050000000e+01;
	v34 =	vmin.f32 v34, $3.050000000e+01;
	v28 =	vmin.f32 v28, $3.050000000e+01  }
0x4db: {  	v18 =	vtrunc.f32 v18;
	v35 =	vmin.f32 v35, $3.050000000e+01;
	v38 =	vtrunc.f32 v28;
	v28 =	vld.idx.msk [tilespmem:v14+s3+$0x0], $0xffff  }
.Ltmp32:
0x4dc: {  	vm0 =	vle.f32 v23, v15;
	v15 =	vmovc v37;
	v20 =	vtrunc.f32 v20;
	v33 =	vtrunc.f32 v33;
	(pc) =	sbr.rel @p4 .LBB2_62-.Ltmp32, $4  }
0x4dd: {  	vm1 =	vle.f32 v30, v13;
	v13 =	vmovc v27;
	v37 =	vtrunc.f32 v26;
	v26 =	vtrunc.f32 v34  }
0x4de: {  	vm2 =	vle.f32 v21, v12;
	v12 =	vmovc v29;
	v27 =	vtrunc.f32 v35;
	v23 =	vcvt.f32.s32 v38  }
0x4df: {  	v30 =	vcvt.f32.s32 v18;
	v21 =	vcvt.f32.s32 v20;
	vm3 =	vle.f32 v22, v11;
	v11 =	vmovc v31  }
0x4e0: {  	s29 =	sadd.s32 $0x400, s29;
	v22 =	vcvt.f32.s32 v33;
	v20 =	vcvt.f32.s32 v37;
	vm4 =	vle.f32 v36, v10;
	v10 =	vmovc v32  }
0x4e1: {  	v32 =	vmovc v2;
	v31 =	vmovc v1;
	v35 =	vmov v4;
	v36 =	vmov v3;
	v37 =	vmov v5  }
0x4e2: {  	v34 =	vmovc v6;
	v33 =	vmovc v7;
	v29 =	vmov v16;
	v2 =	vmov v17;
	v1 =	vmov v19  }
0x4e3: {  	v4 =	vmovc v23;
	v3 =	vmovc v30;
	v5 =	vmov v21;
	v23 =	vmov v15;
	v21 =	vmov v12  }
0x4e4: {  	v18 =	vmovc v10;
	v6 =	vmovc v22;
	v7 =	vmov v20;
	v22 =	vmov v13;
	v20 =	vmov v11  }
.LBB2_64:
0x4e5: {  	_ =	sdelay $0x1  }
0x4e6: {  	vm5 =	vle.f32 v28, v29;
	v11 =	vcvt.f32.s32 v26;
	v15 =	vsel @p3 vm2, $0x1, v0  }
0x4e7: {  	s26 =	sadd.s32 @p3 $0x400, s26;
	v12 =	vsel @p3 vm0, $0x1, v0;
	v10 =	vsel vm5, $0x1, v0;
	v15 =	vadd.s32 @p3 v15, v37  }
0x4e8: {  	v13 =	vcvt.f32.s32 v27;
	v16 =	vsel @p3 vm3, $0x1, v0;
	v58 =	vld.idx.msk [tilespmem:v5+s3+$0x0], $0xffff;
	s24 =	smov.u32 @p3 s26;
	v10 =	vadd.s32 v10, v14;
	[tilespmem:s25+$0xFFFFFFB0] =	vst @p3 v15  }
0x4e9: {  	vm0 =	vle.f32 @p3 v24, v32;
	v14 =	vsel @p3 vm1, $0x1, v0;
	[tilespmem:s24+$0x0] =	vst v10;
	v10 =	vadd.s32 @p3 v12, v35;
	v12 =	vld.idx.msk [tilespmem:v4+s3+$0x0], $0xffff  }
0x4ea: {  	v17 =	vsel @p3 vm4, $0x1, v0;
	v16 =	vadd.s32 @p3 v16, v34;
	[tilespmem:s25+$0xFFFFFF90] =	vst @p3 v10;
	v10 =	vadd.s32 @p3 v14, v36;
	v14 =	vld.idx.msk [tilespmem:v3+s3+$0x0], $0xffff  }
0x4eb: {  	v19 =	vsel @p3 vm0, $0x1, v0;
	v17 =	vadd.s32 @p3 v17, v33;
	v15 =	vld.idx.msk [tilespmem:v6+s3+$0x0], $0xffff;
	[tilespmem:s25+$0xFFFFFFC0] =	vst @p3 v16  }
0x4ec: {  	vm1 =	vle.f32 @p3 v25, v31;
	v16 =	vld.idx.msk [tilespmem:v7+s3+$0x0], $0xffff;
	v8 =	vadd.s32 @p3 v19, v8;
	[tilespmem:s25+$0xFFFFFFD0] =	vst @p3 v17  }
0x4ed: {  	v24 =	vsel @p3 vm1, $0x1, v0;
	[tilespmem:s25+$0xFFFFFFE0] =	vst @p3 v8;
	vm11 =	vle.f32 v58, v21;
	v17 =	vld.idx.msk [tilespmem:v11+s3+$0x0], $0xffff  }
0x4ee: {  	v9 =	vadd.s32 @p3 v24, v9;
	[tilespmem:s25+$0xFFFFFFA0] =	vst @p3 v10;
	v8 =	vld.idx.msk [tilespmem:v13+s3+$0x0], $0xffff;
	v10 =	vsel vm11, $0x1, v0;
	vm9 =	vle.f32 v12, v23  }
0x4ef: {  	[tilespmem:s25+$0xFFFFFFF0] =	vst @p3 v9;
	v5 =	vadd.s32 v10, v5;
	vm10 =	vle.f32 v14, v22;
	v12 =	vsel vm9, $0x1, v0  }
0x4f0: {  	vm12 =	vle.f32 v15, v20;
	[tilespmem:s24+$0xFFFFFFB0] =	vst v5;
	v59 =	vsel vm10, $0x1, v0;
	v4 =	vadd.s32 v12, v4  }
0x4f1: {  	vm13 =	vle.f32 v16, v18;
	[tilespmem:s24+$0xFFFFFF90] =	vst v4;
	v3 =	vadd.s32 v59, v3;
	v4 =	vsel vm12, $0x1, v0  }
0x4f2: {  	vm14 =	vle.f32 v17, v2;
	v2 =	vsel vm13, $0x1, v0;
	[tilespmem:s24+$0xFFFFFFA0] =	vst v3;
	v3 =	vadd.s32 v4, v6  }
0x4f3: {  	vm15 =	vle.f32 v8, v1;
	v1 =	vsel vm14, $0x1, v0;
	v2 =	vadd.s32 v2, v7;
	[tilespmem:s24+$0xFFFFFFC0] =	vst v3  }
0x4f4: {  	v3 =	vsel vm15, $0x1, v0;
	v1 =	vadd.s32 v1, v11;
	[tilespmem:s24+$0xFFFFFFD0] =	vst v2  }
0x4f5: {  	v2 =	vadd.s32 v3, v13;
	[tilespmem:s24+$0xFFFFFFE0] =	vst v1  }
0x4f6: {  	s31 =	simm.s32 $0x4370;
	[tilespmem:s24+$0xFFFFFFF0] =	vst v2  }
0x4f7: {  	v29 =	vld [tilespmem:s31+$0x0]  }
0x4f8: {  	v22 =	vld [tilespmem:s31+$0xFFFFFFA0]  }
0x4f9: {  	v20 =	vld [tilespmem:s31+$0xFFFFFFC0]  }
0x4fa: {  	v19 =	vld [tilespmem:s31+$0xFFFFFFD0]  }
0x4fb: {  	v2 =	vld [tilespmem:s31+$0xFFFFFFE0]  }
0x4fc: {  	v23 =	vld [tilespmem:s31+$0xFFFFFF90]  }
0x4fd: {  	v21 =	vld [tilespmem:s31+$0xFFFFFFB0]  }
0x4fe: {  	v1 =	vld [tilespmem:s31+$0xFFFFFFF0];
	v3 =	vmul.f32 $5.000000000e+00, v29  }
0x4ff: {  	v4 =	vmul.f32 $5.000000000e+00, v22;
	v6 =	vmul.f32 $5.000000000e+00, v20  }
0x500: {  	v7 =	vmul.f32 $5.000000000e+00, v19;
	v8 =	vmul.f32 $5.000000000e+00, v2  }
0x501: {  	v61 =	vmul.f32 $5.000000000e+00, v23;
	v3 =	vadd.f32 $1.550000000e+01, v3;
	v4 =	vadd.f32 $1.550000000e+01, v4  }
0x502: {  	v5 =	vmul.f32 $5.000000000e+00, v21;
	v6 =	vadd.f32 $1.550000000e+01, v6;
	v7 =	vadd.f32 $1.550000000e+01, v7  }
0x503: {  	v60 =	vmul.f32 $5.000000000e+00, v1;
	v8 =	vadd.f32 $1.550000000e+01, v8;
	v62 =	vadd.f32 $1.550000000e+01, v61  }
0x504: {  	v5 =	vadd.f32 $1.550000000e+01, v5;
	v3 =	vmax.f32 v3, $5.000000000e-01;
	v6 =	vmax.f32 v6, $5.000000000e-01  }
0x505: {  	v7 =	vmax.f32 v7, $5.000000000e-01;
	v8 =	vmax.f32 v8, $5.000000000e-01;
	v9 =	vmax.f32 v62, $5.000000000e-01  }
0x506: {  	v3 =	vmin.f32 v3, $3.050000000e+01;
	v6 =	vmin.f32 v6, $3.050000000e+01;
	v9 =	vmin.f32 v9, $3.050000000e+01  }
0x507: {  	v7 =	vmin.f32 v7, $3.050000000e+01;
	v3 =	vtrunc.f32 v3;
	v9 =	vtrunc.f32 v9  }
0x508: {  	v8 =	vmin.f32 v8, $3.050000000e+01;
	v6 =	vtrunc.f32 v6;
	v14 =	vcvt.f32.s32 v3  }
0x509: {  	v7 =	vtrunc.f32 v7;
	v26 =	vtrunc.f32 v8;
	v3 =	vmax.f32 v4, $5.000000000e-01  }
.Ltmp33:
0x50a: {  	v4 =	vmax.f32 v5, $5.000000000e-01;
	v5 =	vadd.f32 $1.550000000e+01, v60;
	v6 =	vcvt.f32.s32 v6;
	(pc) =	sbr.rel @!p2 .LBB2_65-.Ltmp33, $4  }
0x50b: {  	v7 =	vcvt.f32.s32 v7;
	v3 =	vmin.f32 v3, $3.050000000e+01;
	v4 =	vmin.f32 v4, $3.050000000e+01  }
0x50c: {  	v5 =	vmax.f32 v5, $5.000000000e-01;
	v3 =	vtrunc.f32 v3;
	v63 =	vtrunc.f32 v4  }
0x50d: {  	v4 =	vcvt.f32.s32 v9;
	v5 =	vmin.f32 v5, $3.050000000e+01;
	v3 =	vcvt.f32.s32 v3  }
0x50e: {  	s25 =	simm.s32 $0x4770;
	s24 =	simm.s32 $0xC370;
	v27 =	vtrunc.f32 v5;
	v5 =	vcvt.f32.s32 v63;
	v28 =	vld.idx.msk [tilespmem:v14+s3+$0x0], $0xffff  }
0x50f: {  	v16 =	vld [tilespmem:s25+$0x0]  }
0x510: {  	v13 =	vld [tilespmem:s25+$0xFFFFFFA0]  }
0x511: {  	v12 =	vld [tilespmem:s25+$0xFFFFFFB0]  }
0x512: {  	v11 =	vld [tilespmem:s25+$0xFFFFFFC0]  }
0x513: {  	v18 =	vld [tilespmem:s25+$0xFFFFFFF0]  }
0x514: {  	v15 =	vld [tilespmem:s25+$0xFFFFFF90]  }
0x515: {  	v33 =	vld.idx.msk [tilespmem:v3+s3+$0x0], $0xffff  }
0x516: {  	v35 =	vld.idx.msk [tilespmem:v6+s3+$0x0], $0xffff  }
0x517: {  	v10 =	vld [tilespmem:s25+$0xFFFFFFD0];
	v8 =	vcvt.f32.s32 v26;
	v9 =	vcvt.f32.s32 v27  }
0x518: {  	v17 =	vld [tilespmem:s25+$0xFFFFFFE0];
	vm0 =	vle.f32 v28, v29;
	v24 =	vmul.f32 $5.000000000e+00, v16;
	v25 =	vmul.f32 $5.000000000e+00, v13  }
0x519: {  	v36 =	vld.idx.msk [tilespmem:v7+s3+$0x0], $0xffff;
	v26 =	vsel vm0, $0x1, v0;
	v27 =	vmul.f32 $5.000000000e+00, v12;
	v30 =	vmul.f32 $5.000000000e+00, v18  }
0x51a: {  	v31 =	vmul.f32 $5.000000000e+00, v15;
	vm1 =	vle.f32 v33, v22;
	v24 =	vadd.f32 $1.550000000e+01, v24  }
0x51b: {  	vm3 =	vle.f32 v35, v20;
	v28 =	vadd.s32 v26, v14;
	v14 =	vmul.f32 $5.000000000e+00, v11  }
0x51c: {  	v26 =	vadd.f32 $1.550000000e+01, v27;
	v27 =	vmul.f32 $5.000000000e+00, v10;
	v24 =	vmax.f32 v24, $5.000000000e-01  }
0x51d: {  	v29 =	vadd.f32 $1.550000000e+01, v14;
	v14 =	vmul.f32 $5.000000000e+00, v17;
	v24 =	vmin.f32 v24, $3.050000000e+01  }
0x51e: {  	vm4 =	vle.f32 v36, v19;
	v31 =	vadd.f32 $1.550000000e+01, v31;
	v24 =	vtrunc.f32 v24  }
0x51f: {  	v27 =	vadd.f32 $1.550000000e+01, v27;
	v32 =	vadd.f32 $1.550000000e+01, v14;
	v14 =	vcvt.f32.s32 v24  }
0x520: {  	v25 =	vadd.f32 $1.550000000e+01, v25;
	v31 =	vmax.f32 v31, $5.000000000e-01;
	v29 =	vmax.f32 v29, $5.000000000e-01  }
0x521: {  	v31 =	vmin.f32 v31, $3.050000000e+01;
	v27 =	vmax.f32 v27, $5.000000000e-01;
	v29 =	vmin.f32 v29, $3.050000000e+01  }
0x522: {  	v34 =	vld.idx.msk [tilespmem:v5+s3+$0x0], $0xffff;
	v31 =	vtrunc.f32 v31;
	v24 =	vmax.f32 v25, $5.000000000e-01;
	v25 =	vmax.f32 v26, $5.000000000e-01  }
0x523: {  	v26 =	vadd.f32 $1.550000000e+01, v30;
	v30 =	vld.idx.msk [tilespmem:v4+s3+$0x0], $0xffff;
	v32 =	vmax.f32 v32, $5.000000000e-01;
	v24 =	vmin.f32 v24, $3.050000000e+01  }
0x524: {  	p2 =	por $0x1, $0x1;
	v27 =	vmin.f32 v27, $3.050000000e+01;
	v29 =	vtrunc.f32 v29;
	v37 =	vtrunc.f32 v24;
	v24 =	vld.idx.msk [tilespmem:v8+s3+$0x0], $0xffff  }
.Ltmp34:
0x525: {  	[tilespmem:s24+$0x0] =	vst v28;
	v25 =	vmin.f32 v25, $3.050000000e+01;
	v32 =	vmin.f32 v32, $3.050000000e+01;
	v40 =	vtrunc.f32 v27;
	v28 =	vld.idx.msk [tilespmem:v14+s3+$0x0], $0xffff;
	(pc) =	sbr.rel @!p2 .LBB2_67-.Ltmp34, $4  }
0x526: {  	v22 =	vcvt.f32.s32 v29;
	v26 =	vmax.f32 v26, $5.000000000e-01;
	v39 =	vtrunc.f32 v25;
	v25 =	vld.idx.msk [tilespmem:v9+s3+$0x0], $0xffff  }
0x527: {  	v20 =	vcvt.f32.s32 v40;
	v38 =	vmin.f32 v26, $3.050000000e+01;
	v26 =	vtrunc.f32 v32  }
0x528: {  	s28 =	simm.s32 $0x80;
	s29 =	simm.s32 $0x4B70;
	vm2 =	vle.f32 v34, v21;
	v21 =	vcvt.f32.s32 v39;
	v27 =	vtrunc.f32 v38  }
0x529: {  	p0 =	por $0x1, $0x1;
	s26 =	simm.s32 $0xC370;
	s25 =	simm.s32 $0xC370;
	vm0 =	vle.f32 v30, v23;
	v23 =	vcvt.f32.s32 v31;
	v30 =	vcvt.f32.s32 v37  }
.LBB2_68:
0x52a: {  	s28 =	sadd.s32 $0x80, s28;
	v19 =	vcvt.f32.s32 v26;
	v26 =	vcvt.f32.s32 v27;
	vm5 =	vle.f32 v28, v16;
	v16 =	vld [tilespmem:s29+$0x0]  }
0x52b: {  	vm6 =	vle.f32 v25, v1;
	v1 =	vmovc v18;
	v27 =	vld [tilespmem:s29+$0xFFFFFFA0];
	p2 =	slt.u32 s28, $0x780;
	v28 =	vsel vm5, $0x1, v0;
	vm5 =	vle.f32 v24, v2;
	v2 =	vmovc v17  }
0x52c: {  	v18 =	vsel vm1, $0x1, v0;
	s26 =	sadd.s32 $0x400, s26;
	v17 =	vsel vm0, $0x1, v0;
	v29 =	vld [tilespmem:s29+$0xFFFFFFB0];
	v14 =	vadd.s32 v28, v14  }
0x52d: {  	v25 =	vsel vm4, $0x1, v0;
	v24 =	vsel vm3, $0x1, v0;
	v31 =	vld [tilespmem:s29+$0xFFFFFFC0];
	[tilespmem:s26+$0x0] =	vst v14;
	v14 =	vsel vm2, $0x1, v0  }
0x52e: {  	v34 =	vsel vm6, $0x1, v0;
	v28 =	vadd.s32 v17, v4;
	v33 =	vsel vm5, $0x1, v0;
	v4 =	vmovc v23;
	v32 =	vld [tilespmem:s29+$0xFFFFFFD0]  }
0x52f: {  	v14 =	vadd.s32 v14, v5;
	v17 =	vld [tilespmem:s29+$0xFFFFFFE0];
	v35 =	vmul.f32 $5.000000000e+00, v16;
	[tilespmem:s25+$0xFFFFFF90] =	vst v28;
	v28 =	vadd.s32 v18, v3;
	v3 =	vmovc v30  }
0x530: {  	v7 =	vadd.s32 v25, v7;
	v24 =	vadd.s32 v24, v6;
	v5 =	vmovc v21;
	v36 =	vmul.f32 $5.000000000e+00, v27;
	v18 =	vld [tilespmem:s29+$0xFFFFFFF0];
	[tilespmem:s25+$0xFFFFFFA0] =	vst v28  }
0x531: {  	v6 =	vmovc v22;
	v37 =	vld [tilespmem:s29+$0xFFFFFF90];
	v25 =	vmul.f32 $5.000000000e+00, v29;
	v28 =	vadd.f32 $1.550000000e+01, v35;
	[tilespmem:s25+$0xFFFFFFB0] =	vst v14;
	v14 =	vadd.s32 v33, v8;
	v8 =	vmovc v19  }
0x532: {  	v19 =	vadd.f32 $1.550000000e+01, v36;
	v33 =	vmul.f32 $5.000000000e+00, v31;
	v23 =	vld.idx.msk [tilespmem:v23+s3+$0x0], $0xffff;
	[tilespmem:s25+$0xFFFFFFC0] =	vst v24;
	v24 =	vadd.s32 v34, v9;
	v9 =	vmovc v26  }
0x533: {  	v25 =	vadd.f32 $1.550000000e+01, v25;
	v26 =	vmul.f32 $5.000000000e+00, v32;
	v28 =	vmax.f32 v28, $5.000000000e-01;
	v30 =	vld.idx.msk [tilespmem:v30+s3+$0x0], $0xffff;
	[tilespmem:s25+$0xFFFFFFD0] =	vst v7;
	v7 =	vmovc v20  }
0x534: {  	v33 =	vadd.f32 $1.550000000e+01, v33;
	v34 =	vmul.f32 $5.000000000e+00, v17;
	v28 =	vmin.f32 v28, $3.050000000e+01;
	v21 =	vld.idx.msk [tilespmem:v21+s3+$0x0], $0xffff;
	[tilespmem:s25+$0xFFFFFFE0] =	vst v14  }
0x535: {  	v26 =	vadd.f32 $1.550000000e+01, v26;
	v35 =	vmul.f32 $5.000000000e+00, v18;
	v14 =	vtrunc.f32 v28;
	v22 =	vld.idx.msk [tilespmem:v22+s3+$0x0], $0xffff;
	[tilespmem:s25+$0xFFFFFFF0] =	vst v24;
	s25 =	smov.u32 s26  }
0x536: {  	v28 =	vmul.f32 $5.000000000e+00, v37;
	v34 =	vadd.f32 $1.550000000e+01, v34;
	v14 =	vcvt.f32.s32 v14;
	v36 =	vld.idx.msk [tilespmem:v20+s3+$0x0], $0xffff  }
0x537: {  	v19 =	vmax.f32 v19, $5.000000000e-01;
	v20 =	vmax.f32 v25, $5.000000000e-01;
	v35 =	vadd.f32 $1.550000000e+01, v35;
	v24 =	vld.idx.msk [tilespmem:v8+s3+$0x0], $0xffff  }
0x538: {  	v33 =	vmax.f32 v33, $5.000000000e-01;
	v26 =	vmax.f32 v26, $5.000000000e-01;
	v28 =	vadd.f32 $1.550000000e+01, v28;
	v25 =	vld.idx.msk [tilespmem:v9+s3+$0x0], $0xffff  }
0x539: {  	v19 =	vmin.f32 v19, $3.050000000e+01;
	v34 =	vmax.f32 v34, $5.000000000e-01;
	v35 =	vmax.f32 v35, $5.000000000e-01  }
0x53a: {  	v20 =	vmin.f32 v20, $3.050000000e+01;
	v33 =	vmin.f32 v33, $3.050000000e+01;
	v28 =	vmax.f32 v28, $5.000000000e-01  }
0x53b: {  	v26 =	vmin.f32 v26, $3.050000000e+01;
	v34 =	vmin.f32 v34, $3.050000000e+01;
	v28 =	vmin.f32 v28, $3.050000000e+01  }
0x53c: {  	v19 =	vtrunc.f32 v19;
	v35 =	vmin.f32 v35, $3.050000000e+01;
	v38 =	vtrunc.f32 v28;
	v28 =	vld.idx.msk [tilespmem:v14+s3+$0x0], $0xffff  }
.Ltmp35:
0x53d: {  	vm0 =	vle.f32 v23, v15;
	v15 =	vmovc v37;
	v20 =	vtrunc.f32 v20;
	v33 =	vtrunc.f32 v33;
	(pc) =	sbr.rel @p2 .LBB2_68-.Ltmp35, $4  }
0x53e: {  	vm1 =	vle.f32 v30, v13;
	v13 =	vmovc v27;
	v37 =	vtrunc.f32 v26;
	v26 =	vtrunc.f32 v34  }
0x53f: {  	vm2 =	vle.f32 v21, v12;
	v12 =	vmovc v29;
	v27 =	vtrunc.f32 v35;
	v23 =	vcvt.f32.s32 v38  }
0x540: {  	v30 =	vcvt.f32.s32 v19;
	v21 =	vcvt.f32.s32 v20;
	vm3 =	vle.f32 v22, v11;
	v11 =	vmovc v31  }
0x541: {  	s29 =	sadd.s32 $0x400, s29;
	v22 =	vcvt.f32.s32 v33;
	v20 =	vcvt.f32.s32 v37;
	vm4 =	vle.f32 v36, v10;
	v10 =	vmovc v32  }
0x542: {  	v32 =	vmovc v2;
	v31 =	vmovc v1;
	v35 =	vmov v4;
	v36 =	vmov v3;
	v37 =	vmov v5  }
0x543: {  	v34 =	vmovc v6;
	v33 =	vmovc v7;
	v29 =	vmov v16;
	v2 =	vmov v17;
	v1 =	vmov v18  }
0x544: {  	v4 =	vmovc v23;
	v3 =	vmovc v30;
	v5 =	vmov v21;
	v23 =	vmov v15;
	v21 =	vmov v12  }
0x545: {  	v19 =	vmovc v10;
	v6 =	vmovc v22;
	v7 =	vmov v20;
	v22 =	vmov v13;
	v20 =	vmov v11  }
.LBB2_70:
0x546: {  	_ =	sdelay $0x1  }
0x547: {  	vm5 =	vle.f32 v28, v29;
	v11 =	vcvt.f32.s32 v26;
	v15 =	vsel @p0 vm2, $0x1, v0  }
0x548: {  	s26 =	sadd.s32 @p0 $0x400, s26;
	v12 =	vsel @p0 vm0, $0x1, v0;
	v10 =	vsel vm5, $0x1, v0;
	v15 =	vadd.s32 @p0 v15, v37  }
0x549: {  	v13 =	vcvt.f32.s32 v27;
	v16 =	vsel @p0 vm3, $0x1, v0;
	v58 =	vld.idx.msk [tilespmem:v5+s3+$0x0], $0xffff;
	s24 =	smov.u32 @p0 s26;
	v10 =	vadd.s32 v10, v14;
	[tilespmem:s25+$0xFFFFFFB0] =	vst @p0 v15  }
0x54a: {  	vm0 =	vle.f32 @p0 v24, v32;
	v14 =	vsel @p0 vm1, $0x1, v0;
	[tilespmem:s24+$0x0] =	vst v10;
	v10 =	vadd.s32 @p0 v12, v35;
	v12 =	vld.idx.msk [tilespmem:v4+s3+$0x0], $0xffff  }
0x54b: {  	v17 =	vsel @p0 vm4, $0x1, v0;
	v16 =	vadd.s32 @p0 v16, v34;
	[tilespmem:s25+$0xFFFFFF90] =	vst @p0 v10;
	v10 =	vadd.s32 @p0 v14, v36;
	v14 =	vld.idx.msk [tilespmem:v3+s3+$0x0], $0xffff  }
0x54c: {  	v18 =	vsel @p0 vm0, $0x1, v0;
	v17 =	vadd.s32 @p0 v17, v33;
	v15 =	vld.idx.msk [tilespmem:v6+s3+$0x0], $0xffff;
	[tilespmem:s25+$0xFFFFFFC0] =	vst @p0 v16  }
0x54d: {  	vm1 =	vle.f32 @p0 v25, v31;
	v16 =	vld.idx.msk [tilespmem:v7+s3+$0x0], $0xffff;
	v8 =	vadd.s32 @p0 v18, v8;
	[tilespmem:s25+$0xFFFFFFD0] =	vst @p0 v17  }
0x54e: {  	v24 =	vsel @p0 vm1, $0x1, v0;
	[tilespmem:s25+$0xFFFFFFE0] =	vst @p0 v8;
	vm11 =	vle.f32 v58, v21;
	v17 =	vld.idx.msk [tilespmem:v11+s3+$0x0], $0xffff  }
0x54f: {  	v9 =	vadd.s32 @p0 v24, v9;
	[tilespmem:s25+$0xFFFFFFA0] =	vst @p0 v10;
	v8 =	vld.idx.msk [tilespmem:v13+s3+$0x0], $0xffff;
	v10 =	vsel vm11, $0x1, v0;
	vm9 =	vle.f32 v12, v23  }
0x550: {  	[tilespmem:s25+$0xFFFFFFF0] =	vst @p0 v9;
	v5 =	vadd.s32 v10, v5;
	vm10 =	vle.f32 v14, v22;
	v12 =	vsel vm9, $0x1, v0  }
0x551: {  	vm12 =	vle.f32 v15, v20;
	[tilespmem:s24+$0xFFFFFFB0] =	vst v5;
	v59 =	vsel vm10, $0x1, v0;
	v4 =	vadd.s32 v12, v4  }
0x552: {  	vm13 =	vle.f32 v16, v19;
	[tilespmem:s24+$0xFFFFFF90] =	vst v4;
	v3 =	vadd.s32 v59, v3;
	v4 =	vsel vm12, $0x1, v0  }
0x553: {  	vm14 =	vle.f32 v17, v2;
	v2 =	vsel vm13, $0x1, v0;
	[tilespmem:s24+$0xFFFFFFA0] =	vst v3;
	v3 =	vadd.s32 v4, v6  }
0x554: {  	vm15 =	vle.f32 v8, v1;
	v1 =	vsel vm14, $0x1, v0;
	v2 =	vadd.s32 v2, v7;
	[tilespmem:s24+$0xFFFFFFC0] =	vst v3  }
0x555: {  	v3 =	vsel vm15, $0x1, v0;
	v1 =	vadd.s32 v1, v11;
	[tilespmem:s24+$0xFFFFFFD0] =	vst v2  }
0x556: {  	v2 =	vadd.s32 v3, v13;
	[tilespmem:s24+$0xFFFFFFE0] =	vst v1  }
0x557: {  	s31 =	simm.s32 $0x43F0;
	[tilespmem:s24+$0xFFFFFFF0] =	vst v2  }
0x558: {  	v29 =	vld [tilespmem:s31+$0x0]  }
0x559: {  	v22 =	vld [tilespmem:s31+$0xFFFFFFA0]  }
0x55a: {  	v20 =	vld [tilespmem:s31+$0xFFFFFFC0]  }
0x55b: {  	v18 =	vld [tilespmem:s31+$0xFFFFFFD0]  }
0x55c: {  	v2 =	vld [tilespmem:s31+$0xFFFFFFE0]  }
0x55d: {  	v23 =	vld [tilespmem:s31+$0xFFFFFF90]  }
0x55e: {  	v21 =	vld [tilespmem:s31+$0xFFFFFFB0]  }
0x55f: {  	v1 =	vld [tilespmem:s31+$0xFFFFFFF0];
	v3 =	vmul.f32 $5.000000000e+00, v29  }
0x560: {  	v4 =	vmul.f32 $5.000000000e+00, v22;
	v6 =	vmul.f32 $5.000000000e+00, v20  }
0x561: {  	v7 =	vmul.f32 $5.000000000e+00, v18;
	v8 =	vmul.f32 $5.000000000e+00, v2  }
0x562: {  	v61 =	vmul.f32 $5.000000000e+00, v23;
	v3 =	vadd.f32 $1.550000000e+01, v3;
	v4 =	vadd.f32 $1.550000000e+01, v4  }
0x563: {  	v5 =	vmul.f32 $5.000000000e+00, v21;
	v6 =	vadd.f32 $1.550000000e+01, v6;
	v7 =	vadd.f32 $1.550000000e+01, v7  }
0x564: {  	v60 =	vmul.f32 $5.000000000e+00, v1;
	v8 =	vadd.f32 $1.550000000e+01, v8;
	v62 =	vadd.f32 $1.550000000e+01, v61  }
0x565: {  	v5 =	vadd.f32 $1.550000000e+01, v5;
	v3 =	vmax.f32 v3, $5.000000000e-01;
	v6 =	vmax.f32 v6, $5.000000000e-01  }
0x566: {  	v7 =	vmax.f32 v7, $5.000000000e-01;
	v8 =	vmax.f32 v8, $5.000000000e-01;
	v9 =	vmax.f32 v62, $5.000000000e-01  }
0x567: {  	v3 =	vmin.f32 v3, $3.050000000e+01;
	v6 =	vmin.f32 v6, $3.050000000e+01;
	v9 =	vmin.f32 v9, $3.050000000e+01  }
0x568: {  	v7 =	vmin.f32 v7, $3.050000000e+01;
	v3 =	vtrunc.f32 v3;
	v9 =	vtrunc.f32 v9  }
0x569: {  	v8 =	vmin.f32 v8, $3.050000000e+01;
	v6 =	vtrunc.f32 v6;
	v14 =	vcvt.f32.s32 v3  }
0x56a: {  	p2 =	por $0x1, $0x1;
	v7 =	vtrunc.f32 v7;
	v26 =	vtrunc.f32 v8;
	v3 =	vmax.f32 v4, $5.000000000e-01  }
.Ltmp36:
0x56b: {  	v4 =	vmax.f32 v5, $5.000000000e-01;
	v5 =	vadd.f32 $1.550000000e+01, v60;
	v6 =	vcvt.f32.s32 v6;
	(pc) =	sbr.rel @!p2 .LBB2_71-.Ltmp36, $4  }
0x56c: {  	v7 =	vcvt.f32.s32 v7;
	v3 =	vmin.f32 v3, $3.050000000e+01;
	v4 =	vmin.f32 v4, $3.050000000e+01  }
0x56d: {  	v5 =	vmax.f32 v5, $5.000000000e-01;
	v3 =	vtrunc.f32 v3;
	v63 =	vtrunc.f32 v4  }
0x56e: {  	v4 =	vcvt.f32.s32 v9;
	v5 =	vmin.f32 v5, $3.050000000e+01;
	v3 =	vcvt.f32.s32 v3  }
0x56f: {  	s25 =	simm.s32 $0x47F0;
	p0 =	por $0x0, $0x0;
	s24 =	simm.s32 $0xC3F0;
	v27 =	vtrunc.f32 v5;
	v5 =	vcvt.f32.s32 v63;
	v28 =	vld.idx.msk [tilespmem:v14+s3+$0x0], $0xffff  }
0x570: {  	v16 =	vld [tilespmem:s25+$0x0]  }
0x571: {  	v13 =	vld [tilespmem:s25+$0xFFFFFFA0]  }
0x572: {  	v12 =	vld [tilespmem:s25+$0xFFFFFFB0]  }
0x573: {  	v11 =	vld [tilespmem:s25+$0xFFFFFFC0]  }
0x574: {  	v19 =	vld [tilespmem:s25+$0xFFFFFFF0]  }
0x575: {  	v15 =	vld [tilespmem:s25+$0xFFFFFF90]  }
0x576: {  	v33 =	vld.idx.msk [tilespmem:v3+s3+$0x0], $0xffff  }
0x577: {  	v35 =	vld.idx.msk [tilespmem:v6+s3+$0x0], $0xffff  }
0x578: {  	v10 =	vld [tilespmem:s25+$0xFFFFFFD0];
	v8 =	vcvt.f32.s32 v26;
	v9 =	vcvt.f32.s32 v27  }
0x579: {  	v17 =	vld [tilespmem:s25+$0xFFFFFFE0];
	vm0 =	vle.f32 v28, v29;
	v24 =	vmul.f32 $5.000000000e+00, v16;
	v25 =	vmul.f32 $5.000000000e+00, v13  }
0x57a: {  	v36 =	vld.idx.msk [tilespmem:v7+s3+$0x0], $0xffff;
	v26 =	vsel vm0, $0x1, v0;
	v27 =	vmul.f32 $5.000000000e+00, v12;
	v30 =	vmul.f32 $5.000000000e+00, v19  }
0x57b: {  	v31 =	vmul.f32 $5.000000000e+00, v15;
	vm1 =	vle.f32 v33, v22;
	v24 =	vadd.f32 $1.550000000e+01, v24  }
0x57c: {  	vm3 =	vle.f32 v35, v20;
	v28 =	vadd.s32 v26, v14;
	v14 =	vmul.f32 $5.000000000e+00, v11  }
0x57d: {  	v26 =	vadd.f32 $1.550000000e+01, v27;
	v27 =	vmul.f32 $5.000000000e+00, v10;
	v24 =	vmax.f32 v24, $5.000000000e-01  }
0x57e: {  	v29 =	vadd.f32 $1.550000000e+01, v14;
	v14 =	vmul.f32 $5.000000000e+00, v17;
	v24 =	vmin.f32 v24, $3.050000000e+01  }
0x57f: {  	vm4 =	vle.f32 v36, v18;
	v31 =	vadd.f32 $1.550000000e+01, v31;
	v24 =	vtrunc.f32 v24  }
0x580: {  	v27 =	vadd.f32 $1.550000000e+01, v27;
	v32 =	vadd.f32 $1.550000000e+01, v14;
	v14 =	vcvt.f32.s32 v24  }
0x581: {  	v25 =	vadd.f32 $1.550000000e+01, v25;
	v31 =	vmax.f32 v31, $5.000000000e-01;
	v29 =	vmax.f32 v29, $5.000000000e-01  }
0x582: {  	v31 =	vmin.f32 v31, $3.050000000e+01;
	v27 =	vmax.f32 v27, $5.000000000e-01;
	v29 =	vmin.f32 v29, $3.050000000e+01  }
0x583: {  	v34 =	vld.idx.msk [tilespmem:v5+s3+$0x0], $0xffff;
	v31 =	vtrunc.f32 v31;
	v24 =	vmax.f32 v25, $5.000000000e-01;
	v25 =	vmax.f32 v26, $5.000000000e-01  }
0x584: {  	v26 =	vadd.f32 $1.550000000e+01, v30;
	v30 =	vld.idx.msk [tilespmem:v4+s3+$0x0], $0xffff;
	v32 =	vmax.f32 v32, $5.000000000e-01;
	v24 =	vmin.f32 v24, $3.050000000e+01  }
0x585: {  	p4 =	por $0x1, $0x1;
	v27 =	vmin.f32 v27, $3.050000000e+01;
	v29 =	vtrunc.f32 v29;
	v37 =	vtrunc.f32 v24;
	v24 =	vld.idx.msk [tilespmem:v8+s3+$0x0], $0xffff  }
.Ltmp37:
0x586: {  	[tilespmem:s24+$0x0] =	vst v28;
	v25 =	vmin.f32 v25, $3.050000000e+01;
	v32 =	vmin.f32 v32, $3.050000000e+01;
	v40 =	vtrunc.f32 v27;
	v28 =	vld.idx.msk [tilespmem:v14+s3+$0x0], $0xffff;
	(pc) =	sbr.rel @!p4 .LBB2_73-.Ltmp37, $4  }
0x587: {  	v22 =	vcvt.f32.s32 v29;
	v26 =	vmax.f32 v26, $5.000000000e-01;
	v39 =	vtrunc.f32 v25;
	v25 =	vld.idx.msk [tilespmem:v9+s3+$0x0], $0xffff  }
0x588: {  	v20 =	vcvt.f32.s32 v40;
	v38 =	vmin.f32 v26, $3.050000000e+01;
	v26 =	vtrunc.f32 v32  }
0x589: {  	s28 =	simm.s32 $0x80;
	s29 =	simm.s32 $0x4BF0;
	vm2 =	vle.f32 v34, v21;
	v21 =	vcvt.f32.s32 v39;
	v27 =	vtrunc.f32 v38  }
0x58a: {  	p3 =	por $0x1, $0x1;
	s26 =	simm.s32 $0xC3F0;
	s25 =	simm.s32 $0xC3F0;
	vm0 =	vle.f32 v30, v23;
	v23 =	vcvt.f32.s32 v31;
	v30 =	vcvt.f32.s32 v37  }
.LBB2_74:
0x58b: {  	s28 =	sadd.s32 $0x80, s28;
	v18 =	vcvt.f32.s32 v26;
	v26 =	vcvt.f32.s32 v27;
	vm5 =	vle.f32 v28, v16;
	v16 =	vld [tilespmem:s29+$0x0]  }
0x58c: {  	vm6 =	vle.f32 v25, v1;
	v1 =	vmovc v19;
	v27 =	vld [tilespmem:s29+$0xFFFFFFA0];
	p4 =	slt.u32 s28, $0x780;
	v28 =	vsel vm5, $0x1, v0;
	vm5 =	vle.f32 v24, v2;
	v2 =	vmovc v17  }
0x58d: {  	v19 =	vsel vm1, $0x1, v0;
	s26 =	sadd.s32 $0x400, s26;
	v17 =	vsel vm0, $0x1, v0;
	v29 =	vld [tilespmem:s29+$0xFFFFFFB0];
	v14 =	vadd.s32 v28, v14  }
0x58e: {  	v25 =	vsel vm4, $0x1, v0;
	v24 =	vsel vm3, $0x1, v0;
	v31 =	vld [tilespmem:s29+$0xFFFFFFC0];
	[tilespmem:s26+$0x0] =	vst v14;
	v14 =	vsel vm2, $0x1, v0  }
0x58f: {  	v34 =	vsel vm6, $0x1, v0;
	v28 =	vadd.s32 v17, v4;
	v33 =	vsel vm5, $0x1, v0;
	v4 =	vmovc v23;
	v32 =	vld [tilespmem:s29+$0xFFFFFFD0]  }
0x590: {  	v14 =	vadd.s32 v14, v5;
	v17 =	vld [tilespmem:s29+$0xFFFFFFE0];
	v35 =	vmul.f32 $5.000000000e+00, v16;
	[tilespmem:s25+$0xFFFFFF90] =	vst v28;
	v28 =	vadd.s32 v19, v3;
	v3 =	vmovc v30  }
0x591: {  	v7 =	vadd.s32 v25, v7;
	v24 =	vadd.s32 v24, v6;
	v5 =	vmovc v21;
	v36 =	vmul.f32 $5.000000000e+00, v27;
	v19 =	vld [tilespmem:s29+$0xFFFFFFF0];
	[tilespmem:s25+$0xFFFFFFA0] =	vst v28  }
0x592: {  	v6 =	vmovc v22;
	v37 =	vld [tilespmem:s29+$0xFFFFFF90];
	v25 =	vmul.f32 $5.000000000e+00, v29;
	v28 =	vadd.f32 $1.550000000e+01, v35;
	[tilespmem:s25+$0xFFFFFFB0] =	vst v14;
	v14 =	vadd.s32 v33, v8;
	v8 =	vmovc v18  }
0x593: {  	v18 =	vadd.f32 $1.550000000e+01, v36;
	v33 =	vmul.f32 $5.000000000e+00, v31;
	v23 =	vld.idx.msk [tilespmem:v23+s3+$0x0], $0xffff;
	[tilespmem:s25+$0xFFFFFFC0] =	vst v24;
	v24 =	vadd.s32 v34, v9;
	v9 =	vmovc v26  }
0x594: {  	v25 =	vadd.f32 $1.550000000e+01, v25;
	v26 =	vmul.f32 $5.000000000e+00, v32;
	v28 =	vmax.f32 v28, $5.000000000e-01;
	v30 =	vld.idx.msk [tilespmem:v30+s3+$0x0], $0xffff;
	[tilespmem:s25+$0xFFFFFFD0] =	vst v7;
	v7 =	vmovc v20  }
0x595: {  	v33 =	vadd.f32 $1.550000000e+01, v33;
	v34 =	vmul.f32 $5.000000000e+00, v17;
	v28 =	vmin.f32 v28, $3.050000000e+01;
	v21 =	vld.idx.msk [tilespmem:v21+s3+$0x0], $0xffff;
	[tilespmem:s25+$0xFFFFFFE0] =	vst v14  }
0x596: {  	v26 =	vadd.f32 $1.550000000e+01, v26;
	v35 =	vmul.f32 $5.000000000e+00, v19;
	v14 =	vtrunc.f32 v28;
	v22 =	vld.idx.msk [tilespmem:v22+s3+$0x0], $0xffff;
	[tilespmem:s25+$0xFFFFFFF0] =	vst v24;
	s25 =	smov.u32 s26  }
0x597: {  	v28 =	vmul.f32 $5.000000000e+00, v37;
	v34 =	vadd.f32 $1.550000000e+01, v34;
	v14 =	vcvt.f32.s32 v14;
	v36 =	vld.idx.msk [tilespmem:v20+s3+$0x0], $0xffff  }
0x598: {  	v18 =	vmax.f32 v18, $5.000000000e-01;
	v20 =	vmax.f32 v25, $5.000000000e-01;
	v35 =	vadd.f32 $1.550000000e+01, v35;
	v24 =	vld.idx.msk [tilespmem:v8+s3+$0x0], $0xffff  }
0x599: {  	v33 =	vmax.f32 v33, $5.000000000e-01;
	v26 =	vmax.f32 v26, $5.000000000e-01;
	v28 =	vadd.f32 $1.550000000e+01, v28;
	v25 =	vld.idx.msk [tilespmem:v9+s3+$0x0], $0xffff  }
0x59a: {  	v18 =	vmin.f32 v18, $3.050000000e+01;
	v34 =	vmax.f32 v34, $5.000000000e-01;
	v35 =	vmax.f32 v35, $5.000000000e-01  }
0x59b: {  	v20 =	vmin.f32 v20, $3.050000000e+01;
	v33 =	vmin.f32 v33, $3.050000000e+01;
	v28 =	vmax.f32 v28, $5.000000000e-01  }
0x59c: {  	v26 =	vmin.f32 v26, $3.050000000e+01;
	v34 =	vmin.f32 v34, $3.050000000e+01;
	v28 =	vmin.f32 v28, $3.050000000e+01  }
0x59d: {  	v18 =	vtrunc.f32 v18;
	v35 =	vmin.f32 v35, $3.050000000e+01;
	v38 =	vtrunc.f32 v28;
	v28 =	vld.idx.msk [tilespmem:v14+s3+$0x0], $0xffff  }
.Ltmp38:
0x59e: {  	vm0 =	vle.f32 v23, v15;
	v15 =	vmovc v37;
	v20 =	vtrunc.f32 v20;
	v33 =	vtrunc.f32 v33;
	(pc) =	sbr.rel @p4 .LBB2_74-.Ltmp38, $4  }
0x59f: {  	vm1 =	vle.f32 v30, v13;
	v13 =	vmovc v27;
	v37 =	vtrunc.f32 v26;
	v26 =	vtrunc.f32 v34  }
0x5a0: {  	vm2 =	vle.f32 v21, v12;
	v12 =	vmovc v29;
	v27 =	vtrunc.f32 v35;
	v23 =	vcvt.f32.s32 v38  }
0x5a1: {  	v30 =	vcvt.f32.s32 v18;
	v21 =	vcvt.f32.s32 v20;
	vm3 =	vle.f32 v22, v11;
	v11 =	vmovc v31  }
0x5a2: {  	s29 =	sadd.s32 $0x400, s29;
	v22 =	vcvt.f32.s32 v33;
	v20 =	vcvt.f32.s32 v37;
	vm4 =	vle.f32 v36, v10;
	v10 =	vmovc v32  }
0x5a3: {  	v32 =	vmovc v2;
	v31 =	vmovc v1;
	v35 =	vmov v4;
	v36 =	vmov v3;
	v37 =	vmov v5  }
0x5a4: {  	v34 =	vmovc v6;
	v33 =	vmovc v7;
	v29 =	vmov v16;
	v2 =	vmov v17;
	v1 =	vmov v19  }
0x5a5: {  	v4 =	vmovc v23;
	v3 =	vmovc v30;
	v5 =	vmov v21;
	v23 =	vmov v15;
	v21 =	vmov v12  }
0x5a6: {  	v18 =	vmovc v10;
	v6 =	vmovc v22;
	v7 =	vmov v20;
	v22 =	vmov v13;
	v20 =	vmov v11  }
.LBB2_76:
0x5a7: {  	_ =	sdelay $0x1  }
0x5a8: {  	vm5 =	vle.f32 v28, v29;
	v11 =	vcvt.f32.s32 v26;
	v15 =	vsel @p3 vm2, $0x1, v0  }
0x5a9: {  	s26 =	sadd.s32 @p3 $0x400, s26;
	v12 =	vsel @p3 vm0, $0x1, v0;
	v10 =	vsel vm5, $0x1, v0;
	v15 =	vadd.s32 @p3 v15, v37  }
0x5aa: {  	v13 =	vcvt.f32.s32 v27;
	v16 =	vsel @p3 vm3, $0x1, v0;
	v58 =	vld.idx.msk [tilespmem:v5+s3+$0x0], $0xffff;
	s24 =	smov.u32 @p3 s26;
	v10 =	vadd.s32 v10, v14;
	[tilespmem:s25+$0xFFFFFFB0] =	vst @p3 v15  }
0x5ab: {  	vm0 =	vle.f32 @p3 v24, v32;
	v14 =	vsel @p3 vm1, $0x1, v0;
	[tilespmem:s24+$0x0] =	vst v10;
	v10 =	vadd.s32 @p3 v12, v35;
	v12 =	vld.idx.msk [tilespmem:v4+s3+$0x0], $0xffff  }
0x5ac: {  	v17 =	vsel @p3 vm4, $0x1, v0;
	v16 =	vadd.s32 @p3 v16, v34;
	[tilespmem:s25+$0xFFFFFF90] =	vst @p3 v10;
	v10 =	vadd.s32 @p3 v14, v36;
	v14 =	vld.idx.msk [tilespmem:v3+s3+$0x0], $0xffff  }
0x5ad: {  	v19 =	vsel @p3 vm0, $0x1, v0;
	v17 =	vadd.s32 @p3 v17, v33;
	v15 =	vld.idx.msk [tilespmem:v6+s3+$0x0], $0xffff;
	[tilespmem:s25+$0xFFFFFFC0] =	vst @p3 v16  }
0x5ae: {  	vm1 =	vle.f32 @p3 v25, v31;
	v16 =	vld.idx.msk [tilespmem:v7+s3+$0x0], $0xffff;
	v8 =	vadd.s32 @p3 v19, v8;
	[tilespmem:s25+$0xFFFFFFD0] =	vst @p3 v17  }
0x5af: {  	v24 =	vsel @p3 vm1, $0x1, v0;
	[tilespmem:s25+$0xFFFFFFE0] =	vst @p3 v8;
	vm11 =	vle.f32 v58, v21;
	v17 =	vld.idx.msk [tilespmem:v11+s3+$0x0], $0xffff  }
0x5b0: {  	v9 =	vadd.s32 @p3 v24, v9;
	[tilespmem:s25+$0xFFFFFFA0] =	vst @p3 v10;
	v8 =	vld.idx.msk [tilespmem:v13+s3+$0x0], $0xffff;
	v10 =	vsel vm11, $0x1, v0;
	vm9 =	vle.f32 v12, v23  }
0x5b1: {  	[tilespmem:s25+$0xFFFFFFF0] =	vst @p3 v9;
	v5 =	vadd.s32 v10, v5;
	vm10 =	vle.f32 v14, v22;
	v12 =	vsel vm9, $0x1, v0  }
0x5b2: {  	vm12 =	vle.f32 v15, v20;
	[tilespmem:s24+$0xFFFFFFB0] =	vst v5;
	v59 =	vsel vm10, $0x1, v0;
	v4 =	vadd.s32 v12, v4  }
0x5b3: {  	vm13 =	vle.f32 v16, v18;
	[tilespmem:s24+$0xFFFFFF90] =	vst v4;
	v3 =	vadd.s32 v59, v3;
	v4 =	vsel vm12, $0x1, v0  }
0x5b4: {  	vm14 =	vle.f32 v17, v2;
	v2 =	vsel vm13, $0x1, v0;
	[tilespmem:s24+$0xFFFFFFA0] =	vst v3;
	v3 =	vadd.s32 v4, v6  }
0x5b5: {  	vm15 =	vle.f32 v8, v1;
	v1 =	vsel vm14, $0x1, v0;
	v2 =	vadd.s32 v2, v7;
	[tilespmem:s24+$0xFFFFFFC0] =	vst v3  }
0x5b6: {  	v3 =	vsel vm15, $0x1, v0;
	v1 =	vadd.s32 v1, v11;
	[tilespmem:s24+$0xFFFFFFD0] =	vst v2  }
0x5b7: {  	v2 =	vadd.s32 v3, v13;
	[tilespmem:s24+$0xFFFFFFE0] =	vst v1  }
0x5b8: {  	s31 =	simm.s32 $0x4470;
	[tilespmem:s24+$0xFFFFFFF0] =	vst v2  }
0x5b9: {  	v29 =	vld [tilespmem:s31+$0x0]  }
0x5ba: {  	v22 =	vld [tilespmem:s31+$0xFFFFFFA0]  }
0x5bb: {  	v20 =	vld [tilespmem:s31+$0xFFFFFFC0]  }
0x5bc: {  	v19 =	vld [tilespmem:s31+$0xFFFFFFD0]  }
0x5bd: {  	v2 =	vld [tilespmem:s31+$0xFFFFFFE0]  }
0x5be: {  	v23 =	vld [tilespmem:s31+$0xFFFFFF90]  }
0x5bf: {  	v21 =	vld [tilespmem:s31+$0xFFFFFFB0]  }
0x5c0: {  	v1 =	vld [tilespmem:s31+$0xFFFFFFF0];
	v3 =	vmul.f32 $5.000000000e+00, v29  }
0x5c1: {  	v4 =	vmul.f32 $5.000000000e+00, v22;
	v6 =	vmul.f32 $5.000000000e+00, v20  }
0x5c2: {  	v7 =	vmul.f32 $5.000000000e+00, v19;
	v8 =	vmul.f32 $5.000000000e+00, v2  }
0x5c3: {  	v61 =	vmul.f32 $5.000000000e+00, v23;
	v3 =	vadd.f32 $1.550000000e+01, v3;
	v4 =	vadd.f32 $1.550000000e+01, v4  }
0x5c4: {  	v5 =	vmul.f32 $5.000000000e+00, v21;
	v6 =	vadd.f32 $1.550000000e+01, v6;
	v7 =	vadd.f32 $1.550000000e+01, v7  }
0x5c5: {  	v60 =	vmul.f32 $5.000000000e+00, v1;
	v8 =	vadd.f32 $1.550000000e+01, v8;
	v62 =	vadd.f32 $1.550000000e+01, v61  }
0x5c6: {  	v5 =	vadd.f32 $1.550000000e+01, v5;
	v3 =	vmax.f32 v3, $5.000000000e-01;
	v6 =	vmax.f32 v6, $5.000000000e-01  }
0x5c7: {  	v7 =	vmax.f32 v7, $5.000000000e-01;
	v8 =	vmax.f32 v8, $5.000000000e-01;
	v9 =	vmax.f32 v62, $5.000000000e-01  }
0x5c8: {  	v3 =	vmin.f32 v3, $3.050000000e+01;
	v6 =	vmin.f32 v6, $3.050000000e+01;
	v9 =	vmin.f32 v9, $3.050000000e+01  }
0x5c9: {  	v7 =	vmin.f32 v7, $3.050000000e+01;
	v3 =	vtrunc.f32 v3;
	v9 =	vtrunc.f32 v9  }
0x5ca: {  	v8 =	vmin.f32 v8, $3.050000000e+01;
	v6 =	vtrunc.f32 v6;
	v14 =	vcvt.f32.s32 v3  }
0x5cb: {  	v7 =	vtrunc.f32 v7;
	v26 =	vtrunc.f32 v8;
	v3 =	vmax.f32 v4, $5.000000000e-01  }
.Ltmp39:
0x5cc: {  	v4 =	vmax.f32 v5, $5.000000000e-01;
	v5 =	vadd.f32 $1.550000000e+01, v60;
	v6 =	vcvt.f32.s32 v6;
	(pc) =	sbr.rel @!p2 .LBB2_77-.Ltmp39, $4  }
0x5cd: {  	v7 =	vcvt.f32.s32 v7;
	v3 =	vmin.f32 v3, $3.050000000e+01;
	v4 =	vmin.f32 v4, $3.050000000e+01  }
0x5ce: {  	v5 =	vmax.f32 v5, $5.000000000e-01;
	v3 =	vtrunc.f32 v3;
	v63 =	vtrunc.f32 v4  }
0x5cf: {  	v4 =	vcvt.f32.s32 v9;
	v5 =	vmin.f32 v5, $3.050000000e+01;
	v3 =	vcvt.f32.s32 v3  }
0x5d0: {  	s25 =	simm.s32 $0x4870;
	s24 =	simm.s32 $0xC470;
	v27 =	vtrunc.f32 v5;
	v5 =	vcvt.f32.s32 v63;
	v28 =	vld.idx.msk [tilespmem:v14+s3+$0x0], $0xffff  }
0x5d1: {  	v16 =	vld [tilespmem:s25+$0x0]  }
0x5d2: {  	v13 =	vld [tilespmem:s25+$0xFFFFFFA0]  }
0x5d3: {  	v12 =	vld [tilespmem:s25+$0xFFFFFFB0]  }
0x5d4: {  	v11 =	vld [tilespmem:s25+$0xFFFFFFC0]  }
0x5d5: {  	v18 =	vld [tilespmem:s25+$0xFFFFFFF0]  }
0x5d6: {  	v15 =	vld [tilespmem:s25+$0xFFFFFF90]  }
0x5d7: {  	v33 =	vld.idx.msk [tilespmem:v3+s3+$0x0], $0xffff  }
0x5d8: {  	v35 =	vld.idx.msk [tilespmem:v6+s3+$0x0], $0xffff  }
0x5d9: {  	v10 =	vld [tilespmem:s25+$0xFFFFFFD0];
	v8 =	vcvt.f32.s32 v26;
	v9 =	vcvt.f32.s32 v27  }
0x5da: {  	v17 =	vld [tilespmem:s25+$0xFFFFFFE0];
	vm0 =	vle.f32 v28, v29;
	v24 =	vmul.f32 $5.000000000e+00, v16;
	v25 =	vmul.f32 $5.000000000e+00, v13  }
0x5db: {  	v36 =	vld.idx.msk [tilespmem:v7+s3+$0x0], $0xffff;
	v26 =	vsel vm0, $0x1, v0;
	v27 =	vmul.f32 $5.000000000e+00, v12;
	v30 =	vmul.f32 $5.000000000e+00, v18  }
0x5dc: {  	v31 =	vmul.f32 $5.000000000e+00, v15;
	vm1 =	vle.f32 v33, v22;
	v24 =	vadd.f32 $1.550000000e+01, v24  }
0x5dd: {  	vm3 =	vle.f32 v35, v20;
	v28 =	vadd.s32 v26, v14;
	v14 =	vmul.f32 $5.000000000e+00, v11  }
0x5de: {  	v26 =	vadd.f32 $1.550000000e+01, v27;
	v27 =	vmul.f32 $5.000000000e+00, v10;
	v24 =	vmax.f32 v24, $5.000000000e-01  }
0x5df: {  	v29 =	vadd.f32 $1.550000000e+01, v14;
	v14 =	vmul.f32 $5.000000000e+00, v17;
	v24 =	vmin.f32 v24, $3.050000000e+01  }
0x5e0: {  	vm4 =	vle.f32 v36, v19;
	v31 =	vadd.f32 $1.550000000e+01, v31;
	v24 =	vtrunc.f32 v24  }
0x5e1: {  	v27 =	vadd.f32 $1.550000000e+01, v27;
	v32 =	vadd.f32 $1.550000000e+01, v14;
	v14 =	vcvt.f32.s32 v24  }
0x5e2: {  	v25 =	vadd.f32 $1.550000000e+01, v25;
	v31 =	vmax.f32 v31, $5.000000000e-01;
	v29 =	vmax.f32 v29, $5.000000000e-01  }
0x5e3: {  	v31 =	vmin.f32 v31, $3.050000000e+01;
	v27 =	vmax.f32 v27, $5.000000000e-01;
	v29 =	vmin.f32 v29, $3.050000000e+01  }
0x5e4: {  	v34 =	vld.idx.msk [tilespmem:v5+s3+$0x0], $0xffff;
	v31 =	vtrunc.f32 v31;
	v24 =	vmax.f32 v25, $5.000000000e-01;
	v25 =	vmax.f32 v26, $5.000000000e-01  }
0x5e5: {  	v26 =	vadd.f32 $1.550000000e+01, v30;
	v30 =	vld.idx.msk [tilespmem:v4+s3+$0x0], $0xffff;
	v32 =	vmax.f32 v32, $5.000000000e-01;
	v24 =	vmin.f32 v24, $3.050000000e+01  }
0x5e6: {  	p2 =	por $0x1, $0x1;
	v27 =	vmin.f32 v27, $3.050000000e+01;
	v29 =	vtrunc.f32 v29;
	v37 =	vtrunc.f32 v24;
	v24 =	vld.idx.msk [tilespmem:v8+s3+$0x0], $0xffff  }
.Ltmp40:
0x5e7: {  	[tilespmem:s24+$0x0] =	vst v28;
	v25 =	vmin.f32 v25, $3.050000000e+01;
	v32 =	vmin.f32 v32, $3.050000000e+01;
	v40 =	vtrunc.f32 v27;
	v28 =	vld.idx.msk [tilespmem:v14+s3+$0x0], $0xffff;
	(pc) =	sbr.rel @!p2 .LBB2_79-.Ltmp40, $4  }
0x5e8: {  	v22 =	vcvt.f32.s32 v29;
	v26 =	vmax.f32 v26, $5.000000000e-01;
	v39 =	vtrunc.f32 v25;
	v25 =	vld.idx.msk [tilespmem:v9+s3+$0x0], $0xffff  }
0x5e9: {  	v20 =	vcvt.f32.s32 v40;
	v38 =	vmin.f32 v26, $3.050000000e+01;
	v26 =	vtrunc.f32 v32  }
0x5ea: {  	s28 =	simm.s32 $0x80;
	s29 =	simm.s32 $0x4C70;
	vm2 =	vle.f32 v34, v21;
	v21 =	vcvt.f32.s32 v39;
	v27 =	vtrunc.f32 v38  }
0x5eb: {  	p0 =	por $0x1, $0x1;
	s26 =	simm.s32 $0xC470;
	s25 =	simm.s32 $0xC470;
	vm0 =	vle.f32 v30, v23;
	v23 =	vcvt.f32.s32 v31;
	v30 =	vcvt.f32.s32 v37  }
.LBB2_80:
0x5ec: {  	s28 =	sadd.s32 $0x80, s28;
	v19 =	vcvt.f32.s32 v26;
	v26 =	vcvt.f32.s32 v27;
	vm5 =	vle.f32 v28, v16;
	v16 =	vld [tilespmem:s29+$0x0]  }
0x5ed: {  	vm6 =	vle.f32 v25, v1;
	v1 =	vmovc v18;
	v27 =	vld [tilespmem:s29+$0xFFFFFFA0];
	p2 =	slt.u32 s28, $0x780;
	v28 =	vsel vm5, $0x1, v0;
	vm5 =	vle.f32 v24, v2;
	v2 =	vmovc v17  }
0x5ee: {  	v18 =	vsel vm1, $0x1, v0;
	s26 =	sadd.s32 $0x400, s26;
	v17 =	vsel vm0, $0x1, v0;
	v29 =	vld [tilespmem:s29+$0xFFFFFFB0];
	v14 =	vadd.s32 v28, v14  }
0x5ef: {  	v25 =	vsel vm4, $0x1, v0;
	v24 =	vsel vm3, $0x1, v0;
	v31 =	vld [tilespmem:s29+$0xFFFFFFC0];
	[tilespmem:s26+$0x0] =	vst v14;
	v14 =	vsel vm2, $0x1, v0  }
0x5f0: {  	v34 =	vsel vm6, $0x1, v0;
	v28 =	vadd.s32 v17, v4;
	v33 =	vsel vm5, $0x1, v0;
	v4 =	vmovc v23;
	v32 =	vld [tilespmem:s29+$0xFFFFFFD0]  }
0x5f1: {  	v14 =	vadd.s32 v14, v5;
	v17 =	vld [tilespmem:s29+$0xFFFFFFE0];
	v35 =	vmul.f32 $5.000000000e+00, v16;
	[tilespmem:s25+$0xFFFFFF90] =	vst v28;
	v28 =	vadd.s32 v18, v3;
	v3 =	vmovc v30  }
0x5f2: {  	v7 =	vadd.s32 v25, v7;
	v24 =	vadd.s32 v24, v6;
	v5 =	vmovc v21;
	v36 =	vmul.f32 $5.000000000e+00, v27;
	v18 =	vld [tilespmem:s29+$0xFFFFFFF0];
	[tilespmem:s25+$0xFFFFFFA0] =	vst v28  }
0x5f3: {  	v6 =	vmovc v22;
	v37 =	vld [tilespmem:s29+$0xFFFFFF90];
	v25 =	vmul.f32 $5.000000000e+00, v29;
	v28 =	vadd.f32 $1.550000000e+01, v35;
	[tilespmem:s25+$0xFFFFFFB0] =	vst v14;
	v14 =	vadd.s32 v33, v8;
	v8 =	vmovc v19  }
0x5f4: {  	v19 =	vadd.f32 $1.550000000e+01, v36;
	v33 =	vmul.f32 $5.000000000e+00, v31;
	v23 =	vld.idx.msk [tilespmem:v23+s3+$0x0], $0xffff;
	[tilespmem:s25+$0xFFFFFFC0] =	vst v24;
	v24 =	vadd.s32 v34, v9;
	v9 =	vmovc v26  }
0x5f5: {  	v25 =	vadd.f32 $1.550000000e+01, v25;
	v26 =	vmul.f32 $5.000000000e+00, v32;
	v28 =	vmax.f32 v28, $5.000000000e-01;
	v30 =	vld.idx.msk [tilespmem:v30+s3+$0x0], $0xffff;
	[tilespmem:s25+$0xFFFFFFD0] =	vst v7;
	v7 =	vmovc v20  }
0x5f6: {  	v33 =	vadd.f32 $1.550000000e+01, v33;
	v34 =	vmul.f32 $5.000000000e+00, v17;
	v28 =	vmin.f32 v28, $3.050000000e+01;
	v21 =	vld.idx.msk [tilespmem:v21+s3+$0x0], $0xffff;
	[tilespmem:s25+$0xFFFFFFE0] =	vst v14  }
0x5f7: {  	v26 =	vadd.f32 $1.550000000e+01, v26;
	v35 =	vmul.f32 $5.000000000e+00, v18;
	v14 =	vtrunc.f32 v28;
	v22 =	vld.idx.msk [tilespmem:v22+s3+$0x0], $0xffff;
	[tilespmem:s25+$0xFFFFFFF0] =	vst v24;
	s25 =	smov.u32 s26  }
0x5f8: {  	v28 =	vmul.f32 $5.000000000e+00, v37;
	v34 =	vadd.f32 $1.550000000e+01, v34;
	v14 =	vcvt.f32.s32 v14;
	v36 =	vld.idx.msk [tilespmem:v20+s3+$0x0], $0xffff  }
0x5f9: {  	v19 =	vmax.f32 v19, $5.000000000e-01;
	v20 =	vmax.f32 v25, $5.000000000e-01;
	v35 =	vadd.f32 $1.550000000e+01, v35;
	v24 =	vld.idx.msk [tilespmem:v8+s3+$0x0], $0xffff  }
0x5fa: {  	v33 =	vmax.f32 v33, $5.000000000e-01;
	v26 =	vmax.f32 v26, $5.000000000e-01;
	v28 =	vadd.f32 $1.550000000e+01, v28;
	v25 =	vld.idx.msk [tilespmem:v9+s3+$0x0], $0xffff  }
0x5fb: {  	v19 =	vmin.f32 v19, $3.050000000e+01;
	v34 =	vmax.f32 v34, $5.000000000e-01;
	v35 =	vmax.f32 v35, $5.000000000e-01  }
0x5fc: {  	v20 =	vmin.f32 v20, $3.050000000e+01;
	v33 =	vmin.f32 v33, $3.050000000e+01;
	v28 =	vmax.f32 v28, $5.000000000e-01  }
0x5fd: {  	v26 =	vmin.f32 v26, $3.050000000e+01;
	v34 =	vmin.f32 v34, $3.050000000e+01;
	v28 =	vmin.f32 v28, $3.050000000e+01  }
0x5fe: {  	v19 =	vtrunc.f32 v19;
	v35 =	vmin.f32 v35, $3.050000000e+01;
	v38 =	vtrunc.f32 v28;
	v28 =	vld.idx.msk [tilespmem:v14+s3+$0x0], $0xffff  }
.Ltmp41:
0x5ff: {  	vm0 =	vle.f32 v23, v15;
	v15 =	vmovc v37;
	v20 =	vtrunc.f32 v20;
	v33 =	vtrunc.f32 v33;
	(pc) =	sbr.rel @p2 .LBB2_80-.Ltmp41, $4  }
0x600: {  	vm1 =	vle.f32 v30, v13;
	v13 =	vmovc v27;
	v37 =	vtrunc.f32 v26;
	v26 =	vtrunc.f32 v34  }
0x601: {  	vm2 =	vle.f32 v21, v12;
	v12 =	vmovc v29;
	v27 =	vtrunc.f32 v35;
	v23 =	vcvt.f32.s32 v38  }
0x602: {  	v30 =	vcvt.f32.s32 v19;
	v21 =	vcvt.f32.s32 v20;
	vm3 =	vle.f32 v22, v11;
	v11 =	vmovc v31  }
0x603: {  	s29 =	sadd.s32 $0x400, s29;
	v22 =	vcvt.f32.s32 v33;
	v20 =	vcvt.f32.s32 v37;
	vm4 =	vle.f32 v36, v10;
	v10 =	vmovc v32  }
0x604: {  	v32 =	vmovc v2;
	v31 =	vmovc v1;
	v35 =	vmov v4;
	v36 =	vmov v3;
	v37 =	vmov v5  }
0x605: {  	v34 =	vmovc v6;
	v33 =	vmovc v7;
	v29 =	vmov v16;
	v2 =	vmov v17;
	v1 =	vmov v18  }
0x606: {  	v4 =	vmovc v23;
	v3 =	vmovc v30;
	v5 =	vmov v21;
	v23 =	vmov v15;
	v21 =	vmov v12  }
0x607: {  	v19 =	vmovc v10;
	v6 =	vmovc v22;
	v7 =	vmov v20;
	v22 =	vmov v13;
	v20 =	vmov v11  }
.LBB2_82:
0x608: {  	_ =	sdelay $0x1  }
0x609: {  	vm5 =	vle.f32 v28, v29;
	v11 =	vcvt.f32.s32 v26;
	v15 =	vsel @p0 vm2, $0x1, v0  }
0x60a: {  	v12 =	vsel @p0 vm0, $0x1, v0;
	v16 =	vsel @p0 vm3, $0x1, v0;
	v15 =	vadd.s32 @p0 v15, v37  }
0x60b: {  	v13 =	vcvt.f32.s32 v27;
	v53 =	vld.idx.msk [tilespmem:v4+s3+$0x0], $0xffff;
	v17 =	vsel @p0 vm4, $0x1, v0;
	v16 =	vadd.s32 @p0 v16, v34;
	[tilespmem:s25+$0xFFFFFFB0] =	vst @p0 v15  }
0x60c: {  	s26 =	sadd.s32 @p0 $0x400, s26;
	v54 =	vld.idx.msk [tilespmem:v3+s3+$0x0], $0xffff;
	vm0 =	vle.f32 @p0 v24, v32;
	v10 =	vsel vm5, $0x1, v0;
	v17 =	vadd.s32 @p0 v17, v33;
	[tilespmem:s25+$0xFFFFFFC0] =	vst @p0 v16  }
0x60d: {  	v55 =	vld.idx.msk [tilespmem:v5+s3+$0x0], $0xffff;
	s24 =	smov.u32 @p0 s26;
	v18 =	vsel @p0 vm0, $0x1, v0;
	v10 =	vadd.s32 v10, v14;
	[tilespmem:s25+$0xFFFFFFD0] =	vst @p0 v17  }
0x60e: {  	v56 =	vld.idx.msk [tilespmem:v6+s3+$0x0], $0xffff;
	v8 =	vadd.s32 @p0 v18, v8;
	[tilespmem:s24+$0x0] =	vst v10  }
0x60f: {  	v57 =	vld.idx.msk [tilespmem:v7+s3+$0x0], $0xffff;
	v14 =	vsel @p0 vm1, $0x1, v0;
	vm1 =	vle.f32 @p0 v25, v31;
	v10 =	vadd.s32 @p0 v12, v35;
	[tilespmem:s25+$0xFFFFFFE0] =	vst @p0 v8  }
0x610: {  	v24 =	vsel @p0 vm1, $0x1, v0;
	[tilespmem:s25+$0xFFFFFF90] =	vst @p0 v10;
	v10 =	vadd.s32 @p0 v14, v36;
	vm9 =	vle.f32 v53, v23;
	v58 =	vld.idx.msk [tilespmem:v11+s3+$0x0], $0xffff  }
0x611: {  	v9 =	vadd.s32 @p0 v24, v9;
	[tilespmem:s25+$0xFFFFFFA0] =	vst @p0 v10;
	vm10 =	vle.f32 v54, v22;
	v59 =	vld.idx.msk [tilespmem:v13+s3+$0x0], $0xffff;
	v12 =	vsel vm9, $0x1, v0  }
0x612: {  	[tilespmem:s25+$0xFFFFFFF0] =	vst @p0 v9;
	vm11 =	vle.f32 v55, v21;
	v60 =	vsel vm10, $0x1, v0;
	v61 =	vadd.s32 v12, v4  }
0x613: {  	vm12 =	vle.f32 v56, v20;
	v10 =	vsel vm11, $0x1, v0;
	v3 =	vadd.s32 v60, v3;
	[tilespmem:s24+$0xFFFFFF90] =	vst v61  }
0x614: {  	vm13 =	vle.f32 v57, v19;
	v62 =	vsel vm12, $0x1, v0;
	v63 =	vadd.s32 v10, v5;
	[tilespmem:s24+$0xFFFFFFA0] =	vst v3  }
0x615: {  	v3 =	vadd.s32 v62, v6;
	[tilespmem:s24+$0xFFFFFFB0] =	vst v63;
	vm14 =	vle.f32 v58, v2;
	v2 =	vsel vm13, $0x1, v0  }
0x616: {  	[tilespmem:s24+$0xFFFFFFC0] =	vst v3;
	vm15 =	vle.f32 v59, v1;
	v1 =	vsel vm14, $0x1, v0;
	v2 =	vadd.s32 v2, v7  }
0x617: {  	p0 =	sne.s32 s22, $0x40;
	v3 =	vsel vm15, $0x1, v0;
	v1 =	vadd.s32 v1, v11;
	[tilespmem:s24+$0xFFFFFFD0] =	vst v2  }
.Ltmp42:
0x618: {  	s26 =	simm.s32 @!p1 $0x4080;
	v2 =	vadd.s32 v3, v13;
	[tilespmem:s24+$0xFFFFFFE0] =	vst v1;
	(pc) =	sbr.rel @p0 .LBB2_2-.Ltmp42, $4  }
.Ltmp43:
0x619: {  	s25 =	simm.s32 @!p1 $0x0;
	[tilespmem:s24+$0xFFFFFFF0] =	vst v2;
	s24 =	sadd.s32 @!p1 s23, s9;
	(pc) =	sbr.rel @!p0 .LBB2_83-.Ltmp43, $4  }
0x61a: {  	[tilespmem:s26], [sflag:$0x2] =	stream.linear.gather @!p1 [hbm4b:s24+s25], $0x4000, $0x38;
	[tilespmem:$0x10080] =	vst v63  }
0x61b: {  	s31 =	sadd.s32 s23, s10  }
0x61c: {  	[hbm4b:s31+s3] =	stream.linear.scatter [tilespmem:s18], [sflag:$0x4], $0x4000, $0x38;
	[tilespmem:$0x10080] =	vst v63  }
0x61d: {  	_ = 	snop  }
.LBB2_7:
.Ltmp44:
0x61e: {  	(pc) =	sbr.rel .LBB2_12-.Ltmp44, $2  }
0x61f: {  	_ =	sdelay $0x2  }
0x620: {  	s25 =	simm.s32 $0x81F0;
	p3 =	por $0x0, $0x0  }
.LBB2_13:
.Ltmp45:
0x621: {  	(pc) =	sbr.rel .LBB2_18-.Ltmp45, $2  }
0x622: {  	_ =	sdelay $0x2  }
0x623: {  	s25 =	simm.s32 $0x8270  }
.LBB2_19:
.Ltmp46:
0x624: {  	(pc) =	sbr.rel .LBB2_24-.Ltmp46, $2  }
0x625: {  	_ =	sdelay $0x2  }
0x626: {  	s25 =	simm.s32 $0x82F0;
	p3 =	por $0x0, $0x0  }
.LBB2_25:
.Ltmp47:
0x627: {  	(pc) =	sbr.rel .LBB2_30-.Ltmp47, $2  }
0x628: {  	_ =	sdelay $0x2  }
0x629: {  	s25 =	simm.s32 $0x8370  }
.LBB2_31:
.Ltmp48:
0x62a: {  	(pc) =	sbr.rel .LBB2_36-.Ltmp48, $2  }
0x62b: {  	_ =	sdelay $0x2  }
0x62c: {  	s25 =	simm.s32 $0x83F0;
	p3 =	por $0x0, $0x0  }
.LBB2_37:
.Ltmp49:
0x62d: {  	(pc) =	sbr.rel .LBB2_42-.Ltmp49, $2  }
0x62e: {  	_ =	sdelay $0x2  }
0x62f: {  	s25 =	simm.s32 $0x8470  }
.LBB2_47:
.Ltmp50:
0x630: {  	(pc) =	sbr.rel .LBB2_52-.Ltmp50, $2  }
0x631: {  	_ =	sdelay $0x2  }
0x632: {  	s26 =	simm.s32 $0xC1F0;
	p3 =	por $0x0, $0x0  }
.LBB2_53:
.Ltmp51:
0x633: {  	(pc) =	sbr.rel .LBB2_58-.Ltmp51, $2  }
0x634: {  	_ =	sdelay $0x2  }
0x635: {  	s26 =	simm.s32 $0xC270  }
.LBB2_59:
.Ltmp52:
0x636: {  	(pc) =	sbr.rel .LBB2_64-.Ltmp52, $2  }
0x637: {  	_ =	sdelay $0x2  }
0x638: {  	s26 =	simm.s32 $0xC2F0;
	p3 =	por $0x0, $0x0  }
.LBB2_65:
.Ltmp53:
0x639: {  	(pc) =	sbr.rel .LBB2_70-.Ltmp53, $2  }
0x63a: {  	_ =	sdelay $0x2  }
0x63b: {  	s26 =	simm.s32 $0xC370  }
.LBB2_71:
.Ltmp54:
0x63c: {  	(pc) =	sbr.rel .LBB2_76-.Ltmp54, $2  }
0x63d: {  	_ =	sdelay $0x2  }
0x63e: {  	s26 =	simm.s32 $0xC3F0;
	p3 =	por $0x0, $0x0  }
.LBB2_77:
.Ltmp55:
0x63f: {  	(pc) =	sbr.rel .LBB2_82-.Ltmp55, $2  }
0x640: {  	_ =	sdelay $0x2  }
0x641: {  	s26 =	simm.s32 $0xC470  }
.LBB2_9:
.Ltmp56:
0x642: {  	(pc) =	sbr.rel .LBB2_12-.Ltmp56, $4  }
0x643: {  	v32 =	vmovc v2;
	v31 =	vmovc v1;
	v35 =	vmov v4;
	v36 =	vmov v3;
	v37 =	vmov v5  }
0x644: {  	v34 =	vmovc v6;
	v33 =	vmovc v7;
	v29 =	vmov v16;
	v2 =	vmov v17;
	v1 =	vmov v19  }
0x645: {  	v5 =	vmovc v21;
	v6 =	vmovc v22;
	v7 =	vmov v20;
	v22 =	vmov v13;
	v21 =	vmov v12  }
0x646: {  	s25 =	simm.s32 $0x81F0;
	s24 =	simm.s32 $0x81F0;
	v20 =	vmovc v11;
	v18 =	vmovc v10;
	v4 =	vmov v23;
	v3 =	vmov v30;
	v23 =	vmov v15  }
.LBB2_15:
.Ltmp57:
0x647: {  	(pc) =	sbr.rel .LBB2_18-.Ltmp57, $4  }
0x648: {  	v32 =	vmovc v2;
	v31 =	vmovc v1;
	v35 =	vmov v4;
	v36 =	vmov v3;
	v37 =	vmov v5  }
0x649: {  	v34 =	vmovc v6;
	v33 =	vmovc v7;
	v29 =	vmov v16;
	v2 =	vmov v17;
	v1 =	vmov v18  }
0x64a: {  	v5 =	vmovc v21;
	v6 =	vmovc v22;
	v7 =	vmov v20;
	v22 =	vmov v13;
	v21 =	vmov v12  }
0x64b: {  	s25 =	simm.s32 $0x8270;
	s24 =	simm.s32 $0x8270;
	v20 =	vmovc v11;
	v19 =	vmovc v10;
	v4 =	vmov v23;
	v3 =	vmov v30;
	v23 =	vmov v15  }
.LBB2_21:
.Ltmp58:
0x64c: {  	(pc) =	sbr.rel .LBB2_24-.Ltmp58, $4  }
0x64d: {  	v32 =	vmovc v2;
	v31 =	vmovc v1;
	v35 =	vmov v4;
	v36 =	vmov v3;
	v37 =	vmov v5  }
0x64e: {  	v34 =	vmovc v6;
	v33 =	vmovc v7;
	v29 =	vmov v16;
	v2 =	vmov v17;
	v1 =	vmov v19  }
0x64f: {  	v5 =	vmovc v21;
	v6 =	vmovc v22;
	v7 =	vmov v20;
	v22 =	vmov v13;
	v21 =	vmov v12  }
0x650: {  	s25 =	simm.s32 $0x82F0;
	s24 =	simm.s32 $0x82F0;
	v20 =	vmovc v11;
	v18 =	vmovc v10;
	v4 =	vmov v23;
	v3 =	vmov v30;
	v23 =	vmov v15  }
.LBB2_27:
.Ltmp59:
0x651: {  	(pc) =	sbr.rel .LBB2_30-.Ltmp59, $4  }
0x652: {  	v32 =	vmovc v2;
	v31 =	vmovc v1;
	v35 =	vmov v4;
	v36 =	vmov v3;
	v37 =	vmov v5  }
0x653: {  	v34 =	vmovc v6;
	v33 =	vmovc v7;
	v29 =	vmov v16;
	v2 =	vmov v17;
	v1 =	vmov v18  }
0x654: {  	v5 =	vmovc v21;
	v6 =	vmovc v22;
	v7 =	vmov v20;
	v22 =	vmov v13;
	v21 =	vmov v12  }
0x655: {  	s25 =	simm.s32 $0x8370;
	s24 =	simm.s32 $0x8370;
	v20 =	vmovc v11;
	v19 =	vmovc v10;
	v4 =	vmov v23;
	v3 =	vmov v30;
	v23 =	vmov v15  }
.LBB2_33:
.Ltmp60:
0x656: {  	(pc) =	sbr.rel .LBB2_36-.Ltmp60, $4  }
0x657: {  	v32 =	vmovc v2;
	v31 =	vmovc v1;
	v35 =	vmov v4;
	v36 =	vmov v3;
	v37 =	vmov v5  }
0x658: {  	v34 =	vmovc v6;
	v33 =	vmovc v7;
	v29 =	vmov v16;
	v2 =	vmov v17;
	v1 =	vmov v19  }
0x659: {  	v5 =	vmovc v21;
	v6 =	vmovc v22;
	v7 =	vmov v20;
	v22 =	vmov v13;
	v21 =	vmov v12  }
0x65a: {  	s25 =	simm.s32 $0x83F0;
	s24 =	simm.s32 $0x83F0;
	v20 =	vmovc v11;
	v18 =	vmovc v10;
	v4 =	vmov v23;
	v3 =	vmov v30;
	v23 =	vmov v15  }
.LBB2_39:
.Ltmp61:
0x65b: {  	(pc) =	sbr.rel .LBB2_42-.Ltmp61, $4  }
0x65c: {  	v32 =	vmovc v2;
	v31 =	vmovc v1;
	v35 =	vmov v4;
	v36 =	vmov v3;
	v37 =	vmov v5  }
0x65d: {  	v34 =	vmovc v6;
	v33 =	vmovc v7;
	v29 =	vmov v16;
	v2 =	vmov v17;
	v1 =	vmov v18  }
0x65e: {  	v5 =	vmovc v21;
	v6 =	vmovc v22;
	v7 =	vmov v20;
	v22 =	vmov v13;
	v21 =	vmov v12  }
0x65f: {  	s25 =	simm.s32 $0x8470;
	s23 =	simm.s32 $0x8470;
	v20 =	vmovc v11;
	v19 =	vmovc v10;
	v4 =	vmov v23;
	v3 =	vmov v30;
	v23 =	vmov v15  }
.LBB2_49:
.Ltmp62:
0x660: {  	(pc) =	sbr.rel .LBB2_52-.Ltmp62, $4  }
0x661: {  	v32 =	vmovc v2;
	v31 =	vmovc v1;
	v35 =	vmov v4;
	v36 =	vmov v3;
	v37 =	vmov v5  }
0x662: {  	v34 =	vmovc v6;
	v33 =	vmovc v7;
	v29 =	vmov v16;
	v2 =	vmov v17;
	v1 =	vmov v19  }
0x663: {  	v5 =	vmovc v21;
	v6 =	vmovc v22;
	v7 =	vmov v20;
	v22 =	vmov v13;
	v21 =	vmov v12  }
0x664: {  	s26 =	simm.s32 $0xC1F0;
	s25 =	simm.s32 $0xC1F0;
	v20 =	vmovc v11;
	v18 =	vmovc v10;
	v4 =	vmov v23;
	v3 =	vmov v30;
	v23 =	vmov v15  }
.LBB2_55:
.Ltmp63:
0x665: {  	(pc) =	sbr.rel .LBB2_58-.Ltmp63, $4  }
0x666: {  	v32 =	vmovc v2;
	v31 =	vmovc v1;
	v35 =	vmov v4;
	v36 =	vmov v3;
	v37 =	vmov v5  }
0x667: {  	v34 =	vmovc v6;
	v33 =	vmovc v7;
	v29 =	vmov v16;
	v2 =	vmov v17;
	v1 =	vmov v18  }
0x668: {  	v5 =	vmovc v21;
	v6 =	vmovc v22;
	v7 =	vmov v20;
	v22 =	vmov v13;
	v21 =	vmov v12  }
0x669: {  	s26 =	simm.s32 $0xC270;
	s25 =	simm.s32 $0xC270;
	v20 =	vmovc v11;
	v19 =	vmovc v10;
	v4 =	vmov v23;
	v3 =	vmov v30;
	v23 =	vmov v15  }
.LBB2_61:
.Ltmp64:
0x66a: {  	(pc) =	sbr.rel .LBB2_64-.Ltmp64, $4  }
0x66b: {  	v32 =	vmovc v2;
	v31 =	vmovc v1;
	v35 =	vmov v4;
	v36 =	vmov v3;
	v37 =	vmov v5  }
0x66c: {  	v34 =	vmovc v6;
	v33 =	vmovc v7;
	v29 =	vmov v16;
	v2 =	vmov v17;
	v1 =	vmov v19  }
0x66d: {  	v5 =	vmovc v21;
	v6 =	vmovc v22;
	v7 =	vmov v20;
	v22 =	vmov v13;
	v21 =	vmov v12  }
0x66e: {  	s26 =	simm.s32 $0xC2F0;
	s25 =	simm.s32 $0xC2F0;
	v20 =	vmovc v11;
	v18 =	vmovc v10;
	v4 =	vmov v23;
	v3 =	vmov v30;
	v23 =	vmov v15  }
.LBB2_67:
.Ltmp65:
0x66f: {  	(pc) =	sbr.rel .LBB2_70-.Ltmp65, $4  }
0x670: {  	v32 =	vmovc v2;
	v31 =	vmovc v1;
	v35 =	vmov v4;
	v36 =	vmov v3;
	v37 =	vmov v5  }
0x671: {  	v34 =	vmovc v6;
	v33 =	vmovc v7;
	v29 =	vmov v16;
	v2 =	vmov v17;
	v1 =	vmov v18  }
0x672: {  	v5 =	vmovc v21;
	v6 =	vmovc v22;
	v7 =	vmov v20;
	v22 =	vmov v13;
	v21 =	vmov v12  }
0x673: {  	s26 =	simm.s32 $0xC370;
	s25 =	simm.s32 $0xC370;
	v20 =	vmovc v11;
	v19 =	vmovc v10;
	v4 =	vmov v23;
	v3 =	vmov v30;
	v23 =	vmov v15  }
.LBB2_73:
.Ltmp66:
0x674: {  	(pc) =	sbr.rel .LBB2_76-.Ltmp66, $4  }
0x675: {  	v32 =	vmovc v2;
	v31 =	vmovc v1;
	v35 =	vmov v4;
	v36 =	vmov v3;
	v37 =	vmov v5  }
0x676: {  	v34 =	vmovc v6;
	v33 =	vmovc v7;
	v29 =	vmov v16;
	v2 =	vmov v17;
	v1 =	vmov v19  }
0x677: {  	v5 =	vmovc v21;
	v6 =	vmovc v22;
	v7 =	vmov v20;
	v22 =	vmov v13;
	v21 =	vmov v12  }
0x678: {  	s26 =	simm.s32 $0xC3F0;
	s25 =	simm.s32 $0xC3F0;
	v20 =	vmovc v11;
	v18 =	vmovc v10;
	v4 =	vmov v23;
	v3 =	vmov v30;
	v23 =	vmov v15  }
.LBB2_79:
.Ltmp67:
0x679: {  	(pc) =	sbr.rel .LBB2_82-.Ltmp67, $4  }
0x67a: {  	v32 =	vmovc v2;
	v31 =	vmovc v1;
	v35 =	vmov v4;
	v36 =	vmov v3;
	v37 =	vmov v5  }
0x67b: {  	v34 =	vmovc v6;
	v33 =	vmovc v7;
	v29 =	vmov v16;
	v2 =	vmov v17;
	v1 =	vmov v18  }
0x67c: {  	v5 =	vmovc v21;
	v6 =	vmovc v22;
	v7 =	vmov v20;
	v22 =	vmov v13;
	v21 =	vmov v12  }
0x67d: {  	s26 =	simm.s32 $0xC470;
	s25 =	simm.s32 $0xC470;
	v20 =	vmovc v11;
	v19 =	vmovc v10;
	v4 =	vmov v23;
	v3 =	vmov v30;
	v23 =	vmov v15  }
.LBB2_84:
0x67e: {  	_ =	sfence.sel $0x180000  }
0x67f: {  	[bflag:$0x0] =	sbarrier.arrive $0xFFFF  }
0x680: {  	p0 =	sne.s32 s2, $0x0;
	_ =	strace $0x90000047  }
0x681: {  	s0 =	sadd.s32 @!p0 $0x100000, s0;
	[bflag:$0x2] =	sbarrier.arrive $0xFFFF  }
0x682: {  	[sflag:s0] =	ssyncadd.tile.s32 @!p0 $0x1;
	_ =	shalt  }
.Lfunc_end2:
_tile_overlayer_lowered:
.L_overlay_start_2:
0x683: {  	(tag) =	ssettag $0x2  }
0x684: {  	s0 =	rddreg [dreg:$0x0];
	s2 =	stileid.u32  }
0x685: {  	s1 =	rddreg [dreg:$0x1];
	p0 =	sne.s32 s2, $0x0  }
0x686: {  	s3 =	rddreg [dreg:$0x2];
	[bflag:$0x3] =	sbarrier.arrive $0xFFFF;
	s2 =	simm.s32 @!p0 $0x1C05  }
0x687: {  	[timem:s3], [sflag:s2] =	dma.local @!p0 [hbm:s0], s1  }
0x688: {  	s0 =	simm.s32 @!p0 $0x5  }
0x689: {  	_ =	swait.ge @!p0 [sflag:s0], s1  }
0x68a: {  	s1 =	ssub.s32 @!p0 $0x0, s1;
	[sflag:s0] =	ssyncset.done @!p0 $0x0  }
0x68b: {  	[sflag:s0] =	ssyncadd.s32 @!p0 s1  }
0x68c: {  	[bflag:$0x3] =	sbarrier.arrive $0xFFFF  }
0x68d: {  	_ =	shalt  }

</sc_bundles>
